<compile_context>
chip_gen: v7x
topology: tpu7x:2x2x1
jax: 0.10.2.dev20260603
libtpu: 0.0.44.dev20260713+nightly
codegen_flags: <defaults>
</compile_context>

<pallas_src>
import functools

import jax
import jax.numpy as jnp
from jax import lax
from jax.experimental import pallas as pl
from jax.experimental.pallas import tpu as pltpu
from jax.experimental.pallas import tpu_sc as plsc

NC = 2
NS = 16
NW = NC * NS
K = 125


DEGW = 128


def _sc_degree(dst3, ones_kd, zeros_nf):
    _, nchunks, Kc = dst3.shape
    npad = zeros_nf.shape[0]
    rpt = npad // NS
    mesh = plsc.VectorSubcoreMesh(core_axis_name="c", subcore_axis_name="s")

    @functools.partial(
        pl.kernel,
        out_type=jax.ShapeDtypeStruct((NC * npad, DEGW), jnp.float32),
        mesh=mesh,
        scratch_types=[
            pltpu.VMEM((nchunks, Kc), jnp.int32),
            pltpu.VMEM((Kc, DEGW), jnp.float32),
            pltpu.VMEM_SHARED((npad, DEGW), jnp.float32),
        ],
    )
    def deg_kernel(dst_hbm, ones_hbm, zeros_hbm, out_hbm, dst_v, ones_v, acc_sh):
        cid = lax.axis_index("c")
        sid = lax.axis_index("s")
        wid = sid * NC + cid
        r0 = sid * rpt
        pltpu.sync_copy(zeros_hbm.at[pl.ds(r0, rpt)], acc_sh.at[pl.ds(r0, rpt)])
        pltpu.sync_copy(ones_hbm, ones_v)
        pltpu.sync_copy(dst_hbm.at[wid], dst_v)
        plsc.subcore_barrier()

        def body(c, carry):
            pltpu.sync_copy(ones_v, acc_sh.at[dst_v.at[c]], add=True)
            return carry

        lax.fori_loop(0, nchunks, body, 0)
        plsc.subcore_barrier()
        pltpu.sync_copy(acc_sh.at[pl.ds(r0, rpt)],
                        out_hbm.at[pl.ds(cid * npad + r0, rpt)])

    return deg_kernel(dst3, ones_kd, zeros_nf)


def _sc_aggregate(hs, src3, dst3, zeros_nf):
    N, F = hs.shape
    _, nchunks, Kc = src3.shape
    npad = zeros_nf.shape[0]
    rpt = npad // NS
    npairs = nchunks // 2
    mesh = plsc.VectorSubcoreMesh(core_axis_name="c", subcore_axis_name="s")

    @functools.partial(
        pl.kernel,
        out_type=jax.ShapeDtypeStruct((NC * npad, F), jnp.float32),
        mesh=mesh,
        scratch_types=[
            pltpu.VMEM((nchunks, Kc), jnp.int32),
            pltpu.VMEM((Kc,), jnp.int32),
            pltpu.VMEM((Kc,), jnp.int32),
            pltpu.VMEM((Kc, F), jnp.float32),
            pltpu.VMEM((Kc, F), jnp.float32),
            pltpu.VMEM_SHARED((npad, F), jnp.float32),
            pltpu.SemaphoreType.DMA,
            pltpu.SemaphoreType.DMA,
            pltpu.SemaphoreType.DMA,
            pltpu.SemaphoreType.DMA,
        ],
    )
    def agg_kernel(hs_hbm, src_hbm, dst_hbm, zeros_hbm, out_hbm,
                   dstall, srcv0, srcv1, rows0, rows1, acc_sh,
                   semA, semB, semI0, semI1):
        cid = lax.axis_index("c")
        sid = lax.axis_index("s")
        wid = sid * NC + cid
        r0 = sid * rpt
        pltpu.sync_copy(zeros_hbm.at[pl.ds(r0, rpt)], acc_sh.at[pl.ds(r0, rpt)])
        pltpu.sync_copy(dst_hbm.at[wid], dstall)
        pltpu.sync_copy(src_hbm.at[wid, 0], srcv0)
        pltpu.sync_copy(src_hbm.at[wid, 1], srcv1)
        plsc.subcore_barrier()

        pltpu.async_copy(hs_hbm.at[srcv0], rows0, semA)
        pltpu.async_copy(hs_hbm.at[srcv1], rows1, semB)

        def body(p, carry):
            c0 = 2 * p
            c1 = c0 + 1
            pltpu.make_async_copy(hs_hbm.at[srcv0], rows0, semA).wait()

            @pl.when(c0 + 2 < nchunks)
            def _even_pref():
                pltpu.async_copy(src_hbm.at[wid, c0 + 2], srcv0, semI0)

            pltpu.sync_copy(rows0, acc_sh.at[dstall.at[c0]], add=True)

            @pl.when(c0 + 2 < nchunks)
            def _even_next():
                pltpu.make_async_copy(src_hbm.at[wid, c0 + 2],
                                      srcv0, semI0).wait()
                pltpu.async_copy(hs_hbm.at[srcv0], rows0, semA)

            pltpu.make_async_copy(hs_hbm.at[srcv1], rows1, semB).wait()

            @pl.when(c1 + 2 < nchunks)
            def _odd_pref():
                pltpu.async_copy(src_hbm.at[wid, c1 + 2], srcv1, semI1)

            pltpu.sync_copy(rows1, acc_sh.at[dstall.at[c1]], add=True)

            @pl.when(c1 + 2 < nchunks)
            def _odd_next():
                pltpu.make_async_copy(src_hbm.at[wid, c1 + 2],
                                      srcv1, semI1).wait()
                pltpu.async_copy(hs_hbm.at[srcv1], rows1, semB)

            return carry

        lax.fori_loop(0, npairs, body, 0)
        plsc.subcore_barrier()
        pltpu.sync_copy(acc_sh.at[pl.ds(r0, rpt)],
                        out_hbm.at[pl.ds(cid * npad + r0, rpt)])

    return agg_kernel(hs, src3, dst3, zeros_nf)


def _tc_first(x, W, deg0, deg1):
    N, F = x.shape
    R = 1000
    nb = N // R

    def body(x_ref, w_ref, d0_ref, d1_ref, hs_ref, dinv_ref):
        dinv = lax.rsqrt(d0_ref[...] + d1_ref[...] + 1.0)
        h = jnp.dot(x_ref[...], w_ref[...], preferred_element_type=jnp.float32)
        hs_ref[...] = h * dinv
        dinv_ref[...] = dinv

    return pl.pallas_call(
        body,
        grid=(nb,),
        in_specs=[pl.BlockSpec((R, F), lambda i: (i, 0)),
                  pl.BlockSpec((F, F), lambda i: (0, 0)),
                  pl.BlockSpec((R, 1), lambda i: (i, 0)),
                  pl.BlockSpec((R, 1), lambda i: (i, 0))],
        out_specs=[pl.BlockSpec((R, F), lambda i: (i, 0)),
                   pl.BlockSpec((R, 1), lambda i: (i, 0))],
        out_shape=[jax.ShapeDtypeStruct((N, F), jnp.float32),
                   jax.ShapeDtypeStruct((N, 1), jnp.float32)],
    )(x, W, deg0, deg1)


def _tc_mid(acc0, acc1, hs, dinv, b, W):
    N, F = hs.shape
    R = 1000
    nb = N // R

    def body(a0_ref, a1_ref, hs_ref, dinv_ref, b_ref, w_ref, out_ref):
        dinv = dinv_ref[...]
        a = dinv * (a0_ref[...] + a1_ref[...] + hs_ref[...]) + b_ref[...]
        a = jnp.maximum(a, 0.0)
        h = jnp.dot(a, w_ref[...], preferred_element_type=jnp.float32)
        out_ref[...] = h * dinv

    return pl.pallas_call(
        body,
        grid=(nb,),
        in_specs=[pl.BlockSpec((R, F), lambda i: (i, 0)),
                  pl.BlockSpec((R, F), lambda i: (i, 0)),
                  pl.BlockSpec((R, F), lambda i: (i, 0)),
                  pl.BlockSpec((R, 1), lambda i: (i, 0)),
                  pl.BlockSpec((1, F), lambda i: (0, 0)),
                  pl.BlockSpec((F, F), lambda i: (0, 0))],
        out_specs=pl.BlockSpec((R, F), lambda i: (i, 0)),
        out_shape=jax.ShapeDtypeStruct((N, F), jnp.float32),
    )(acc0, acc1, hs, dinv, b, W)


def _tc_pool(acc0, acc1, hs, dinv, b, batch_col, G):
    N, F = hs.shape
    R = 200
    nb = N // R

    def body(a0_ref, a1_ref, hs_ref, dinv_ref, b_ref, bat_ref,
             sum_ref, cnt_ref, max_ref):
        i = pl.program_id(0)

        @pl.when(i == 0)
        def _init():
            sum_ref[...] = jnp.zeros_like(sum_ref)
            cnt_ref[...] = jnp.zeros_like(cnt_ref)
            max_ref[...] = jnp.full_like(max_ref, -1e30)

        dinv = dinv_ref[...]
        a = dinv * (a0_ref[...] + a1_ref[...] + hs_ref[...]) + b_ref[...]
        a = jnp.maximum(a, 0.0)
        bat = bat_ref[...]
        seg_iota = lax.broadcasted_iota(jnp.int32, (1, G), 1).astype(jnp.float32)
        mask = jnp.where(bat == seg_iota, 1.0, 0.0)
        dn = (((0,), (0,)), ((), ()))
        sum_ref[...] += lax.dot_general(mask, a, dn,
                                        preferred_element_type=jnp.float32)
        cnt_ref[...] += lax.dot_general(mask, jnp.ones((R, 1), jnp.float32),
                                        dn, preferred_element_type=jnp.float32)
        lo = bat_ref[0, 0]
        hi = bat_ref[R - 1, 0]
        for g in range(G):
            @pl.when((lo <= g) & (g <= hi))
            def _upd():
                masked = jnp.where(bat == g, a, -1e30)
                seg_max = jnp.max(masked, axis=0, keepdims=True)
                max_ref[g:g + 1, :] = jnp.maximum(max_ref[g:g + 1, :], seg_max)

    return pl.pallas_call(
        body,
        grid=(nb,),
        in_specs=[pl.BlockSpec((R, F), lambda i: (i, 0)),
                  pl.BlockSpec((R, F), lambda i: (i, 0)),
                  pl.BlockSpec((R, F), lambda i: (i, 0)),
                  pl.BlockSpec((R, 1), lambda i: (i, 0)),
                  pl.BlockSpec((1, F), lambda i: (0, 0)),
                  pl.BlockSpec((R, 1), lambda i: (i, 0))],
        out_specs=[pl.BlockSpec((G, F), lambda i: (0, 0)),
                   pl.BlockSpec((G, 1), lambda i: (0, 0)),
                   pl.BlockSpec((G, F), lambda i: (0, 0))],
        out_shape=[jax.ShapeDtypeStruct((G, F), jnp.float32),
                   jax.ShapeDtypeStruct((G, 1), jnp.float32),
                   jax.ShapeDtypeStruct((G, F), jnp.float32)],
    )(acc0, acc1, hs, dinv, b, batch_col)


def _tc_head(sum_p, cnt, max_p, Wa, Wb, Wc, l1b, l2W, l2b):
    G, F = sum_p.shape
    C = l2W.shape[1]

    def body(s_ref, c_ref, m_ref, wa_ref, wb_ref, wc_ref, b1_ref,
             w2_ref, b2_ref, out_ref):
        cnt = c_ref[...]
        s = s_ref[...]
        mean = s / jnp.maximum(cnt, 1.0)
        mx = jnp.where(cnt > 0.0, m_ref[...], 0.0)
        g = (jnp.dot(s, wa_ref[...], preferred_element_type=jnp.float32)
             + jnp.dot(mean, wb_ref[...], preferred_element_type=jnp.float32)
             + jnp.dot(mx, wc_ref[...], preferred_element_type=jnp.float32)
             + b1_ref[...])
        g = jnp.maximum(g, 0.0)
        logits = jnp.dot(g, w2_ref[...],
                         preferred_element_type=jnp.float32) + b2_ref[...]
        m = jnp.max(logits, axis=1, keepdims=True)
        sh = logits - m
        lse = jnp.log(jnp.sum(jnp.exp(sh), axis=1, keepdims=True))
        out_ref[...] = sh - lse

    return pl.pallas_call(
        body,
        out_shape=jax.ShapeDtypeStruct((G, C), jnp.float32),
    )(sum_p, cnt, max_p, Wa, Wb, Wc, l1b, l2W, l2b)


def kernel(x, edge_index, batch, W1, b1, W2, b2, W3, b3,
           lin1_W, lin1_b, lin2_W, lin2_b):
    N, F = x.shape
    H = W1.shape[1]
    G = 64
    E = edge_index.shape[1]
    epw = E // NW

    npad = ((N + 8 * NS - 1) // (8 * NS)) * (8 * NS)
    zeros_nf = jnp.zeros((npad, H), jnp.float32)

    nchunks = (((epw + K - 1) // K + 1) // 2) * 2
    pad = nchunks * K - epw
    srcw = edge_index[0].reshape(NW, epw)
    dstw = edge_index[1].reshape(NW, epw)
    src3 = jnp.pad(srcw, ((0, 0), (0, pad))).reshape(NW, nchunks, K)
    dst3 = jnp.pad(dstw, ((0, 0), (0, pad)),
                   constant_values=npad - 1).reshape(NW, nchunks, K)

    ones_kd = jnp.ones((K, DEGW), jnp.float32)
    degs = _sc_degree(dst3, ones_kd, zeros_nf)
    deg0 = degs[:N, :1]
    deg1 = degs[npad:npad + N, :1]
    hs1, dinv = _tc_first(x, W1, deg0, deg1)

    agg = _sc_aggregate(hs1, src3, dst3, zeros_nf)
    hs2 = _tc_mid(agg[:N], agg[npad:npad + N], hs1, dinv, b1.reshape(1, H), W2)

    agg = _sc_aggregate(hs2, src3, dst3, zeros_nf)
    hs3 = _tc_mid(agg[:N], agg[npad:npad + N], hs2, dinv, b2.reshape(1, H), W3)

    agg = _sc_aggregate(hs3, src3, dst3, zeros_nf)
    batch_col = batch.astype(jnp.float32).reshape(N, 1)
    sum_p, cnt, max_p = _tc_pool(agg[:N], agg[npad:npad + N], hs3, dinv,
                                 b3.reshape(1, H), batch_col, G)

    Wa, Wb, Wc = lin1_W[:H], lin1_W[H:2 * H], lin1_W[2 * H:]
    return _tc_head(sum_p, cnt, max_p, Wa, Wb, Wc,
                    lin1_b.reshape(1, H), lin2_W, lin2_b.reshape(1, 2))

# --- scband reference (transcript-rebuilt; emitter-appended) ---
"""Pipeline reference for scband-gcn-49718541418973 (READ-ONLY COPY).

The authoritative reference and input builder live on the scoring server;
editing this copy changes nothing except your own understanding.
"""

import jax, jax.numpy as jnp
import numpy as np

N = 10000
E = 320000
F_IN = 128
H = 128
G = 64


def setup_inputs(seed: int = 0) -> dict:
    key = jax.random.key(seed)
    ks = jax.random.split(key, 14)
    x = jax.random.normal(ks[0], (N, F_IN), dtype=jnp.float32)
    edge_index = jax.random.randint(ks[1], (2, E), 0, N).astype(jnp.int32)
    batch = jnp.sort(jax.random.randint(ks[2], (N,), 0, G)).astype(jnp.int32)
    s = 0.05
    W1 = jax.random.normal(ks[3], (F_IN, H), dtype=jnp.float32) * s
    b1 = jnp.zeros((H,), dtype=jnp.float32)
    W2 = jax.random.normal(ks[4], (H, H), dtype=jnp.float32) * s
    b2 = jnp.zeros((H,), dtype=jnp.float32)
    W3 = jax.random.normal(ks[5], (H, H), dtype=jnp.float32) * s
    b3 = jnp.zeros((H,), dtype=jnp.float32)
    lin1_W = jax.random.normal(ks[6], (3 * H, H), dtype=jnp.float32) * s
    lin1_b = jnp.zeros((H,), dtype=jnp.float32)
    lin2_W = jax.random.normal(ks[7], (H, 2), dtype=jnp.float32) * s
    lin2_b = jnp.zeros((2,), dtype=jnp.float32)
    return {"x": x, "edge_index": edge_index, "batch": batch,
            "W1": W1, "b1": b1, "W2": W2, "b2": b2, "W3": W3, "b3": b3,
            "lin1_W": lin1_W, "lin1_b": lin1_b, "lin2_W": lin2_W, "lin2_b": lin2_b}


def gcn_conv(x, edge_index, W, b):
    n = x.shape[0]
    h = x @ W
    loop = jnp.arange(n, dtype=edge_index.dtype)
    src = jnp.concatenate([edge_index[0], loop])
    dst = jnp.concatenate([edge_index[1], loop])
    deg = jnp.zeros((n,), dtype=h.dtype).at[dst].add(1.0)
    dinv = jnp.where(deg > 0, 1.0 / jnp.sqrt(deg), 0.0)
    norm = dinv[src] * dinv[dst]
    msg = h[src] * norm[:, None]
    out = jnp.zeros_like(h).at[dst].add(msg)
    return out + b


def reference(x, edge_index, batch, W1, b1, W2, b2, W3, b3, lin1_W, lin1_b, lin2_W, lin2_b):
    h = jax.nn.relu(gcn_conv(x, edge_index, W1, b1))
    h = jax.nn.relu(gcn_conv(h, edge_index, W2, b2))
    h = jax.nn.relu(gcn_conv(h, edge_index, W3, b3))
    sum_p = jax.ops.segment_sum(h, batch, num_segments=G)
    cnt = jax.ops.segment_sum(jnp.ones((h.shape[0], 1), dtype=h.dtype), batch, num_segments=G)
    mean_p = sum_p / jnp.maximum(cnt, 1.0)
    max_p = jax.ops.segment_max(h, batch, num_segments=G)
    max_p = jnp.where(cnt > 0, max_p, 0.0)
    g = jnp.concatenate([sum_p, mean_p, max_p], axis=1)
    g = jax.nn.relu(g @ lin1_W + lin1_b)
    # dropout is identity in eval mode
    logits = g @ lin2_W + lin2_b
    return jax.nn.log_softmax(logits, axis=-1)

if __name__ == "__main__":
    import jax
    _d = setup_inputs()
    print(jax.jit(kernel)(*tuple(_d.values())))

</pallas_src>

<mosaic_0001>
#map = affine_map<(d0, d1) -> (0, 0)>
#map1 = affine_map<(d0, d1) -> (0, 0, 0)>
module attributes {stable_mosaic.version = 14 : i64} {
  func.func @agg_kernel(%arg0: i32, %arg1: i32, %arg2: memref<10000x128xf32, #tpu.memory_space<hbm>>, %arg3: memref<32x80x125xi32, #tpu.memory_space<hbm>>, %arg4: memref<32x80x125xi32, #tpu.memory_space<hbm>>, %arg5: memref<10112x128xf32, #tpu.memory_space<hbm>>, %arg6: memref<20224x128xf32, #tpu.memory_space<hbm>>, %arg7: memref<80x125xi32, #tpu.memory_space<vmem>>, %arg8: memref<125xi32, #tpu.memory_space<vmem>>, %arg9: memref<125xi32, #tpu.memory_space<vmem>>, %arg10: memref<125x128xf32, #tpu.memory_space<vmem>>, %arg11: memref<125x128xf32, #tpu.memory_space<vmem>>, %arg12: memref<10112x128xf32, #tpu.memory_space<vmem_shared>>, %arg13: memref<!tpu.dma_semaphore, #tpu.memory_space<semaphore_mem>>, %arg14: memref<!tpu.dma_semaphore, #tpu.memory_space<semaphore_mem>>, %arg15: memref<!tpu.dma_semaphore, #tpu.memory_space<semaphore_mem>>, %arg16: memref<!tpu.dma_semaphore, #tpu.memory_space<semaphore_mem>>) attributes {dimension_semantics = [#tpu.dimension_semantics<core_parallel>, #tpu.dimension_semantics<subcore_parallel>], iteration_bounds = array<i64: 2, 16>, scalar_prefetch = 0 : i64, scratch_operands = 10 : i64, tpu.core_type = #tpu.core_type<sc_vector_subcore>, window_params = [{transform_indices = #map}, {transform_indices = #map1}, {transform_indices = #map1}, {transform_indices = #map}, {transform_indices = #map}]} {
    %mul3A = arith.constant 2 : i32
    %mul3A_0 = arith.muli %arg1, %mul3A : i32
    %add3A = arith.addi %mul3A_0, %arg0 : i32
    %mul3A_1 = arith.constant 632 : i32
    %mul3A_2 = arith.muli %arg1, %mul3A_1 : i32
    "tpu.region"() ({
      %run_scoped3A_18 = tpu.sem_alloc : memref<!tpu.dma_semaphore, #tpu.memory_space<semaphore_mem>>
      %dma_start3A_19 = arith.constant 0 : i32
      %dma_start3A_20 = tpu.memref_slice %arg12[%mul3A_2, %dma_start3A_19] : memref<10112x128xf32, #tpu.memory_space<vmem_shared>> -> memref<632x128xf32, #tpu.memory_space<vmem_shared>>
      %dma_start3A_21 = arith.constant 0 : i32
      %dma_start3A_22 = tpu.memref_slice %arg5[%mul3A_2, %dma_start3A_21] : memref<10112x128xf32, #tpu.memory_space<hbm>> -> memref<632x128xf32, #tpu.memory_space<hbm>>
      tpu.enqueue_dma source(%dma_start3A_22 : memref<632x128xf32, #tpu.memory_space<hbm>>) target(%dma_start3A_20 : memref<632x128xf32, #tpu.memory_space<vmem_shared>>) target_semaphore(%run_scoped3A_18 : memref<!tpu.dma_semaphore, #tpu.memory_space<semaphore_mem>>)
      %dma_wait3A = arith.constant 0 : i32
      %dma_wait3A_23 = tpu.memref_slice %arg12[%mul3A_2, %dma_wait3A] : memref<10112x128xf32, #tpu.memory_space<vmem_shared>> -> memref<632x128xf32, #tpu.memory_space<vmem_shared>>
      %dma_wait3A_24 = arith.constant 0 : i32
      %dma_wait3A_25 = tpu.memref_slice %arg5[%mul3A_2, %dma_wait3A_24] : memref<10112x128xf32, #tpu.memory_space<hbm>> -> memref<632x128xf32, #tpu.memory_space<hbm>>
      tpu.wait_dma2 semaphore(%run_scoped3A_18 : memref<!tpu.dma_semaphore, #tpu.memory_space<semaphore_mem>>) src(%dma_wait3A_25 : memref<632x128xf32, #tpu.memory_space<hbm>>) dst(%dma_wait3A_23 : memref<632x128xf32, #tpu.memory_space<vmem_shared>>)
      tpu.yield
    }) : () -> ()
    "tpu.region"() ({
      %run_scoped3A_18 = tpu.sem_alloc : memref<!tpu.dma_semaphore, #tpu.memory_space<semaphore_mem>>
      %dma_start3A_19 = arith.constant 0 : i32
      %dma_start3A_20 = arith.constant 0 : i32
      %dma_start3A_21 = tpu.memref_slice %arg4[%add3A, %dma_start3A_19, %dma_start3A_20] : memref<32x80x125xi32, #tpu.memory_space<hbm>> -> memref<1x80x125xi32, #tpu.memory_space<hbm>>
      %dma_start3A_22 = tpu.memref_squeeze %dma_start3A_21 : memref<1x80x125xi32, #tpu.memory_space<hbm>> -> memref<80x125xi32, #tpu.memory_space<hbm>>
      %dma_start3A_23 = arith.constant 0 : i32
      %dma_start3A_24 = arith.constant 0 : i32
      %dma_start3A_25 = tpu.memref_slice %arg4[%add3A, %dma_start3A_23, %dma_start3A_24] : memref<32x80x125xi32, #tpu.memory_space<hbm>> -> memref<1x80x125xi32, #tpu.memory_space<hbm>>
      %dma_start3A_26 = tpu.memref_squeeze %dma_start3A_25 : memref<1x80x125xi32, #tpu.memory_space<hbm>> -> memref<80x125xi32, #tpu.memory_space<hbm>>
      tpu.enqueue_dma source(%dma_start3A_26 : memref<80x125xi32, #tpu.memory_space<hbm>>) target(%arg7 : memref<80x125xi32, #tpu.memory_space<vmem>>) target_semaphore(%run_scoped3A_18 : memref<!tpu.dma_semaphore, #tpu.memory_space<semaphore_mem>>)
      %dma_wait3A = arith.constant 0 : i32
      %dma_wait3A_27 = arith.constant 0 : i32
      %dma_wait3A_28 = tpu.memref_slice %arg4[%add3A, %dma_wait3A, %dma_wait3A_27] : memref<32x80x125xi32, #tpu.memory_space<hbm>> -> memref<1x80x125xi32, #tpu.memory_space<hbm>>
      %dma_wait3A_29 = tpu.memref_squeeze %dma_wait3A_28 : memref<1x80x125xi32, #tpu.memory_space<hbm>> -> memref<80x125xi32, #tpu.memory_space<hbm>>
      %dma_wait3A_30 = arith.constant 0 : i32
      %dma_wait3A_31 = arith.constant 0 : i32
      %dma_wait3A_32 = tpu.memref_slice %arg4[%add3A, %dma_wait3A_30, %dma_wait3A_31] : memref<32x80x125xi32, #tpu.memory_space<hbm>> -> memref<1x80x125xi32, #tpu.memory_space<hbm>>
      %dma_wait3A_33 = tpu.memref_squeeze %dma_wait3A_32 : memref<1x80x125xi32, #tpu.memory_space<hbm>> -> memref<80x125xi32, #tpu.memory_space<hbm>>
      tpu.wait_dma2 semaphore(%run_scoped3A_18 : memref<!tpu.dma_semaphore, #tpu.memory_space<semaphore_mem>>) src(%dma_wait3A_33 : memref<80x125xi32, #tpu.memory_space<hbm>>) dst(%arg7 : memref<80x125xi32, #tpu.memory_space<vmem>>)
      tpu.yield
    }) : () -> ()
    %run_scoped3A = arith.constant 0 : i32
    "tpu.region"() ({
      %run_scoped3A_18 = tpu.sem_alloc : memref<!tpu.dma_semaphore, #tpu.memory_space<semaphore_mem>>
      %dma_start3A_19 = arith.constant 0 : i32
      %dma_start3A_20 = tpu.memref_slice %arg3[%add3A, %run_scoped3A, %dma_start3A_19] : memref<32x80x125xi32, #tpu.memory_space<hbm>> -> memref<1x1x125xi32, #tpu.memory_space<hbm>>
      %dma_start3A_21 = tpu.memref_squeeze %dma_start3A_20 : memref<1x1x125xi32, #tpu.memory_space<hbm>> -> memref<125xi32, #tpu.memory_space<hbm>>
      %dma_start3A_22 = arith.constant 0 : i32
      %dma_start3A_23 = tpu.memref_slice %arg3[%add3A, %run_scoped3A, %dma_start3A_22] : memref<32x80x125xi32, #tpu.memory_space<hbm>> -> memref<1x1x125xi32, #tpu.memory_space<hbm>>
      %dma_start3A_24 = tpu.memref_squeeze %dma_start3A_23 : memref<1x1x125xi32, #tpu.memory_space<hbm>> -> memref<125xi32, #tpu.memory_space<hbm>>
      tpu.enqueue_dma source(%dma_start3A_24 : memref<125xi32, #tpu.memory_space<hbm>>) target(%arg8 : memref<125xi32, #tpu.memory_space<vmem>>) target_semaphore(%run_scoped3A_18 : memref<!tpu.dma_semaphore, #tpu.memory_space<semaphore_mem>>)
      %dma_wait3A = arith.constant 0 : i32
      %dma_wait3A_25 = tpu.memref_slice %arg3[%add3A, %run_scoped3A, %dma_wait3A] : memref<32x80x125xi32, #tpu.memory_space<hbm>> -> memref<1x1x125xi32, #tpu.memory_space<hbm>>
      %dma_wait3A_26 = tpu.memref_squeeze %dma_wait3A_25 : memref<1x1x125xi32, #tpu.memory_space<hbm>> -> memref<125xi32, #tpu.memory_space<hbm>>
      %dma_wait3A_27 = arith.constant 0 : i32
      %dma_wait3A_28 = tpu.memref_slice %arg3[%add3A, %run_scoped3A, %dma_wait3A_27] : memref<32x80x125xi32, #tpu.memory_space<hbm>> -> memref<1x1x125xi32, #tpu.memory_space<hbm>>
      %dma_wait3A_29 = tpu.memref_squeeze %dma_wait3A_28 : memref<1x1x125xi32, #tpu.memory_space<hbm>> -> memref<125xi32, #tpu.memory_space<hbm>>
      tpu.wait_dma2 semaphore(%run_scoped3A_18 : memref<!tpu.dma_semaphore, #tpu.memory_space<semaphore_mem>>) src(%dma_wait3A_29 : memref<125xi32, #tpu.memory_space<hbm>>) dst(%arg8 : memref<125xi32, #tpu.memory_space<vmem>>)
      tpu.yield
    }) : () -> ()
    %run_scoped3A_3 = arith.constant 1 : i32
    "tpu.region"() ({
      %run_scoped3A_18 = tpu.sem_alloc : memref<!tpu.dma_semaphore, #tpu.memory_space<semaphore_mem>>
      %dma_start3A_19 = arith.constant 0 : i32
      %dma_start3A_20 = tpu.memref_slice %arg3[%add3A, %run_scoped3A_3, %dma_start3A_19] : memref<32x80x125xi32, #tpu.memory_space<hbm>> -> memref<1x1x125xi32, #tpu.memory_space<hbm>>
      %dma_start3A_21 = tpu.memref_squeeze %dma_start3A_20 : memref<1x1x125xi32, #tpu.memory_space<hbm>> -> memref<125xi32, #tpu.memory_space<hbm>>
      %dma_start3A_22 = arith.constant 0 : i32
      %dma_start3A_23 = tpu.memref_slice %arg3[%add3A, %run_scoped3A_3, %dma_start3A_22] : memref<32x80x125xi32, #tpu.memory_space<hbm>> -> memref<1x1x125xi32, #tpu.memory_space<hbm>>
      %dma_start3A_24 = tpu.memref_squeeze %dma_start3A_23 : memref<1x1x125xi32, #tpu.memory_space<hbm>> -> memref<125xi32, #tpu.memory_space<hbm>>
      tpu.enqueue_dma source(%dma_start3A_24 : memref<125xi32, #tpu.memory_space<hbm>>) target(%arg9 : memref<125xi32, #tpu.memory_space<vmem>>) target_semaphore(%run_scoped3A_18 : memref<!tpu.dma_semaphore, #tpu.memory_space<semaphore_mem>>)
      %dma_wait3A = arith.constant 0 : i32
      %dma_wait3A_25 = tpu.memref_slice %arg3[%add3A, %run_scoped3A_3, %dma_wait3A] : memref<32x80x125xi32, #tpu.memory_space<hbm>> -> memref<1x1x125xi32, #tpu.memory_space<hbm>>
      %dma_wait3A_26 = tpu.memref_squeeze %dma_wait3A_25 : memref<1x1x125xi32, #tpu.memory_space<hbm>> -> memref<125xi32, #tpu.memory_space<hbm>>
      %dma_wait3A_27 = arith.constant 0 : i32
      %dma_wait3A_28 = tpu.memref_slice %arg3[%add3A, %run_scoped3A_3, %dma_wait3A_27] : memref<32x80x125xi32, #tpu.memory_space<hbm>> -> memref<1x1x125xi32, #tpu.memory_space<hbm>>
      %dma_wait3A_29 = tpu.memref_squeeze %dma_wait3A_28 : memref<1x1x125xi32, #tpu.memory_space<hbm>> -> memref<125xi32, #tpu.memory_space<hbm>>
      tpu.wait_dma2 semaphore(%run_scoped3A_18 : memref<!tpu.dma_semaphore, #tpu.memory_space<semaphore_mem>>) src(%dma_wait3A_29 : memref<125xi32, #tpu.memory_space<hbm>>) dst(%arg9 : memref<125xi32, #tpu.memory_space<vmem>>)
      tpu.yield
    }) : () -> ()
    %barrier3A = arith.constant 0 : index
    tpu.barrier barrier_id(%barrier3A)
    %dma_start3A = arith.constant 0 : i32
    %dma_start3A_4 = arith.constant 0 : i32
    %dma_start3A_5 = tpu.memref_slice %arg2[%dma_start3A, %dma_start3A_4] : memref<10000x128xf32, #tpu.memory_space<hbm>> -> memref<10000x128xf32, #tpu.memory_space<hbm>>
    tpu.enqueue_indirect_dma source(%dma_start3A_5 : memref<10000x128xf32, #tpu.memory_space<hbm>>) target(%arg10 : memref<125x128xf32, #tpu.memory_space<vmem>>) offsets(%arg8 : memref<125xi32, #tpu.memory_space<vmem>>) semaphore(%arg13 : memref<!tpu.dma_semaphore, #tpu.memory_space<semaphore_mem>>)
    %dma_start3A_6 = arith.constant 0 : i32
    %dma_start3A_7 = arith.constant 0 : i32
    %dma_start3A_8 = tpu.memref_slice %arg2[%dma_start3A_6, %dma_start3A_7] : memref<10000x128xf32, #tpu.memory_space<hbm>> -> memref<10000x128xf32, #tpu.memory_space<hbm>>
    tpu.enqueue_indirect_dma source(%dma_start3A_8 : memref<10000x128xf32, #tpu.memory_space<hbm>>) target(%arg11 : memref<125x128xf32, #tpu.memory_space<vmem>>) offsets(%arg9 : memref<125xi32, #tpu.memory_space<vmem>>) semaphore(%arg14 : memref<!tpu.dma_semaphore, #tpu.memory_space<semaphore_mem>>)
    %scan3A = arith.constant 0 : i32
    %scan3A_9 = arith.constant 0 : i32
    %scan3A_10 = arith.constant 40 : i32
    %scan3A_11 = arith.addi %scan3A_9, %scan3A_10 : i32
    %scan3A_12 = arith.constant 1 : i32
    scf.for %scan3A_18 = %scan3A_9 to %scan3A_11 step %scan3A_12  : i32 {
      %mul3A_19 = arith.constant 2 : i32
      %mul3A_20 = arith.muli %mul3A_19, %scan3A_18 : i32
      %add3A_21 = arith.constant 1 : i32
      %add3A_22 = arith.addi %mul3A_20, %add3A_21 : i32
      %dma_wait3A = arith.constant 0 : i32
      %dma_wait3A_23 = arith.constant 0 : i32
      %dma_wait3A_24 = tpu.memref_slice %arg2[%dma_wait3A, %dma_wait3A_23] : memref<10000x128xf32, #tpu.memory_space<hbm>> -> memref<10000x128xf32, #tpu.memory_space<hbm>>
      tpu.wait_indirect_dma semaphore(%arg13 : memref<!tpu.dma_semaphore, #tpu.memory_space<semaphore_mem>>) src(%dma_wait3A_24 : memref<10000x128xf32, #tpu.memory_space<hbm>>) dst(%arg10 : memref<125x128xf32, #tpu.memory_space<vmem>>)
      %add3A_25 = arith.constant 2 : i32
      %add3A_26 = arith.addi %mul3A_20, %add3A_25 : i32
      %lt3A = arith.constant 80 : i32
      %lt3A_27 = arith.cmpi slt, %add3A_26, %lt3A : i32
      %convert_element_type3A = arith.extui %lt3A_27 : i1 to i32
      %cond3A = arith.constant 0 : i32
      %cond3A_28 = arith.cmpi ne, %convert_element_type3A, %cond3A : i32
      scf.if %cond3A_28 {
        %add3A_53 = arith.constant 2 : i32
        %add3A_54 = arith.addi %mul3A_20, %add3A_53 : i32
        %dma_start3A_55 = arith.constant 0 : i32
        %dma_start3A_56 = tpu.memref_slice %arg3[%add3A, %add3A_54, %dma_start3A_55] : memref<32x80x125xi32, #tpu.memory_space<hbm>> -> memref<1x1x125xi32, #tpu.memory_space<hbm>>
        %dma_start3A_57 = tpu.memref_squeeze %dma_start3A_56 : memref<1x1x125xi32, #tpu.memory_space<hbm>> -> memref<125xi32, #tpu.memory_space<hbm>>
        %dma_start3A_58 = arith.constant 0 : i32
        %dma_start3A_59 = tpu.memref_slice %arg3[%add3A, %add3A_54, %dma_start3A_58] : memref<32x80x125xi32, #tpu.memory_space<hbm>> -> memref<1x1x125xi32, #tpu.memory_space<hbm>>
        %dma_start3A_60 = tpu.memref_squeeze %dma_start3A_59 : memref<1x1x125xi32, #tpu.memory_space<hbm>> -> memref<125xi32, #tpu.memory_space<hbm>>
        tpu.enqueue_dma source(%dma_start3A_60 : memref<125xi32, #tpu.memory_space<hbm>>) target(%arg8 : memref<125xi32, #tpu.memory_space<vmem>>) target_semaphore(%arg15 : memref<!tpu.dma_semaphore, #tpu.memory_space<semaphore_mem>>)
      } else {
      }
      "tpu.region"() ({
        %run_scoped3A_53 = tpu.sem_alloc : memref<!tpu.dma_semaphore, #tpu.memory_space<semaphore_mem>>
        %dma_start3A_54 = arith.constant 0 : i32
        %dma_start3A_55 = tpu.memref_slice %arg7[%mul3A_20, %dma_start3A_54] : memref<80x125xi32, #tpu.memory_space<vmem>> -> memref<1x125xi32, #tpu.memory_space<vmem>>
        %dma_start3A_56 = tpu.memref_squeeze %dma_start3A_55 : memref<1x125xi32, #tpu.memory_space<vmem>> -> memref<125xi32, #tpu.memory_space<vmem>>
        %dma_start3A_57 = arith.constant 0 : i32
        %dma_start3A_58 = arith.constant 0 : i32
        %dma_start3A_59 = tpu.memref_slice %arg12[%dma_start3A_57, %dma_start3A_58] : memref<10112x128xf32, #tpu.memory_space<vmem_shared>> -> memref<10112x128xf32, #tpu.memory_space<vmem_shared>>
        tpu.enqueue_indirect_dma source(%arg10 : memref<125x128xf32, #tpu.memory_space<vmem>>) target(%dma_start3A_59 : memref<10112x128xf32, #tpu.memory_space<vmem_shared>>) offsets(%dma_start3A_56 : memref<125xi32, #tpu.memory_space<vmem>>) semaphore(%run_scoped3A_53 : memref<!tpu.dma_semaphore, #tpu.memory_space<semaphore_mem>>) {add = true}
        %dma_wait3A_60 = arith.constant 0 : i32
        %dma_wait3A_61 = tpu.memref_slice %arg7[%mul3A_20, %dma_wait3A_60] : memref<80x125xi32, #tpu.memory_space<vmem>> -> memref<1x125xi32, #tpu.memory_space<vmem>>
        %dma_wait3A_62 = tpu.memref_squeeze %dma_wait3A_61 : memref<1x125xi32, #tpu.memory_space<vmem>> -> memref<125xi32, #tpu.memory_space<vmem>>
        %dma_wait3A_63 = arith.constant 0 : i32
        %dma_wait3A_64 = arith.constant 0 : i32
        %dma_wait3A_65 = tpu.memref_slice %arg12[%dma_wait3A_63, %dma_wait3A_64] : memref<10112x128xf32, #tpu.memory_space<vmem_shared>> -> memref<10112x128xf32, #tpu.memory_space<vmem_shared>>
        tpu.wait_indirect_dma semaphore(%run_scoped3A_53 : memref<!tpu.dma_semaphore, #tpu.memory_space<semaphore_mem>>) src(%arg10 : memref<125x128xf32, #tpu.memory_space<vmem>>) dst(%dma_wait3A_65 : memref<10112x128xf32, #tpu.memory_space<vmem_shared>>)
        tpu.yield
      }) : () -> ()
      %add3A_29 = arith.constant 2 : i32
      %add3A_30 = arith.addi %mul3A_20, %add3A_29 : i32
      %lt3A_31 = arith.constant 80 : i32
      %lt3A_32 = arith.cmpi slt, %add3A_30, %lt3A_31 : i32
      %convert_element_type3A_33 = arith.extui %lt3A_32 : i1 to i32
      %cond3A_34 = arith.constant 0 : i32
      %cond3A_35 = arith.cmpi ne, %convert_element_type3A_33, %cond3A_34 : i32
      scf.if %cond3A_35 {
        %add3A_53 = arith.constant 2 : i32
        %add3A_54 = arith.addi %mul3A_20, %add3A_53 : i32
        %dma_wait3A_55 = arith.constant 0 : i32
        %dma_wait3A_56 = tpu.memref_slice %arg3[%add3A, %add3A_54, %dma_wait3A_55] : memref<32x80x125xi32, #tpu.memory_space<hbm>> -> memref<1x1x125xi32, #tpu.memory_space<hbm>>
        %dma_wait3A_57 = tpu.memref_squeeze %dma_wait3A_56 : memref<1x1x125xi32, #tpu.memory_space<hbm>> -> memref<125xi32, #tpu.memory_space<hbm>>
        %dma_wait3A_58 = arith.constant 0 : i32
        %dma_wait3A_59 = tpu.memref_slice %arg3[%add3A, %add3A_54, %dma_wait3A_58] : memref<32x80x125xi32, #tpu.memory_space<hbm>> -> memref<1x1x125xi32, #tpu.memory_space<hbm>>
        %dma_wait3A_60 = tpu.memref_squeeze %dma_wait3A_59 : memref<1x1x125xi32, #tpu.memory_space<hbm>> -> memref<125xi32, #tpu.memory_space<hbm>>
        tpu.wait_dma2 semaphore(%arg15 : memref<!tpu.dma_semaphore, #tpu.memory_space<semaphore_mem>>) src(%dma_wait3A_60 : memref<125xi32, #tpu.memory_space<hbm>>) dst(%arg8 : memref<125xi32, #tpu.memory_space<vmem>>)
        %dma_start3A_61 = arith.constant 0 : i32
        %dma_start3A_62 = arith.constant 0 : i32
        %dma_start3A_63 = tpu.memref_slice %arg2[%dma_start3A_61, %dma_start3A_62] : memref<10000x128xf32, #tpu.memory_space<hbm>> -> memref<10000x128xf32, #tpu.memory_space<hbm>>
        tpu.enqueue_indirect_dma source(%dma_start3A_63 : memref<10000x128xf32, #tpu.memory_space<hbm>>) target(%arg10 : memref<125x128xf32, #tpu.memory_space<vmem>>) offsets(%arg8 : memref<125xi32, #tpu.memory_space<vmem>>) semaphore(%arg13 : memref<!tpu.dma_semaphore, #tpu.memory_space<semaphore_mem>>)
      } else {
      }
      %dma_wait3A_36 = arith.constant 0 : i32
      %dma_wait3A_37 = arith.constant 0 : i32
      %dma_wait3A_38 = tpu.memref_slice %arg2[%dma_wait3A_36, %dma_wait3A_37] : memref<10000x128xf32, #tpu.memory_space<hbm>> -> memref<10000x128xf32, #tpu.memory_space<hbm>>
      tpu.wait_indirect_dma semaphore(%arg14 : memref<!tpu.dma_semaphore, #tpu.memory_space<semaphore_mem>>) src(%dma_wait3A_38 : memref<10000x128xf32, #tpu.memory_space<hbm>>) dst(%arg11 : memref<125x128xf32, #tpu.memory_space<vmem>>)
      %add3A_39 = arith.constant 2 : i32
      %add3A_40 = arith.addi %add3A_22, %add3A_39 : i32
      %lt3A_41 = arith.constant 80 : i32
      %lt3A_42 = arith.cmpi slt, %add3A_40, %lt3A_41 : i32
      %convert_element_type3A_43 = arith.extui %lt3A_42 : i1 to i32
      %cond3A_44 = arith.constant 0 : i32
      %cond3A_45 = arith.cmpi ne, %convert_element_type3A_43, %cond3A_44 : i32
      scf.if %cond3A_45 {
        %add3A_53 = arith.constant 2 : i32
        %add3A_54 = arith.addi %add3A_22, %add3A_53 : i32
        %dma_start3A_55 = arith.constant 0 : i32
        %dma_start3A_56 = tpu.memref_slice %arg3[%add3A, %add3A_54, %dma_start3A_55] : memref<32x80x125xi32, #tpu.memory_space<hbm>> -> memref<1x1x125xi32, #tpu.memory_space<hbm>>
        %dma_start3A_57 = tpu.memref_squeeze %dma_start3A_56 : memref<1x1x125xi32, #tpu.memory_space<hbm>> -> memref<125xi32, #tpu.memory_space<hbm>>
        %dma_start3A_58 = arith.constant 0 : i32
        %dma_start3A_59 = tpu.memref_slice %arg3[%add3A, %add3A_54, %dma_start3A_58] : memref<32x80x125xi32, #tpu.memory_space<hbm>> -> memref<1x1x125xi32, #tpu.memory_space<hbm>>
        %dma_start3A_60 = tpu.memref_squeeze %dma_start3A_59 : memref<1x1x125xi32, #tpu.memory_space<hbm>> -> memref<125xi32, #tpu.memory_space<hbm>>
        tpu.enqueue_dma source(%dma_start3A_60 : memref<125xi32, #tpu.memory_space<hbm>>) target(%arg9 : memref<125xi32, #tpu.memory_space<vmem>>) target_semaphore(%arg16 : memref<!tpu.dma_semaphore, #tpu.memory_space<semaphore_mem>>)
      } else {
      }
      "tpu.region"() ({
        %run_scoped3A_53 = tpu.sem_alloc : memref<!tpu.dma_semaphore, #tpu.memory_space<semaphore_mem>>
        %dma_start3A_54 = arith.constant 0 : i32
        %dma_start3A_55 = tpu.memref_slice %arg7[%add3A_22, %dma_start3A_54] : memref<80x125xi32, #tpu.memory_space<vmem>> -> memref<1x125xi32, #tpu.memory_space<vmem>>
        %dma_start3A_56 = tpu.memref_squeeze %dma_start3A_55 : memref<1x125xi32, #tpu.memory_space<vmem>> -> memref<125xi32, #tpu.memory_space<vmem>>
        %dma_start3A_57 = arith.constant 0 : i32
        %dma_start3A_58 = arith.constant 0 : i32
        %dma_start3A_59 = tpu.memref_slice %arg12[%dma_start3A_57, %dma_start3A_58] : memref<10112x128xf32, #tpu.memory_space<vmem_shared>> -> memref<10112x128xf32, #tpu.memory_space<vmem_shared>>
        tpu.enqueue_indirect_dma source(%arg11 : memref<125x128xf32, #tpu.memory_space<vmem>>) target(%dma_start3A_59 : memref<10112x128xf32, #tpu.memory_space<vmem_shared>>) offsets(%dma_start3A_56 : memref<125xi32, #tpu.memory_space<vmem>>) semaphore(%run_scoped3A_53 : memref<!tpu.dma_semaphore, #tpu.memory_space<semaphore_mem>>) {add = true}
        %dma_wait3A_60 = arith.constant 0 : i32
        %dma_wait3A_61 = tpu.memref_slice %arg7[%add3A_22, %dma_wait3A_60] : memref<80x125xi32, #tpu.memory_space<vmem>> -> memref<1x125xi32, #tpu.memory_space<vmem>>
        %dma_wait3A_62 = tpu.memref_squeeze %dma_wait3A_61 : memref<1x125xi32, #tpu.memory_space<vmem>> -> memref<125xi32, #tpu.memory_space<vmem>>
        %dma_wait3A_63 = arith.constant 0 : i32
        %dma_wait3A_64 = arith.constant 0 : i32
        %dma_wait3A_65 = tpu.memref_slice %arg12[%dma_wait3A_63, %dma_wait3A_64] : memref<10112x128xf32, #tpu.memory_space<vmem_shared>> -> memref<10112x128xf32, #tpu.memory_space<vmem_shared>>
        tpu.wait_indirect_dma semaphore(%run_scoped3A_53 : memref<!tpu.dma_semaphore, #tpu.memory_space<semaphore_mem>>) src(%arg11 : memref<125x128xf32, #tpu.memory_space<vmem>>) dst(%dma_wait3A_65 : memref<10112x128xf32, #tpu.memory_space<vmem_shared>>)
        tpu.yield
      }) : () -> ()
      %add3A_46 = arith.constant 2 : i32
      %add3A_47 = arith.addi %add3A_22, %add3A_46 : i32
      %lt3A_48 = arith.constant 80 : i32
      %lt3A_49 = arith.cmpi slt, %add3A_47, %lt3A_48 : i32
      %convert_element_type3A_50 = arith.extui %lt3A_49 : i1 to i32
      %cond3A_51 = arith.constant 0 : i32
      %cond3A_52 = arith.cmpi ne, %convert_element_type3A_50, %cond3A_51 : i32
      scf.if %cond3A_52 {
        %add3A_53 = arith.constant 2 : i32
        %add3A_54 = arith.addi %add3A_22, %add3A_53 : i32
        %dma_wait3A_55 = arith.constant 0 : i32
        %dma_wait3A_56 = tpu.memref_slice %arg3[%add3A, %add3A_54, %dma_wait3A_55] : memref<32x80x125xi32, #tpu.memory_space<hbm>> -> memref<1x1x125xi32, #tpu.memory_space<hbm>>
        %dma_wait3A_57 = tpu.memref_squeeze %dma_wait3A_56 : memref<1x1x125xi32, #tpu.memory_space<hbm>> -> memref<125xi32, #tpu.memory_space<hbm>>
        %dma_wait3A_58 = arith.constant 0 : i32
        %dma_wait3A_59 = tpu.memref_slice %arg3[%add3A, %add3A_54, %dma_wait3A_58] : memref<32x80x125xi32, #tpu.memory_space<hbm>> -> memref<1x1x125xi32, #tpu.memory_space<hbm>>
        %dma_wait3A_60 = tpu.memref_squeeze %dma_wait3A_59 : memref<1x1x125xi32, #tpu.memory_space<hbm>> -> memref<125xi32, #tpu.memory_space<hbm>>
        tpu.wait_dma2 semaphore(%arg16 : memref<!tpu.dma_semaphore, #tpu.memory_space<semaphore_mem>>) src(%dma_wait3A_60 : memref<125xi32, #tpu.memory_space<hbm>>) dst(%arg9 : memref<125xi32, #tpu.memory_space<vmem>>)
        %dma_start3A_61 = arith.constant 0 : i32
        %dma_start3A_62 = arith.constant 0 : i32
        %dma_start3A_63 = tpu.memref_slice %arg2[%dma_start3A_61, %dma_start3A_62] : memref<10000x128xf32, #tpu.memory_space<hbm>> -> memref<10000x128xf32, #tpu.memory_space<hbm>>
        tpu.enqueue_indirect_dma source(%dma_start3A_63 : memref<10000x128xf32, #tpu.memory_space<hbm>>) target(%arg11 : memref<125x128xf32, #tpu.memory_space<vmem>>) offsets(%arg9 : memref<125xi32, #tpu.memory_space<vmem>>) semaphore(%arg14 : memref<!tpu.dma_semaphore, #tpu.memory_space<semaphore_mem>>)
      } else {
      }
    }
    %scan3A_13 = arith.constant 40 : i32
    %barrier3A_14 = arith.constant 0 : index
    tpu.barrier barrier_id(%barrier3A_14)
    %mul3A_15 = arith.constant 10112 : i32
    %mul3A_16 = arith.muli %arg0, %mul3A_15 : i32
    %add3A_17 = arith.addi %mul3A_16, %mul3A_2 : i32
    "tpu.region"() ({
      %run_scoped3A_18 = tpu.sem_alloc : memref<!tpu.dma_semaphore, #tpu.memory_space<semaphore_mem>>
      %dma_start3A_19 = arith.constant 0 : i32
      %dma_start3A_20 = tpu.memref_slice %arg6[%add3A_17, %dma_start3A_19] : memref<20224x128xf32, #tpu.memory_space<hbm>> -> memref<632x128xf32, #tpu.memory_space<hbm>>
      %dma_start3A_21 = arith.constant 0 : i32
      %dma_start3A_22 = tpu.memref_slice %arg12[%mul3A_2, %dma_start3A_21] : memref<10112x128xf32, #tpu.memory_space<vmem_shared>> -> memref<632x128xf32, #tpu.memory_space<vmem_shared>>
      tpu.enqueue_dma source(%dma_start3A_22 : memref<632x128xf32, #tpu.memory_space<vmem_shared>>) target(%dma_start3A_20 : memref<632x128xf32, #tpu.memory_space<hbm>>) target_semaphore(%run_scoped3A_18 : memref<!tpu.dma_semaphore, #tpu.memory_space<semaphore_mem>>)
      %dma_wait3A = arith.constant 0 : i32
      %dma_wait3A_23 = tpu.memref_slice %arg6[%add3A_17, %dma_wait3A] : memref<20224x128xf32, #tpu.memory_space<hbm>> -> memref<632x128xf32, #tpu.memory_space<hbm>>
      %dma_wait3A_24 = arith.constant 0 : i32
      %dma_wait3A_25 = tpu.memref_slice %arg12[%mul3A_2, %dma_wait3A_24] : memref<10112x128xf32, #tpu.memory_space<vmem_shared>> -> memref<632x128xf32, #tpu.memory_space<vmem_shared>>
      tpu.wait_dma2 semaphore(%run_scoped3A_18 : memref<!tpu.dma_semaphore, #tpu.memory_space<semaphore_mem>>) src(%dma_wait3A_25 : memref<632x128xf32, #tpu.memory_space<vmem_shared>>) dst(%dma_wait3A_23 : memref<632x128xf32, #tpu.memory_space<hbm>>)
      tpu.yield
    }) : () -> ()
    return
  }
}

#map = affine_map<(d0, d1) -> (0, 0, 0)>
#map1 = affine_map<(d0, d1) -> (0, 0)>
module attributes {stable_mosaic.version = 14 : i64} {
  func.func @deg_kernel(%arg0: i32, %arg1: i32, %arg2: memref<32x80x125xi32, #tpu.memory_space<hbm>>, %arg3: memref<125x128xf32, #tpu.memory_space<hbm>>, %arg4: memref<10112x128xf32, #tpu.memory_space<hbm>>, %arg5: memref<20224x128xf32, #tpu.memory_space<hbm>>, %arg6: memref<80x125xi32, #tpu.memory_space<vmem>>, %arg7: memref<125x128xf32, #tpu.memory_space<vmem>>, %arg8: memref<10112x128xf32, #tpu.memory_space<vmem_shared>>) attributes {dimension_semantics = [#tpu.dimension_semantics<core_parallel>, #tpu.dimension_semantics<subcore_parallel>], iteration_bounds = array<i64: 2, 16>, scalar_prefetch = 0 : i64, scratch_operands = 3 : i64, tpu.core_type = #tpu.core_type<sc_vector_subcore>, window_params = [{transform_indices = #map}, {transform_indices = #map1}, {transform_indices = #map1}, {transform_indices = #map1}]} {
    %mul3A = arith.constant 2 : i32
    %mul3A_0 = arith.muli %arg1, %mul3A : i32
    %add3A = arith.addi %mul3A_0, %arg0 : i32
    %mul3A_1 = arith.constant 632 : i32
    %mul3A_2 = arith.muli %arg1, %mul3A_1 : i32
    "tpu.region"() ({
      %run_scoped3A = tpu.sem_alloc : memref<!tpu.dma_semaphore, #tpu.memory_space<semaphore_mem>>
      %dma_start3A = arith.constant 0 : i32
      %dma_start3A_12 = tpu.memref_slice %arg8[%mul3A_2, %dma_start3A] : memref<10112x128xf32, #tpu.memory_space<vmem_shared>> -> memref<632x128xf32, #tpu.memory_space<vmem_shared>>
      %dma_start3A_13 = arith.constant 0 : i32
      %dma_start3A_14 = tpu.memref_slice %arg4[%mul3A_2, %dma_start3A_13] : memref<10112x128xf32, #tpu.memory_space<hbm>> -> memref<632x128xf32, #tpu.memory_space<hbm>>
      tpu.enqueue_dma source(%dma_start3A_14 : memref<632x128xf32, #tpu.memory_space<hbm>>) target(%dma_start3A_12 : memref<632x128xf32, #tpu.memory_space<vmem_shared>>) target_semaphore(%run_scoped3A : memref<!tpu.dma_semaphore, #tpu.memory_space<semaphore_mem>>)
      %dma_wait3A = arith.constant 0 : i32
      %dma_wait3A_15 = tpu.memref_slice %arg8[%mul3A_2, %dma_wait3A] : memref<10112x128xf32, #tpu.memory_space<vmem_shared>> -> memref<632x128xf32, #tpu.memory_space<vmem_shared>>
      %dma_wait3A_16 = arith.constant 0 : i32
      %dma_wait3A_17 = tpu.memref_slice %arg4[%mul3A_2, %dma_wait3A_16] : memref<10112x128xf32, #tpu.memory_space<hbm>> -> memref<632x128xf32, #tpu.memory_space<hbm>>
      tpu.wait_dma2 semaphore(%run_scoped3A : memref<!tpu.dma_semaphore, #tpu.memory_space<semaphore_mem>>) src(%dma_wait3A_17 : memref<632x128xf32, #tpu.memory_space<hbm>>) dst(%dma_wait3A_15 : memref<632x128xf32, #tpu.memory_space<vmem_shared>>)
      tpu.yield
    }) : () -> ()
    "tpu.region"() ({
      %run_scoped3A = tpu.sem_alloc : memref<!tpu.dma_semaphore, #tpu.memory_space<semaphore_mem>>
      tpu.enqueue_dma source(%arg3 : memref<125x128xf32, #tpu.memory_space<hbm>>) target(%arg7 : memref<125x128xf32, #tpu.memory_space<vmem>>) target_semaphore(%run_scoped3A : memref<!tpu.dma_semaphore, #tpu.memory_space<semaphore_mem>>)
      tpu.wait_dma2 semaphore(%run_scoped3A : memref<!tpu.dma_semaphore, #tpu.memory_space<semaphore_mem>>) src(%arg3 : memref<125x128xf32, #tpu.memory_space<hbm>>) dst(%arg7 : memref<125x128xf32, #tpu.memory_space<vmem>>)
      tpu.yield
    }) : () -> ()
    "tpu.region"() ({
      %run_scoped3A = tpu.sem_alloc : memref<!tpu.dma_semaphore, #tpu.memory_space<semaphore_mem>>
      %dma_start3A = arith.constant 0 : i32
      %dma_start3A_12 = arith.constant 0 : i32
      %dma_start3A_13 = tpu.memref_slice %arg2[%add3A, %dma_start3A, %dma_start3A_12] : memref<32x80x125xi32, #tpu.memory_space<hbm>> -> memref<1x80x125xi32, #tpu.memory_space<hbm>>
      %dma_start3A_14 = tpu.memref_squeeze %dma_start3A_13 : memref<1x80x125xi32, #tpu.memory_space<hbm>> -> memref<80x125xi32, #tpu.memory_space<hbm>>
      %dma_start3A_15 = arith.constant 0 : i32
      %dma_start3A_16 = arith.constant 0 : i32
      %dma_start3A_17 = tpu.memref_slice %arg2[%add3A, %dma_start3A_15, %dma_start3A_16] : memref<32x80x125xi32, #tpu.memory_space<hbm>> -> memref<1x80x125xi32, #tpu.memory_space<hbm>>
      %dma_start3A_18 = tpu.memref_squeeze %dma_start3A_17 : memref<1x80x125xi32, #tpu.memory_space<hbm>> -> memref<80x125xi32, #tpu.memory_space<hbm>>
      tpu.enqueue_dma source(%dma_start3A_18 : memref<80x125xi32, #tpu.memory_space<hbm>>) target(%arg6 : memref<80x125xi32, #tpu.memory_space<vmem>>) target_semaphore(%run_scoped3A : memref<!tpu.dma_semaphore, #tpu.memory_space<semaphore_mem>>)
      %dma_wait3A = arith.constant 0 : i32
      %dma_wait3A_19 = arith.constant 0 : i32
      %dma_wait3A_20 = tpu.memref_slice %arg2[%add3A, %dma_wait3A, %dma_wait3A_19] : memref<32x80x125xi32, #tpu.memory_space<hbm>> -> memref<1x80x125xi32, #tpu.memory_space<hbm>>
      %dma_wait3A_21 = tpu.memref_squeeze %dma_wait3A_20 : memref<1x80x125xi32, #tpu.memory_space<hbm>> -> memref<80x125xi32, #tpu.memory_space<hbm>>
      %dma_wait3A_22 = arith.constant 0 : i32
      %dma_wait3A_23 = arith.constant 0 : i32
      %dma_wait3A_24 = tpu.memref_slice %arg2[%add3A, %dma_wait3A_22, %dma_wait3A_23] : memref<32x80x125xi32, #tpu.memory_space<hbm>> -> memref<1x80x125xi32, #tpu.memory_space<hbm>>
      %dma_wait3A_25 = tpu.memref_squeeze %dma_wait3A_24 : memref<1x80x125xi32, #tpu.memory_space<hbm>> -> memref<80x125xi32, #tpu.memory_space<hbm>>
      tpu.wait_dma2 semaphore(%run_scoped3A : memref<!tpu.dma_semaphore, #tpu.memory_space<semaphore_mem>>) src(%dma_wait3A_25 : memref<80x125xi32, #tpu.memory_space<hbm>>) dst(%arg6 : memref<80x125xi32, #tpu.memory_space<vmem>>)
      tpu.yield
    }) : () -> ()
    %barrier3A = arith.constant 0 : index
    tpu.barrier barrier_id(%barrier3A)
    %scan3A = arith.constant 0 : i32
    %scan3A_3 = arith.constant 0 : i32
    %scan3A_4 = arith.constant 80 : i32
    %scan3A_5 = arith.addi %scan3A_3, %scan3A_4 : i32
    %scan3A_6 = arith.constant 1 : i32
    scf.for %scan3A_12 = %scan3A_3 to %scan3A_5 step %scan3A_6  : i32 {
      "tpu.region"() ({
        %run_scoped3A = tpu.sem_alloc : memref<!tpu.dma_semaphore, #tpu.memory_space<semaphore_mem>>
        %dma_start3A = arith.constant 0 : i32
        %dma_start3A_13 = tpu.memref_slice %arg6[%scan3A_12, %dma_start3A] : memref<80x125xi32, #tpu.memory_space<vmem>> -> memref<1x125xi32, #tpu.memory_space<vmem>>
        %dma_start3A_14 = tpu.memref_squeeze %dma_start3A_13 : memref<1x125xi32, #tpu.memory_space<vmem>> -> memref<125xi32, #tpu.memory_space<vmem>>
        %dma_start3A_15 = arith.constant 0 : i32
        %dma_start3A_16 = arith.constant 0 : i32
        %dma_start3A_17 = tpu.memref_slice %arg8[%dma_start3A_15, %dma_start3A_16] : memref<10112x128xf32, #tpu.memory_space<vmem_shared>> -> memref<10112x128xf32, #tpu.memory_space<vmem_shared>>
        tpu.enqueue_indirect_dma source(%arg7 : memref<125x128xf32, #tpu.memory_space<vmem>>) target(%dma_start3A_17 : memref<10112x128xf32, #tpu.memory_space<vmem_shared>>) offsets(%dma_start3A_14 : memref<125xi32, #tpu.memory_space<vmem>>) semaphore(%run_scoped3A : memref<!tpu.dma_semaphore, #tpu.memory_space<semaphore_mem>>) {add = true}
        %dma_wait3A = arith.constant 0 : i32
        %dma_wait3A_18 = tpu.memref_slice %arg6[%scan3A_12, %dma_wait3A] : memref<80x125xi32, #tpu.memory_space<vmem>> -> memref<1x125xi32, #tpu.memory_space<vmem>>
        %dma_wait3A_19 = tpu.memref_squeeze %dma_wait3A_18 : memref<1x125xi32, #tpu.memory_space<vmem>> -> memref<125xi32, #tpu.memory_space<vmem>>
        %dma_wait3A_20 = arith.constant 0 : i32
        %dma_wait3A_21 = arith.constant 0 : i32
        %dma_wait3A_22 = tpu.memref_slice %arg8[%dma_wait3A_20, %dma_wait3A_21] : memref<10112x128xf32, #tpu.memory_space<vmem_shared>> -> memref<10112x128xf32, #tpu.memory_space<vmem_shared>>
        tpu.wait_indirect_dma semaphore(%run_scoped3A : memref<!tpu.dma_semaphore, #tpu.memory_space<semaphore_mem>>) src(%arg7 : memref<125x128xf32, #tpu.memory_space<vmem>>) dst(%dma_wait3A_22 : memref<10112x128xf32, #tpu.memory_space<vmem_shared>>)
        tpu.yield
      }) : () -> ()
    }
    %scan3A_7 = arith.constant 80 : i32
    %barrier3A_8 = arith.constant 0 : index
    tpu.barrier barrier_id(%barrier3A_8)
    %mul3A_9 = arith.constant 10112 : i32
    %mul3A_10 = arith.muli %arg0, %mul3A_9 : i32
    %add3A_11 = arith.addi %mul3A_10, %mul3A_2 : i32
    "tpu.region"() ({
      %run_scoped3A = tpu.sem_alloc : memref<!tpu.dma_semaphore, #tpu.memory_space<semaphore_mem>>
      %dma_start3A = arith.constant 0 : i32
      %dma_start3A_12 = tpu.memref_slice %arg5[%add3A_11, %dma_start3A] : memref<20224x128xf32, #tpu.memory_space<hbm>> -> memref<632x128xf32, #tpu.memory_space<hbm>>
      %dma_start3A_13 = arith.constant 0 : i32
      %dma_start3A_14 = tpu.memref_slice %arg8[%mul3A_2, %dma_start3A_13] : memref<10112x128xf32, #tpu.memory_space<vmem_shared>> -> memref<632x128xf32, #tpu.memory_space<vmem_shared>>
      tpu.enqueue_dma source(%dma_start3A_14 : memref<632x128xf32, #tpu.memory_space<vmem_shared>>) target(%dma_start3A_12 : memref<632x128xf32, #tpu.memory_space<hbm>>) target_semaphore(%run_scoped3A : memref<!tpu.dma_semaphore, #tpu.memory_space<semaphore_mem>>)
      %dma_wait3A = arith.constant 0 : i32
      %dma_wait3A_15 = tpu.memref_slice %arg5[%add3A_11, %dma_wait3A] : memref<20224x128xf32, #tpu.memory_space<hbm>> -> memref<632x128xf32, #tpu.memory_space<hbm>>
      %dma_wait3A_16 = arith.constant 0 : i32
      %dma_wait3A_17 = tpu.memref_slice %arg8[%mul3A_2, %dma_wait3A_16] : memref<10112x128xf32, #tpu.memory_space<vmem_shared>> -> memref<632x128xf32, #tpu.memory_space<vmem_shared>>
      tpu.wait_dma2 semaphore(%run_scoped3A : memref<!tpu.dma_semaphore, #tpu.memory_space<semaphore_mem>>) src(%dma_wait3A_17 : memref<632x128xf32, #tpu.memory_space<vmem_shared>>) dst(%dma_wait3A_15 : memref<632x128xf32, #tpu.memory_space<hbm>>)
      tpu.yield
    }) : () -> ()
    return
  }
}

#map = affine_map<(d0, d1) -> (0, 0)>
#map1 = affine_map<(d0, d1) -> (0, 0, 0)>
module attributes {stable_mosaic.version = 14 : i64} {
  func.func @agg_kernel(%arg0: i32, %arg1: i32, %arg2: memref<10000x128xf32, #tpu.memory_space<hbm>>, %arg3: memref<32x80x125xi32, #tpu.memory_space<hbm>>, %arg4: memref<32x80x125xi32, #tpu.memory_space<hbm>>, %arg5: memref<10112x128xf32, #tpu.memory_space<hbm>>, %arg6: memref<20224x128xf32, #tpu.memory_space<hbm>>, %arg7: memref<80x125xi32, #tpu.memory_space<vmem>>, %arg8: memref<125xi32, #tpu.memory_space<vmem>>, %arg9: memref<125xi32, #tpu.memory_space<vmem>>, %arg10: memref<125x128xf32, #tpu.memory_space<vmem>>, %arg11: memref<125x128xf32, #tpu.memory_space<vmem>>, %arg12: memref<10112x128xf32, #tpu.memory_space<vmem_shared>>, %arg13: memref<!tpu.dma_semaphore, #tpu.memory_space<semaphore_mem>>, %arg14: memref<!tpu.dma_semaphore, #tpu.memory_space<semaphore_mem>>, %arg15: memref<!tpu.dma_semaphore, #tpu.memory_space<semaphore_mem>>, %arg16: memref<!tpu.dma_semaphore, #tpu.memory_space<semaphore_mem>>) attributes {dimension_semantics = [#tpu.dimension_semantics<core_parallel>, #tpu.dimension_semantics<subcore_parallel>], iteration_bounds = array<i64: 2, 16>, scalar_prefetch = 0 : i64, scratch_operands = 10 : i64, tpu.core_type = #tpu.core_type<sc_vector_subcore>, window_params = [{transform_indices = #map}, {transform_indices = #map1}, {transform_indices = #map1}, {transform_indices = #map}, {transform_indices = #map}]} {
    %mul3A = arith.constant 2 : i32
    %mul3A_0 = arith.muli %arg1, %mul3A : i32
    %add3A = arith.addi %mul3A_0, %arg0 : i32
    %mul3A_1 = arith.constant 632 : i32
    %mul3A_2 = arith.muli %arg1, %mul3A_1 : i32
    "tpu.region"() ({
      %run_scoped3A_18 = tpu.sem_alloc : memref<!tpu.dma_semaphore, #tpu.memory_space<semaphore_mem>>
      %dma_start3A_19 = arith.constant 0 : i32
      %dma_start3A_20 = tpu.memref_slice %arg12[%mul3A_2, %dma_start3A_19] : memref<10112x128xf32, #tpu.memory_space<vmem_shared>> -> memref<632x128xf32, #tpu.memory_space<vmem_shared>>
      %dma_start3A_21 = arith.constant 0 : i32
      %dma_start3A_22 = tpu.memref_slice %arg5[%mul3A_2, %dma_start3A_21] : memref<10112x128xf32, #tpu.memory_space<hbm>> -> memref<632x128xf32, #tpu.memory_space<hbm>>
      tpu.enqueue_dma source(%dma_start3A_22 : memref<632x128xf32, #tpu.memory_space<hbm>>) target(%dma_start3A_20 : memref<632x128xf32, #tpu.memory_space<vmem_shared>>) target_semaphore(%run_scoped3A_18 : memref<!tpu.dma_semaphore, #tpu.memory_space<semaphore_mem>>)
      %dma_wait3A = arith.constant 0 : i32
      %dma_wait3A_23 = tpu.memref_slice %arg12[%mul3A_2, %dma_wait3A] : memref<10112x128xf32, #tpu.memory_space<vmem_shared>> -> memref<632x128xf32, #tpu.memory_space<vmem_shared>>
      %dma_wait3A_24 = arith.constant 0 : i32
      %dma_wait3A_25 = tpu.memref_slice %arg5[%mul3A_2, %dma_wait3A_24] : memref<10112x128xf32, #tpu.memory_space<hbm>> -> memref<632x128xf32, #tpu.memory_space<hbm>>
      tpu.wait_dma2 semaphore(%run_scoped3A_18 : memref<!tpu.dma_semaphore, #tpu.memory_space<semaphore_mem>>) src(%dma_wait3A_25 : memref<632x128xf32, #tpu.memory_space<hbm>>) dst(%dma_wait3A_23 : memref<632x128xf32, #tpu.memory_space<vmem_shared>>)
      tpu.yield
    }) : () -> ()
    "tpu.region"() ({
      %run_scoped3A_18 = tpu.sem_alloc : memref<!tpu.dma_semaphore, #tpu.memory_space<semaphore_mem>>
      %dma_start3A_19 = arith.constant 0 : i32
      %dma_start3A_20 = arith.constant 0 : i32
      %dma_start3A_21 = tpu.memref_slice %arg4[%add3A, %dma_start3A_19, %dma_start3A_20] : memref<32x80x125xi32, #tpu.memory_space<hbm>> -> memref<1x80x125xi32, #tpu.memory_space<hbm>>
      %dma_start3A_22 = tpu.memref_squeeze %dma_start3A_21 : memref<1x80x125xi32, #tpu.memory_space<hbm>> -> memref<80x125xi32, #tpu.memory_space<hbm>>
      %dma_start3A_23 = arith.constant 0 : i32
      %dma_start3A_24 = arith.constant 0 : i32
      %dma_start3A_25 = tpu.memref_slice %arg4[%add3A, %dma_start3A_23, %dma_start3A_24] : memref<32x80x125xi32, #tpu.memory_space<hbm>> -> memref<1x80x125xi32, #tpu.memory_space<hbm>>
      %dma_start3A_26 = tpu.memref_squeeze %dma_start3A_25 : memref<1x80x125xi32, #tpu.memory_space<hbm>> -> memref<80x125xi32, #tpu.memory_space<hbm>>
      tpu.enqueue_dma source(%dma_start3A_26 : memref<80x125xi32, #tpu.memory_space<hbm>>) target(%arg7 : memref<80x125xi32, #tpu.memory_space<vmem>>) target_semaphore(%run_scoped3A_18 : memref<!tpu.dma_semaphore, #tpu.memory_space<semaphore_mem>>)
      %dma_wait3A = arith.constant 0 : i32
      %dma_wait3A_27 = arith.constant 0 : i32
      %dma_wait3A_28 = tpu.memref_slice %arg4[%add3A, %dma_wait3A, %dma_wait3A_27] : memref<32x80x125xi32, #tpu.memory_space<hbm>> -> memref<1x80x125xi32, #tpu.memory_space<hbm>>
      %dma_wait3A_29 = tpu.memref_squeeze %dma_wait3A_28 : memref<1x80x125xi32, #tpu.memory_space<hbm>> -> memref<80x125xi32, #tpu.memory_space<hbm>>
      %dma_wait3A_30 = arith.constant 0 : i32
      %dma_wait3A_31 = arith.constant 0 : i32
      %dma_wait3A_32 = tpu.memref_slice %arg4[%add3A, %dma_wait3A_30, %dma_wait3A_31] : memref<32x80x125xi32, #tpu.memory_space<hbm>> -> memref<1x80x125xi32, #tpu.memory_space<hbm>>
      %dma_wait3A_33 = tpu.memref_squeeze %dma_wait3A_32 : memref<1x80x125xi32, #tpu.memory_space<hbm>> -> memref<80x125xi32, #tpu.memory_space<hbm>>
      tpu.wait_dma2 semaphore(%run_scoped3A_18 : memref<!tpu.dma_semaphore, #tpu.memory_space<semaphore_mem>>) src(%dma_wait3A_33 : memref<80x125xi32, #tpu.memory_space<hbm>>) dst(%arg7 : memref<80x125xi32, #tpu.memory_space<vmem>>)
      tpu.yield
    }) : () -> ()
    %run_scoped3A = arith.constant 0 : i32
    "tpu.region"() ({
      %run_scoped3A_18 = tpu.sem_alloc : memref<!tpu.dma_semaphore, #tpu.memory_space<semaphore_mem>>
      %dma_start3A_19 = arith.constant 0 : i32
      %dma_start3A_20 = tpu.memref_slice %arg3[%add3A, %run_scoped3A, %dma_start3A_19] : memref<32x80x125xi32, #tpu.memory_space<hbm>> -> memref<1x1x125xi32, #tpu.memory_space<hbm>>
      %dma_start3A_21 = tpu.memref_squeeze %dma_start3A_20 : memref<1x1x125xi32, #tpu.memory_space<hbm>> -> memref<125xi32, #tpu.memory_space<hbm>>
      %dma_start3A_22 = arith.constant 0 : i32
      %dma_start3A_23 = tpu.memref_slice %arg3[%add3A, %run_scoped3A, %dma_start3A_22] : memref<32x80x125xi32, #tpu.memory_space<hbm>> -> memref<1x1x125xi32, #tpu.memory_space<hbm>>
      %dma_start3A_24 = tpu.memref_squeeze %dma_start3A_23 : memref<1x1x125xi32, #tpu.memory_space<hbm>> -> memref<125xi32, #tpu.memory_space<hbm>>
      tpu.enqueue_dma source(%dma_start3A_24 : memref<125xi32, #tpu.memory_space<hbm>>) target(%arg8 : memref<125xi32, #tpu.memory_space<vmem>>) target_semaphore(%run_scoped3A_18 : memref<!tpu.dma_semaphore, #tpu.memory_space<semaphore_mem>>)
      %dma_wait3A = arith.constant 0 : i32
      %dma_wait3A_25 = tpu.memref_slice %arg3[%add3A, %run_scoped3A, %dma_wait3A] : memref<32x80x125xi32, #tpu.memory_space<hbm>> -> memref<1x1x125xi32, #tpu.memory_space<hbm>>
      %dma_wait3A_26 = tpu.memref_squeeze %dma_wait3A_25 : memref<1x1x125xi32, #tpu.memory_space<hbm>> -> memref<125xi32, #tpu.memory_space<hbm>>
      %dma_wait3A_27 = arith.constant 0 : i32
      %dma_wait3A_28 = tpu.memref_slice %arg3[%add3A, %run_scoped3A, %dma_wait3A_27] : memref<32x80x125xi32, #tpu.memory_space<hbm>> -> memref<1x1x125xi32, #tpu.memory_space<hbm>>
      %dma_wait3A_29 = tpu.memref_squeeze %dma_wait3A_28 : memref<1x1x125xi32, #tpu.memory_space<hbm>> -> memref<125xi32, #tpu.memory_space<hbm>>
      tpu.wait_dma2 semaphore(%run_scoped3A_18 : memref<!tpu.dma_semaphore, #tpu.memory_space<semaphore_mem>>) src(%dma_wait3A_29 : memref<125xi32, #tpu.memory_space<hbm>>) dst(%arg8 : memref<125xi32, #tpu.memory_space<vmem>>)
      tpu.yield
    }) : () -> ()
    %run_scoped3A_3 = arith.constant 1 : i32
    "tpu.region"() ({
      %run_scoped3A_18 = tpu.sem_alloc : memref<!tpu.dma_semaphore, #tpu.memory_space<semaphore_mem>>
      %dma_start3A_19 = arith.constant 0 : i32
      %dma_start3A_20 = tpu.memref_slice %arg3[%add3A, %run_scoped3A_3, %dma_start3A_19] : memref<32x80x125xi32, #tpu.memory_space<hbm>> -> memref<1x1x125xi32, #tpu.memory_space<hbm>>
      %dma_start3A_21 = tpu.memref_squeeze %dma_start3A_20 : memref<1x1x125xi32, #tpu.memory_space<hbm>> -> memref<125xi32, #tpu.memory_space<hbm>>
      %dma_start3A_22 = arith.constant 0 : i32
      %dma_start3A_23 = tpu.memref_slice %arg3[%add3A, %run_scoped3A_3, %dma_start3A_22] : memref<32x80x125xi32, #tpu.memory_space<hbm>> -> memref<1x1x125xi32, #tpu.memory_space<hbm>>
      %dma_start3A_24 = tpu.memref_squeeze %dma_start3A_23 : memref<1x1x125xi32, #tpu.memory_space<hbm>> -> memref<125xi32, #tpu.memory_space<hbm>>
      tpu.enqueue_dma source(%dma_start3A_24 : memref<125xi32, #tpu.memory_space<hbm>>) target(%arg9 : memref<125xi32, #tpu.memory_space<vmem>>) target_semaphore(%run_scoped3A_18 : memref<!tpu.dma_semaphore, #tpu.memory_space<semaphore_mem>>)
      %dma_wait3A = arith.constant 0 : i32
      %dma_wait3A_25 = tpu.memref_slice %arg3[%add3A, %run_scoped3A_3, %dma_wait3A] : memref<32x80x125xi32, #tpu.memory_space<hbm>> -> memref<1x1x125xi32, #tpu.memory_space<hbm>>
      %dma_wait3A_26 = tpu.memref_squeeze %dma_wait3A_25 : memref<1x1x125xi32, #tpu.memory_space<hbm>> -> memref<125xi32, #tpu.memory_space<hbm>>
      %dma_wait3A_27 = arith.constant 0 : i32
      %dma_wait3A_28 = tpu.memref_slice %arg3[%add3A, %run_scoped3A_3, %dma_wait3A_27] : memref<32x80x125xi32, #tpu.memory_space<hbm>> -> memref<1x1x125xi32, #tpu.memory_space<hbm>>
      %dma_wait3A_29 = tpu.memref_squeeze %dma_wait3A_28 : memref<1x1x125xi32, #tpu.memory_space<hbm>> -> memref<125xi32, #tpu.memory_space<hbm>>
      tpu.wait_dma2 semaphore(%run_scoped3A_18 : memref<!tpu.dma_semaphore, #tpu.memory_space<semaphore_mem>>) src(%dma_wait3A_29 : memref<125xi32, #tpu.memory_space<hbm>>) dst(%arg9 : memref<125xi32, #tpu.memory_space<vmem>>)
      tpu.yield
    }) : () -> ()
    %barrier3A = arith.constant 0 : index
    tpu.barrier barrier_id(%barrier3A)
    %dma_start3A = arith.constant 0 : i32
    %dma_start3A_4 = arith.constant 0 : i32
    %dma_start3A_5 = tpu.memref_slice %arg2[%dma_start3A, %dma_start3A_4] : memref<10000x128xf32, #tpu.memory_space<hbm>> -> memref<10000x128xf32, #tpu.memory_space<hbm>>
    tpu.enqueue_indirect_dma source(%dma_start3A_5 : memref<10000x128xf32, #tpu.memory_space<hbm>>) target(%arg10 : memref<125x128xf32, #tpu.memory_space<vmem>>) offsets(%arg8 : memref<125xi32, #tpu.memory_space<vmem>>) semaphore(%arg13 : memref<!tpu.dma_semaphore, #tpu.memory_space<semaphore_mem>>)
    %dma_start3A_6 = arith.constant 0 : i32
    %dma_start3A_7 = arith.constant 0 : i32
    %dma_start3A_8 = tpu.memref_slice %arg2[%dma_start3A_6, %dma_start3A_7] : memref<10000x128xf32, #tpu.memory_space<hbm>> -> memref<10000x128xf32, #tpu.memory_space<hbm>>
    tpu.enqueue_indirect_dma source(%dma_start3A_8 : memref<10000x128xf32, #tpu.memory_space<hbm>>) target(%arg11 : memref<125x128xf32, #tpu.memory_space<vmem>>) offsets(%arg9 : memref<125xi32, #tpu.memory_space<vmem>>) semaphore(%arg14 : memref<!tpu.dma_semaphore, #tpu.memory_space<semaphore_mem>>)
    %scan3A = arith.constant 0 : i32
    %scan3A_9 = arith.constant 0 : i32
    %scan3A_10 = arith.constant 40 : i32
    %scan3A_11 = arith.addi %scan3A_9, %scan3A_10 : i32
    %scan3A_12 = arith.constant 1 : i32
    scf.for %scan3A_18 = %scan3A_9 to %scan3A_11 step %scan3A_12  : i32 {
      %mul3A_19 = arith.constant 2 : i32
      %mul3A_20 = arith.muli %mul3A_19, %scan3A_18 : i32
      %add3A_21 = arith.constant 1 : i32
      %add3A_22 = arith.addi %mul3A_20, %add3A_21 : i32
      %dma_wait3A = arith.constant 0 : i32
      %dma_wait3A_23 = arith.constant 0 : i32
      %dma_wait3A_24 = tpu.memref_slice %arg2[%dma_wait3A, %dma_wait3A_23] : memref<10000x128xf32, #tpu.memory_space<hbm>> -> memref<10000x128xf32, #tpu.memory_space<hbm>>
      tpu.wait_indirect_dma semaphore(%arg13 : memref<!tpu.dma_semaphore, #tpu.memory_space<semaphore_mem>>) src(%dma_wait3A_24 : memref<10000x128xf32, #tpu.memory_space<hbm>>) dst(%arg10 : memref<125x128xf32, #tpu.memory_space<vmem>>)
      %add3A_25 = arith.constant 2 : i32
      %add3A_26 = arith.addi %mul3A_20, %add3A_25 : i32
      %lt3A = arith.constant 80 : i32
      %lt3A_27 = arith.cmpi slt, %add3A_26, %lt3A : i32
      %convert_element_type3A = arith.extui %lt3A_27 : i1 to i32
      %cond3A = arith.constant 0 : i32
      %cond3A_28 = arith.cmpi ne, %convert_element_type3A, %cond3A : i32
      scf.if %cond3A_28 {
        %add3A_53 = arith.constant 2 : i32
        %add3A_54 = arith.addi %mul3A_20, %add3A_53 : i32
        %dma_start3A_55 = arith.constant 0 : i32
        %dma_start3A_56 = tpu.memref_slice %arg3[%add3A, %add3A_54, %dma_start3A_55] : memref<32x80x125xi32, #tpu.memory_space<hbm>> -> memref<1x1x125xi32, #tpu.memory_space<hbm>>
        %dma_start3A_57 = tpu.memref_squeeze %dma_start3A_56 : memref<1x1x125xi32, #tpu.memory_space<hbm>> -> memref<125xi32, #tpu.memory_space<hbm>>
        %dma_start3A_58 = arith.constant 0 : i32
        %dma_start3A_59 = tpu.memref_slice %arg3[%add3A, %add3A_54, %dma_start3A_58] : memref<32x80x125xi32, #tpu.memory_space<hbm>> -> memref<1x1x125xi32, #tpu.memory_space<hbm>>
        %dma_start3A_60 = tpu.memref_squeeze %dma_start3A_59 : memref<1x1x125xi32, #tpu.memory_space<hbm>> -> memref<125xi32, #tpu.memory_space<hbm>>
        tpu.enqueue_dma source(%dma_start3A_60 : memref<125xi32, #tpu.memory_space<hbm>>) target(%arg8 : memref<125xi32, #tpu.memory_space<vmem>>) target_semaphore(%arg15 : memref<!tpu.dma_semaphore, #tpu.memory_space<semaphore_mem>>)
      } else {
      }
      "tpu.region"() ({
        %run_scoped3A_53 = tpu.sem_alloc : memref<!tpu.dma_semaphore, #tpu.memory_space<semaphore_mem>>
        %dma_start3A_54 = arith.constant 0 : i32
        %dma_start3A_55 = tpu.memref_slice %arg7[%mul3A_20, %dma_start3A_54] : memref<80x125xi32, #tpu.memory_space<vmem>> -> memref<1x125xi32, #tpu.memory_space<vmem>>
        %dma_start3A_56 = tpu.memref_squeeze %dma_start3A_55 : memref<1x125xi32, #tpu.memory_space<vmem>> -> memref<125xi32, #tpu.memory_space<vmem>>
        %dma_start3A_57 = arith.constant 0 : i32
        %dma_start3A_58 = arith.constant 0 : i32
        %dma_start3A_59 = tpu.memref_slice %arg12[%dma_start3A_57, %dma_start3A_58] : memref<10112x128xf32, #tpu.memory_space<vmem_shared>> -> memref<10112x128xf32, #tpu.memory_space<vmem_shared>>
        tpu.enqueue_indirect_dma source(%arg10 : memref<125x128xf32, #tpu.memory_space<vmem>>) target(%dma_start3A_59 : memref<10112x128xf32, #tpu.memory_space<vmem_shared>>) offsets(%dma_start3A_56 : memref<125xi32, #tpu.memory_space<vmem>>) semaphore(%run_scoped3A_53 : memref<!tpu.dma_semaphore, #tpu.memory_space<semaphore_mem>>) {add = true}
        %dma_wait3A_60 = arith.constant 0 : i32
        %dma_wait3A_61 = tpu.memref_slice %arg7[%mul3A_20, %dma_wait3A_60] : memref<80x125xi32, #tpu.memory_space<vmem>> -> memref<1x125xi32, #tpu.memory_space<vmem>>
        %dma_wait3A_62 = tpu.memref_squeeze %dma_wait3A_61 : memref<1x125xi32, #tpu.memory_space<vmem>> -> memref<125xi32, #tpu.memory_space<vmem>>
        %dma_wait3A_63 = arith.constant 0 : i32
        %dma_wait3A_64 = arith.constant 0 : i32
        %dma_wait3A_65 = tpu.memref_slice %arg12[%dma_wait3A_63, %dma_wait3A_64] : memref<10112x128xf32, #tpu.memory_space<vmem_shared>> -> memref<10112x128xf32, #tpu.memory_space<vmem_shared>>
        tpu.wait_indirect_dma semaphore(%run_scoped3A_53 : memref<!tpu.dma_semaphore, #tpu.memory_space<semaphore_mem>>) src(%arg10 : memref<125x128xf32, #tpu.memory_space<vmem>>) dst(%dma_wait3A_65 : memref<10112x128xf32, #tpu.memory_space<vmem_shared>>)
        tpu.yield
      }) : () -> ()
      %add3A_29 = arith.constant 2 : i32
      %add3A_30 = arith.addi %mul3A_20, %add3A_29 : i32
      %lt3A_31 = arith.constant 80 : i32
      %lt3A_32 = arith.cmpi slt, %add3A_30, %lt3A_31 : i32
      %convert_element_type3A_33 = arith.extui %lt3A_32 : i1 to i32
      %cond3A_34 = arith.constant 0 : i32
      %cond3A_35 = arith.cmpi ne, %convert_element_type3A_33, %cond3A_34 : i32
      scf.if %cond3A_35 {
        %add3A_53 = arith.constant 2 : i32
        %add3A_54 = arith.addi %mul3A_20, %add3A_53 : i32
        %dma_wait3A_55 = arith.constant 0 : i32
        %dma_wait3A_56 = tpu.memref_slice %arg3[%add3A, %add3A_54, %dma_wait3A_55] : memref<32x80x125xi32, #tpu.memory_space<hbm>> -> memref<1x1x125xi32, #tpu.memory_space<hbm>>
        %dma_wait3A_57 = tpu.memref_squeeze %dma_wait3A_56 : memref<1x1x125xi32, #tpu.memory_space<hbm>> -> memref<125xi32, #tpu.memory_space<hbm>>
        %dma_wait3A_58 = arith.constant 0 : i32
        %dma_wait3A_59 = tpu.memref_slice %arg3[%add3A, %add3A_54, %dma_wait3A_58] : memref<32x80x125xi32, #tpu.memory_space<hbm>> -> memref<1x1x125xi32, #tpu.memory_space<hbm>>
        %dma_wait3A_60 = tpu.memref_squeeze %dma_wait3A_59 : memref<1x1x125xi32, #tpu.memory_space<hbm>> -> memref<125xi32, #tpu.memory_space<hbm>>
        tpu.wait_dma2 semaphore(%arg15 : memref<!tpu.dma_semaphore, #tpu.memory_space<semaphore_mem>>) src(%dma_wait3A_60 : memref<125xi32, #tpu.memory_space<hbm>>) dst(%arg8 : memref<125xi32, #tpu.memory_space<vmem>>)
        %dma_start3A_61 = arith.constant 0 : i32
        %dma_start3A_62 = arith.constant 0 : i32
        %dma_start3A_63 = tpu.memref_slice %arg2[%dma_start3A_61, %dma_start3A_62] : memref<10000x128xf32, #tpu.memory_space<hbm>> -> memref<10000x128xf32, #tpu.memory_space<hbm>>
        tpu.enqueue_indirect_dma source(%dma_start3A_63 : memref<10000x128xf32, #tpu.memory_space<hbm>>) target(%arg10 : memref<125x128xf32, #tpu.memory_space<vmem>>) offsets(%arg8 : memref<125xi32, #tpu.memory_space<vmem>>) semaphore(%arg13 : memref<!tpu.dma_semaphore, #tpu.memory_space<semaphore_mem>>)
      } else {
      }
      %dma_wait3A_36 = arith.constant 0 : i32
      %dma_wait3A_37 = arith.constant 0 : i32
      %dma_wait3A_38 = tpu.memref_slice %arg2[%dma_wait3A_36, %dma_wait3A_37] : memref<10000x128xf32, #tpu.memory_space<hbm>> -> memref<10000x128xf32, #tpu.memory_space<hbm>>
      tpu.wait_indirect_dma semaphore(%arg14 : memref<!tpu.dma_semaphore, #tpu.memory_space<semaphore_mem>>) src(%dma_wait3A_38 : memref<10000x128xf32, #tpu.memory_space<hbm>>) dst(%arg11 : memref<125x128xf32, #tpu.memory_space<vmem>>)
      %add3A_39 = arith.constant 2 : i32
      %add3A_40 = arith.addi %add3A_22, %add3A_39 : i32
      %lt3A_41 = arith.constant 80 : i32
      %lt3A_42 = arith.cmpi slt, %add3A_40, %lt3A_41 : i32
      %convert_element_type3A_43 = arith.extui %lt3A_42 : i1 to i32
      %cond3A_44 = arith.constant 0 : i32
      %cond3A_45 = arith.cmpi ne, %convert_element_type3A_43, %cond3A_44 : i32
      scf.if %cond3A_45 {
        %add3A_53 = arith.constant 2 : i32
        %add3A_54 = arith.addi %add3A_22, %add3A_53 : i32
        %dma_start3A_55 = arith.constant 0 : i32
        %dma_start3A_56 = tpu.memref_slice %arg3[%add3A, %add3A_54, %dma_start3A_55] : memref<32x80x125xi32, #tpu.memory_space<hbm>> -> memref<1x1x125xi32, #tpu.memory_space<hbm>>
        %dma_start3A_57 = tpu.memref_squeeze %dma_start3A_56 : memref<1x1x125xi32, #tpu.memory_space<hbm>> -> memref<125xi32, #tpu.memory_space<hbm>>
        %dma_start3A_58 = arith.constant 0 : i32
        %dma_start3A_59 = tpu.memref_slice %arg3[%add3A, %add3A_54, %dma_start3A_58] : memref<32x80x125xi32, #tpu.memory_space<hbm>> -> memref<1x1x125xi32, #tpu.memory_space<hbm>>
        %dma_start3A_60 = tpu.memref_squeeze %dma_start3A_59 : memref<1x1x125xi32, #tpu.memory_space<hbm>> -> memref<125xi32, #tpu.memory_space<hbm>>
        tpu.enqueue_dma source(%dma_start3A_60 : memref<125xi32, #tpu.memory_space<hbm>>) target(%arg9 : memref<125xi32, #tpu.memory_space<vmem>>) target_semaphore(%arg16 : memref<!tpu.dma_semaphore, #tpu.memory_space<semaphore_mem>>)
      } else {
      }
      "tpu.region"() ({
        %run_scoped3A_53 = tpu.sem_alloc : memref<!tpu.dma_semaphore, #tpu.memory_space<semaphore_mem>>
        %dma_start3A_54 = arith.constant 0 : i32
        %dma_start3A_55 = tpu.memref_slice %arg7[%add3A_22, %dma_start3A_54] : memref<80x125xi32, #tpu.memory_space<vmem>> -> memref<1x125xi32, #tpu.memory_space<vmem>>
        %dma_start3A_56 = tpu.memref_squeeze %dma_start3A_55 : memref<1x125xi32, #tpu.memory_space<vmem>> -> memref<125xi32, #tpu.memory_space<vmem>>
        %dma_start3A_57 = arith.constant 0 : i32
        %dma_start3A_58 = arith.constant 0 : i32
        %dma_start3A_59 = tpu.memref_slice %arg12[%dma_start3A_57, %dma_start3A_58] : memref<10112x128xf32, #tpu.memory_space<vmem_shared>> -> memref<10112x128xf32, #tpu.memory_space<vmem_shared>>
        tpu.enqueue_indirect_dma source(%arg11 : memref<125x128xf32, #tpu.memory_space<vmem>>) target(%dma_start3A_59 : memref<10112x128xf32, #tpu.memory_space<vmem_shared>>) offsets(%dma_start3A_56 : memref<125xi32, #tpu.memory_space<vmem>>) semaphore(%run_scoped3A_53 : memref<!tpu.dma_semaphore, #tpu.memory_space<semaphore_mem>>) {add = true}
        %dma_wait3A_60 = arith.constant 0 : i32
        %dma_wait3A_61 = tpu.memref_slice %arg7[%add3A_22, %dma_wait3A_60] : memref<80x125xi32, #tpu.memory_space<vmem>> -> memref<1x125xi32, #tpu.memory_space<vmem>>
        %dma_wait3A_62 = tpu.memref_squeeze %dma_wait3A_61 : memref<1x125xi32, #tpu.memory_space<vmem>> -> memref<125xi32, #tpu.memory_space<vmem>>
        %dma_wait3A_63 = arith.constant 0 : i32
        %dma_wait3A_64 = arith.constant 0 : i32
        %dma_wait3A_65 = tpu.memref_slice %arg12[%dma_wait3A_63, %dma_wait3A_64] : memref<10112x128xf32, #tpu.memory_space<vmem_shared>> -> memref<10112x128xf32, #tpu.memory_space<vmem_shared>>
        tpu.wait_indirect_dma semaphore(%run_scoped3A_53 : memref<!tpu.dma_semaphore, #tpu.memory_space<semaphore_mem>>) src(%arg11 : memref<125x128xf32, #tpu.memory_space<vmem>>) dst(%dma_wait3A_65 : memref<10112x128xf32, #tpu.memory_space<vmem_shared>>)
        tpu.yield
      }) : () -> ()
      %add3A_46 = arith.constant 2 : i32
      %add3A_47 = arith.addi %add3A_22, %add3A_46 : i32
      %lt3A_48 = arith.constant 80 : i32
      %lt3A_49 = arith.cmpi slt, %add3A_47, %lt3A_48 : i32
      %convert_element_type3A_50 = arith.extui %lt3A_49 : i1 to i32
      %cond3A_51 = arith.constant 0 : i32
      %cond3A_52 = arith.cmpi ne, %convert_element_type3A_50, %cond3A_51 : i32
      scf.if %cond3A_52 {
        %add3A_53 = arith.constant 2 : i32
        %add3A_54 = arith.addi %add3A_22, %add3A_53 : i32
        %dma_wait3A_55 = arith.constant 0 : i32
        %dma_wait3A_56 = tpu.memref_slice %arg3[%add3A, %add3A_54, %dma_wait3A_55] : memref<32x80x125xi32, #tpu.memory_space<hbm>> -> memref<1x1x125xi32, #tpu.memory_space<hbm>>
        %dma_wait3A_57 = tpu.memref_squeeze %dma_wait3A_56 : memref<1x1x125xi32, #tpu.memory_space<hbm>> -> memref<125xi32, #tpu.memory_space<hbm>>
        %dma_wait3A_58 = arith.constant 0 : i32
        %dma_wait3A_59 = tpu.memref_slice %arg3[%add3A, %add3A_54, %dma_wait3A_58] : memref<32x80x125xi32, #tpu.memory_space<hbm>> -> memref<1x1x125xi32, #tpu.memory_space<hbm>>
        %dma_wait3A_60 = tpu.memref_squeeze %dma_wait3A_59 : memref<1x1x125xi32, #tpu.memory_space<hbm>> -> memref<125xi32, #tpu.memory_space<hbm>>
        tpu.wait_dma2 semaphore(%arg16 : memref<!tpu.dma_semaphore, #tpu.memory_space<semaphore_mem>>) src(%dma_wait3A_60 : memref<125xi32, #tpu.memory_space<hbm>>) dst(%arg9 : memref<125xi32, #tpu.memory_space<vmem>>)
        %dma_start3A_61 = arith.constant 0 : i32
        %dma_start3A_62 = arith.constant 0 : i32
        %dma_start3A_63 = tpu.memref_slice %arg2[%dma_start3A_61, %dma_start3A_62] : memref<10000x128xf32, #tpu.memory_space<hbm>> -> memref<10000x128xf32, #tpu.memory_space<hbm>>
        tpu.enqueue_indirect_dma source(%dma_start3A_63 : memref<10000x128xf32, #tpu.memory_space<hbm>>) target(%arg11 : memref<125x128xf32, #tpu.memory_space<vmem>>) offsets(%arg9 : memref<125xi32, #tpu.memory_space<vmem>>) semaphore(%arg14 : memref<!tpu.dma_semaphore, #tpu.memory_space<semaphore_mem>>)
      } else {
      }
    }
    %scan3A_13 = arith.constant 40 : i32
    %barrier3A_14 = arith.constant 0 : index
    tpu.barrier barrier_id(%barrier3A_14)
    %mul3A_15 = arith.constant 10112 : i32
    %mul3A_16 = arith.muli %arg0, %mul3A_15 : i32
    %add3A_17 = arith.addi %mul3A_16, %mul3A_2 : i32
    "tpu.region"() ({
      %run_scoped3A_18 = tpu.sem_alloc : memref<!tpu.dma_semaphore, #tpu.memory_space<semaphore_mem>>
      %dma_start3A_19 = arith.constant 0 : i32
      %dma_start3A_20 = tpu.memref_slice %arg6[%add3A_17, %dma_start3A_19] : memref<20224x128xf32, #tpu.memory_space<hbm>> -> memref<632x128xf32, #tpu.memory_space<hbm>>
      %dma_start3A_21 = arith.constant 0 : i32
      %dma_start3A_22 = tpu.memref_slice %arg12[%mul3A_2, %dma_start3A_21] : memref<10112x128xf32, #tpu.memory_space<vmem_shared>> -> memref<632x128xf32, #tpu.memory_space<vmem_shared>>
      tpu.enqueue_dma source(%dma_start3A_22 : memref<632x128xf32, #tpu.memory_space<vmem_shared>>) target(%dma_start3A_20 : memref<632x128xf32, #tpu.memory_space<hbm>>) target_semaphore(%run_scoped3A_18 : memref<!tpu.dma_semaphore, #tpu.memory_space<semaphore_mem>>)
      %dma_wait3A = arith.constant 0 : i32
      %dma_wait3A_23 = tpu.memref_slice %arg6[%add3A_17, %dma_wait3A] : memref<20224x128xf32, #tpu.memory_space<hbm>> -> memref<632x128xf32, #tpu.memory_space<hbm>>
      %dma_wait3A_24 = arith.constant 0 : i32
      %dma_wait3A_25 = tpu.memref_slice %arg12[%mul3A_2, %dma_wait3A_24] : memref<10112x128xf32, #tpu.memory_space<vmem_shared>> -> memref<632x128xf32, #tpu.memory_space<vmem_shared>>
      tpu.wait_dma2 semaphore(%run_scoped3A_18 : memref<!tpu.dma_semaphore, #tpu.memory_space<semaphore_mem>>) src(%dma_wait3A_25 : memref<632x128xf32, #tpu.memory_space<vmem_shared>>) dst(%dma_wait3A_23 : memref<632x128xf32, #tpu.memory_space<hbm>>)
      tpu.yield
    }) : () -> ()
    return
  }
}

#map = affine_map<(d0, d1) -> (0, 0)>
#map1 = affine_map<(d0, d1) -> (0, 0, 0)>
module attributes {stable_mosaic.version = 14 : i64} {
  func.func @agg_kernel(%arg0: i32, %arg1: i32, %arg2: memref<10000x128xf32, #tpu.memory_space<hbm>>, %arg3: memref<32x80x125xi32, #tpu.memory_space<hbm>>, %arg4: memref<32x80x125xi32, #tpu.memory_space<hbm>>, %arg5: memref<10112x128xf32, #tpu.memory_space<hbm>>, %arg6: memref<20224x128xf32, #tpu.memory_space<hbm>>, %arg7: memref<80x125xi32, #tpu.memory_space<vmem>>, %arg8: memref<125xi32, #tpu.memory_space<vmem>>, %arg9: memref<125xi32, #tpu.memory_space<vmem>>, %arg10: memref<125x128xf32, #tpu.memory_space<vmem>>, %arg11: memref<125x128xf32, #tpu.memory_space<vmem>>, %arg12: memref<10112x128xf32, #tpu.memory_space<vmem_shared>>, %arg13: memref<!tpu.dma_semaphore, #tpu.memory_space<semaphore_mem>>, %arg14: memref<!tpu.dma_semaphore, #tpu.memory_space<semaphore_mem>>, %arg15: memref<!tpu.dma_semaphore, #tpu.memory_space<semaphore_mem>>, %arg16: memref<!tpu.dma_semaphore, #tpu.memory_space<semaphore_mem>>) attributes {dimension_semantics = [#tpu.dimension_semantics<core_parallel>, #tpu.dimension_semantics<subcore_parallel>], iteration_bounds = array<i64: 2, 16>, scalar_prefetch = 0 : i64, scratch_operands = 10 : i64, tpu.core_type = #tpu.core_type<sc_vector_subcore>, window_params = [{transform_indices = #map}, {transform_indices = #map1}, {transform_indices = #map1}, {transform_indices = #map}, {transform_indices = #map}]} {
    %mul3A = arith.constant 2 : i32
    %mul3A_0 = arith.muli %arg1, %mul3A : i32
    %add3A = arith.addi %mul3A_0, %arg0 : i32
    %mul3A_1 = arith.constant 632 : i32
    %mul3A_2 = arith.muli %arg1, %mul3A_1 : i32
    "tpu.region"() ({
      %run_scoped3A_18 = tpu.sem_alloc : memref<!tpu.dma_semaphore, #tpu.memory_space<semaphore_mem>>
      %dma_start3A_19 = arith.constant 0 : i32
      %dma_start3A_20 = tpu.memref_slice %arg12[%mul3A_2, %dma_start3A_19] : memref<10112x128xf32, #tpu.memory_space<vmem_shared>> -> memref<632x128xf32, #tpu.memory_space<vmem_shared>>
      %dma_start3A_21 = arith.constant 0 : i32
      %dma_start3A_22 = tpu.memref_slice %arg5[%mul3A_2, %dma_start3A_21] : memref<10112x128xf32, #tpu.memory_space<hbm>> -> memref<632x128xf32, #tpu.memory_space<hbm>>
      tpu.enqueue_dma source(%dma_start3A_22 : memref<632x128xf32, #tpu.memory_space<hbm>>) target(%dma_start3A_20 : memref<632x128xf32, #tpu.memory_space<vmem_shared>>) target_semaphore(%run_scoped3A_18 : memref<!tpu.dma_semaphore, #tpu.memory_space<semaphore_mem>>)
      %dma_wait3A = arith.constant 0 : i32
      %dma_wait3A_23 = tpu.memref_slice %arg12[%mul3A_2, %dma_wait3A] : memref<10112x128xf32, #tpu.memory_space<vmem_shared>> -> memref<632x128xf32, #tpu.memory_space<vmem_shared>>
      %dma_wait3A_24 = arith.constant 0 : i32
      %dma_wait3A_25 = tpu.memref_slice %arg5[%mul3A_2, %dma_wait3A_24] : memref<10112x128xf32, #tpu.memory_space<hbm>> -> memref<632x128xf32, #tpu.memory_space<hbm>>
      tpu.wait_dma2 semaphore(%run_scoped3A_18 : memref<!tpu.dma_semaphore, #tpu.memory_space<semaphore_mem>>) src(%dma_wait3A_25 : memref<632x128xf32, #tpu.memory_space<hbm>>) dst(%dma_wait3A_23 : memref<632x128xf32, #tpu.memory_space<vmem_shared>>)
      tpu.yield
    }) : () -> ()
    "tpu.region"() ({
      %run_scoped3A_18 = tpu.sem_alloc : memref<!tpu.dma_semaphore, #tpu.memory_space<semaphore_mem>>
      %dma_start3A_19 = arith.constant 0 : i32
      %dma_start3A_20 = arith.constant 0 : i32
      %dma_start3A_21 = tpu.memref_slice %arg4[%add3A, %dma_start3A_19, %dma_start3A_20] : memref<32x80x125xi32, #tpu.memory_space<hbm>> -> memref<1x80x125xi32, #tpu.memory_space<hbm>>
      %dma_start3A_22 = tpu.memref_squeeze %dma_start3A_21 : memref<1x80x125xi32, #tpu.memory_space<hbm>> -> memref<80x125xi32, #tpu.memory_space<hbm>>
      %dma_start3A_23 = arith.constant 0 : i32
      %dma_start3A_24 = arith.constant 0 : i32
      %dma_start3A_25 = tpu.memref_slice %arg4[%add3A, %dma_start3A_23, %dma_start3A_24] : memref<32x80x125xi32, #tpu.memory_space<hbm>> -> memref<1x80x125xi32, #tpu.memory_space<hbm>>
      %dma_start3A_26 = tpu.memref_squeeze %dma_start3A_25 : memref<1x80x125xi32, #tpu.memory_space<hbm>> -> memref<80x125xi32, #tpu.memory_space<hbm>>
      tpu.enqueue_dma source(%dma_start3A_26 : memref<80x125xi32, #tpu.memory_space<hbm>>) target(%arg7 : memref<80x125xi32, #tpu.memory_space<vmem>>) target_semaphore(%run_scoped3A_18 : memref<!tpu.dma_semaphore, #tpu.memory_space<semaphore_mem>>)
      %dma_wait3A = arith.constant 0 : i32
      %dma_wait3A_27 = arith.constant 0 : i32
      %dma_wait3A_28 = tpu.memref_slice %arg4[%add3A, %dma_wait3A, %dma_wait3A_27] : memref<32x80x125xi32, #tpu.memory_space<hbm>> -> memref<1x80x125xi32, #tpu.memory_space<hbm>>
      %dma_wait3A_29 = tpu.memref_squeeze %dma_wait3A_28 : memref<1x80x125xi32, #tpu.memory_space<hbm>> -> memref<80x125xi32, #tpu.memory_space<hbm>>
      %dma_wait3A_30 = arith.constant 0 : i32
      %dma_wait3A_31 = arith.constant 0 : i32
      %dma_wait3A_32 = tpu.memref_slice %arg4[%add3A, %dma_wait3A_30, %dma_wait3A_31] : memref<32x80x125xi32, #tpu.memory_space<hbm>> -> memref<1x80x125xi32, #tpu.memory_space<hbm>>
      %dma_wait3A_33 = tpu.memref_squeeze %dma_wait3A_32 : memref<1x80x125xi32, #tpu.memory_space<hbm>> -> memref<80x125xi32, #tpu.memory_space<hbm>>
      tpu.wait_dma2 semaphore(%run_scoped3A_18 : memref<!tpu.dma_semaphore, #tpu.memory_space<semaphore_mem>>) src(%dma_wait3A_33 : memref<80x125xi32, #tpu.memory_space<hbm>>) dst(%arg7 : memref<80x125xi32, #tpu.memory_space<vmem>>)
      tpu.yield
    }) : () -> ()
    %run_scoped3A = arith.constant 0 : i32
    "tpu.region"() ({
      %run_scoped3A_18 = tpu.sem_alloc : memref<!tpu.dma_semaphore, #tpu.memory_space<semaphore_mem>>
      %dma_start3A_19 = arith.constant 0 : i32
      %dma_start3A_20 = tpu.memref_slice %arg3[%add3A, %run_scoped3A, %dma_start3A_19] : memref<32x80x125xi32, #tpu.memory_space<hbm>> -> memref<1x1x125xi32, #tpu.memory_space<hbm>>
      %dma_start3A_21 = tpu.memref_squeeze %dma_start3A_20 : memref<1x1x125xi32, #tpu.memory_space<hbm>> -> memref<125xi32, #tpu.memory_space<hbm>>
      %dma_start3A_22 = arith.constant 0 : i32
      %dma_start3A_23 = tpu.memref_slice %arg3[%add3A, %run_scoped3A, %dma_start3A_22] : memref<32x80x125xi32, #tpu.memory_space<hbm>> -> memref<1x1x125xi32, #tpu.memory_space<hbm>>
      %dma_start3A_24 = tpu.memref_squeeze %dma_start3A_23 : memref<1x1x125xi32, #tpu.memory_space<hbm>> -> memref<125xi32, #tpu.memory_space<hbm>>
      tpu.enqueue_dma source(%dma_start3A_24 : memref<125xi32, #tpu.memory_space<hbm>>) target(%arg8 : memref<125xi32, #tpu.memory_space<vmem>>) target_semaphore(%run_scoped3A_18 : memref<!tpu.dma_semaphore, #tpu.memory_space<semaphore_mem>>)
      %dma_wait3A = arith.constant 0 : i32
      %dma_wait3A_25 = tpu.memref_slice %arg3[%add3A, %run_scoped3A, %dma_wait3A] : memref<32x80x125xi32, #tpu.memory_space<hbm>> -> memref<1x1x125xi32, #tpu.memory_space<hbm>>
      %dma_wait3A_26 = tpu.memref_squeeze %dma_wait3A_25 : memref<1x1x125xi32, #tpu.memory_space<hbm>> -> memref<125xi32, #tpu.memory_space<hbm>>
      %dma_wait3A_27 = arith.constant 0 : i32
      %dma_wait3A_28 = tpu.memref_slice %arg3[%add3A, %run_scoped3A, %dma_wait3A_27] : memref<32x80x125xi32, #tpu.memory_space<hbm>> -> memref<1x1x125xi32, #tpu.memory_space<hbm>>
      %dma_wait3A_29 = tpu.memref_squeeze %dma_wait3A_28 : memref<1x1x125xi32, #tpu.memory_space<hbm>> -> memref<125xi32, #tpu.memory_space<hbm>>
      tpu.wait_dma2 semaphore(%run_scoped3A_18 : memref<!tpu.dma_semaphore, #tpu.memory_space<semaphore_mem>>) src(%dma_wait3A_29 : memref<125xi32, #tpu.memory_space<hbm>>) dst(%arg8 : memref<125xi32, #tpu.memory_space<vmem>>)
      tpu.yield
    }) : () -> ()
    %run_scoped3A_3 = arith.constant 1 : i32
    "tpu.region"() ({
      %run_scoped3A_18 = tpu.sem_alloc : memref<!tpu.dma_semaphore, #tpu.memory_space<semaphore_mem>>
      %dma_start3A_19 = arith.constant 0 : i32
      %dma_start3A_20 = tpu.memref_slice %arg3[%add3A, %run_scoped3A_3, %dma_start3A_19] : memref<32x80x125xi32, #tpu.memory_space<hbm>> -> memref<1x1x125xi32, #tpu.memory_space<hbm>>
      %dma_start3A_21 = tpu.memref_squeeze %dma_start3A_20 : memref<1x1x125xi32, #tpu.memory_space<hbm>> -> memref<125xi32, #tpu.memory_space<hbm>>
      %dma_start3A_22 = arith.constant 0 : i32
      %dma_start3A_23 = tpu.memref_slice %arg3[%add3A, %run_scoped3A_3, %dma_start3A_22] : memref<32x80x125xi32, #tpu.memory_space<hbm>> -> memref<1x1x125xi32, #tpu.memory_space<hbm>>
      %dma_start3A_24 = tpu.memref_squeeze %dma_start3A_23 : memref<1x1x125xi32, #tpu.memory_space<hbm>> -> memref<125xi32, #tpu.memory_space<hbm>>
      tpu.enqueue_dma source(%dma_start3A_24 : memref<125xi32, #tpu.memory_space<hbm>>) target(%arg9 : memref<125xi32, #tpu.memory_space<vmem>>) target_semaphore(%run_scoped3A_18 : memref<!tpu.dma_semaphore, #tpu.memory_space<semaphore_mem>>)
      %dma_wait3A = arith.constant 0 : i32
      %dma_wait3A_25 = tpu.memref_slice %arg3[%add3A, %run_scoped3A_3, %dma_wait3A] : memref<32x80x125xi32, #tpu.memory_space<hbm>> -> memref<1x1x125xi32, #tpu.memory_space<hbm>>
      %dma_wait3A_26 = tpu.memref_squeeze %dma_wait3A_25 : memref<1x1x125xi32, #tpu.memory_space<hbm>> -> memref<125xi32, #tpu.memory_space<hbm>>
      %dma_wait3A_27 = arith.constant 0 : i32
      %dma_wait3A_28 = tpu.memref_slice %arg3[%add3A, %run_scoped3A_3, %dma_wait3A_27] : memref<32x80x125xi32, #tpu.memory_space<hbm>> -> memref<1x1x125xi32, #tpu.memory_space<hbm>>
      %dma_wait3A_29 = tpu.memref_squeeze %dma_wait3A_28 : memref<1x1x125xi32, #tpu.memory_space<hbm>> -> memref<125xi32, #tpu.memory_space<hbm>>
      tpu.wait_dma2 semaphore(%run_scoped3A_18 : memref<!tpu.dma_semaphore, #tpu.memory_space<semaphore_mem>>) src(%dma_wait3A_29 : memref<125xi32, #tpu.memory_space<hbm>>) dst(%arg9 : memref<125xi32, #tpu.memory_space<vmem>>)
      tpu.yield
    }) : () -> ()
    %barrier3A = arith.constant 0 : index
    tpu.barrier barrier_id(%barrier3A)
    %dma_start3A = arith.constant 0 : i32
    %dma_start3A_4 = arith.constant 0 : i32
    %dma_start3A_5 = tpu.memref_slice %arg2[%dma_start3A, %dma_start3A_4] : memref<10000x128xf32, #tpu.memory_space<hbm>> -> memref<10000x128xf32, #tpu.memory_space<hbm>>
    tpu.enqueue_indirect_dma source(%dma_start3A_5 : memref<10000x128xf32, #tpu.memory_space<hbm>>) target(%arg10 : memref<125x128xf32, #tpu.memory_space<vmem>>) offsets(%arg8 : memref<125xi32, #tpu.memory_space<vmem>>) semaphore(%arg13 : memref<!tpu.dma_semaphore, #tpu.memory_space<semaphore_mem>>)
    %dma_start3A_6 = arith.constant 0 : i32
    %dma_start3A_7 = arith.constant 0 : i32
    %dma_start3A_8 = tpu.memref_slice %arg2[%dma_start3A_6, %dma_start3A_7] : memref<10000x128xf32, #tpu.memory_space<hbm>> -> memref<10000x128xf32, #tpu.memory_space<hbm>>
    tpu.enqueue_indirect_dma source(%dma_start3A_8 : memref<10000x128xf32, #tpu.memory_space<hbm>>) target(%arg11 : memref<125x128xf32, #tpu.memory_space<vmem>>) offsets(%arg9 : memref<125xi32, #tpu.memory_space<vmem>>) semaphore(%arg14 : memref<!tpu.dma_semaphore, #tpu.memory_space<semaphore_mem>>)
    %scan3A = arith.constant 0 : i32
    %scan3A_9 = arith.constant 0 : i32
    %scan3A_10 = arith.constant 40 : i32
    %scan3A_11 = arith.addi %scan3A_9, %scan3A_10 : i32
    %scan3A_12 = arith.constant 1 : i32
    scf.for %scan3A_18 = %scan3A_9 to %scan3A_11 step %scan3A_12  : i32 {
      %mul3A_19 = arith.constant 2 : i32
      %mul3A_20 = arith.muli %mul3A_19, %scan3A_18 : i32
      %add3A_21 = arith.constant 1 : i32
      %add3A_22 = arith.addi %mul3A_20, %add3A_21 : i32
      %dma_wait3A = arith.constant 0 : i32
      %dma_wait3A_23 = arith.constant 0 : i32
      %dma_wait3A_24 = tpu.memref_slice %arg2[%dma_wait3A, %dma_wait3A_23] : memref<10000x128xf32, #tpu.memory_space<hbm>> -> memref<10000x128xf32, #tpu.memory_space<hbm>>
      tpu.wait_indirect_dma semaphore(%arg13 : memref<!tpu.dma_semaphore, #tpu.memory_space<semaphore_mem>>) src(%dma_wait3A_24 : memref<10000x128xf32, #tpu.memory_space<hbm>>) dst(%arg10 : memref<125x128xf32, #tpu.memory_space<vmem>>)
      %add3A_25 = arith.constant 2 : i32
      %add3A_26 = arith.addi %mul3A_20, %add3A_25 : i32
      %lt3A = arith.constant 80 : i32
      %lt3A_27 = arith.cmpi slt, %add3A_26, %lt3A : i32
      %convert_element_type3A = arith.extui %lt3A_27 : i1 to i32
      %cond3A = arith.constant 0 : i32
      %cond3A_28 = arith.cmpi ne, %convert_element_type3A, %cond3A : i32
      scf.if %cond3A_28 {
        %add3A_53 = arith.constant 2 : i32
        %add3A_54 = arith.addi %mul3A_20, %add3A_53 : i32
        %dma_start3A_55 = arith.constant 0 : i32
        %dma_start3A_56 = tpu.memref_slice %arg3[%add3A, %add3A_54, %dma_start3A_55] : memref<32x80x125xi32, #tpu.memory_space<hbm>> -> memref<1x1x125xi32, #tpu.memory_space<hbm>>
        %dma_start3A_57 = tpu.memref_squeeze %dma_start3A_56 : memref<1x1x125xi32, #tpu.memory_space<hbm>> -> memref<125xi32, #tpu.memory_space<hbm>>
        %dma_start3A_58 = arith.constant 0 : i32
        %dma_start3A_59 = tpu.memref_slice %arg3[%add3A, %add3A_54, %dma_start3A_58] : memref<32x80x125xi32, #tpu.memory_space<hbm>> -> memref<1x1x125xi32, #tpu.memory_space<hbm>>
        %dma_start3A_60 = tpu.memref_squeeze %dma_start3A_59 : memref<1x1x125xi32, #tpu.memory_space<hbm>> -> memref<125xi32, #tpu.memory_space<hbm>>
        tpu.enqueue_dma source(%dma_start3A_60 : memref<125xi32, #tpu.memory_space<hbm>>) target(%arg8 : memref<125xi32, #tpu.memory_space<vmem>>) target_semaphore(%arg15 : memref<!tpu.dma_semaphore, #tpu.memory_space<semaphore_mem>>)
      } else {
      }
      "tpu.region"() ({
        %run_scoped3A_53 = tpu.sem_alloc : memref<!tpu.dma_semaphore, #tpu.memory_space<semaphore_mem>>
        %dma_start3A_54 = arith.constant 0 : i32
        %dma_start3A_55 = tpu.memref_slice %arg7[%mul3A_20, %dma_start3A_54] : memref<80x125xi32, #tpu.memory_space<vmem>> -> memref<1x125xi32, #tpu.memory_space<vmem>>
        %dma_start3A_56 = tpu.memref_squeeze %dma_start3A_55 : memref<1x125xi32, #tpu.memory_space<vmem>> -> memref<125xi32, #tpu.memory_space<vmem>>
        %dma_start3A_57 = arith.constant 0 : i32
        %dma_start3A_58 = arith.constant 0 : i32
        %dma_start3A_59 = tpu.memref_slice %arg12[%dma_start3A_57, %dma_start3A_58] : memref<10112x128xf32, #tpu.memory_space<vmem_shared>> -> memref<10112x128xf32, #tpu.memory_space<vmem_shared>>
        tpu.enqueue_indirect_dma source(%arg10 : memref<125x128xf32, #tpu.memory_space<vmem>>) target(%dma_start3A_59 : memref<10112x128xf32, #tpu.memory_space<vmem_shared>>) offsets(%dma_start3A_56 : memref<125xi32, #tpu.memory_space<vmem>>) semaphore(%run_scoped3A_53 : memref<!tpu.dma_semaphore, #tpu.memory_space<semaphore_mem>>) {add = true}
        %dma_wait3A_60 = arith.constant 0 : i32
        %dma_wait3A_61 = tpu.memref_slice %arg7[%mul3A_20, %dma_wait3A_60] : memref<80x125xi32, #tpu.memory_space<vmem>> -> memref<1x125xi32, #tpu.memory_space<vmem>>
        %dma_wait3A_62 = tpu.memref_squeeze %dma_wait3A_61 : memref<1x125xi32, #tpu.memory_space<vmem>> -> memref<125xi32, #tpu.memory_space<vmem>>
        %dma_wait3A_63 = arith.constant 0 : i32
        %dma_wait3A_64 = arith.constant 0 : i32
        %dma_wait3A_65 = tpu.memref_slice %arg12[%dma_wait3A_63, %dma_wait3A_64] : memref<10112x128xf32, #tpu.memory_space<vmem_shared>> -> memref<10112x128xf32, #tpu.memory_space<vmem_shared>>
        tpu.wait_indirect_dma semaphore(%run_scoped3A_53 : memref<!tpu.dma_semaphore, #tpu.memory_space<semaphore_mem>>) src(%arg10 : memref<125x128xf32, #tpu.memory_space<vmem>>) dst(%dma_wait3A_65 : memref<10112x128xf32, #tpu.memory_space<vmem_shared>>)
        tpu.yield
      }) : () -> ()
      %add3A_29 = arith.constant 2 : i32
      %add3A_30 = arith.addi %mul3A_20, %add3A_29 : i32
      %lt3A_31 = arith.constant 80 : i32
      %lt3A_32 = arith.cmpi slt, %add3A_30, %lt3A_31 : i32
      %convert_element_type3A_33 = arith.extui %lt3A_32 : i1 to i32
      %cond3A_34 = arith.constant 0 : i32
      %cond3A_35 = arith.cmpi ne, %convert_element_type3A_33, %cond3A_34 : i32
      scf.if %cond3A_35 {
        %add3A_53 = arith.constant 2 : i32
        %add3A_54 = arith.addi %mul3A_20, %add3A_53 : i32
        %dma_wait3A_55 = arith.constant 0 : i32
        %dma_wait3A_56 = tpu.memref_slice %arg3[%add3A, %add3A_54, %dma_wait3A_55] : memref<32x80x125xi32, #tpu.memory_space<hbm>> -> memref<1x1x125xi32, #tpu.memory_space<hbm>>
        %dma_wait3A_57 = tpu.memref_squeeze %dma_wait3A_56 : memref<1x1x125xi32, #tpu.memory_space<hbm>> -> memref<125xi32, #tpu.memory_space<hbm>>
        %dma_wait3A_58 = arith.constant 0 : i32
        %dma_wait3A_59 = tpu.memref_slice %arg3[%add3A, %add3A_54, %dma_wait3A_58] : memref<32x80x125xi32, #tpu.memory_space<hbm>> -> memref<1x1x125xi32, #tpu.memory_space<hbm>>
        %dma_wait3A_60 = tpu.memref_squeeze %dma_wait3A_59 : memref<1x1x125xi32, #tpu.memory_space<hbm>> -> memref<125xi32, #tpu.memory_space<hbm>>
        tpu.wait_dma2 semaphore(%arg15 : memref<!tpu.dma_semaphore, #tpu.memory_space<semaphore_mem>>) src(%dma_wait3A_60 : memref<125xi32, #tpu.memory_space<hbm>>) dst(%arg8 : memref<125xi32, #tpu.memory_space<vmem>>)
        %dma_start3A_61 = arith.constant 0 : i32
        %dma_start3A_62 = arith.constant 0 : i32
        %dma_start3A_63 = tpu.memref_slice %arg2[%dma_start3A_61, %dma_start3A_62] : memref<10000x128xf32, #tpu.memory_space<hbm>> -> memref<10000x128xf32, #tpu.memory_space<hbm>>
        tpu.enqueue_indirect_dma source(%dma_start3A_63 : memref<10000x128xf32, #tpu.memory_space<hbm>>) target(%arg10 : memref<125x128xf32, #tpu.memory_space<vmem>>) offsets(%arg8 : memref<125xi32, #tpu.memory_space<vmem>>) semaphore(%arg13 : memref<!tpu.dma_semaphore, #tpu.memory_space<semaphore_mem>>)
      } else {
      }
      %dma_wait3A_36 = arith.constant 0 : i32
      %dma_wait3A_37 = arith.constant 0 : i32
      %dma_wait3A_38 = tpu.memref_slice %arg2[%dma_wait3A_36, %dma_wait3A_37] : memref<10000x128xf32, #tpu.memory_space<hbm>> -> memref<10000x128xf32, #tpu.memory_space<hbm>>
      tpu.wait_indirect_dma semaphore(%arg14 : memref<!tpu.dma_semaphore, #tpu.memory_space<semaphore_mem>>) src(%dma_wait3A_38 : memref<10000x128xf32, #tpu.memory_space<hbm>>) dst(%arg11 : memref<125x128xf32, #tpu.memory_space<vmem>>)
      %add3A_39 = arith.constant 2 : i32
      %add3A_40 = arith.addi %add3A_22, %add3A_39 : i32
      %lt3A_41 = arith.constant 80 : i32
      %lt3A_42 = arith.cmpi slt, %add3A_40, %lt3A_41 : i32
      %convert_element_type3A_43 = arith.extui %lt3A_42 : i1 to i32
      %cond3A_44 = arith.constant 0 : i32
      %cond3A_45 = arith.cmpi ne, %convert_element_type3A_43, %cond3A_44 : i32
      scf.if %cond3A_45 {
        %add3A_53 = arith.constant 2 : i32
        %add3A_54 = arith.addi %add3A_22, %add3A_53 : i32
        %dma_start3A_55 = arith.constant 0 : i32
        %dma_start3A_56 = tpu.memref_slice %arg3[%add3A, %add3A_54, %dma_start3A_55] : memref<32x80x125xi32, #tpu.memory_space<hbm>> -> memref<1x1x125xi32, #tpu.memory_space<hbm>>
        %dma_start3A_57 = tpu.memref_squeeze %dma_start3A_56 : memref<1x1x125xi32, #tpu.memory_space<hbm>> -> memref<125xi32, #tpu.memory_space<hbm>>
        %dma_start3A_58 = arith.constant 0 : i32
        %dma_start3A_59 = tpu.memref_slice %arg3[%add3A, %add3A_54, %dma_start3A_58] : memref<32x80x125xi32, #tpu.memory_space<hbm>> -> memref<1x1x125xi32, #tpu.memory_space<hbm>>
        %dma_start3A_60 = tpu.memref_squeeze %dma_start3A_59 : memref<1x1x125xi32, #tpu.memory_space<hbm>> -> memref<125xi32, #tpu.memory_space<hbm>>
        tpu.enqueue_dma source(%dma_start3A_60 : memref<125xi32, #tpu.memory_space<hbm>>) target(%arg9 : memref<125xi32, #tpu.memory_space<vmem>>) target_semaphore(%arg16 : memref<!tpu.dma_semaphore, #tpu.memory_space<semaphore_mem>>)
      } else {
      }
      "tpu.region"() ({
        %run_scoped3A_53 = tpu.sem_alloc : memref<!tpu.dma_semaphore, #tpu.memory_space<semaphore_mem>>
        %dma_start3A_54 = arith.constant 0 : i32
        %dma_start3A_55 = tpu.memref_slice %arg7[%add3A_22, %dma_start3A_54] : memref<80x125xi32, #tpu.memory_space<vmem>> -> memref<1x125xi32, #tpu.memory_space<vmem>>
        %dma_start3A_56 = tpu.memref_squeeze %dma_start3A_55 : memref<1x125xi32, #tpu.memory_space<vmem>> -> memref<125xi32, #tpu.memory_space<vmem>>
        %dma_start3A_57 = arith.constant 0 : i32
        %dma_start3A_58 = arith.constant 0 : i32
        %dma_start3A_59 = tpu.memref_slice %arg12[%dma_start3A_57, %dma_start3A_58] : memref<10112x128xf32, #tpu.memory_space<vmem_shared>> -> memref<10112x128xf32, #tpu.memory_space<vmem_shared>>
        tpu.enqueue_indirect_dma source(%arg11 : memref<125x128xf32, #tpu.memory_space<vmem>>) target(%dma_start3A_59 : memref<10112x128xf32, #tpu.memory_space<vmem_shared>>) offsets(%dma_start3A_56 : memref<125xi32, #tpu.memory_space<vmem>>) semaphore(%run_scoped3A_53 : memref<!tpu.dma_semaphore, #tpu.memory_space<semaphore_mem>>) {add = true}
        %dma_wait3A_60 = arith.constant 0 : i32
        %dma_wait3A_61 = tpu.memref_slice %arg7[%add3A_22, %dma_wait3A_60] : memref<80x125xi32, #tpu.memory_space<vmem>> -> memref<1x125xi32, #tpu.memory_space<vmem>>
        %dma_wait3A_62 = tpu.memref_squeeze %dma_wait3A_61 : memref<1x125xi32, #tpu.memory_space<vmem>> -> memref<125xi32, #tpu.memory_space<vmem>>
        %dma_wait3A_63 = arith.constant 0 : i32
        %dma_wait3A_64 = arith.constant 0 : i32
        %dma_wait3A_65 = tpu.memref_slice %arg12[%dma_wait3A_63, %dma_wait3A_64] : memref<10112x128xf32, #tpu.memory_space<vmem_shared>> -> memref<10112x128xf32, #tpu.memory_space<vmem_shared>>
        tpu.wait_indirect_dma semaphore(%run_scoped3A_53 : memref<!tpu.dma_semaphore, #tpu.memory_space<semaphore_mem>>) src(%arg11 : memref<125x128xf32, #tpu.memory_space<vmem>>) dst(%dma_wait3A_65 : memref<10112x128xf32, #tpu.memory_space<vmem_shared>>)
        tpu.yield
      }) : () -> ()
      %add3A_46 = arith.constant 2 : i32
      %add3A_47 = arith.addi %add3A_22, %add3A_46 : i32
      %lt3A_48 = arith.constant 80 : i32
      %lt3A_49 = arith.cmpi slt, %add3A_47, %lt3A_48 : i32
      %convert_element_type3A_50 = arith.extui %lt3A_49 : i1 to i32
      %cond3A_51 = arith.constant 0 : i32
      %cond3A_52 = arith.cmpi ne, %convert_element_type3A_50, %cond3A_51 : i32
      scf.if %cond3A_52 {
        %add3A_53 = arith.constant 2 : i32
        %add3A_54 = arith.addi %add3A_22, %add3A_53 : i32
        %dma_wait3A_55 = arith.constant 0 : i32
        %dma_wait3A_56 = tpu.memref_slice %arg3[%add3A, %add3A_54, %dma_wait3A_55] : memref<32x80x125xi32, #tpu.memory_space<hbm>> -> memref<1x1x125xi32, #tpu.memory_space<hbm>>
        %dma_wait3A_57 = tpu.memref_squeeze %dma_wait3A_56 : memref<1x1x125xi32, #tpu.memory_space<hbm>> -> memref<125xi32, #tpu.memory_space<hbm>>
        %dma_wait3A_58 = arith.constant 0 : i32
        %dma_wait3A_59 = tpu.memref_slice %arg3[%add3A, %add3A_54, %dma_wait3A_58] : memref<32x80x125xi32, #tpu.memory_space<hbm>> -> memref<1x1x125xi32, #tpu.memory_space<hbm>>
        %dma_wait3A_60 = tpu.memref_squeeze %dma_wait3A_59 : memref<1x1x125xi32, #tpu.memory_space<hbm>> -> memref<125xi32, #tpu.memory_space<hbm>>
        tpu.wait_dma2 semaphore(%arg16 : memref<!tpu.dma_semaphore, #tpu.memory_space<semaphore_mem>>) src(%dma_wait3A_60 : memref<125xi32, #tpu.memory_space<hbm>>) dst(%arg9 : memref<125xi32, #tpu.memory_space<vmem>>)
        %dma_start3A_61 = arith.constant 0 : i32
        %dma_start3A_62 = arith.constant 0 : i32
        %dma_start3A_63 = tpu.memref_slice %arg2[%dma_start3A_61, %dma_start3A_62] : memref<10000x128xf32, #tpu.memory_space<hbm>> -> memref<10000x128xf32, #tpu.memory_space<hbm>>
        tpu.enqueue_indirect_dma source(%dma_start3A_63 : memref<10000x128xf32, #tpu.memory_space<hbm>>) target(%arg11 : memref<125x128xf32, #tpu.memory_space<vmem>>) offsets(%arg9 : memref<125xi32, #tpu.memory_space<vmem>>) semaphore(%arg14 : memref<!tpu.dma_semaphore, #tpu.memory_space<semaphore_mem>>)
      } else {
      }
    }
    %scan3A_13 = arith.constant 40 : i32
    %barrier3A_14 = arith.constant 0 : index
    tpu.barrier barrier_id(%barrier3A_14)
    %mul3A_15 = arith.constant 10112 : i32
    %mul3A_16 = arith.muli %arg0, %mul3A_15 : i32
    %add3A_17 = arith.addi %mul3A_16, %mul3A_2 : i32
    "tpu.region"() ({
      %run_scoped3A_18 = tpu.sem_alloc : memref<!tpu.dma_semaphore, #tpu.memory_space<semaphore_mem>>
      %dma_start3A_19 = arith.constant 0 : i32
      %dma_start3A_20 = tpu.memref_slice %arg6[%add3A_17, %dma_start3A_19] : memref<20224x128xf32, #tpu.memory_space<hbm>> -> memref<632x128xf32, #tpu.memory_space<hbm>>
      %dma_start3A_21 = arith.constant 0 : i32
      %dma_start3A_22 = tpu.memref_slice %arg12[%mul3A_2, %dma_start3A_21] : memref<10112x128xf32, #tpu.memory_space<vmem_shared>> -> memref<632x128xf32, #tpu.memory_space<vmem_shared>>
      tpu.enqueue_dma source(%dma_start3A_22 : memref<632x128xf32, #tpu.memory_space<vmem_shared>>) target(%dma_start3A_20 : memref<632x128xf32, #tpu.memory_space<hbm>>) target_semaphore(%run_scoped3A_18 : memref<!tpu.dma_semaphore, #tpu.memory_space<semaphore_mem>>)
      %dma_wait3A = arith.constant 0 : i32
      %dma_wait3A_23 = tpu.memref_slice %arg6[%add3A_17, %dma_wait3A] : memref<20224x128xf32, #tpu.memory_space<hbm>> -> memref<632x128xf32, #tpu.memory_space<hbm>>
      %dma_wait3A_24 = arith.constant 0 : i32
      %dma_wait3A_25 = tpu.memref_slice %arg12[%mul3A_2, %dma_wait3A_24] : memref<10112x128xf32, #tpu.memory_space<vmem_shared>> -> memref<632x128xf32, #tpu.memory_space<vmem_shared>>
      tpu.wait_dma2 semaphore(%run_scoped3A_18 : memref<!tpu.dma_semaphore, #tpu.memory_space<semaphore_mem>>) src(%dma_wait3A_25 : memref<632x128xf32, #tpu.memory_space<vmem_shared>>) dst(%dma_wait3A_23 : memref<632x128xf32, #tpu.memory_space<hbm>>)
      tpu.yield
    }) : () -> ()
    return
  }
}

module attributes {stable_mosaic.version = 14 : i64} {
  func.func @body(%arg0: i32, %arg1: memref<1000x128xf32, #tpu.memory_space<vmem>>, %arg2: memref<128x128xf32, #tpu.memory_space<vmem>>, %arg3: memref<1000x1xf32, #tpu.memory_space<vmem>>, %arg4: memref<1000x1xf32, #tpu.memory_space<vmem>>, %arg5: memref<1000x128xf32, #tpu.memory_space<vmem>>, %arg6: memref<1000x1xf32, #tpu.memory_space<vmem>>) attributes {dimension_semantics = [#tpu.dimension_semantics<arbitrary>], iteration_bounds = array<i64: 10>, scalar_prefetch = 0 : i64, scratch_operands = 0 : i64, tpu.core_type = #tpu.core_type<tc>, window_params = [{transform_indices = @transform_0, window_bounds = array<i64: 1000, 128>}, {pipeline_mode = #tpu.pipeline_mode<synchronous>, transform_indices = @transform_1, window_bounds = array<i64: 128, 128>}, {transform_indices = @transform_2, window_bounds = array<i64: 1000, 1>}, {transform_indices = @transform_3, window_bounds = array<i64: 1000, 1>}, {transform_indices = @transform_4, window_bounds = array<i64: 1000, 128>}, {transform_indices = @transform_5, window_bounds = array<i64: 1000, 1>}]} {
    %get3A = arith.constant 0 : index
    %get3A_0 = arith.constant 0 : index
    %get3A_1 = vector.load %arg3[%get3A, %get3A_0] : memref<1000x1xf32, #tpu.memory_space<vmem>>, vector<1000x1xf32>
    %get3A_2 = arith.constant 0 : index
    %get3A_3 = arith.constant 0 : index
    %get3A_4 = vector.load %arg4[%get3A_2, %get3A_3] : memref<1000x1xf32, #tpu.memory_space<vmem>>, vector<1000x1xf32>
    %add3A = arith.addf %get3A_1, %get3A_4 : vector<1000x1xf32>
    %add3A_5 = arith.constant 1.000000e+00 : f32
    %add3A_6 = vector.broadcast %add3A_5 : f32 to vector<1000x1xf32>
    %add3A_7 = arith.addf %add3A, %add3A_6 : vector<1000x1xf32>
    %rsqrt3A = math.rsqrt %add3A_7 : vector<1000x1xf32>
    %get3A_8 = arith.constant 0 : index
    %get3A_9 = arith.constant 0 : index
    %get3A_10 = vector.load %arg1[%get3A_8, %get3A_9] : memref<1000x128xf32, #tpu.memory_space<vmem>>, vector<1000x128xf32>
    %get3A_11 = arith.constant 0 : index
    %get3A_12 = arith.constant 0 : index
    %get3A_13 = vector.load %arg2[%get3A_11, %get3A_12] : memref<128x128xf32, #tpu.memory_space<vmem>>, vector<128x128xf32>
    %dot_general3A = arith.constant dense<0.000000e+00> : vector<1000x128xf32>
    %dot_general3A_14 = tpu.matmul %get3A_10, %get3A_13, %dot_general3A {dimension_numbers = #tpu.dot_dimension_numbers<[1], [0], [0], [1], [0, 0, 1, 1], [], []>, transpose_lhs_hint = false} : vector<1000x128xf32>, vector<128x128xf32>, vector<1000x128xf32> -> vector<1000x128xf32>
    %mul3A = vector.broadcast %rsqrt3A : vector<1000x1xf32> to vector<1000x128xf32>
    %mul3A_15 = arith.mulf %dot_general3A_14, %mul3A : vector<1000x128xf32>
    %swap3A = arith.constant 0 : index
    %swap3A_16 = arith.constant 0 : index
    %swap3A_17 = vector.load %arg5[%swap3A, %swap3A_16] : memref<1000x128xf32, #tpu.memory_space<vmem>>, vector<1000x128xf32>
    tpu.vector_store %arg5[%swap3A, %swap3A_16], %mul3A_15 {strides = array<i32>} : memref<1000x128xf32, #tpu.memory_space<vmem>>, vector<1000x128xf32>,
    %swap3A_18 = arith.constant 0 : index
    %swap3A_19 = arith.constant 0 : index
    %swap3A_20 = vector.load %arg6[%swap3A_18, %swap3A_19] : memref<1000x1xf32, #tpu.memory_space<vmem>>, vector<1000x1xf32>
    tpu.vector_store %arg6[%swap3A_18, %swap3A_19], %rsqrt3A {strides = array<i32>} : memref<1000x1xf32, #tpu.memory_space<vmem>>, vector<1000x1xf32>,
    return
  }
  func.func @transform_0(%arg0: i32) -> (i32, i32) {
    %c0_i32 = arith.constant 0 : i32
    %c0_i32_0 = arith.constant 0 : i32
    return %arg0, %c0_i32 : i32, i32
  }
  func.func @transform_1(%arg0: i32) -> (i32, i32) {
    %c0_i32 = arith.constant 0 : i32
    %c0_i32_0 = arith.constant 0 : i32
    %c0_i32_1 = arith.constant 0 : i32
    return %c0_i32, %c0_i32_0 : i32, i32
  }
  func.func @transform_2(%arg0: i32) -> (i32, i32) {
    %c0_i32 = arith.constant 0 : i32
    %c0_i32_0 = arith.constant 0 : i32
    return %arg0, %c0_i32 : i32, i32
  }
  func.func @transform_3(%arg0: i32) -> (i32, i32) {
    %c0_i32 = arith.constant 0 : i32
    %c0_i32_0 = arith.constant 0 : i32
    return %arg0, %c0_i32 : i32, i32
  }
  func.func @transform_4(%arg0: i32) -> (i32, i32) {
    %c0_i32 = arith.constant 0 : i32
    %c0_i32_0 = arith.constant 0 : i32
    return %arg0, %c0_i32 : i32, i32
  }
  func.func @transform_5(%arg0: i32) -> (i32, i32) {
    %c0_i32 = arith.constant 0 : i32
    %c0_i32_0 = arith.constant 0 : i32
    return %arg0, %c0_i32 : i32, i32
  }
}

module attributes {stable_mosaic.version = 14 : i64} {
  func.func @body(%arg0: i32, %arg1: memref<1000x128xf32, #tpu.memory_space<vmem>>, %arg2: memref<1000x128xf32, #tpu.memory_space<vmem>>, %arg3: memref<1000x128xf32, #tpu.memory_space<vmem>>, %arg4: memref<1000x1xf32, #tpu.memory_space<vmem>>, %arg5: memref<1x128xf32, #tpu.memory_space<vmem>>, %arg6: memref<128x128xf32, #tpu.memory_space<vmem>>, %arg7: memref<1000x128xf32, #tpu.memory_space<vmem>>) attributes {dimension_semantics = [#tpu.dimension_semantics<arbitrary>], iteration_bounds = array<i64: 10>, scalar_prefetch = 0 : i64, scratch_operands = 0 : i64, tpu.core_type = #tpu.core_type<tc>, window_params = [{transform_indices = @transform_0, window_bounds = array<i64: 1000, 128>}, {transform_indices = @transform_1, window_bounds = array<i64: 1000, 128>}, {transform_indices = @transform_2, window_bounds = array<i64: 1000, 128>}, {transform_indices = @transform_3, window_bounds = array<i64: 1000, 1>}, {pipeline_mode = #tpu.pipeline_mode<synchronous>, transform_indices = @transform_4, window_bounds = array<i64: 1, 128>}, {pipeline_mode = #tpu.pipeline_mode<synchronous>, transform_indices = @transform_5, window_bounds = array<i64: 128, 128>}, {transform_indices = @transform_6, window_bounds = array<i64: 1000, 128>}]} {
    %get3A = arith.constant 0 : index
    %get3A_0 = arith.constant 0 : index
    %get3A_1 = vector.load %arg4[%get3A, %get3A_0] : memref<1000x1xf32, #tpu.memory_space<vmem>>, vector<1000x1xf32>
    %get3A_2 = arith.constant 0 : index
    %get3A_3 = arith.constant 0 : index
    %get3A_4 = vector.load %arg1[%get3A_2, %get3A_3] : memref<1000x128xf32, #tpu.memory_space<vmem>>, vector<1000x128xf32>
    %get3A_5 = arith.constant 0 : index
    %get3A_6 = arith.constant 0 : index
    %get3A_7 = vector.load %arg2[%get3A_5, %get3A_6] : memref<1000x128xf32, #tpu.memory_space<vmem>>, vector<1000x128xf32>
    %add3A = arith.addf %get3A_4, %get3A_7 : vector<1000x128xf32>
    %get3A_8 = arith.constant 0 : index
    %get3A_9 = arith.constant 0 : index
    %get3A_10 = vector.load %arg3[%get3A_8, %get3A_9] : memref<1000x128xf32, #tpu.memory_space<vmem>>, vector<1000x128xf32>
    %add3A_11 = arith.addf %add3A, %get3A_10 : vector<1000x128xf32>
    %mul3A = vector.broadcast %get3A_1 : vector<1000x1xf32> to vector<1000x128xf32>
    %mul3A_12 = arith.mulf %mul3A, %add3A_11 : vector<1000x128xf32>
    %get3A_13 = arith.constant 0 : index
    %get3A_14 = arith.constant 0 : index
    %get3A_15 = vector.load %arg5[%get3A_13, %get3A_14] : memref<1x128xf32, #tpu.memory_space<vmem>>, vector<1x128xf32>
    %add3A_16 = vector.broadcast %get3A_15 : vector<1x128xf32> to vector<1000x128xf32>
    %add3A_17 = arith.addf %mul3A_12, %add3A_16 : vector<1000x128xf32>
    %max3A = arith.constant 0.000000e+00 : f32
    %max3A_18 = vector.broadcast %max3A : f32 to vector<1000x128xf32>
    %max3A_19 = arith.maximumf %add3A_17, %max3A_18 : vector<1000x128xf32>
    %get3A_20 = arith.constant 0 : index
    %get3A_21 = arith.constant 0 : index
    %get3A_22 = vector.load %arg6[%get3A_20, %get3A_21] : memref<128x128xf32, #tpu.memory_space<vmem>>, vector<128x128xf32>
    %dot_general3A = arith.constant dense<0.000000e+00> : vector<1000x128xf32>
    %dot_general3A_23 = tpu.matmul %max3A_19, %get3A_22, %dot_general3A {dimension_numbers = #tpu.dot_dimension_numbers<[1], [0], [0], [1], [0, 0, 1, 1], [], []>, transpose_lhs_hint = false} : vector<1000x128xf32>, vector<128x128xf32>, vector<1000x128xf32> -> vector<1000x128xf32>
    %mul3A_24 = vector.broadcast %get3A_1 : vector<1000x1xf32> to vector<1000x128xf32>
    %mul3A_25 = arith.mulf %dot_general3A_23, %mul3A_24 : vector<1000x128xf32>
    %swap3A = arith.constant 0 : index
    %swap3A_26 = arith.constant 0 : index
    %swap3A_27 = vector.load %arg7[%swap3A, %swap3A_26] : memref<1000x128xf32, #tpu.memory_space<vmem>>, vector<1000x128xf32>
    tpu.vector_store %arg7[%swap3A, %swap3A_26], %mul3A_25 {strides = array<i32>} : memref<1000x128xf32, #tpu.memory_space<vmem>>, vector<1000x128xf32>,
    return
  }
  func.func @transform_0(%arg0: i32) -> (i32, i32) {
    %c0_i32 = arith.constant 0 : i32
    %c0_i32_0 = arith.constant 0 : i32
    return %arg0, %c0_i32 : i32, i32
  }
  func.func @transform_1(%arg0: i32) -> (i32, i32) {
    %c0_i32 = arith.constant 0 : i32
    %c0_i32_0 = arith.constant 0 : i32
    return %arg0, %c0_i32 : i32, i32
  }
  func.func @transform_2(%arg0: i32) -> (i32, i32) {
    %c0_i32 = arith.constant 0 : i32
    %c0_i32_0 = arith.constant 0 : i32
    return %arg0, %c0_i32 : i32, i32
  }
  func.func @transform_3(%arg0: i32) -> (i32, i32) {
    %c0_i32 = arith.constant 0 : i32
    %c0_i32_0 = arith.constant 0 : i32
    return %arg0, %c0_i32 : i32, i32
  }
  func.func @transform_4(%arg0: i32) -> (i32, i32) {
    %c0_i32 = arith.constant 0 : i32
    %c0_i32_0 = arith.constant 0 : i32
    %c0_i32_1 = arith.constant 0 : i32
    return %c0_i32, %c0_i32_0 : i32, i32
  }
  func.func @transform_5(%arg0: i32) -> (i32, i32) {
    %c0_i32 = arith.constant 0 : i32
    %c0_i32_0 = arith.constant 0 : i32
    %c0_i32_1 = arith.constant 0 : i32
    return %c0_i32, %c0_i32_0 : i32, i32
  }
  func.func @transform_6(%arg0: i32) -> (i32, i32) {
    %c0_i32 = arith.constant 0 : i32
    %c0_i32_0 = arith.constant 0 : i32
    return %arg0, %c0_i32 : i32, i32
  }
}

module attributes {stable_mosaic.version = 14 : i64} {
  func.func @body(%arg0: memref<64x128xf32, #tpu.memory_space<vmem>>, %arg1: memref<64x1xf32, #tpu.memory_space<vmem>>, %arg2: memref<64x128xf32, #tpu.memory_space<vmem>>, %arg3: memref<128x128xf32, #tpu.memory_space<vmem>>, %arg4: memref<128x128xf32, #tpu.memory_space<vmem>>, %arg5: memref<128x128xf32, #tpu.memory_space<vmem>>, %arg6: memref<1x128xf32, #tpu.memory_space<vmem>>, %arg7: memref<128x2xf32, #tpu.memory_space<vmem>>, %arg8: memref<1x2xf32, #tpu.memory_space<vmem>>, %arg9: memref<64x2xf32, #tpu.memory_space<vmem>>) attributes {dimension_semantics = [], scalar_prefetch = 0 : i64, scratch_operands = 0 : i64, tpu.core_type = #tpu.core_type<tc>} {
    %get3A = arith.constant 0 : index
    %get3A_0 = arith.constant 0 : index
    %get3A_1 = vector.load %arg1[%get3A, %get3A_0] : memref<64x1xf32, #tpu.memory_space<vmem>>, vector<64x1xf32>
    %get3A_2 = arith.constant 0 : index
    %get3A_3 = arith.constant 0 : index
    %get3A_4 = vector.load %arg0[%get3A_2, %get3A_3] : memref<64x128xf32, #tpu.memory_space<vmem>>, vector<64x128xf32>
    %max3A = arith.constant 1.000000e+00 : f32
    %max3A_5 = vector.broadcast %max3A : f32 to vector<64x1xf32>
    %max3A_6 = arith.maximumf %get3A_1, %max3A_5 : vector<64x1xf32>
    %div3A = vector.broadcast %max3A_6 : vector<64x1xf32> to vector<64x128xf32>
    %div3A_7 = arith.divf %get3A_4, %div3A : vector<64x128xf32>
    %gt3A = arith.constant 0.000000e+00 : f32
    %gt3A_8 = vector.broadcast %gt3A : f32 to vector<64x1xf32>
    %gt3A_9 = arith.cmpf ogt, %get3A_1, %gt3A_8 : vector<64x1xf32>
    %get3A_10 = arith.constant 0 : index
    %get3A_11 = arith.constant 0 : index
    %get3A_12 = vector.load %arg2[%get3A_10, %get3A_11] : memref<64x128xf32, #tpu.memory_space<vmem>>, vector<64x128xf32>
    %jit3A = arith.constant 0.000000e+00 : f32
    %broadcast_in_dim3A = vector.shape_cast %gt3A_9 : vector<64x1xi1> to vector<64x1xi1>
    %broadcast_in_dim3A_13 = vector.broadcast %broadcast_in_dim3A : vector<64x1xi1> to vector<64x128xi1>
    %broadcast_in_dim3A_14 = vector.broadcast %jit3A : f32 to vector<64x128xf32>
    %select_n3A = arith.select %broadcast_in_dim3A_13, %get3A_12, %broadcast_in_dim3A_14 : vector<64x128xi1>, vector<64x128xf32>
    %get3A_15 = arith.constant 0 : index
    %get3A_16 = arith.constant 0 : index
    %get3A_17 = vector.load %arg3[%get3A_15, %get3A_16] : memref<128x128xf32, #tpu.memory_space<vmem>>, vector<128x128xf32>
    %dot_general3A = arith.constant dense<0.000000e+00> : vector<64x128xf32>
    %dot_general3A_18 = tpu.matmul %get3A_4, %get3A_17, %dot_general3A {dimension_numbers = #tpu.dot_dimension_numbers<[1], [0], [0], [1], [0, 0, 1, 1], [], []>, transpose_lhs_hint = false} : vector<64x128xf32>, vector<128x128xf32>, vector<64x128xf32> -> vector<64x128xf32>
    %get3A_19 = arith.constant 0 : index
    %get3A_20 = arith.constant 0 : index
    %get3A_21 = vector.load %arg4[%get3A_19, %get3A_20] : memref<128x128xf32, #tpu.memory_space<vmem>>, vector<128x128xf32>
    %dot_general3A_22 = arith.constant dense<0.000000e+00> : vector<64x128xf32>
    %dot_general3A_23 = tpu.matmul %div3A_7, %get3A_21, %dot_general3A_22 {dimension_numbers = #tpu.dot_dimension_numbers<[1], [0], [0], [1], [0, 0, 1, 1], [], []>, transpose_lhs_hint = false} : vector<64x128xf32>, vector<128x128xf32>, vector<64x128xf32> -> vector<64x128xf32>
    %add3A = arith.addf %dot_general3A_18, %dot_general3A_23 : vector<64x128xf32>
    %get3A_24 = arith.constant 0 : index
    %get3A_25 = arith.constant 0 : index
    %get3A_26 = vector.load %arg5[%get3A_24, %get3A_25] : memref<128x128xf32, #tpu.memory_space<vmem>>, vector<128x128xf32>
    %dot_general3A_27 = arith.constant dense<0.000000e+00> : vector<64x128xf32>
    %dot_general3A_28 = tpu.matmul %select_n3A, %get3A_26, %dot_general3A_27 {dimension_numbers = #tpu.dot_dimension_numbers<[1], [0], [0], [1], [0, 0, 1, 1], [], []>, transpose_lhs_hint = false} : vector<64x128xf32>, vector<128x128xf32>, vector<64x128xf32> -> vector<64x128xf32>
    %add3A_29 = arith.addf %add3A, %dot_general3A_28 : vector<64x128xf32>
    %get3A_30 = arith.constant 0 : index
    %get3A_31 = arith.constant 0 : index
    %get3A_32 = vector.load %arg6[%get3A_30, %get3A_31] : memref<1x128xf32, #tpu.memory_space<vmem>>, vector<1x128xf32>
    %add3A_33 = vector.broadcast %get3A_32 : vector<1x128xf32> to vector<64x128xf32>
    %add3A_34 = arith.addf %add3A_29, %add3A_33 : vector<64x128xf32>
    %max3A_35 = arith.constant 0.000000e+00 : f32
    %max3A_36 = vector.broadcast %max3A_35 : f32 to vector<64x128xf32>
    %max3A_37 = arith.maximumf %add3A_34, %max3A_36 : vector<64x128xf32>
    %get3A_38 = arith.constant 0 : index
    %get3A_39 = arith.constant 0 : index
    %get3A_40 = vector.load %arg7[%get3A_38, %get3A_39] : memref<128x2xf32, #tpu.memory_space<vmem>>, vector<128x2xf32>
    %dot_general3A_41 = arith.constant dense<0.000000e+00> : vector<64x2xf32>
    %dot_general3A_42 = tpu.matmul %max3A_37, %get3A_40, %dot_general3A_41 {dimension_numbers = #tpu.dot_dimension_numbers<[1], [0], [0], [1], [0, 0, 1, 1], [], []>, transpose_lhs_hint = false} : vector<64x128xf32>, vector<128x2xf32>, vector<64x2xf32> -> vector<64x2xf32>
    %get3A_43 = arith.constant 0 : index
    %get3A_44 = arith.constant 0 : index
    %get3A_45 = vector.load %arg8[%get3A_43, %get3A_44] : memref<1x2xf32, #tpu.memory_space<vmem>>, vector<1x2xf32>
    %add3A_46 = vector.broadcast %get3A_45 : vector<1x2xf32> to vector<64x2xf32>
    %add3A_47 = arith.addf %dot_general3A_42, %add3A_46 : vector<64x2xf32>
    %reduce_max3A = arith.constant dense<0xFF800000> : vector<64xf32>
    %reduce_max3A_48 = vector.multi_reduction <maximumf>, %add3A_47, %reduce_max3A [1] : vector<64x2xf32> to vector<64xf32>
    %broadcast_in_dim3A_49 = vector.shape_cast %reduce_max3A_48 : vector<64xf32> to vector<64x1xf32>
    %sub3A = vector.broadcast %broadcast_in_dim3A_49 : vector<64x1xf32> to vector<64x2xf32>
    %sub3A_50 = arith.subf %add3A_47, %sub3A : vector<64x2xf32>
    %exp3A = math.exp %sub3A_50 : vector<64x2xf32>
    %reduce_sum3A = arith.constant dense<0.000000e+00> : vector<64xf32>
    %reduce_sum3A_51 = vector.multi_reduction <add>, %exp3A, %reduce_sum3A [1] : vector<64x2xf32> to vector<64xf32>
    %broadcast_in_dim3A_52 = vector.shape_cast %reduce_sum3A_51 : vector<64xf32> to vector<64x1xf32>
    %log3A = math.log %broadcast_in_dim3A_52 : vector<64x1xf32>
    %sub3A_53 = vector.broadcast %log3A : vector<64x1xf32> to vector<64x2xf32>
    %sub3A_54 = arith.subf %sub3A_50, %sub3A_53 : vector<64x2xf32>
    %swap3A = arith.constant 0 : index
    %swap3A_55 = arith.constant 0 : index
    %swap3A_56 = vector.load %arg9[%swap3A, %swap3A_55] : memref<64x2xf32, #tpu.memory_space<vmem>>, vector<64x2xf32>
    tpu.vector_store %arg9[%swap3A, %swap3A_55], %sub3A_54 {strides = array<i32>} : memref<64x2xf32, #tpu.memory_space<vmem>>, vector<64x2xf32>,
    return
  }
}

module attributes {stable_mosaic.version = 14 : i64} {
  func.func @body(%arg0: i32, %arg1: memref<200x128xf32, #tpu.memory_space<vmem>>, %arg2: memref<200x128xf32, #tpu.memory_space<vmem>>, %arg3: memref<200x128xf32, #tpu.memory_space<vmem>>, %arg4: memref<200x1xf32, #tpu.memory_space<vmem>>, %arg5: memref<1x128xf32, #tpu.memory_space<vmem>>, %arg6: memref<200x1xf32, #tpu.memory_space<vmem>>, %arg7: memref<64x128xf32, #tpu.memory_space<vmem>>, %arg8: memref<64x1xf32, #tpu.memory_space<vmem>>, %arg9: memref<64x128xf32, #tpu.memory_space<vmem>>) attributes {dimension_semantics = [#tpu.dimension_semantics<arbitrary>], iteration_bounds = array<i64: 50>, scalar_prefetch = 0 : i64, scratch_operands = 0 : i64, tpu.core_type = #tpu.core_type<tc>, window_params = [{transform_indices = @transform_0, window_bounds = array<i64: 200, 128>}, {transform_indices = @transform_1, window_bounds = array<i64: 200, 128>}, {transform_indices = @transform_2, window_bounds = array<i64: 200, 128>}, {transform_indices = @transform_3, window_bounds = array<i64: 200, 1>}, {pipeline_mode = #tpu.pipeline_mode<synchronous>, transform_indices = @transform_4, window_bounds = array<i64: 1, 128>}, {transform_indices = @transform_5, window_bounds = array<i64: 200, 1>}, {pipeline_mode = #tpu.pipeline_mode<synchronous>, transform_indices = @transform_6, window_bounds = array<i64: 64, 128>}, {pipeline_mode = #tpu.pipeline_mode<synchronous>, transform_indices = @transform_7, window_bounds = array<i64: 64, 1>}, {pipeline_mode = #tpu.pipeline_mode<synchronous>, transform_indices = @transform_8, window_bounds = array<i64: 64, 128>}]} {
    %eq3A = arith.constant 0 : i32
    %eq3A_0 = arith.cmpi eq, %arg0, %eq3A : i32
    %convert_element_type3A = arith.extui %eq3A_0 : i1 to i32
    %cond3A = arith.constant 0 : i32
    %cond3A_1 = arith.cmpi ne, %convert_element_type3A, %cond3A : i32
    scf.if %cond3A_1 {
      %broadcast_in_dim3A_566 = arith.constant 0.000000e+00 : f32
      %broadcast_in_dim3A_567 = vector.broadcast %broadcast_in_dim3A_566 : f32 to vector<64x128xf32>
      %swap3A_568 = arith.constant 0 : index
      %swap3A_569 = arith.constant 0 : index
      %swap3A_570 = vector.load %arg7[%swap3A_568, %swap3A_569] : memref<64x128xf32, #tpu.memory_space<vmem>>, vector<64x128xf32>
      tpu.vector_store %arg7[%swap3A_568, %swap3A_569], %broadcast_in_dim3A_567 {strides = array<i32>} : memref<64x128xf32, #tpu.memory_space<vmem>>, vector<64x128xf32>,
      %broadcast_in_dim3A_571 = arith.constant 0.000000e+00 : f32
      %broadcast_in_dim3A_572 = vector.broadcast %broadcast_in_dim3A_571 : f32 to vector<64x1xf32>
      %swap3A_573 = arith.constant 0 : index
      %swap3A_574 = arith.constant 0 : index
      %swap3A_575 = vector.load %arg8[%swap3A_573, %swap3A_574] : memref<64x1xf32, #tpu.memory_space<vmem>>, vector<64x1xf32>
      tpu.vector_store %arg8[%swap3A_573, %swap3A_574], %broadcast_in_dim3A_572 {strides = array<i32>} : memref<64x1xf32, #tpu.memory_space<vmem>>, vector<64x1xf32>,
      %broadcast_in_dim3A_576 = arith.constant -1.000000e+30 : f32
      %broadcast_in_dim3A_577 = vector.broadcast %broadcast_in_dim3A_576 : f32 to vector<64x128xf32>
      %swap3A_578 = arith.constant 0 : index
      %swap3A_579 = arith.constant 0 : index
      %swap3A_580 = vector.load %arg9[%swap3A_578, %swap3A_579] : memref<64x128xf32, #tpu.memory_space<vmem>>, vector<64x128xf32>
      tpu.vector_store %arg9[%swap3A_578, %swap3A_579], %broadcast_in_dim3A_577 {strides = array<i32>} : memref<64x128xf32, #tpu.memory_space<vmem>>, vector<64x128xf32>,
    } else {
    }
    %get3A = arith.constant 0 : index
    %get3A_2 = arith.constant 0 : index
    %get3A_3 = vector.load %arg4[%get3A, %get3A_2] : memref<200x1xf32, #tpu.memory_space<vmem>>, vector<200x1xf32>
    %get3A_4 = arith.constant 0 : index
    %get3A_5 = arith.constant 0 : index
    %get3A_6 = vector.load %arg1[%get3A_4, %get3A_5] : memref<200x128xf32, #tpu.memory_space<vmem>>, vector<200x128xf32>
    %get3A_7 = arith.constant 0 : index
    %get3A_8 = arith.constant 0 : index
    %get3A_9 = vector.load %arg2[%get3A_7, %get3A_8] : memref<200x128xf32, #tpu.memory_space<vmem>>, vector<200x128xf32>
    %add3A = arith.addf %get3A_6, %get3A_9 : vector<200x128xf32>
    %get3A_10 = arith.constant 0 : index
    %get3A_11 = arith.constant 0 : index
    %get3A_12 = vector.load %arg3[%get3A_10, %get3A_11] : memref<200x128xf32, #tpu.memory_space<vmem>>, vector<200x128xf32>
    %add3A_13 = arith.addf %add3A, %get3A_12 : vector<200x128xf32>
    %mul3A = vector.broadcast %get3A_3 : vector<200x1xf32> to vector<200x128xf32>
    %mul3A_14 = arith.mulf %mul3A, %add3A_13 : vector<200x128xf32>
    %get3A_15 = arith.constant 0 : index
    %get3A_16 = arith.constant 0 : index
    %get3A_17 = vector.load %arg5[%get3A_15, %get3A_16] : memref<1x128xf32, #tpu.memory_space<vmem>>, vector<1x128xf32>
    %add3A_18 = vector.broadcast %get3A_17 : vector<1x128xf32> to vector<200x128xf32>
    %add3A_19 = arith.addf %mul3A_14, %add3A_18 : vector<200x128xf32>
    %max3A = arith.constant 0.000000e+00 : f32
    %max3A_20 = vector.broadcast %max3A : f32 to vector<200x128xf32>
    %max3A_21 = arith.maximumf %add3A_19, %max3A_20 : vector<200x128xf32>
    %get3A_22 = arith.constant 0 : index
    %get3A_23 = arith.constant 0 : index
    %get3A_24 = vector.load %arg6[%get3A_22, %get3A_23] : memref<200x1xf32, #tpu.memory_space<vmem>>, vector<200x1xf32>
    %iota3A = tpu.iota {dimensions = array<i32: 1>} : vector<1x64xi32>
    %convert_element_type3A_25 = arith.sitofp %iota3A : vector<1x64xi32> to vector<1x64xf32>
    %eq3A_26 = vector.broadcast %get3A_24 : vector<200x1xf32> to vector<200x64xf32>
    %eq3A_27 = vector.broadcast %convert_element_type3A_25 : vector<1x64xf32> to vector<200x64xf32>
    %eq3A_28 = arith.cmpf oeq, %eq3A_26, %eq3A_27 : vector<200x64xf32>
    %jit3A = arith.constant 1.000000e+00 : f32
    %jit3A_29 = arith.constant 0.000000e+00 : f32
    %broadcast_in_dim3A = vector.broadcast %jit3A : f32 to vector<200x64xf32>
    %broadcast_in_dim3A_30 = vector.broadcast %jit3A_29 : f32 to vector<200x64xf32>
    %select_n3A = arith.select %eq3A_28, %broadcast_in_dim3A, %broadcast_in_dim3A_30 : vector<200x64xi1>, vector<200x64xf32>
    %get3A_31 = arith.constant 0 : index
    %get3A_32 = arith.constant 0 : index
    %get3A_33 = vector.load %arg7[%get3A_31, %get3A_32] : memref<64x128xf32, #tpu.memory_space<vmem>>, vector<64x128xf32>
    %dot_general3A = arith.constant dense<0.000000e+00> : vector<64x128xf32>
    %dot_general3A_34 = tpu.matmul %select_n3A, %max3A_21, %dot_general3A {dimension_numbers = #tpu.dot_dimension_numbers<[0], [0], [1], [1], [0, 1, 1, 1], [], []>, transpose_lhs_hint = false} : vector<200x64xf32>, vector<200x128xf32>, vector<64x128xf32> -> vector<64x128xf32>
    %add3A_35 = arith.addf %get3A_33, %dot_general3A_34 : vector<64x128xf32>
    %swap3A = arith.constant 0 : index
    %swap3A_36 = arith.constant 0 : index
    %swap3A_37 = vector.load %arg7[%swap3A, %swap3A_36] : memref<64x128xf32, #tpu.memory_space<vmem>>, vector<64x128xf32>
    tpu.vector_store %arg7[%swap3A, %swap3A_36], %add3A_35 {strides = array<i32>} : memref<64x128xf32, #tpu.memory_space<vmem>>, vector<64x128xf32>,
    %get3A_38 = arith.constant 0 : index
    %get3A_39 = arith.constant 0 : index
    %get3A_40 = vector.load %arg8[%get3A_38, %get3A_39] : memref<64x1xf32, #tpu.memory_space<vmem>>, vector<64x1xf32>
    %broadcast_in_dim3A_41 = arith.constant 1.000000e+00 : f32
    %broadcast_in_dim3A_42 = vector.broadcast %broadcast_in_dim3A_41 : f32 to vector<200x1xf32>
    %dot_general3A_43 = arith.constant dense<0.000000e+00> : vector<64x1xf32>
    %dot_general3A_44 = tpu.matmul %select_n3A, %broadcast_in_dim3A_42, %dot_general3A_43 {dimension_numbers = #tpu.dot_dimension_numbers<[0], [0], [1], [1], [0, 1, 1, 1], [], []>, transpose_lhs_hint = false} : vector<200x64xf32>, vector<200x1xf32>, vector<64x1xf32> -> vector<64x1xf32>
    %add3A_45 = arith.addf %get3A_40, %dot_general3A_44 : vector<64x1xf32>
    %swap3A_46 = arith.constant 0 : index
    %swap3A_47 = arith.constant 0 : index
    %swap3A_48 = vector.load %arg8[%swap3A_46, %swap3A_47] : memref<64x1xf32, #tpu.memory_space<vmem>>, vector<64x1xf32>
    tpu.vector_store %arg8[%swap3A_46, %swap3A_47], %add3A_45 {strides = array<i32>} : memref<64x1xf32, #tpu.memory_space<vmem>>, vector<64x1xf32>,
    %get3A_49 = arith.constant 0 : index
    %get3A_50 = arith.constant 0 : index
    %get3A_51 = vector.load %arg6[%get3A_49, %get3A_50] : memref<200x1xf32, #tpu.memory_space<vmem>>, vector<1x1xf32>
    %get3A_52 = vector.extract %get3A_51[0, 0] : f32 from vector<1x1xf32>
    %get3A_53 = arith.constant 199 : index
    %get3A_54 = arith.constant 0 : index
    %get3A_55 = vector.load %arg6[%get3A_53, %get3A_54] : memref<200x1xf32, #tpu.memory_space<vmem>>, vector<1x1xf32>
    %get3A_56 = vector.extract %get3A_55[0, 0] : f32 from vector<1x1xf32>
    %le3A = arith.constant 0.000000e+00 : f32
    %le3A_57 = arith.cmpf ole, %get3A_52, %le3A : f32
    %ge3A = arith.constant 0.000000e+00 : f32
    %ge3A_58 = arith.cmpf oge, %get3A_56, %ge3A : f32
    %and3A = arith.andi %le3A_57, %ge3A_58 : i1
    %convert_element_type3A_59 = arith.extui %and3A : i1 to i32
    %cond3A_60 = arith.constant 0 : i32
    %cond3A_61 = arith.cmpi ne, %convert_element_type3A_59, %cond3A_60 : i32
    scf.if %cond3A_61 {
      %eq3A_566 = arith.constant 0.000000e+00 : f32
      %eq3A_567 = vector.broadcast %eq3A_566 : f32 to vector<200x1xf32>
      %eq3A_568 = arith.cmpf oeq, %get3A_24, %eq3A_567 : vector<200x1xf32>
      %jit3A_569 = arith.constant -1.000000e+30 : f32
      %broadcast_in_dim3A_570 = vector.shape_cast %eq3A_568 : vector<200x1xi1> to vector<200x1xi1>
      %broadcast_in_dim3A_571 = vector.broadcast %broadcast_in_dim3A_570 : vector<200x1xi1> to vector<200x128xi1>
      %broadcast_in_dim3A_572 = vector.broadcast %jit3A_569 : f32 to vector<200x128xf32>
      %select_n3A_573 = arith.select %broadcast_in_dim3A_571, %max3A_21, %broadcast_in_dim3A_572 : vector<200x128xi1>, vector<200x128xf32>
      %reduce_max3A = arith.constant dense<0xFF800000> : vector<128xf32>
      %reduce_max3A_574 = vector.multi_reduction <maximumf>, %select_n3A_573, %reduce_max3A [0] : vector<200x128xf32> to vector<128xf32>
      %broadcast_in_dim3A_575 = vector.shape_cast %reduce_max3A_574 : vector<128xf32> to vector<1x128xf32>
      %get3A_576 = arith.constant 0 : index
      %get3A_577 = arith.constant 0 : index
      %get3A_578 = vector.load %arg9[%get3A_576, %get3A_577] : memref<64x128xf32, #tpu.memory_space<vmem>>, vector<1x128xf32>
      %max3A_579 = arith.maximumf %get3A_578, %broadcast_in_dim3A_575 : vector<1x128xf32>
      %swap3A_580 = arith.constant 0 : index
      %swap3A_581 = arith.constant 0 : index
      %swap3A_582 = vector.load %arg9[%swap3A_580, %swap3A_581] : memref<64x128xf32, #tpu.memory_space<vmem>>, vector<1x128xf32>
      tpu.vector_store %arg9[%swap3A_580, %swap3A_581], %max3A_579 {strides = array<i32>} : memref<64x128xf32, #tpu.memory_space<vmem>>, vector<1x128xf32>,
    } else {
    }
    %le3A_62 = arith.constant 1.000000e+00 : f32
    %le3A_63 = arith.cmpf ole, %get3A_52, %le3A_62 : f32
    %ge3A_64 = arith.constant 1.000000e+00 : f32
    %ge3A_65 = arith.cmpf oge, %get3A_56, %ge3A_64 : f32
    %and3A_66 = arith.andi %le3A_63, %ge3A_65 : i1
    %convert_element_type3A_67 = arith.extui %and3A_66 : i1 to i32
    %cond3A_68 = arith.constant 0 : i32
    %cond3A_69 = arith.cmpi ne, %convert_element_type3A_67, %cond3A_68 : i32
    scf.if %cond3A_69 {
      %eq3A_566 = arith.constant 1.000000e+00 : f32
      %eq3A_567 = vector.broadcast %eq3A_566 : f32 to vector<200x1xf32>
      %eq3A_568 = arith.cmpf oeq, %get3A_24, %eq3A_567 : vector<200x1xf32>
      %jit3A_569 = arith.constant -1.000000e+30 : f32
      %broadcast_in_dim3A_570 = vector.shape_cast %eq3A_568 : vector<200x1xi1> to vector<200x1xi1>
      %broadcast_in_dim3A_571 = vector.broadcast %broadcast_in_dim3A_570 : vector<200x1xi1> to vector<200x128xi1>
      %broadcast_in_dim3A_572 = vector.broadcast %jit3A_569 : f32 to vector<200x128xf32>
      %select_n3A_573 = arith.select %broadcast_in_dim3A_571, %max3A_21, %broadcast_in_dim3A_572 : vector<200x128xi1>, vector<200x128xf32>
      %reduce_max3A = arith.constant dense<0xFF800000> : vector<128xf32>
      %reduce_max3A_574 = vector.multi_reduction <maximumf>, %select_n3A_573, %reduce_max3A [0] : vector<200x128xf32> to vector<128xf32>
      %broadcast_in_dim3A_575 = vector.shape_cast %reduce_max3A_574 : vector<128xf32> to vector<1x128xf32>
      %get3A_576 = arith.constant 1 : index
      %get3A_577 = arith.constant 0 : index
      %get3A_578 = vector.load %arg9[%get3A_576, %get3A_577] : memref<64x128xf32, #tpu.memory_space<vmem>>, vector<1x128xf32>
      %max3A_579 = arith.maximumf %get3A_578, %broadcast_in_dim3A_575 : vector<1x128xf32>
      %swap3A_580 = arith.constant 1 : index
      %swap3A_581 = arith.constant 0 : index
      %swap3A_582 = vector.load %arg9[%swap3A_580, %swap3A_581] : memref<64x128xf32, #tpu.memory_space<vmem>>, vector<1x128xf32>
      tpu.vector_store %arg9[%swap3A_580, %swap3A_581], %max3A_579 {strides = array<i32>} : memref<64x128xf32, #tpu.memory_space<vmem>>, vector<1x128xf32>,
    } else {
    }
    %le3A_70 = arith.constant 2.000000e+00 : f32
    %le3A_71 = arith.cmpf ole, %get3A_52, %le3A_70 : f32
    %ge3A_72 = arith.constant 2.000000e+00 : f32
    %ge3A_73 = arith.cmpf oge, %get3A_56, %ge3A_72 : f32
    %and3A_74 = arith.andi %le3A_71, %ge3A_73 : i1
    %convert_element_type3A_75 = arith.extui %and3A_74 : i1 to i32
    %cond3A_76 = arith.constant 0 : i32
    %cond3A_77 = arith.cmpi ne, %convert_element_type3A_75, %cond3A_76 : i32
    scf.if %cond3A_77 {
      %eq3A_566 = arith.constant 2.000000e+00 : f32
      %eq3A_567 = vector.broadcast %eq3A_566 : f32 to vector<200x1xf32>
      %eq3A_568 = arith.cmpf oeq, %get3A_24, %eq3A_567 : vector<200x1xf32>
      %jit3A_569 = arith.constant -1.000000e+30 : f32
      %broadcast_in_dim3A_570 = vector.shape_cast %eq3A_568 : vector<200x1xi1> to vector<200x1xi1>
      %broadcast_in_dim3A_571 = vector.broadcast %broadcast_in_dim3A_570 : vector<200x1xi1> to vector<200x128xi1>
      %broadcast_in_dim3A_572 = vector.broadcast %jit3A_569 : f32 to vector<200x128xf32>
      %select_n3A_573 = arith.select %broadcast_in_dim3A_571, %max3A_21, %broadcast_in_dim3A_572 : vector<200x128xi1>, vector<200x128xf32>
      %reduce_max3A = arith.constant dense<0xFF800000> : vector<128xf32>
      %reduce_max3A_574 = vector.multi_reduction <maximumf>, %select_n3A_573, %reduce_max3A [0] : vector<200x128xf32> to vector<128xf32>
      %broadcast_in_dim3A_575 = vector.shape_cast %reduce_max3A_574 : vector<128xf32> to vector<1x128xf32>
      %get3A_576 = arith.constant 2 : index
      %get3A_577 = arith.constant 0 : index
      %get3A_578 = vector.load %arg9[%get3A_576, %get3A_577] : memref<64x128xf32, #tpu.memory_space<vmem>>, vector<1x128xf32>
      %max3A_579 = arith.maximumf %get3A_578, %broadcast_in_dim3A_575 : vector<1x128xf32>
      %swap3A_580 = arith.constant 2 : index
      %swap3A_581 = arith.constant 0 : index
      %swap3A_582 = vector.load %arg9[%swap3A_580, %swap3A_581] : memref<64x128xf32, #tpu.memory_space<vmem>>, vector<1x128xf32>
      tpu.vector_store %arg9[%swap3A_580, %swap3A_581], %max3A_579 {strides = array<i32>} : memref<64x128xf32, #tpu.memory_space<vmem>>, vector<1x128xf32>,
    } else {
    }
    %le3A_78 = arith.constant 3.000000e+00 : f32
    %le3A_79 = arith.cmpf ole, %get3A_52, %le3A_78 : f32
    %ge3A_80 = arith.constant 3.000000e+00 : f32
    %ge3A_81 = arith.cmpf oge, %get3A_56, %ge3A_80 : f32
    %and3A_82 = arith.andi %le3A_79, %ge3A_81 : i1
    %convert_element_type3A_83 = arith.extui %and3A_82 : i1 to i32
    %cond3A_84 = arith.constant 0 : i32
    %cond3A_85 = arith.cmpi ne, %convert_element_type3A_83, %cond3A_84 : i32
    scf.if %cond3A_85 {
      %eq3A_566 = arith.constant 3.000000e+00 : f32
      %eq3A_567 = vector.broadcast %eq3A_566 : f32 to vector<200x1xf32>
      %eq3A_568 = arith.cmpf oeq, %get3A_24, %eq3A_567 : vector<200x1xf32>
      %jit3A_569 = arith.constant -1.000000e+30 : f32
      %broadcast_in_dim3A_570 = vector.shape_cast %eq3A_568 : vector<200x1xi1> to vector<200x1xi1>
      %broadcast_in_dim3A_571 = vector.broadcast %broadcast_in_dim3A_570 : vector<200x1xi1> to vector<200x128xi1>
      %broadcast_in_dim3A_572 = vector.broadcast %jit3A_569 : f32 to vector<200x128xf32>
      %select_n3A_573 = arith.select %broadcast_in_dim3A_571, %max3A_21, %broadcast_in_dim3A_572 : vector<200x128xi1>, vector<200x128xf32>
      %reduce_max3A = arith.constant dense<0xFF800000> : vector<128xf32>
      %reduce_max3A_574 = vector.multi_reduction <maximumf>, %select_n3A_573, %reduce_max3A [0] : vector<200x128xf32> to vector<128xf32>
      %broadcast_in_dim3A_575 = vector.shape_cast %reduce_max3A_574 : vector<128xf32> to vector<1x128xf32>
      %get3A_576 = arith.constant 3 : index
      %get3A_577 = arith.constant 0 : index
      %get3A_578 = vector.load %arg9[%get3A_576, %get3A_577] : memref<64x128xf32, #tpu.memory_space<vmem>>, vector<1x128xf32>
      %max3A_579 = arith.maximumf %get3A_578, %broadcast_in_dim3A_575 : vector<1x128xf32>
      %swap3A_580 = arith.constant 3 : index
      %swap3A_581 = arith.constant 0 : index
      %swap3A_582 = vector.load %arg9[%swap3A_580, %swap3A_581] : memref<64x128xf32, #tpu.memory_space<vmem>>, vector<1x128xf32>
      tpu.vector_store %arg9[%swap3A_580, %swap3A_581], %max3A_579 {strides = array<i32>} : memref<64x128xf32, #tpu.memory_space<vmem>>, vector<1x128xf32>,
    } else {
    }
    %le3A_86 = arith.constant 4.000000e+00 : f32
    %le3A_87 = arith.cmpf ole, %get3A_52, %le3A_86 : f32
    %ge3A_88 = arith.constant 4.000000e+00 : f32
    %ge3A_89 = arith.cmpf oge, %get3A_56, %ge3A_88 : f32
    %and3A_90 = arith.andi %le3A_87, %ge3A_89 : i1
    %convert_element_type3A_91 = arith.extui %and3A_90 : i1 to i32
    %cond3A_92 = arith.constant 0 : i32
    %cond3A_93 = arith.cmpi ne, %convert_element_type3A_91, %cond3A_92 : i32
    scf.if %cond3A_93 {
      %eq3A_566 = arith.constant 4.000000e+00 : f32
      %eq3A_567 = vector.broadcast %eq3A_566 : f32 to vector<200x1xf32>
      %eq3A_568 = arith.cmpf oeq, %get3A_24, %eq3A_567 : vector<200x1xf32>
      %jit3A_569 = arith.constant -1.000000e+30 : f32
      %broadcast_in_dim3A_570 = vector.shape_cast %eq3A_568 : vector<200x1xi1> to vector<200x1xi1>
      %broadcast_in_dim3A_571 = vector.broadcast %broadcast_in_dim3A_570 : vector<200x1xi1> to vector<200x128xi1>
      %broadcast_in_dim3A_572 = vector.broadcast %jit3A_569 : f32 to vector<200x128xf32>
      %select_n3A_573 = arith.select %broadcast_in_dim3A_571, %max3A_21, %broadcast_in_dim3A_572 : vector<200x128xi1>, vector<200x128xf32>
      %reduce_max3A = arith.constant dense<0xFF800000> : vector<128xf32>
      %reduce_max3A_574 = vector.multi_reduction <maximumf>, %select_n3A_573, %reduce_max3A [0] : vector<200x128xf32> to vector<128xf32>
      %broadcast_in_dim3A_575 = vector.shape_cast %reduce_max3A_574 : vector<128xf32> to vector<1x128xf32>
      %get3A_576 = arith.constant 4 : index
      %get3A_577 = arith.constant 0 : index
      %get3A_578 = vector.load %arg9[%get3A_576, %get3A_577] : memref<64x128xf32, #tpu.memory_space<vmem>>, vector<1x128xf32>
      %max3A_579 = arith.maximumf %get3A_578, %broadcast_in_dim3A_575 : vector<1x128xf32>
      %swap3A_580 = arith.constant 4 : index
      %swap3A_581 = arith.constant 0 : index
      %swap3A_582 = vector.load %arg9[%swap3A_580, %swap3A_581] : memref<64x128xf32, #tpu.memory_space<vmem>>, vector<1x128xf32>
      tpu.vector_store %arg9[%swap3A_580, %swap3A_581], %max3A_579 {strides = array<i32>} : memref<64x128xf32, #tpu.memory_space<vmem>>, vector<1x128xf32>,
    } else {
    }
    %le3A_94 = arith.constant 5.000000e+00 : f32
    %le3A_95 = arith.cmpf ole, %get3A_52, %le3A_94 : f32
    %ge3A_96 = arith.constant 5.000000e+00 : f32
    %ge3A_97 = arith.cmpf oge, %get3A_56, %ge3A_96 : f32
    %and3A_98 = arith.andi %le3A_95, %ge3A_97 : i1
    %convert_element_type3A_99 = arith.extui %and3A_98 : i1 to i32
    %cond3A_100 = arith.constant 0 : i32
    %cond3A_101 = arith.cmpi ne, %convert_element_type3A_99, %cond3A_100 : i32
    scf.if %cond3A_101 {
      %eq3A_566 = arith.constant 5.000000e+00 : f32
      %eq3A_567 = vector.broadcast %eq3A_566 : f32 to vector<200x1xf32>
      %eq3A_568 = arith.cmpf oeq, %get3A_24, %eq3A_567 : vector<200x1xf32>
      %jit3A_569 = arith.constant -1.000000e+30 : f32
      %broadcast_in_dim3A_570 = vector.shape_cast %eq3A_568 : vector<200x1xi1> to vector<200x1xi1>
      %broadcast_in_dim3A_571 = vector.broadcast %broadcast_in_dim3A_570 : vector<200x1xi1> to vector<200x128xi1>
      %broadcast_in_dim3A_572 = vector.broadcast %jit3A_569 : f32 to vector<200x128xf32>
      %select_n3A_573 = arith.select %broadcast_in_dim3A_571, %max3A_21, %broadcast_in_dim3A_572 : vector<200x128xi1>, vector<200x128xf32>
      %reduce_max3A = arith.constant dense<0xFF800000> : vector<128xf32>
      %reduce_max3A_574 = vector.multi_reduction <maximumf>, %select_n3A_573, %reduce_max3A [0] : vector<200x128xf32> to vector<128xf32>
      %broadcast_in_dim3A_575 = vector.shape_cast %reduce_max3A_574 : vector<128xf32> to vector<1x128xf32>
      %get3A_576 = arith.constant 5 : index
      %get3A_577 = arith.constant 0 : index
      %get3A_578 = vector.load %arg9[%get3A_576, %get3A_577] : memref<64x128xf32, #tpu.memory_space<vmem>>, vector<1x128xf32>
      %max3A_579 = arith.maximumf %get3A_578, %broadcast_in_dim3A_575 : vector<1x128xf32>
      %swap3A_580 = arith.constant 5 : index
      %swap3A_581 = arith.constant 0 : index
      %swap3A_582 = vector.load %arg9[%swap3A_580, %swap3A_581] : memref<64x128xf32, #tpu.memory_space<vmem>>, vector<1x128xf32>
      tpu.vector_store %arg9[%swap3A_580, %swap3A_581], %max3A_579 {strides = array<i32>} : memref<64x128xf32, #tpu.memory_space<vmem>>, vector<1x128xf32>,
    } else {
    }
    %le3A_102 = arith.constant 6.000000e+00 : f32
    %le3A_103 = arith.cmpf ole, %get3A_52, %le3A_102 : f32
    %ge3A_104 = arith.constant 6.000000e+00 : f32
    %ge3A_105 = arith.cmpf oge, %get3A_56, %ge3A_104 : f32
    %and3A_106 = arith.andi %le3A_103, %ge3A_105 : i1
    %convert_element_type3A_107 = arith.extui %and3A_106 : i1 to i32
    %cond3A_108 = arith.constant 0 : i32
    %cond3A_109 = arith.cmpi ne, %convert_element_type3A_107, %cond3A_108 : i32
    scf.if %cond3A_109 {
      %eq3A_566 = arith.constant 6.000000e+00 : f32
      %eq3A_567 = vector.broadcast %eq3A_566 : f32 to vector<200x1xf32>
      %eq3A_568 = arith.cmpf oeq, %get3A_24, %eq3A_567 : vector<200x1xf32>
      %jit3A_569 = arith.constant -1.000000e+30 : f32
      %broadcast_in_dim3A_570 = vector.shape_cast %eq3A_568 : vector<200x1xi1> to vector<200x1xi1>
      %broadcast_in_dim3A_571 = vector.broadcast %broadcast_in_dim3A_570 : vector<200x1xi1> to vector<200x128xi1>
      %broadcast_in_dim3A_572 = vector.broadcast %jit3A_569 : f32 to vector<200x128xf32>
      %select_n3A_573 = arith.select %broadcast_in_dim3A_571, %max3A_21, %broadcast_in_dim3A_572 : vector<200x128xi1>, vector<200x128xf32>
      %reduce_max3A = arith.constant dense<0xFF800000> : vector<128xf32>
      %reduce_max3A_574 = vector.multi_reduction <maximumf>, %select_n3A_573, %reduce_max3A [0] : vector<200x128xf32> to vector<128xf32>
      %broadcast_in_dim3A_575 = vector.shape_cast %reduce_max3A_574 : vector<128xf32> to vector<1x128xf32>
      %get3A_576 = arith.constant 6 : index
      %get3A_577 = arith.constant 0 : index
      %get3A_578 = vector.load %arg9[%get3A_576, %get3A_577] : memref<64x128xf32, #tpu.memory_space<vmem>>, vector<1x128xf32>
      %max3A_579 = arith.maximumf %get3A_578, %broadcast_in_dim3A_575 : vector<1x128xf32>
      %swap3A_580 = arith.constant 6 : index
      %swap3A_581 = arith.constant 0 : index
      %swap3A_582 = vector.load %arg9[%swap3A_580, %swap3A_581] : memref<64x128xf32, #tpu.memory_space<vmem>>, vector<1x128xf32>
      tpu.vector_store %arg9[%swap3A_580, %swap3A_581], %max3A_579 {strides = array<i32>} : memref<64x128xf32, #tpu.memory_space<vmem>>, vector<1x128xf32>,
    } else {
    }
    %le3A_110 = arith.constant 7.000000e+00 : f32
    %le3A_111 = arith.cmpf ole, %get3A_52, %le3A_110 : f32
    %ge3A_112 = arith.constant 7.000000e+00 : f32
    %ge3A_113 = arith.cmpf oge, %get3A_56, %ge3A_112 : f32
    %and3A_114 = arith.andi %le3A_111, %ge3A_113 : i1
    %convert_element_type3A_115 = arith.extui %and3A_114 : i1 to i32
    %cond3A_116 = arith.constant 0 : i32
    %cond3A_117 = arith.cmpi ne, %convert_element_type3A_115, %cond3A_116 : i32
    scf.if %cond3A_117 {
      %eq3A_566 = arith.constant 7.000000e+00 : f32
      %eq3A_567 = vector.broadcast %eq3A_566 : f32 to vector<200x1xf32>
      %eq3A_568 = arith.cmpf oeq, %get3A_24, %eq3A_567 : vector<200x1xf32>
      %jit3A_569 = arith.constant -1.000000e+30 : f32
      %broadcast_in_dim3A_570 = vector.shape_cast %eq3A_568 : vector<200x1xi1> to vector<200x1xi1>
      %broadcast_in_dim3A_571 = vector.broadcast %broadcast_in_dim3A_570 : vector<200x1xi1> to vector<200x128xi1>
      %broadcast_in_dim3A_572 = vector.broadcast %jit3A_569 : f32 to vector<200x128xf32>
      %select_n3A_573 = arith.select %broadcast_in_dim3A_571, %max3A_21, %broadcast_in_dim3A_572 : vector<200x128xi1>, vector<200x128xf32>
      %reduce_max3A = arith.constant dense<0xFF800000> : vector<128xf32>
      %reduce_max3A_574 = vector.multi_reduction <maximumf>, %select_n3A_573, %reduce_max3A [0] : vector<200x128xf32> to vector<128xf32>
      %broadcast_in_dim3A_575 = vector.shape_cast %reduce_max3A_574 : vector<128xf32> to vector<1x128xf32>
      %get3A_576 = arith.constant 7 : index
      %get3A_577 = arith.constant 0 : index
      %get3A_578 = vector.load %arg9[%get3A_576, %get3A_577] : memref<64x128xf32, #tpu.memory_space<vmem>>, vector<1x128xf32>
      %max3A_579 = arith.maximumf %get3A_578, %broadcast_in_dim3A_575 : vector<1x128xf32>
      %swap3A_580 = arith.constant 7 : index
      %swap3A_581 = arith.constant 0 : index
      %swap3A_582 = vector.load %arg9[%swap3A_580, %swap3A_581] : memref<64x128xf32, #tpu.memory_space<vmem>>, vector<1x128xf32>
      tpu.vector_store %arg9[%swap3A_580, %swap3A_581], %max3A_579 {strides = array<i32>} : memref<64x128xf32, #tpu.memory_space<vmem>>, vector<1x128xf32>,
    } else {
    }
    %le3A_118 = arith.constant 8.000000e+00 : f32
    %le3A_119 = arith.cmpf ole, %get3A_52, %le3A_118 : f32
    %ge3A_120 = arith.constant 8.000000e+00 : f32
    %ge3A_121 = arith.cmpf oge, %get3A_56, %ge3A_120 : f32
    %and3A_122 = arith.andi %le3A_119, %ge3A_121 : i1
    %convert_element_type3A_123 = arith.extui %and3A_122 : i1 to i32
    %cond3A_124 = arith.constant 0 : i32
    %cond3A_125 = arith.cmpi ne, %convert_element_type3A_123, %cond3A_124 : i32
    scf.if %cond3A_125 {
      %eq3A_566 = arith.constant 8.000000e+00 : f32
      %eq3A_567 = vector.broadcast %eq3A_566 : f32 to vector<200x1xf32>
      %eq3A_568 = arith.cmpf oeq, %get3A_24, %eq3A_567 : vector<200x1xf32>
      %jit3A_569 = arith.constant -1.000000e+30 : f32
      %broadcast_in_dim3A_570 = vector.shape_cast %eq3A_568 : vector<200x1xi1> to vector<200x1xi1>
      %broadcast_in_dim3A_571 = vector.broadcast %broadcast_in_dim3A_570 : vector<200x1xi1> to vector<200x128xi1>
      %broadcast_in_dim3A_572 = vector.broadcast %jit3A_569 : f32 to vector<200x128xf32>
      %select_n3A_573 = arith.select %broadcast_in_dim3A_571, %max3A_21, %broadcast_in_dim3A_572 : vector<200x128xi1>, vector<200x128xf32>
      %reduce_max3A = arith.constant dense<0xFF800000> : vector<128xf32>
      %reduce_max3A_574 = vector.multi_reduction <maximumf>, %select_n3A_573, %reduce_max3A [0] : vector<200x128xf32> to vector<128xf32>
      %broadcast_in_dim3A_575 = vector.shape_cast %reduce_max3A_574 : vector<128xf32> to vector<1x128xf32>
      %get3A_576 = arith.constant 8 : index
      %get3A_577 = arith.constant 0 : index
      %get3A_578 = vector.load %arg9[%get3A_576, %get3A_577] : memref<64x128xf32, #tpu.memory_space<vmem>>, vector<1x128xf32>
      %max3A_579 = arith.maximumf %get3A_578, %broadcast_in_dim3A_575 : vector<1x128xf32>
      %swap3A_580 = arith.constant 8 : index
      %swap3A_581 = arith.constant 0 : index
      %swap3A_582 = vector.load %arg9[%swap3A_580, %swap3A_581] : memref<64x128xf32, #tpu.memory_space<vmem>>, vector<1x128xf32>
      tpu.vector_store %arg9[%swap3A_580, %swap3A_581], %max3A_579 {strides = array<i32>} : memref<64x128xf32, #tpu.memory_space<vmem>>, vector<1x128xf32>,
    } else {
    }
    %le3A_126 = arith.constant 9.000000e+00 : f32
    %le3A_127 = arith.cmpf ole, %get3A_52, %le3A_126 : f32
    %ge3A_128 = arith.constant 9.000000e+00 : f32
    %ge3A_129 = arith.cmpf oge, %get3A_56, %ge3A_128 : f32
    %and3A_130 = arith.andi %le3A_127, %ge3A_129 : i1
    %convert_element_type3A_131 = arith.extui %and3A_130 : i1 to i32
    %cond3A_132 = arith.constant 0 : i32
    %cond3A_133 = arith.cmpi ne, %convert_element_type3A_131, %cond3A_132 : i32
    scf.if %cond3A_133 {
      %eq3A_566 = arith.constant 9.000000e+00 : f32
      %eq3A_567 = vector.broadcast %eq3A_566 : f32 to vector<200x1xf32>
      %eq3A_568 = arith.cmpf oeq, %get3A_24, %eq3A_567 : vector<200x1xf32>
      %jit3A_569 = arith.constant -1.000000e+30 : f32
      %broadcast_in_dim3A_570 = vector.shape_cast %eq3A_568 : vector<200x1xi1> to vector<200x1xi1>
      %broadcast_in_dim3A_571 = vector.broadcast %broadcast_in_dim3A_570 : vector<200x1xi1> to vector<200x128xi1>
      %broadcast_in_dim3A_572 = vector.broadcast %jit3A_569 : f32 to vector<200x128xf32>
      %select_n3A_573 = arith.select %broadcast_in_dim3A_571, %max3A_21, %broadcast_in_dim3A_572 : vector<200x128xi1>, vector<200x128xf32>
      %reduce_max3A = arith.constant dense<0xFF800000> : vector<128xf32>
      %reduce_max3A_574 = vector.multi_reduction <maximumf>, %select_n3A_573, %reduce_max3A [0] : vector<200x128xf32> to vector<128xf32>
      %broadcast_in_dim3A_575 = vector.shape_cast %reduce_max3A_574 : vector<128xf32> to vector<1x128xf32>
      %get3A_576 = arith.constant 9 : index
      %get3A_577 = arith.constant 0 : index
      %get3A_578 = vector.load %arg9[%get3A_576, %get3A_577] : memref<64x128xf32, #tpu.memory_space<vmem>>, vector<1x128xf32>
      %max3A_579 = arith.maximumf %get3A_578, %broadcast_in_dim3A_575 : vector<1x128xf32>
      %swap3A_580 = arith.constant 9 : index
      %swap3A_581 = arith.constant 0 : index
      %swap3A_582 = vector.load %arg9[%swap3A_580, %swap3A_581] : memref<64x128xf32, #tpu.memory_space<vmem>>, vector<1x128xf32>
      tpu.vector_store %arg9[%swap3A_580, %swap3A_581], %max3A_579 {strides = array<i32>} : memref<64x128xf32, #tpu.memory_space<vmem>>, vector<1x128xf32>,
    } else {
    }
    %le3A_134 = arith.constant 1.000000e+01 : f32
    %le3A_135 = arith.cmpf ole, %get3A_52, %le3A_134 : f32
    %ge3A_136 = arith.constant 1.000000e+01 : f32
    %ge3A_137 = arith.cmpf oge, %get3A_56, %ge3A_136 : f32
    %and3A_138 = arith.andi %le3A_135, %ge3A_137 : i1
    %convert_element_type3A_139 = arith.extui %and3A_138 : i1 to i32
    %cond3A_140 = arith.constant 0 : i32
    %cond3A_141 = arith.cmpi ne, %convert_element_type3A_139, %cond3A_140 : i32
    scf.if %cond3A_141 {
      %eq3A_566 = arith.constant 1.000000e+01 : f32
      %eq3A_567 = vector.broadcast %eq3A_566 : f32 to vector<200x1xf32>
      %eq3A_568 = arith.cmpf oeq, %get3A_24, %eq3A_567 : vector<200x1xf32>
      %jit3A_569 = arith.constant -1.000000e+30 : f32
      %broadcast_in_dim3A_570 = vector.shape_cast %eq3A_568 : vector<200x1xi1> to vector<200x1xi1>
      %broadcast_in_dim3A_571 = vector.broadcast %broadcast_in_dim3A_570 : vector<200x1xi1> to vector<200x128xi1>
      %broadcast_in_dim3A_572 = vector.broadcast %jit3A_569 : f32 to vector<200x128xf32>
      %select_n3A_573 = arith.select %broadcast_in_dim3A_571, %max3A_21, %broadcast_in_dim3A_572 : vector<200x128xi1>, vector<200x128xf32>
      %reduce_max3A = arith.constant dense<0xFF800000> : vector<128xf32>
      %reduce_max3A_574 = vector.multi_reduction <maximumf>, %select_n3A_573, %reduce_max3A [0] : vector<200x128xf32> to vector<128xf32>
      %broadcast_in_dim3A_575 = vector.shape_cast %reduce_max3A_574 : vector<128xf32> to vector<1x128xf32>
      %get3A_576 = arith.constant 10 : index
      %get3A_577 = arith.constant 0 : index
      %get3A_578 = vector.load %arg9[%get3A_576, %get3A_577] : memref<64x128xf32, #tpu.memory_space<vmem>>, vector<1x128xf32>
      %max3A_579 = arith.maximumf %get3A_578, %broadcast_in_dim3A_575 : vector<1x128xf32>
      %swap3A_580 = arith.constant 10 : index
      %swap3A_581 = arith.constant 0 : index
      %swap3A_582 = vector.load %arg9[%swap3A_580, %swap3A_581] : memref<64x128xf32, #tpu.memory_space<vmem>>, vector<1x128xf32>
      tpu.vector_store %arg9[%swap3A_580, %swap3A_581], %max3A_579 {strides = array<i32>} : memref<64x128xf32, #tpu.memory_space<vmem>>, vector<1x128xf32>,
    } else {
    }
    %le3A_142 = arith.constant 1.100000e+01 : f32
    %le3A_143 = arith.cmpf ole, %get3A_52, %le3A_142 : f32
    %ge3A_144 = arith.constant 1.100000e+01 : f32
    %ge3A_145 = arith.cmpf oge, %get3A_56, %ge3A_144 : f32
    %and3A_146 = arith.andi %le3A_143, %ge3A_145 : i1
    %convert_element_type3A_147 = arith.extui %and3A_146 : i1 to i32
    %cond3A_148 = arith.constant 0 : i32
    %cond3A_149 = arith.cmpi ne, %convert_element_type3A_147, %cond3A_148 : i32
    scf.if %cond3A_149 {
      %eq3A_566 = arith.constant 1.100000e+01 : f32
      %eq3A_567 = vector.broadcast %eq3A_566 : f32 to vector<200x1xf32>
      %eq3A_568 = arith.cmpf oeq, %get3A_24, %eq3A_567 : vector<200x1xf32>
      %jit3A_569 = arith.constant -1.000000e+30 : f32
      %broadcast_in_dim3A_570 = vector.shape_cast %eq3A_568 : vector<200x1xi1> to vector<200x1xi1>
      %broadcast_in_dim3A_571 = vector.broadcast %broadcast_in_dim3A_570 : vector<200x1xi1> to vector<200x128xi1>
      %broadcast_in_dim3A_572 = vector.broadcast %jit3A_569 : f32 to vector<200x128xf32>
      %select_n3A_573 = arith.select %broadcast_in_dim3A_571, %max3A_21, %broadcast_in_dim3A_572 : vector<200x128xi1>, vector<200x128xf32>
      %reduce_max3A = arith.constant dense<0xFF800000> : vector<128xf32>
      %reduce_max3A_574 = vector.multi_reduction <maximumf>, %select_n3A_573, %reduce_max3A [0] : vector<200x128xf32> to vector<128xf32>
      %broadcast_in_dim3A_575 = vector.shape_cast %reduce_max3A_574 : vector<128xf32> to vector<1x128xf32>
      %get3A_576 = arith.constant 11 : index
      %get3A_577 = arith.constant 0 : index
      %get3A_578 = vector.load %arg9[%get3A_576, %get3A_577] : memref<64x128xf32, #tpu.memory_space<vmem>>, vector<1x128xf32>
      %max3A_579 = arith.maximumf %get3A_578, %broadcast_in_dim3A_575 : vector<1x128xf32>
      %swap3A_580 = arith.constant 11 : index
      %swap3A_581 = arith.constant 0 : index
      %swap3A_582 = vector.load %arg9[%swap3A_580, %swap3A_581] : memref<64x128xf32, #tpu.memory_space<vmem>>, vector<1x128xf32>
      tpu.vector_store %arg9[%swap3A_580, %swap3A_581], %max3A_579 {strides = array<i32>} : memref<64x128xf32, #tpu.memory_space<vmem>>, vector<1x128xf32>,
    } else {
    }
    %le3A_150 = arith.constant 1.200000e+01 : f32
    %le3A_151 = arith.cmpf ole, %get3A_52, %le3A_150 : f32
    %ge3A_152 = arith.constant 1.200000e+01 : f32
    %ge3A_153 = arith.cmpf oge, %get3A_56, %ge3A_152 : f32
    %and3A_154 = arith.andi %le3A_151, %ge3A_153 : i1
    %convert_element_type3A_155 = arith.extui %and3A_154 : i1 to i32
    %cond3A_156 = arith.constant 0 : i32
    %cond3A_157 = arith.cmpi ne, %convert_element_type3A_155, %cond3A_156 : i32
    scf.if %cond3A_157 {
      %eq3A_566 = arith.constant 1.200000e+01 : f32
      %eq3A_567 = vector.broadcast %eq3A_566 : f32 to vector<200x1xf32>
      %eq3A_568 = arith.cmpf oeq, %get3A_24, %eq3A_567 : vector<200x1xf32>
      %jit3A_569 = arith.constant -1.000000e+30 : f32
      %broadcast_in_dim3A_570 = vector.shape_cast %eq3A_568 : vector<200x1xi1> to vector<200x1xi1>
      %broadcast_in_dim3A_571 = vector.broadcast %broadcast_in_dim3A_570 : vector<200x1xi1> to vector<200x128xi1>
      %broadcast_in_dim3A_572 = vector.broadcast %jit3A_569 : f32 to vector<200x128xf32>
      %select_n3A_573 = arith.select %broadcast_in_dim3A_571, %max3A_21, %broadcast_in_dim3A_572 : vector<200x128xi1>, vector<200x128xf32>
      %reduce_max3A = arith.constant dense<0xFF800000> : vector<128xf32>
      %reduce_max3A_574 = vector.multi_reduction <maximumf>, %select_n3A_573, %reduce_max3A [0] : vector<200x128xf32> to vector<128xf32>
      %broadcast_in_dim3A_575 = vector.shape_cast %reduce_max3A_574 : vector<128xf32> to vector<1x128xf32>
      %get3A_576 = arith.constant 12 : index
      %get3A_577 = arith.constant 0 : index
      %get3A_578 = vector.load %arg9[%get3A_576, %get3A_577] : memref<64x128xf32, #tpu.memory_space<vmem>>, vector<1x128xf32>
      %max3A_579 = arith.maximumf %get3A_578, %broadcast_in_dim3A_575 : vector<1x128xf32>
      %swap3A_580 = arith.constant 12 : index
      %swap3A_581 = arith.constant 0 : index
      %swap3A_582 = vector.load %arg9[%swap3A_580, %swap3A_581] : memref<64x128xf32, #tpu.memory_space<vmem>>, vector<1x128xf32>
      tpu.vector_store %arg9[%swap3A_580, %swap3A_581], %max3A_579 {strides = array<i32>} : memref<64x128xf32, #tpu.memory_space<vmem>>, vector<1x128xf32>,
    } else {
    }
    %le3A_158 = arith.constant 1.300000e+01 : f32
    %le3A_159 = arith.cmpf ole, %get3A_52, %le3A_158 : f32
    %ge3A_160 = arith.constant 1.300000e+01 : f32
    %ge3A_161 = arith.cmpf oge, %get3A_56, %ge3A_160 : f32
    %and3A_162 = arith.andi %le3A_159, %ge3A_161 : i1
    %convert_element_type3A_163 = arith.extui %and3A_162 : i1 to i32
    %cond3A_164 = arith.constant 0 : i32
    %cond3A_165 = arith.cmpi ne, %convert_element_type3A_163, %cond3A_164 : i32
    scf.if %cond3A_165 {
      %eq3A_566 = arith.constant 1.300000e+01 : f32
      %eq3A_567 = vector.broadcast %eq3A_566 : f32 to vector<200x1xf32>
      %eq3A_568 = arith.cmpf oeq, %get3A_24, %eq3A_567 : vector<200x1xf32>
      %jit3A_569 = arith.constant -1.000000e+30 : f32
      %broadcast_in_dim3A_570 = vector.shape_cast %eq3A_568 : vector<200x1xi1> to vector<200x1xi1>
      %broadcast_in_dim3A_571 = vector.broadcast %broadcast_in_dim3A_570 : vector<200x1xi1> to vector<200x128xi1>
      %broadcast_in_dim3A_572 = vector.broadcast %jit3A_569 : f32 to vector<200x128xf32>
      %select_n3A_573 = arith.select %broadcast_in_dim3A_571, %max3A_21, %broadcast_in_dim3A_572 : vector<200x128xi1>, vector<200x128xf32>
      %reduce_max3A = arith.constant dense<0xFF800000> : vector<128xf32>
      %reduce_max3A_574 = vector.multi_reduction <maximumf>, %select_n3A_573, %reduce_max3A [0] : vector<200x128xf32> to vector<128xf32>
      %broadcast_in_dim3A_575 = vector.shape_cast %reduce_max3A_574 : vector<128xf32> to vector<1x128xf32>
      %get3A_576 = arith.constant 13 : index
      %get3A_577 = arith.constant 0 : index
      %get3A_578 = vector.load %arg9[%get3A_576, %get3A_577] : memref<64x128xf32, #tpu.memory_space<vmem>>, vector<1x128xf32>
      %max3A_579 = arith.maximumf %get3A_578, %broadcast_in_dim3A_575 : vector<1x128xf32>
      %swap3A_580 = arith.constant 13 : index
      %swap3A_581 = arith.constant 0 : index
      %swap3A_582 = vector.load %arg9[%swap3A_580, %swap3A_581] : memref<64x128xf32, #tpu.memory_space<vmem>>, vector<1x128xf32>
      tpu.vector_store %arg9[%swap3A_580, %swap3A_581], %max3A_579 {strides = array<i32>} : memref<64x128xf32, #tpu.memory_space<vmem>>, vector<1x128xf32>,
    } else {
    }
    %le3A_166 = arith.constant 1.400000e+01 : f32
    %le3A_167 = arith.cmpf ole, %get3A_52, %le3A_166 : f32
    %ge3A_168 = arith.constant 1.400000e+01 : f32
    %ge3A_169 = arith.cmpf oge, %get3A_56, %ge3A_168 : f32
    %and3A_170 = arith.andi %le3A_167, %ge3A_169 : i1
    %convert_element_type3A_171 = arith.extui %and3A_170 : i1 to i32
    %cond3A_172 = arith.constant 0 : i32
    %cond3A_173 = arith.cmpi ne, %convert_element_type3A_171, %cond3A_172 : i32
    scf.if %cond3A_173 {
      %eq3A_566 = arith.constant 1.400000e+01 : f32
      %eq3A_567 = vector.broadcast %eq3A_566 : f32 to vector<200x1xf32>
      %eq3A_568 = arith.cmpf oeq, %get3A_24, %eq3A_567 : vector<200x1xf32>
      %jit3A_569 = arith.constant -1.000000e+30 : f32
      %broadcast_in_dim3A_570 = vector.shape_cast %eq3A_568 : vector<200x1xi1> to vector<200x1xi1>
      %broadcast_in_dim3A_571 = vector.broadcast %broadcast_in_dim3A_570 : vector<200x1xi1> to vector<200x128xi1>
      %broadcast_in_dim3A_572 = vector.broadcast %jit3A_569 : f32 to vector<200x128xf32>
      %select_n3A_573 = arith.select %broadcast_in_dim3A_571, %max3A_21, %broadcast_in_dim3A_572 : vector<200x128xi1>, vector<200x128xf32>
      %reduce_max3A = arith.constant dense<0xFF800000> : vector<128xf32>
      %reduce_max3A_574 = vector.multi_reduction <maximumf>, %select_n3A_573, %reduce_max3A [0] : vector<200x128xf32> to vector<128xf32>
      %broadcast_in_dim3A_575 = vector.shape_cast %reduce_max3A_574 : vector<128xf32> to vector<1x128xf32>
      %get3A_576 = arith.constant 14 : index
      %get3A_577 = arith.constant 0 : index
      %get3A_578 = vector.load %arg9[%get3A_576, %get3A_577] : memref<64x128xf32, #tpu.memory_space<vmem>>, vector<1x128xf32>
      %max3A_579 = arith.maximumf %get3A_578, %broadcast_in_dim3A_575 : vector<1x128xf32>
      %swap3A_580 = arith.constant 14 : index
      %swap3A_581 = arith.constant 0 : index
      %swap3A_582 = vector.load %arg9[%swap3A_580, %swap3A_581] : memref<64x128xf32, #tpu.memory_space<vmem>>, vector<1x128xf32>
      tpu.vector_store %arg9[%swap3A_580, %swap3A_581], %max3A_579 {strides = array<i32>} : memref<64x128xf32, #tpu.memory_space<vmem>>, vector<1x128xf32>,
    } else {
    }
    %le3A_174 = arith.constant 1.500000e+01 : f32
    %le3A_175 = arith.cmpf ole, %get3A_52, %le3A_174 : f32
    %ge3A_176 = arith.constant 1.500000e+01 : f32
    %ge3A_177 = arith.cmpf oge, %get3A_56, %ge3A_176 : f32
    %and3A_178 = arith.andi %le3A_175, %ge3A_177 : i1
    %convert_element_type3A_179 = arith.extui %and3A_178 : i1 to i32
    %cond3A_180 = arith.constant 0 : i32
    %cond3A_181 = arith.cmpi ne, %convert_element_type3A_179, %cond3A_180 : i32
    scf.if %cond3A_181 {
      %eq3A_566 = arith.constant 1.500000e+01 : f32
      %eq3A_567 = vector.broadcast %eq3A_566 : f32 to vector<200x1xf32>
      %eq3A_568 = arith.cmpf oeq, %get3A_24, %eq3A_567 : vector<200x1xf32>
      %jit3A_569 = arith.constant -1.000000e+30 : f32
      %broadcast_in_dim3A_570 = vector.shape_cast %eq3A_568 : vector<200x1xi1> to vector<200x1xi1>
      %broadcast_in_dim3A_571 = vector.broadcast %broadcast_in_dim3A_570 : vector<200x1xi1> to vector<200x128xi1>
      %broadcast_in_dim3A_572 = vector.broadcast %jit3A_569 : f32 to vector<200x128xf32>
      %select_n3A_573 = arith.select %broadcast_in_dim3A_571, %max3A_21, %broadcast_in_dim3A_572 : vector<200x128xi1>, vector<200x128xf32>
      %reduce_max3A = arith.constant dense<0xFF800000> : vector<128xf32>
      %reduce_max3A_574 = vector.multi_reduction <maximumf>, %select_n3A_573, %reduce_max3A [0] : vector<200x128xf32> to vector<128xf32>
      %broadcast_in_dim3A_575 = vector.shape_cast %reduce_max3A_574 : vector<128xf32> to vector<1x128xf32>
      %get3A_576 = arith.constant 15 : index
      %get3A_577 = arith.constant 0 : index
      %get3A_578 = vector.load %arg9[%get3A_576, %get3A_577] : memref<64x128xf32, #tpu.memory_space<vmem>>, vector<1x128xf32>
      %max3A_579 = arith.maximumf %get3A_578, %broadcast_in_dim3A_575 : vector<1x128xf32>
      %swap3A_580 = arith.constant 15 : index
      %swap3A_581 = arith.constant 0 : index
      %swap3A_582 = vector.load %arg9[%swap3A_580, %swap3A_581] : memref<64x128xf32, #tpu.memory_space<vmem>>, vector<1x128xf32>
      tpu.vector_store %arg9[%swap3A_580, %swap3A_581], %max3A_579 {strides = array<i32>} : memref<64x128xf32, #tpu.memory_space<vmem>>, vector<1x128xf32>,
    } else {
    }
    %le3A_182 = arith.constant 1.600000e+01 : f32
    %le3A_183 = arith.cmpf ole, %get3A_52, %le3A_182 : f32
    %ge3A_184 = arith.constant 1.600000e+01 : f32
    %ge3A_185 = arith.cmpf oge, %get3A_56, %ge3A_184 : f32
    %and3A_186 = arith.andi %le3A_183, %ge3A_185 : i1
    %convert_element_type3A_187 = arith.extui %and3A_186 : i1 to i32
    %cond3A_188 = arith.constant 0 : i32
    %cond3A_189 = arith.cmpi ne, %convert_element_type3A_187, %cond3A_188 : i32
    scf.if %cond3A_189 {
      %eq3A_566 = arith.constant 1.600000e+01 : f32
      %eq3A_567 = vector.broadcast %eq3A_566 : f32 to vector<200x1xf32>
      %eq3A_568 = arith.cmpf oeq, %get3A_24, %eq3A_567 : vector<200x1xf32>
      %jit3A_569 = arith.constant -1.000000e+30 : f32
      %broadcast_in_dim3A_570 = vector.shape_cast %eq3A_568 : vector<200x1xi1> to vector<200x1xi1>
      %broadcast_in_dim3A_571 = vector.broadcast %broadcast_in_dim3A_570 : vector<200x1xi1> to vector<200x128xi1>
      %broadcast_in_dim3A_572 = vector.broadcast %jit3A_569 : f32 to vector<200x128xf32>
      %select_n3A_573 = arith.select %broadcast_in_dim3A_571, %max3A_21, %broadcast_in_dim3A_572 : vector<200x128xi1>, vector<200x128xf32>
      %reduce_max3A = arith.constant dense<0xFF800000> : vector<128xf32>
      %reduce_max3A_574 = vector.multi_reduction <maximumf>, %select_n3A_573, %reduce_max3A [0] : vector<200x128xf32> to vector<128xf32>
      %broadcast_in_dim3A_575 = vector.shape_cast %reduce_max3A_574 : vector<128xf32> to vector<1x128xf32>
      %get3A_576 = arith.constant 16 : index
      %get3A_577 = arith.constant 0 : index
      %get3A_578 = vector.load %arg9[%get3A_576, %get3A_577] : memref<64x128xf32, #tpu.memory_space<vmem>>, vector<1x128xf32>
      %max3A_579 = arith.maximumf %get3A_578, %broadcast_in_dim3A_575 : vector<1x128xf32>
      %swap3A_580 = arith.constant 16 : index
      %swap3A_581 = arith.constant 0 : index
      %swap3A_582 = vector.load %arg9[%swap3A_580, %swap3A_581] : memref<64x128xf32, #tpu.memory_space<vmem>>, vector<1x128xf32>
      tpu.vector_store %arg9[%swap3A_580, %swap3A_581], %max3A_579 {strides = array<i32>} : memref<64x128xf32, #tpu.memory_space<vmem>>, vector<1x128xf32>,
    } else {
    }
    %le3A_190 = arith.constant 1.700000e+01 : f32
    %le3A_191 = arith.cmpf ole, %get3A_52, %le3A_190 : f32
    %ge3A_192 = arith.constant 1.700000e+01 : f32
    %ge3A_193 = arith.cmpf oge, %get3A_56, %ge3A_192 : f32
    %and3A_194 = arith.andi %le3A_191, %ge3A_193 : i1
    %convert_element_type3A_195 = arith.extui %and3A_194 : i1 to i32
    %cond3A_196 = arith.constant 0 : i32
    %cond3A_197 = arith.cmpi ne, %convert_element_type3A_195, %cond3A_196 : i32
    scf.if %cond3A_197 {
      %eq3A_566 = arith.constant 1.700000e+01 : f32
      %eq3A_567 = vector.broadcast %eq3A_566 : f32 to vector<200x1xf32>
      %eq3A_568 = arith.cmpf oeq, %get3A_24, %eq3A_567 : vector<200x1xf32>
      %jit3A_569 = arith.constant -1.000000e+30 : f32
      %broadcast_in_dim3A_570 = vector.shape_cast %eq3A_568 : vector<200x1xi1> to vector<200x1xi1>
      %broadcast_in_dim3A_571 = vector.broadcast %broadcast_in_dim3A_570 : vector<200x1xi1> to vector<200x128xi1>
      %broadcast_in_dim3A_572 = vector.broadcast %jit3A_569 : f32 to vector<200x128xf32>
      %select_n3A_573 = arith.select %broadcast_in_dim3A_571, %max3A_21, %broadcast_in_dim3A_572 : vector<200x128xi1>, vector<200x128xf32>
      %reduce_max3A = arith.constant dense<0xFF800000> : vector<128xf32>
      %reduce_max3A_574 = vector.multi_reduction <maximumf>, %select_n3A_573, %reduce_max3A [0] : vector<200x128xf32> to vector<128xf32>
      %broadcast_in_dim3A_575 = vector.shape_cast %reduce_max3A_574 : vector<128xf32> to vector<1x128xf32>
      %get3A_576 = arith.constant 17 : index
      %get3A_577 = arith.constant 0 : index
      %get3A_578 = vector.load %arg9[%get3A_576, %get3A_577] : memref<64x128xf32, #tpu.memory_space<vmem>>, vector<1x128xf32>
      %max3A_579 = arith.maximumf %get3A_578, %broadcast_in_dim3A_575 : vector<1x128xf32>
      %swap3A_580 = arith.constant 17 : index
      %swap3A_581 = arith.constant 0 : index
      %swap3A_582 = vector.load %arg9[%swap3A_580, %swap3A_581] : memref<64x128xf32, #tpu.memory_space<vmem>>, vector<1x128xf32>
      tpu.vector_store %arg9[%swap3A_580, %swap3A_581], %max3A_579 {strides = array<i32>} : memref<64x128xf32, #tpu.memory_space<vmem>>, vector<1x128xf32>,
    } else {
    }
    %le3A_198 = arith.constant 1.800000e+01 : f32
    %le3A_199 = arith.cmpf ole, %get3A_52, %le3A_198 : f32
    %ge3A_200 = arith.constant 1.800000e+01 : f32
    %ge3A_201 = arith.cmpf oge, %get3A_56, %ge3A_200 : f32
    %and3A_202 = arith.andi %le3A_199, %ge3A_201 : i1
    %convert_element_type3A_203 = arith.extui %and3A_202 : i1 to i32
    %cond3A_204 = arith.constant 0 : i32
    %cond3A_205 = arith.cmpi ne, %convert_element_type3A_203, %cond3A_204 : i32
    scf.if %cond3A_205 {
      %eq3A_566 = arith.constant 1.800000e+01 : f32
      %eq3A_567 = vector.broadcast %eq3A_566 : f32 to vector<200x1xf32>
      %eq3A_568 = arith.cmpf oeq, %get3A_24, %eq3A_567 : vector<200x1xf32>
      %jit3A_569 = arith.constant -1.000000e+30 : f32
      %broadcast_in_dim3A_570 = vector.shape_cast %eq3A_568 : vector<200x1xi1> to vector<200x1xi1>
      %broadcast_in_dim3A_571 = vector.broadcast %broadcast_in_dim3A_570 : vector<200x1xi1> to vector<200x128xi1>
      %broadcast_in_dim3A_572 = vector.broadcast %jit3A_569 : f32 to vector<200x128xf32>
      %select_n3A_573 = arith.select %broadcast_in_dim3A_571, %max3A_21, %broadcast_in_dim3A_572 : vector<200x128xi1>, vector<200x128xf32>
      %reduce_max3A = arith.constant dense<0xFF800000> : vector<128xf32>
      %reduce_max3A_574 = vector.multi_reduction <maximumf>, %select_n3A_573, %reduce_max3A [0] : vector<200x128xf32> to vector<128xf32>
      %broadcast_in_dim3A_575 = vector.shape_cast %reduce_max3A_574 : vector<128xf32> to vector<1x128xf32>
      %get3A_576 = arith.constant 18 : index
      %get3A_577 = arith.constant 0 : index
      %get3A_578 = vector.load %arg9[%get3A_576, %get3A_577] : memref<64x128xf32, #tpu.memory_space<vmem>>, vector<1x128xf32>
      %max3A_579 = arith.maximumf %get3A_578, %broadcast_in_dim3A_575 : vector<1x128xf32>
      %swap3A_580 = arith.constant 18 : index
      %swap3A_581 = arith.constant 0 : index
      %swap3A_582 = vector.load %arg9[%swap3A_580, %swap3A_581] : memref<64x128xf32, #tpu.memory_space<vmem>>, vector<1x128xf32>
      tpu.vector_store %arg9[%swap3A_580, %swap3A_581], %max3A_579 {strides = array<i32>} : memref<64x128xf32, #tpu.memory_space<vmem>>, vector<1x128xf32>,
    } else {
    }
    %le3A_206 = arith.constant 1.900000e+01 : f32
    %le3A_207 = arith.cmpf ole, %get3A_52, %le3A_206 : f32
    %ge3A_208 = arith.constant 1.900000e+01 : f32
    %ge3A_209 = arith.cmpf oge, %get3A_56, %ge3A_208 : f32
    %and3A_210 = arith.andi %le3A_207, %ge3A_209 : i1
    %convert_element_type3A_211 = arith.extui %and3A_210 : i1 to i32
    %cond3A_212 = arith.constant 0 : i32
    %cond3A_213 = arith.cmpi ne, %convert_element_type3A_211, %cond3A_212 : i32
    scf.if %cond3A_213 {
      %eq3A_566 = arith.constant 1.900000e+01 : f32
      %eq3A_567 = vector.broadcast %eq3A_566 : f32 to vector<200x1xf32>
      %eq3A_568 = arith.cmpf oeq, %get3A_24, %eq3A_567 : vector<200x1xf32>
      %jit3A_569 = arith.constant -1.000000e+30 : f32
      %broadcast_in_dim3A_570 = vector.shape_cast %eq3A_568 : vector<200x1xi1> to vector<200x1xi1>
      %broadcast_in_dim3A_571 = vector.broadcast %broadcast_in_dim3A_570 : vector<200x1xi1> to vector<200x128xi1>
      %broadcast_in_dim3A_572 = vector.broadcast %jit3A_569 : f32 to vector<200x128xf32>
      %select_n3A_573 = arith.select %broadcast_in_dim3A_571, %max3A_21, %broadcast_in_dim3A_572 : vector<200x128xi1>, vector<200x128xf32>
      %reduce_max3A = arith.constant dense<0xFF800000> : vector<128xf32>
      %reduce_max3A_574 = vector.multi_reduction <maximumf>, %select_n3A_573, %reduce_max3A [0] : vector<200x128xf32> to vector<128xf32>
      %broadcast_in_dim3A_575 = vector.shape_cast %reduce_max3A_574 : vector<128xf32> to vector<1x128xf32>
      %get3A_576 = arith.constant 19 : index
      %get3A_577 = arith.constant 0 : index
      %get3A_578 = vector.load %arg9[%get3A_576, %get3A_577] : memref<64x128xf32, #tpu.memory_space<vmem>>, vector<1x128xf32>
      %max3A_579 = arith.maximumf %get3A_578, %broadcast_in_dim3A_575 : vector<1x128xf32>
      %swap3A_580 = arith.constant 19 : index
      %swap3A_581 = arith.constant 0 : index
      %swap3A_582 = vector.load %arg9[%swap3A_580, %swap3A_581] : memref<64x128xf32, #tpu.memory_space<vmem>>, vector<1x128xf32>
      tpu.vector_store %arg9[%swap3A_580, %swap3A_581], %max3A_579 {strides = array<i32>} : memref<64x128xf32, #tpu.memory_space<vmem>>, vector<1x128xf32>,
    } else {
    }
    %le3A_214 = arith.constant 2.000000e+01 : f32
    %le3A_215 = arith.cmpf ole, %get3A_52, %le3A_214 : f32
    %ge3A_216 = arith.constant 2.000000e+01 : f32
    %ge3A_217 = arith.cmpf oge, %get3A_56, %ge3A_216 : f32
    %and3A_218 = arith.andi %le3A_215, %ge3A_217 : i1
    %convert_element_type3A_219 = arith.extui %and3A_218 : i1 to i32
    %cond3A_220 = arith.constant 0 : i32
    %cond3A_221 = arith.cmpi ne, %convert_element_type3A_219, %cond3A_220 : i32
    scf.if %cond3A_221 {
      %eq3A_566 = arith.constant 2.000000e+01 : f32
      %eq3A_567 = vector.broadcast %eq3A_566 : f32 to vector<200x1xf32>
      %eq3A_568 = arith.cmpf oeq, %get3A_24, %eq3A_567 : vector<200x1xf32>
      %jit3A_569 = arith.constant -1.000000e+30 : f32
      %broadcast_in_dim3A_570 = vector.shape_cast %eq3A_568 : vector<200x1xi1> to vector<200x1xi1>
      %broadcast_in_dim3A_571 = vector.broadcast %broadcast_in_dim3A_570 : vector<200x1xi1> to vector<200x128xi1>
      %broadcast_in_dim3A_572 = vector.broadcast %jit3A_569 : f32 to vector<200x128xf32>
      %select_n3A_573 = arith.select %broadcast_in_dim3A_571, %max3A_21, %broadcast_in_dim3A_572 : vector<200x128xi1>, vector<200x128xf32>
      %reduce_max3A = arith.constant dense<0xFF800000> : vector<128xf32>
      %reduce_max3A_574 = vector.multi_reduction <maximumf>, %select_n3A_573, %reduce_max3A [0] : vector<200x128xf32> to vector<128xf32>
      %broadcast_in_dim3A_575 = vector.shape_cast %reduce_max3A_574 : vector<128xf32> to vector<1x128xf32>
      %get3A_576 = arith.constant 20 : index
      %get3A_577 = arith.constant 0 : index
      %get3A_578 = vector.load %arg9[%get3A_576, %get3A_577] : memref<64x128xf32, #tpu.memory_space<vmem>>, vector<1x128xf32>
      %max3A_579 = arith.maximumf %get3A_578, %broadcast_in_dim3A_575 : vector<1x128xf32>
      %swap3A_580 = arith.constant 20 : index
      %swap3A_581 = arith.constant 0 : index
      %swap3A_582 = vector.load %arg9[%swap3A_580, %swap3A_581] : memref<64x128xf32, #tpu.memory_space<vmem>>, vector<1x128xf32>
      tpu.vector_store %arg9[%swap3A_580, %swap3A_581], %max3A_579 {strides = array<i32>} : memref<64x128xf32, #tpu.memory_space<vmem>>, vector<1x128xf32>,
    } else {
    }
    %le3A_222 = arith.constant 2.100000e+01 : f32
    %le3A_223 = arith.cmpf ole, %get3A_52, %le3A_222 : f32
    %ge3A_224 = arith.constant 2.100000e+01 : f32
    %ge3A_225 = arith.cmpf oge, %get3A_56, %ge3A_224 : f32
    %and3A_226 = arith.andi %le3A_223, %ge3A_225 : i1
    %convert_element_type3A_227 = arith.extui %and3A_226 : i1 to i32
    %cond3A_228 = arith.constant 0 : i32
    %cond3A_229 = arith.cmpi ne, %convert_element_type3A_227, %cond3A_228 : i32
    scf.if %cond3A_229 {
      %eq3A_566 = arith.constant 2.100000e+01 : f32
      %eq3A_567 = vector.broadcast %eq3A_566 : f32 to vector<200x1xf32>
      %eq3A_568 = arith.cmpf oeq, %get3A_24, %eq3A_567 : vector<200x1xf32>
      %jit3A_569 = arith.constant -1.000000e+30 : f32
      %broadcast_in_dim3A_570 = vector.shape_cast %eq3A_568 : vector<200x1xi1> to vector<200x1xi1>
      %broadcast_in_dim3A_571 = vector.broadcast %broadcast_in_dim3A_570 : vector<200x1xi1> to vector<200x128xi1>
      %broadcast_in_dim3A_572 = vector.broadcast %jit3A_569 : f32 to vector<200x128xf32>
      %select_n3A_573 = arith.select %broadcast_in_dim3A_571, %max3A_21, %broadcast_in_dim3A_572 : vector<200x128xi1>, vector<200x128xf32>
      %reduce_max3A = arith.constant dense<0xFF800000> : vector<128xf32>
      %reduce_max3A_574 = vector.multi_reduction <maximumf>, %select_n3A_573, %reduce_max3A [0] : vector<200x128xf32> to vector<128xf32>
      %broadcast_in_dim3A_575 = vector.shape_cast %reduce_max3A_574 : vector<128xf32> to vector<1x128xf32>
      %get3A_576 = arith.constant 21 : index
      %get3A_577 = arith.constant 0 : index
      %get3A_578 = vector.load %arg9[%get3A_576, %get3A_577] : memref<64x128xf32, #tpu.memory_space<vmem>>, vector<1x128xf32>
      %max3A_579 = arith.maximumf %get3A_578, %broadcast_in_dim3A_575 : vector<1x128xf32>
      %swap3A_580 = arith.constant 21 : index
      %swap3A_581 = arith.constant 0 : index
      %swap3A_582 = vector.load %arg9[%swap3A_580, %swap3A_581] : memref<64x128xf32, #tpu.memory_space<vmem>>, vector<1x128xf32>
      tpu.vector_store %arg9[%swap3A_580, %swap3A_581], %max3A_579 {strides = array<i32>} : memref<64x128xf32, #tpu.memory_space<vmem>>, vector<1x128xf32>,
    } else {
    }
    %le3A_230 = arith.constant 2.200000e+01 : f32
    %le3A_231 = arith.cmpf ole, %get3A_52, %le3A_230 : f32
    %ge3A_232 = arith.constant 2.200000e+01 : f32
    %ge3A_233 = arith.cmpf oge, %get3A_56, %ge3A_232 : f32
    %and3A_234 = arith.andi %le3A_231, %ge3A_233 : i1
    %convert_element_type3A_235 = arith.extui %and3A_234 : i1 to i32
    %cond3A_236 = arith.constant 0 : i32
    %cond3A_237 = arith.cmpi ne, %convert_element_type3A_235, %cond3A_236 : i32
    scf.if %cond3A_237 {
      %eq3A_566 = arith.constant 2.200000e+01 : f32
      %eq3A_567 = vector.broadcast %eq3A_566 : f32 to vector<200x1xf32>
      %eq3A_568 = arith.cmpf oeq, %get3A_24, %eq3A_567 : vector<200x1xf32>
      %jit3A_569 = arith.constant -1.000000e+30 : f32
      %broadcast_in_dim3A_570 = vector.shape_cast %eq3A_568 : vector<200x1xi1> to vector<200x1xi1>
      %broadcast_in_dim3A_571 = vector.broadcast %broadcast_in_dim3A_570 : vector<200x1xi1> to vector<200x128xi1>
      %broadcast_in_dim3A_572 = vector.broadcast %jit3A_569 : f32 to vector<200x128xf32>
      %select_n3A_573 = arith.select %broadcast_in_dim3A_571, %max3A_21, %broadcast_in_dim3A_572 : vector<200x128xi1>, vector<200x128xf32>
      %reduce_max3A = arith.constant dense<0xFF800000> : vector<128xf32>
      %reduce_max3A_574 = vector.multi_reduction <maximumf>, %select_n3A_573, %reduce_max3A [0] : vector<200x128xf32> to vector<128xf32>
      %broadcast_in_dim3A_575 = vector.shape_cast %reduce_max3A_574 : vector<128xf32> to vector<1x128xf32>
      %get3A_576 = arith.constant 22 : index
      %get3A_577 = arith.constant 0 : index
      %get3A_578 = vector.load %arg9[%get3A_576, %get3A_577] : memref<64x128xf32, #tpu.memory_space<vmem>>, vector<1x128xf32>
      %max3A_579 = arith.maximumf %get3A_578, %broadcast_in_dim3A_575 : vector<1x128xf32>
      %swap3A_580 = arith.constant 22 : index
      %swap3A_581 = arith.constant 0 : index
      %swap3A_582 = vector.load %arg9[%swap3A_580, %swap3A_581] : memref<64x128xf32, #tpu.memory_space<vmem>>, vector<1x128xf32>
      tpu.vector_store %arg9[%swap3A_580, %swap3A_581], %max3A_579 {strides = array<i32>} : memref<64x128xf32, #tpu.memory_space<vmem>>, vector<1x128xf32>,
    } else {
    }
    %le3A_238 = arith.constant 2.300000e+01 : f32
    %le3A_239 = arith.cmpf ole, %get3A_52, %le3A_238 : f32
    %ge3A_240 = arith.constant 2.300000e+01 : f32
    %ge3A_241 = arith.cmpf oge, %get3A_56, %ge3A_240 : f32
    %and3A_242 = arith.andi %le3A_239, %ge3A_241 : i1
    %convert_element_type3A_243 = arith.extui %and3A_242 : i1 to i32
    %cond3A_244 = arith.constant 0 : i32
    %cond3A_245 = arith.cmpi ne, %convert_element_type3A_243, %cond3A_244 : i32
    scf.if %cond3A_245 {
      %eq3A_566 = arith.constant 2.300000e+01 : f32
      %eq3A_567 = vector.broadcast %eq3A_566 : f32 to vector<200x1xf32>
      %eq3A_568 = arith.cmpf oeq, %get3A_24, %eq3A_567 : vector<200x1xf32>
      %jit3A_569 = arith.constant -1.000000e+30 : f32
      %broadcast_in_dim3A_570 = vector.shape_cast %eq3A_568 : vector<200x1xi1> to vector<200x1xi1>
      %broadcast_in_dim3A_571 = vector.broadcast %broadcast_in_dim3A_570 : vector<200x1xi1> to vector<200x128xi1>
      %broadcast_in_dim3A_572 = vector.broadcast %jit3A_569 : f32 to vector<200x128xf32>
      %select_n3A_573 = arith.select %broadcast_in_dim3A_571, %max3A_21, %broadcast_in_dim3A_572 : vector<200x128xi1>, vector<200x128xf32>
      %reduce_max3A = arith.constant dense<0xFF800000> : vector<128xf32>
      %reduce_max3A_574 = vector.multi_reduction <maximumf>, %select_n3A_573, %reduce_max3A [0] : vector<200x128xf32> to vector<128xf32>
      %broadcast_in_dim3A_575 = vector.shape_cast %reduce_max3A_574 : vector<128xf32> to vector<1x128xf32>
      %get3A_576 = arith.constant 23 : index
      %get3A_577 = arith.constant 0 : index
      %get3A_578 = vector.load %arg9[%get3A_576, %get3A_577] : memref<64x128xf32, #tpu.memory_space<vmem>>, vector<1x128xf32>
      %max3A_579 = arith.maximumf %get3A_578, %broadcast_in_dim3A_575 : vector<1x128xf32>
      %swap3A_580 = arith.constant 23 : index
      %swap3A_581 = arith.constant 0 : index
      %swap3A_582 = vector.load %arg9[%swap3A_580, %swap3A_581] : memref<64x128xf32, #tpu.memory_space<vmem>>, vector<1x128xf32>
      tpu.vector_store %arg9[%swap3A_580, %swap3A_581], %max3A_579 {strides = array<i32>} : memref<64x128xf32, #tpu.memory_space<vmem>>, vector<1x128xf32>,
    } else {
    }
    %le3A_246 = arith.constant 2.400000e+01 : f32
    %le3A_247 = arith.cmpf ole, %get3A_52, %le3A_246 : f32
    %ge3A_248 = arith.constant 2.400000e+01 : f32
    %ge3A_249 = arith.cmpf oge, %get3A_56, %ge3A_248 : f32
    %and3A_250 = arith.andi %le3A_247, %ge3A_249 : i1
    %convert_element_type3A_251 = arith.extui %and3A_250 : i1 to i32
    %cond3A_252 = arith.constant 0 : i32
    %cond3A_253 = arith.cmpi ne, %convert_element_type3A_251, %cond3A_252 : i32
    scf.if %cond3A_253 {
      %eq3A_566 = arith.constant 2.400000e+01 : f32
      %eq3A_567 = vector.broadcast %eq3A_566 : f32 to vector<200x1xf32>
      %eq3A_568 = arith.cmpf oeq, %get3A_24, %eq3A_567 : vector<200x1xf32>
      %jit3A_569 = arith.constant -1.000000e+30 : f32
      %broadcast_in_dim3A_570 = vector.shape_cast %eq3A_568 : vector<200x1xi1> to vector<200x1xi1>
      %broadcast_in_dim3A_571 = vector.broadcast %broadcast_in_dim3A_570 : vector<200x1xi1> to vector<200x128xi1>
      %broadcast_in_dim3A_572 = vector.broadcast %jit3A_569 : f32 to vector<200x128xf32>
      %select_n3A_573 = arith.select %broadcast_in_dim3A_571, %max3A_21, %broadcast_in_dim3A_572 : vector<200x128xi1>, vector<200x128xf32>
      %reduce_max3A = arith.constant dense<0xFF800000> : vector<128xf32>
      %reduce_max3A_574 = vector.multi_reduction <maximumf>, %select_n3A_573, %reduce_max3A [0] : vector<200x128xf32> to vector<128xf32>
      %broadcast_in_dim3A_575 = vector.shape_cast %reduce_max3A_574 : vector<128xf32> to vector<1x128xf32>
      %get3A_576 = arith.constant 24 : index
      %get3A_577 = arith.constant 0 : index
      %get3A_578 = vector.load %arg9[%get3A_576, %get3A_577] : memref<64x128xf32, #tpu.memory_space<vmem>>, vector<1x128xf32>
      %max3A_579 = arith.maximumf %get3A_578, %broadcast_in_dim3A_575 : vector<1x128xf32>
      %swap3A_580 = arith.constant 24 : index
      %swap3A_581 = arith.constant 0 : index
      %swap3A_582 = vector.load %arg9[%swap3A_580, %swap3A_581] : memref<64x128xf32, #tpu.memory_space<vmem>>, vector<1x128xf32>
      tpu.vector_store %arg9[%swap3A_580, %swap3A_581], %max3A_579 {strides = array<i32>} : memref<64x128xf32, #tpu.memory_space<vmem>>, vector<1x128xf32>,
    } else {
    }
    %le3A_254 = arith.constant 2.500000e+01 : f32
    %le3A_255 = arith.cmpf ole, %get3A_52, %le3A_254 : f32
    %ge3A_256 = arith.constant 2.500000e+01 : f32
    %ge3A_257 = arith.cmpf oge, %get3A_56, %ge3A_256 : f32
    %and3A_258 = arith.andi %le3A_255, %ge3A_257 : i1
    %convert_element_type3A_259 = arith.extui %and3A_258 : i1 to i32
    %cond3A_260 = arith.constant 0 : i32
    %cond3A_261 = arith.cmpi ne, %convert_element_type3A_259, %cond3A_260 : i32
    scf.if %cond3A_261 {
      %eq3A_566 = arith.constant 2.500000e+01 : f32
      %eq3A_567 = vector.broadcast %eq3A_566 : f32 to vector<200x1xf32>
      %eq3A_568 = arith.cmpf oeq, %get3A_24, %eq3A_567 : vector<200x1xf32>
      %jit3A_569 = arith.constant -1.000000e+30 : f32
      %broadcast_in_dim3A_570 = vector.shape_cast %eq3A_568 : vector<200x1xi1> to vector<200x1xi1>
      %broadcast_in_dim3A_571 = vector.broadcast %broadcast_in_dim3A_570 : vector<200x1xi1> to vector<200x128xi1>
      %broadcast_in_dim3A_572 = vector.broadcast %jit3A_569 : f32 to vector<200x128xf32>
      %select_n3A_573 = arith.select %broadcast_in_dim3A_571, %max3A_21, %broadcast_in_dim3A_572 : vector<200x128xi1>, vector<200x128xf32>
      %reduce_max3A = arith.constant dense<0xFF800000> : vector<128xf32>
      %reduce_max3A_574 = vector.multi_reduction <maximumf>, %select_n3A_573, %reduce_max3A [0] : vector<200x128xf32> to vector<128xf32>
      %broadcast_in_dim3A_575 = vector.shape_cast %reduce_max3A_574 : vector<128xf32> to vector<1x128xf32>
      %get3A_576 = arith.constant 25 : index
      %get3A_577 = arith.constant 0 : index
      %get3A_578 = vector.load %arg9[%get3A_576, %get3A_577] : memref<64x128xf32, #tpu.memory_space<vmem>>, vector<1x128xf32>
      %max3A_579 = arith.maximumf %get3A_578, %broadcast_in_dim3A_575 : vector<1x128xf32>
      %swap3A_580 = arith.constant 25 : index
      %swap3A_581 = arith.constant 0 : index
      %swap3A_582 = vector.load %arg9[%swap3A_580, %swap3A_581] : memref<64x128xf32, #tpu.memory_space<vmem>>, vector<1x128xf32>
      tpu.vector_store %arg9[%swap3A_580, %swap3A_581], %max3A_579 {strides = array<i32>} : memref<64x128xf32, #tpu.memory_space<vmem>>, vector<1x128xf32>,
    } else {
    }
    %le3A_262 = arith.constant 2.600000e+01 : f32
    %le3A_263 = arith.cmpf ole, %get3A_52, %le3A_262 : f32
    %ge3A_264 = arith.constant 2.600000e+01 : f32
    %ge3A_265 = arith.cmpf oge, %get3A_56, %ge3A_264 : f32
    %and3A_266 = arith.andi %le3A_263, %ge3A_265 : i1
    %convert_element_type3A_267 = arith.extui %and3A_266 : i1 to i32
    %cond3A_268 = arith.constant 0 : i32
    %cond3A_269 = arith.cmpi ne, %convert_element_type3A_267, %cond3A_268 : i32
    scf.if %cond3A_269 {
      %eq3A_566 = arith.constant 2.600000e+01 : f32
      %eq3A_567 = vector.broadcast %eq3A_566 : f32 to vector<200x1xf32>
      %eq3A_568 = arith.cmpf oeq, %get3A_24, %eq3A_567 : vector<200x1xf32>
      %jit3A_569 = arith.constant -1.000000e+30 : f32
      %broadcast_in_dim3A_570 = vector.shape_cast %eq3A_568 : vector<200x1xi1> to vector<200x1xi1>
      %broadcast_in_dim3A_571 = vector.broadcast %broadcast_in_dim3A_570 : vector<200x1xi1> to vector<200x128xi1>
      %broadcast_in_dim3A_572 = vector.broadcast %jit3A_569 : f32 to vector<200x128xf32>
      %select_n3A_573 = arith.select %broadcast_in_dim3A_571, %max3A_21, %broadcast_in_dim3A_572 : vector<200x128xi1>, vector<200x128xf32>
      %reduce_max3A = arith.constant dense<0xFF800000> : vector<128xf32>
      %reduce_max3A_574 = vector.multi_reduction <maximumf>, %select_n3A_573, %reduce_max3A [0] : vector<200x128xf32> to vector<128xf32>
      %broadcast_in_dim3A_575 = vector.shape_cast %reduce_max3A_574 : vector<128xf32> to vector<1x128xf32>
      %get3A_576 = arith.constant 26 : index
      %get3A_577 = arith.constant 0 : index
      %get3A_578 = vector.load %arg9[%get3A_576, %get3A_577] : memref<64x128xf32, #tpu.memory_space<vmem>>, vector<1x128xf32>
      %max3A_579 = arith.maximumf %get3A_578, %broadcast_in_dim3A_575 : vector<1x128xf32>
      %swap3A_580 = arith.constant 26 : index
      %swap3A_581 = arith.constant 0 : index
      %swap3A_582 = vector.load %arg9[%swap3A_580, %swap3A_581] : memref<64x128xf32, #tpu.memory_space<vmem>>, vector<1x128xf32>
      tpu.vector_store %arg9[%swap3A_580, %swap3A_581], %max3A_579 {strides = array<i32>} : memref<64x128xf32, #tpu.memory_space<vmem>>, vector<1x128xf32>,
    } else {
    }
    %le3A_270 = arith.constant 2.700000e+01 : f32
    %le3A_271 = arith.cmpf ole, %get3A_52, %le3A_270 : f32
    %ge3A_272 = arith.constant 2.700000e+01 : f32
    %ge3A_273 = arith.cmpf oge, %get3A_56, %ge3A_272 : f32
    %and3A_274 = arith.andi %le3A_271, %ge3A_273 : i1
    %convert_element_type3A_275 = arith.extui %and3A_274 : i1 to i32
    %cond3A_276 = arith.constant 0 : i32
    %cond3A_277 = arith.cmpi ne, %convert_element_type3A_275, %cond3A_276 : i32
    scf.if %cond3A_277 {
      %eq3A_566 = arith.constant 2.700000e+01 : f32
      %eq3A_567 = vector.broadcast %eq3A_566 : f32 to vector<200x1xf32>
      %eq3A_568 = arith.cmpf oeq, %get3A_24, %eq3A_567 : vector<200x1xf32>
      %jit3A_569 = arith.constant -1.000000e+30 : f32
      %broadcast_in_dim3A_570 = vector.shape_cast %eq3A_568 : vector<200x1xi1> to vector<200x1xi1>
      %broadcast_in_dim3A_571 = vector.broadcast %broadcast_in_dim3A_570 : vector<200x1xi1> to vector<200x128xi1>
      %broadcast_in_dim3A_572 = vector.broadcast %jit3A_569 : f32 to vector<200x128xf32>
      %select_n3A_573 = arith.select %broadcast_in_dim3A_571, %max3A_21, %broadcast_in_dim3A_572 : vector<200x128xi1>, vector<200x128xf32>
      %reduce_max3A = arith.constant dense<0xFF800000> : vector<128xf32>
      %reduce_max3A_574 = vector.multi_reduction <maximumf>, %select_n3A_573, %reduce_max3A [0] : vector<200x128xf32> to vector<128xf32>
      %broadcast_in_dim3A_575 = vector.shape_cast %reduce_max3A_574 : vector<128xf32> to vector<1x128xf32>
      %get3A_576 = arith.constant 27 : index
      %get3A_577 = arith.constant 0 : index
      %get3A_578 = vector.load %arg9[%get3A_576, %get3A_577] : memref<64x128xf32, #tpu.memory_space<vmem>>, vector<1x128xf32>
      %max3A_579 = arith.maximumf %get3A_578, %broadcast_in_dim3A_575 : vector<1x128xf32>
      %swap3A_580 = arith.constant 27 : index
      %swap3A_581 = arith.constant 0 : index
      %swap3A_582 = vector.load %arg9[%swap3A_580, %swap3A_581] : memref<64x128xf32, #tpu.memory_space<vmem>>, vector<1x128xf32>
      tpu.vector_store %arg9[%swap3A_580, %swap3A_581], %max3A_579 {strides = array<i32>} : memref<64x128xf32, #tpu.memory_space<vmem>>, vector<1x128xf32>,
    } else {
    }
    %le3A_278 = arith.constant 2.800000e+01 : f32
    %le3A_279 = arith.cmpf ole, %get3A_52, %le3A_278 : f32
    %ge3A_280 = arith.constant 2.800000e+01 : f32
    %ge3A_281 = arith.cmpf oge, %get3A_56, %ge3A_280 : f32
    %and3A_282 = arith.andi %le3A_279, %ge3A_281 : i1
    %convert_element_type3A_283 = arith.extui %and3A_282 : i1 to i32
    %cond3A_284 = arith.constant 0 : i32
    %cond3A_285 = arith.cmpi ne, %convert_element_type3A_283, %cond3A_284 : i32
    scf.if %cond3A_285 {
      %eq3A_566 = arith.constant 2.800000e+01 : f32
      %eq3A_567 = vector.broadcast %eq3A_566 : f32 to vector<200x1xf32>
      %eq3A_568 = arith.cmpf oeq, %get3A_24, %eq3A_567 : vector<200x1xf32>
      %jit3A_569 = arith.constant -1.000000e+30 : f32
      %broadcast_in_dim3A_570 = vector.shape_cast %eq3A_568 : vector<200x1xi1> to vector<200x1xi1>
      %broadcast_in_dim3A_571 = vector.broadcast %broadcast_in_dim3A_570 : vector<200x1xi1> to vector<200x128xi1>
      %broadcast_in_dim3A_572 = vector.broadcast %jit3A_569 : f32 to vector<200x128xf32>
      %select_n3A_573 = arith.select %broadcast_in_dim3A_571, %max3A_21, %broadcast_in_dim3A_572 : vector<200x128xi1>, vector<200x128xf32>
      %reduce_max3A = arith.constant dense<0xFF800000> : vector<128xf32>
      %reduce_max3A_574 = vector.multi_reduction <maximumf>, %select_n3A_573, %reduce_max3A [0] : vector<200x128xf32> to vector<128xf32>
      %broadcast_in_dim3A_575 = vector.shape_cast %reduce_max3A_574 : vector<128xf32> to vector<1x128xf32>
      %get3A_576 = arith.constant 28 : index
      %get3A_577 = arith.constant 0 : index
      %get3A_578 = vector.load %arg9[%get3A_576, %get3A_577] : memref<64x128xf32, #tpu.memory_space<vmem>>, vector<1x128xf32>
      %max3A_579 = arith.maximumf %get3A_578, %broadcast_in_dim3A_575 : vector<1x128xf32>
      %swap3A_580 = arith.constant 28 : index
      %swap3A_581 = arith.constant 0 : index
      %swap3A_582 = vector.load %arg9[%swap3A_580, %swap3A_581] : memref<64x128xf32, #tpu.memory_space<vmem>>, vector<1x128xf32>
      tpu.vector_store %arg9[%swap3A_580, %swap3A_581], %max3A_579 {strides = array<i32>} : memref<64x128xf32, #tpu.memory_space<vmem>>, vector<1x128xf32>,
    } else {
    }
    %le3A_286 = arith.constant 2.900000e+01 : f32
    %le3A_287 = arith.cmpf ole, %get3A_52, %le3A_286 : f32
    %ge3A_288 = arith.constant 2.900000e+01 : f32
    %ge3A_289 = arith.cmpf oge, %get3A_56, %ge3A_288 : f32
    %and3A_290 = arith.andi %le3A_287, %ge3A_289 : i1
    %convert_element_type3A_291 = arith.extui %and3A_290 : i1 to i32
    %cond3A_292 = arith.constant 0 : i32
    %cond3A_293 = arith.cmpi ne, %convert_element_type3A_291, %cond3A_292 : i32
    scf.if %cond3A_293 {
      %eq3A_566 = arith.constant 2.900000e+01 : f32
      %eq3A_567 = vector.broadcast %eq3A_566 : f32 to vector<200x1xf32>
      %eq3A_568 = arith.cmpf oeq, %get3A_24, %eq3A_567 : vector<200x1xf32>
      %jit3A_569 = arith.constant -1.000000e+30 : f32
      %broadcast_in_dim3A_570 = vector.shape_cast %eq3A_568 : vector<200x1xi1> to vector<200x1xi1>
      %broadcast_in_dim3A_571 = vector.broadcast %broadcast_in_dim3A_570 : vector<200x1xi1> to vector<200x128xi1>
      %broadcast_in_dim3A_572 = vector.broadcast %jit3A_569 : f32 to vector<200x128xf32>
      %select_n3A_573 = arith.select %broadcast_in_dim3A_571, %max3A_21, %broadcast_in_dim3A_572 : vector<200x128xi1>, vector<200x128xf32>
      %reduce_max3A = arith.constant dense<0xFF800000> : vector<128xf32>
      %reduce_max3A_574 = vector.multi_reduction <maximumf>, %select_n3A_573, %reduce_max3A [0] : vector<200x128xf32> to vector<128xf32>
      %broadcast_in_dim3A_575 = vector.shape_cast %reduce_max3A_574 : vector<128xf32> to vector<1x128xf32>
      %get3A_576 = arith.constant 29 : index
      %get3A_577 = arith.constant 0 : index
      %get3A_578 = vector.load %arg9[%get3A_576, %get3A_577] : memref<64x128xf32, #tpu.memory_space<vmem>>, vector<1x128xf32>
      %max3A_579 = arith.maximumf %get3A_578, %broadcast_in_dim3A_575 : vector<1x128xf32>
      %swap3A_580 = arith.constant 29 : index
      %swap3A_581 = arith.constant 0 : index
      %swap3A_582 = vector.load %arg9[%swap3A_580, %swap3A_581] : memref<64x128xf32, #tpu.memory_space<vmem>>, vector<1x128xf32>
      tpu.vector_store %arg9[%swap3A_580, %swap3A_581], %max3A_579 {strides = array<i32>} : memref<64x128xf32, #tpu.memory_space<vmem>>, vector<1x128xf32>,
    } else {
    }
    %le3A_294 = arith.constant 3.000000e+01 : f32
    %le3A_295 = arith.cmpf ole, %get3A_52, %le3A_294 : f32
    %ge3A_296 = arith.constant 3.000000e+01 : f32
    %ge3A_297 = arith.cmpf oge, %get3A_56, %ge3A_296 : f32
    %and3A_298 = arith.andi %le3A_295, %ge3A_297 : i1
    %convert_element_type3A_299 = arith.extui %and3A_298 : i1 to i32
    %cond3A_300 = arith.constant 0 : i32
    %cond3A_301 = arith.cmpi ne, %convert_element_type3A_299, %cond3A_300 : i32
    scf.if %cond3A_301 {
      %eq3A_566 = arith.constant 3.000000e+01 : f32
      %eq3A_567 = vector.broadcast %eq3A_566 : f32 to vector<200x1xf32>
      %eq3A_568 = arith.cmpf oeq, %get3A_24, %eq3A_567 : vector<200x1xf32>
      %jit3A_569 = arith.constant -1.000000e+30 : f32
      %broadcast_in_dim3A_570 = vector.shape_cast %eq3A_568 : vector<200x1xi1> to vector<200x1xi1>
      %broadcast_in_dim3A_571 = vector.broadcast %broadcast_in_dim3A_570 : vector<200x1xi1> to vector<200x128xi1>
      %broadcast_in_dim3A_572 = vector.broadcast %jit3A_569 : f32 to vector<200x128xf32>
      %select_n3A_573 = arith.select %broadcast_in_dim3A_571, %max3A_21, %broadcast_in_dim3A_572 : vector<200x128xi1>, vector<200x128xf32>
      %reduce_max3A = arith.constant dense<0xFF800000> : vector<128xf32>
      %reduce_max3A_574 = vector.multi_reduction <maximumf>, %select_n3A_573, %reduce_max3A [0] : vector<200x128xf32> to vector<128xf32>
      %broadcast_in_dim3A_575 = vector.shape_cast %reduce_max3A_574 : vector<128xf32> to vector<1x128xf32>
      %get3A_576 = arith.constant 30 : index
      %get3A_577 = arith.constant 0 : index
      %get3A_578 = vector.load %arg9[%get3A_576, %get3A_577] : memref<64x128xf32, #tpu.memory_space<vmem>>, vector<1x128xf32>
      %max3A_579 = arith.maximumf %get3A_578, %broadcast_in_dim3A_575 : vector<1x128xf32>
      %swap3A_580 = arith.constant 30 : index
      %swap3A_581 = arith.constant 0 : index
      %swap3A_582 = vector.load %arg9[%swap3A_580, %swap3A_581] : memref<64x128xf32, #tpu.memory_space<vmem>>, vector<1x128xf32>
      tpu.vector_store %arg9[%swap3A_580, %swap3A_581], %max3A_579 {strides = array<i32>} : memref<64x128xf32, #tpu.memory_space<vmem>>, vector<1x128xf32>,
    } else {
    }
    %le3A_302 = arith.constant 3.100000e+01 : f32
    %le3A_303 = arith.cmpf ole, %get3A_52, %le3A_302 : f32
    %ge3A_304 = arith.constant 3.100000e+01 : f32
    %ge3A_305 = arith.cmpf oge, %get3A_56, %ge3A_304 : f32
    %and3A_306 = arith.andi %le3A_303, %ge3A_305 : i1
    %convert_element_type3A_307 = arith.extui %and3A_306 : i1 to i32
    %cond3A_308 = arith.constant 0 : i32
    %cond3A_309 = arith.cmpi ne, %convert_element_type3A_307, %cond3A_308 : i32
    scf.if %cond3A_309 {
      %eq3A_566 = arith.constant 3.100000e+01 : f32
      %eq3A_567 = vector.broadcast %eq3A_566 : f32 to vector<200x1xf32>
      %eq3A_568 = arith.cmpf oeq, %get3A_24, %eq3A_567 : vector<200x1xf32>
      %jit3A_569 = arith.constant -1.000000e+30 : f32
      %broadcast_in_dim3A_570 = vector.shape_cast %eq3A_568 : vector<200x1xi1> to vector<200x1xi1>
      %broadcast_in_dim3A_571 = vector.broadcast %broadcast_in_dim3A_570 : vector<200x1xi1> to vector<200x128xi1>
      %broadcast_in_dim3A_572 = vector.broadcast %jit3A_569 : f32 to vector<200x128xf32>
      %select_n3A_573 = arith.select %broadcast_in_dim3A_571, %max3A_21, %broadcast_in_dim3A_572 : vector<200x128xi1>, vector<200x128xf32>
      %reduce_max3A = arith.constant dense<0xFF800000> : vector<128xf32>
      %reduce_max3A_574 = vector.multi_reduction <maximumf>, %select_n3A_573, %reduce_max3A [0] : vector<200x128xf32> to vector<128xf32>
      %broadcast_in_dim3A_575 = vector.shape_cast %reduce_max3A_574 : vector<128xf32> to vector<1x128xf32>
      %get3A_576 = arith.constant 31 : index
      %get3A_577 = arith.constant 0 : index
      %get3A_578 = vector.load %arg9[%get3A_576, %get3A_577] : memref<64x128xf32, #tpu.memory_space<vmem>>, vector<1x128xf32>
      %max3A_579 = arith.maximumf %get3A_578, %broadcast_in_dim3A_575 : vector<1x128xf32>
      %swap3A_580 = arith.constant 31 : index
      %swap3A_581 = arith.constant 0 : index
      %swap3A_582 = vector.load %arg9[%swap3A_580, %swap3A_581] : memref<64x128xf32, #tpu.memory_space<vmem>>, vector<1x128xf32>
      tpu.vector_store %arg9[%swap3A_580, %swap3A_581], %max3A_579 {strides = array<i32>} : memref<64x128xf32, #tpu.memory_space<vmem>>, vector<1x128xf32>,
    } else {
    }
    %le3A_310 = arith.constant 3.200000e+01 : f32
    %le3A_311 = arith.cmpf ole, %get3A_52, %le3A_310 : f32
    %ge3A_312 = arith.constant 3.200000e+01 : f32
    %ge3A_313 = arith.cmpf oge, %get3A_56, %ge3A_312 : f32
    %and3A_314 = arith.andi %le3A_311, %ge3A_313 : i1
    %convert_element_type3A_315 = arith.extui %and3A_314 : i1 to i32
    %cond3A_316 = arith.constant 0 : i32
    %cond3A_317 = arith.cmpi ne, %convert_element_type3A_315, %cond3A_316 : i32
    scf.if %cond3A_317 {
      %eq3A_566 = arith.constant 3.200000e+01 : f32
      %eq3A_567 = vector.broadcast %eq3A_566 : f32 to vector<200x1xf32>
      %eq3A_568 = arith.cmpf oeq, %get3A_24, %eq3A_567 : vector<200x1xf32>
      %jit3A_569 = arith.constant -1.000000e+30 : f32
      %broadcast_in_dim3A_570 = vector.shape_cast %eq3A_568 : vector<200x1xi1> to vector<200x1xi1>
      %broadcast_in_dim3A_571 = vector.broadcast %broadcast_in_dim3A_570 : vector<200x1xi1> to vector<200x128xi1>
      %broadcast_in_dim3A_572 = vector.broadcast %jit3A_569 : f32 to vector<200x128xf32>
      %select_n3A_573 = arith.select %broadcast_in_dim3A_571, %max3A_21, %broadcast_in_dim3A_572 : vector<200x128xi1>, vector<200x128xf32>
      %reduce_max3A = arith.constant dense<0xFF800000> : vector<128xf32>
      %reduce_max3A_574 = vector.multi_reduction <maximumf>, %select_n3A_573, %reduce_max3A [0] : vector<200x128xf32> to vector<128xf32>
      %broadcast_in_dim3A_575 = vector.shape_cast %reduce_max3A_574 : vector<128xf32> to vector<1x128xf32>
      %get3A_576 = arith.constant 32 : index
      %get3A_577 = arith.constant 0 : index
      %get3A_578 = vector.load %arg9[%get3A_576, %get3A_577] : memref<64x128xf32, #tpu.memory_space<vmem>>, vector<1x128xf32>
      %max3A_579 = arith.maximumf %get3A_578, %broadcast_in_dim3A_575 : vector<1x128xf32>
      %swap3A_580 = arith.constant 32 : index
      %swap3A_581 = arith.constant 0 : index
      %swap3A_582 = vector.load %arg9[%swap3A_580, %swap3A_581] : memref<64x128xf32, #tpu.memory_space<vmem>>, vector<1x128xf32>
      tpu.vector_store %arg9[%swap3A_580, %swap3A_581], %max3A_579 {strides = array<i32>} : memref<64x128xf32, #tpu.memory_space<vmem>>, vector<1x128xf32>,
    } else {
    }
    %le3A_318 = arith.constant 3.300000e+01 : f32
    %le3A_319 = arith.cmpf ole, %get3A_52, %le3A_318 : f32
    %ge3A_320 = arith.constant 3.300000e+01 : f32
    %ge3A_321 = arith.cmpf oge, %get3A_56, %ge3A_320 : f32
    %and3A_322 = arith.andi %le3A_319, %ge3A_321 : i1
    %convert_element_type3A_323 = arith.extui %and3A_322 : i1 to i32
    %cond3A_324 = arith.constant 0 : i32
    %cond3A_325 = arith.cmpi ne, %convert_element_type3A_323, %cond3A_324 : i32
    scf.if %cond3A_325 {
      %eq3A_566 = arith.constant 3.300000e+01 : f32
      %eq3A_567 = vector.broadcast %eq3A_566 : f32 to vector<200x1xf32>
      %eq3A_568 = arith.cmpf oeq, %get3A_24, %eq3A_567 : vector<200x1xf32>
      %jit3A_569 = arith.constant -1.000000e+30 : f32
      %broadcast_in_dim3A_570 = vector.shape_cast %eq3A_568 : vector<200x1xi1> to vector<200x1xi1>
      %broadcast_in_dim3A_571 = vector.broadcast %broadcast_in_dim3A_570 : vector<200x1xi1> to vector<200x128xi1>
      %broadcast_in_dim3A_572 = vector.broadcast %jit3A_569 : f32 to vector<200x128xf32>
      %select_n3A_573 = arith.select %broadcast_in_dim3A_571, %max3A_21, %broadcast_in_dim3A_572 : vector<200x128xi1>, vector<200x128xf32>
      %reduce_max3A = arith.constant dense<0xFF800000> : vector<128xf32>
      %reduce_max3A_574 = vector.multi_reduction <maximumf>, %select_n3A_573, %reduce_max3A [0] : vector<200x128xf32> to vector<128xf32>
      %broadcast_in_dim3A_575 = vector.shape_cast %reduce_max3A_574 : vector<128xf32> to vector<1x128xf32>
      %get3A_576 = arith.constant 33 : index
      %get3A_577 = arith.constant 0 : index
      %get3A_578 = vector.load %arg9[%get3A_576, %get3A_577] : memref<64x128xf32, #tpu.memory_space<vmem>>, vector<1x128xf32>
      %max3A_579 = arith.maximumf %get3A_578, %broadcast_in_dim3A_575 : vector<1x128xf32>
      %swap3A_580 = arith.constant 33 : index
      %swap3A_581 = arith.constant 0 : index
      %swap3A_582 = vector.load %arg9[%swap3A_580, %swap3A_581] : memref<64x128xf32, #tpu.memory_space<vmem>>, vector<1x128xf32>
      tpu.vector_store %arg9[%swap3A_580, %swap3A_581], %max3A_579 {strides = array<i32>} : memref<64x128xf32, #tpu.memory_space<vmem>>, vector<1x128xf32>,
    } else {
    }
    %le3A_326 = arith.constant 3.400000e+01 : f32
    %le3A_327 = arith.cmpf ole, %get3A_52, %le3A_326 : f32
    %ge3A_328 = arith.constant 3.400000e+01 : f32
    %ge3A_329 = arith.cmpf oge, %get3A_56, %ge3A_328 : f32
    %and3A_330 = arith.andi %le3A_327, %ge3A_329 : i1
    %convert_element_type3A_331 = arith.extui %and3A_330 : i1 to i32
    %cond3A_332 = arith.constant 0 : i32
    %cond3A_333 = arith.cmpi ne, %convert_element_type3A_331, %cond3A_332 : i32
    scf.if %cond3A_333 {
      %eq3A_566 = arith.constant 3.400000e+01 : f32
      %eq3A_567 = vector.broadcast %eq3A_566 : f32 to vector<200x1xf32>
      %eq3A_568 = arith.cmpf oeq, %get3A_24, %eq3A_567 : vector<200x1xf32>
      %jit3A_569 = arith.constant -1.000000e+30 : f32
      %broadcast_in_dim3A_570 = vector.shape_cast %eq3A_568 : vector<200x1xi1> to vector<200x1xi1>
      %broadcast_in_dim3A_571 = vector.broadcast %broadcast_in_dim3A_570 : vector<200x1xi1> to vector<200x128xi1>
      %broadcast_in_dim3A_572 = vector.broadcast %jit3A_569 : f32 to vector<200x128xf32>
      %select_n3A_573 = arith.select %broadcast_in_dim3A_571, %max3A_21, %broadcast_in_dim3A_572 : vector<200x128xi1>, vector<200x128xf32>
      %reduce_max3A = arith.constant dense<0xFF800000> : vector<128xf32>
      %reduce_max3A_574 = vector.multi_reduction <maximumf>, %select_n3A_573, %reduce_max3A [0] : vector<200x128xf32> to vector<128xf32>
      %broadcast_in_dim3A_575 = vector.shape_cast %reduce_max3A_574 : vector<128xf32> to vector<1x128xf32>
      %get3A_576 = arith.constant 34 : index
      %get3A_577 = arith.constant 0 : index
      %get3A_578 = vector.load %arg9[%get3A_576, %get3A_577] : memref<64x128xf32, #tpu.memory_space<vmem>>, vector<1x128xf32>
      %max3A_579 = arith.maximumf %get3A_578, %broadcast_in_dim3A_575 : vector<1x128xf32>
      %swap3A_580 = arith.constant 34 : index
      %swap3A_581 = arith.constant 0 : index
      %swap3A_582 = vector.load %arg9[%swap3A_580, %swap3A_581] : memref<64x128xf32, #tpu.memory_space<vmem>>, vector<1x128xf32>
      tpu.vector_store %arg9[%swap3A_580, %swap3A_581], %max3A_579 {strides = array<i32>} : memref<64x128xf32, #tpu.memory_space<vmem>>, vector<1x128xf32>,
    } else {
    }
    %le3A_334 = arith.constant 3.500000e+01 : f32
    %le3A_335 = arith.cmpf ole, %get3A_52, %le3A_334 : f32
    %ge3A_336 = arith.constant 3.500000e+01 : f32
    %ge3A_337 = arith.cmpf oge, %get3A_56, %ge3A_336 : f32
    %and3A_338 = arith.andi %le3A_335, %ge3A_337 : i1
    %convert_element_type3A_339 = arith.extui %and3A_338 : i1 to i32
    %cond3A_340 = arith.constant 0 : i32
    %cond3A_341 = arith.cmpi ne, %convert_element_type3A_339, %cond3A_340 : i32
    scf.if %cond3A_341 {
      %eq3A_566 = arith.constant 3.500000e+01 : f32
      %eq3A_567 = vector.broadcast %eq3A_566 : f32 to vector<200x1xf32>
      %eq3A_568 = arith.cmpf oeq, %get3A_24, %eq3A_567 : vector<200x1xf32>
      %jit3A_569 = arith.constant -1.000000e+30 : f32
      %broadcast_in_dim3A_570 = vector.shape_cast %eq3A_568 : vector<200x1xi1> to vector<200x1xi1>
      %broadcast_in_dim3A_571 = vector.broadcast %broadcast_in_dim3A_570 : vector<200x1xi1> to vector<200x128xi1>
      %broadcast_in_dim3A_572 = vector.broadcast %jit3A_569 : f32 to vector<200x128xf32>
      %select_n3A_573 = arith.select %broadcast_in_dim3A_571, %max3A_21, %broadcast_in_dim3A_572 : vector<200x128xi1>, vector<200x128xf32>
      %reduce_max3A = arith.constant dense<0xFF800000> : vector<128xf32>
      %reduce_max3A_574 = vector.multi_reduction <maximumf>, %select_n3A_573, %reduce_max3A [0] : vector<200x128xf32> to vector<128xf32>
      %broadcast_in_dim3A_575 = vector.shape_cast %reduce_max3A_574 : vector<128xf32> to vector<1x128xf32>
      %get3A_576 = arith.constant 35 : index
      %get3A_577 = arith.constant 0 : index
      %get3A_578 = vector.load %arg9[%get3A_576, %get3A_577] : memref<64x128xf32, #tpu.memory_space<vmem>>, vector<1x128xf32>
      %max3A_579 = arith.maximumf %get3A_578, %broadcast_in_dim3A_575 : vector<1x128xf32>
      %swap3A_580 = arith.constant 35 : index
      %swap3A_581 = arith.constant 0 : index
      %swap3A_582 = vector.load %arg9[%swap3A_580, %swap3A_581] : memref<64x128xf32, #tpu.memory_space<vmem>>, vector<1x128xf32>
      tpu.vector_store %arg9[%swap3A_580, %swap3A_581], %max3A_579 {strides = array<i32>} : memref<64x128xf32, #tpu.memory_space<vmem>>, vector<1x128xf32>,
    } else {
    }
    %le3A_342 = arith.constant 3.600000e+01 : f32
    %le3A_343 = arith.cmpf ole, %get3A_52, %le3A_342 : f32
    %ge3A_344 = arith.constant 3.600000e+01 : f32
    %ge3A_345 = arith.cmpf oge, %get3A_56, %ge3A_344 : f32
    %and3A_346 = arith.andi %le3A_343, %ge3A_345 : i1
    %convert_element_type3A_347 = arith.extui %and3A_346 : i1 to i32
    %cond3A_348 = arith.constant 0 : i32
    %cond3A_349 = arith.cmpi ne, %convert_element_type3A_347, %cond3A_348 : i32
    scf.if %cond3A_349 {
      %eq3A_566 = arith.constant 3.600000e+01 : f32
      %eq3A_567 = vector.broadcast %eq3A_566 : f32 to vector<200x1xf32>
      %eq3A_568 = arith.cmpf oeq, %get3A_24, %eq3A_567 : vector<200x1xf32>
      %jit3A_569 = arith.constant -1.000000e+30 : f32
      %broadcast_in_dim3A_570 = vector.shape_cast %eq3A_568 : vector<200x1xi1> to vector<200x1xi1>
      %broadcast_in_dim3A_571 = vector.broadcast %broadcast_in_dim3A_570 : vector<200x1xi1> to vector<200x128xi1>
      %broadcast_in_dim3A_572 = vector.broadcast %jit3A_569 : f32 to vector<200x128xf32>
      %select_n3A_573 = arith.select %broadcast_in_dim3A_571, %max3A_21, %broadcast_in_dim3A_572 : vector<200x128xi1>, vector<200x128xf32>
      %reduce_max3A = arith.constant dense<0xFF800000> : vector<128xf32>
      %reduce_max3A_574 = vector.multi_reduction <maximumf>, %select_n3A_573, %reduce_max3A [0] : vector<200x128xf32> to vector<128xf32>
      %broadcast_in_dim3A_575 = vector.shape_cast %reduce_max3A_574 : vector<128xf32> to vector<1x128xf32>
      %get3A_576 = arith.constant 36 : index
      %get3A_577 = arith.constant 0 : index
      %get3A_578 = vector.load %arg9[%get3A_576, %get3A_577] : memref<64x128xf32, #tpu.memory_space<vmem>>, vector<1x128xf32>
      %max3A_579 = arith.maximumf %get3A_578, %broadcast_in_dim3A_575 : vector<1x128xf32>
      %swap3A_580 = arith.constant 36 : index
      %swap3A_581 = arith.constant 0 : index
      %swap3A_582 = vector.load %arg9[%swap3A_580, %swap3A_581] : memref<64x128xf32, #tpu.memory_space<vmem>>, vector<1x128xf32>
      tpu.vector_store %arg9[%swap3A_580, %swap3A_581], %max3A_579 {strides = array<i32>} : memref<64x128xf32, #tpu.memory_space<vmem>>, vector<1x128xf32>,
    } else {
    }
    %le3A_350 = arith.constant 3.700000e+01 : f32
    %le3A_351 = arith.cmpf ole, %get3A_52, %le3A_350 : f32
    %ge3A_352 = arith.constant 3.700000e+01 : f32
    %ge3A_353 = arith.cmpf oge, %get3A_56, %ge3A_352 : f32
    %and3A_354 = arith.andi %le3A_351, %ge3A_353 : i1
    %convert_element_type3A_355 = arith.extui %and3A_354 : i1 to i32
    %cond3A_356 = arith.constant 0 : i32
    %cond3A_357 = arith.cmpi ne, %convert_element_type3A_355, %cond3A_356 : i32
    scf.if %cond3A_357 {
      %eq3A_566 = arith.constant 3.700000e+01 : f32
      %eq3A_567 = vector.broadcast %eq3A_566 : f32 to vector<200x1xf32>
      %eq3A_568 = arith.cmpf oeq, %get3A_24, %eq3A_567 : vector<200x1xf32>
      %jit3A_569 = arith.constant -1.000000e+30 : f32
      %broadcast_in_dim3A_570 = vector.shape_cast %eq3A_568 : vector<200x1xi1> to vector<200x1xi1>
      %broadcast_in_dim3A_571 = vector.broadcast %broadcast_in_dim3A_570 : vector<200x1xi1> to vector<200x128xi1>
      %broadcast_in_dim3A_572 = vector.broadcast %jit3A_569 : f32 to vector<200x128xf32>
      %select_n3A_573 = arith.select %broadcast_in_dim3A_571, %max3A_21, %broadcast_in_dim3A_572 : vector<200x128xi1>, vector<200x128xf32>
      %reduce_max3A = arith.constant dense<0xFF800000> : vector<128xf32>
      %reduce_max3A_574 = vector.multi_reduction <maximumf>, %select_n3A_573, %reduce_max3A [0] : vector<200x128xf32> to vector<128xf32>
      %broadcast_in_dim3A_575 = vector.shape_cast %reduce_max3A_574 : vector<128xf32> to vector<1x128xf32>
      %get3A_576 = arith.constant 37 : index
      %get3A_577 = arith.constant 0 : index
      %get3A_578 = vector.load %arg9[%get3A_576, %get3A_577] : memref<64x128xf32, #tpu.memory_space<vmem>>, vector<1x128xf32>
      %max3A_579 = arith.maximumf %get3A_578, %broadcast_in_dim3A_575 : vector<1x128xf32>
      %swap3A_580 = arith.constant 37 : index
      %swap3A_581 = arith.constant 0 : index
      %swap3A_582 = vector.load %arg9[%swap3A_580, %swap3A_581] : memref<64x128xf32, #tpu.memory_space<vmem>>, vector<1x128xf32>
      tpu.vector_store %arg9[%swap3A_580, %swap3A_581], %max3A_579 {strides = array<i32>} : memref<64x128xf32, #tpu.memory_space<vmem>>, vector<1x128xf32>,
    } else {
    }
    %le3A_358 = arith.constant 3.800000e+01 : f32
    %le3A_359 = arith.cmpf ole, %get3A_52, %le3A_358 : f32
    %ge3A_360 = arith.constant 3.800000e+01 : f32
    %ge3A_361 = arith.cmpf oge, %get3A_56, %ge3A_360 : f32
    %and3A_362 = arith.andi %le3A_359, %ge3A_361 : i1
    %convert_element_type3A_363 = arith.extui %and3A_362 : i1 to i32
    %cond3A_364 = arith.constant 0 : i32
    %cond3A_365 = arith.cmpi ne, %convert_element_type3A_363, %cond3A_364 : i32
    scf.if %cond3A_365 {
      %eq3A_566 = arith.constant 3.800000e+01 : f32
      %eq3A_567 = vector.broadcast %eq3A_566 : f32 to vector<200x1xf32>
      %eq3A_568 = arith.cmpf oeq, %get3A_24, %eq3A_567 : vector<200x1xf32>
      %jit3A_569 = arith.constant -1.000000e+30 : f32
      %broadcast_in_dim3A_570 = vector.shape_cast %eq3A_568 : vector<200x1xi1> to vector<200x1xi1>
      %broadcast_in_dim3A_571 = vector.broadcast %broadcast_in_dim3A_570 : vector<200x1xi1> to vector<200x128xi1>
      %broadcast_in_dim3A_572 = vector.broadcast %jit3A_569 : f32 to vector<200x128xf32>
      %select_n3A_573 = arith.select %broadcast_in_dim3A_571, %max3A_21, %broadcast_in_dim3A_572 : vector<200x128xi1>, vector<200x128xf32>
      %reduce_max3A = arith.constant dense<0xFF800000> : vector<128xf32>
      %reduce_max3A_574 = vector.multi_reduction <maximumf>, %select_n3A_573, %reduce_max3A [0] : vector<200x128xf32> to vector<128xf32>
      %broadcast_in_dim3A_575 = vector.shape_cast %reduce_max3A_574 : vector<128xf32> to vector<1x128xf32>
      %get3A_576 = arith.constant 38 : index
      %get3A_577 = arith.constant 0 : index
      %get3A_578 = vector.load %arg9[%get3A_576, %get3A_577] : memref<64x128xf32, #tpu.memory_space<vmem>>, vector<1x128xf32>
      %max3A_579 = arith.maximumf %get3A_578, %broadcast_in_dim3A_575 : vector<1x128xf32>
      %swap3A_580 = arith.constant 38 : index
      %swap3A_581 = arith.constant 0 : index
      %swap3A_582 = vector.load %arg9[%swap3A_580, %swap3A_581] : memref<64x128xf32, #tpu.memory_space<vmem>>, vector<1x128xf32>
      tpu.vector_store %arg9[%swap3A_580, %swap3A_581], %max3A_579 {strides = array<i32>} : memref<64x128xf32, #tpu.memory_space<vmem>>, vector<1x128xf32>,
    } else {
    }
    %le3A_366 = arith.constant 3.900000e+01 : f32
    %le3A_367 = arith.cmpf ole, %get3A_52, %le3A_366 : f32
    %ge3A_368 = arith.constant 3.900000e+01 : f32
    %ge3A_369 = arith.cmpf oge, %get3A_56, %ge3A_368 : f32
    %and3A_370 = arith.andi %le3A_367, %ge3A_369 : i1
    %convert_element_type3A_371 = arith.extui %and3A_370 : i1 to i32
    %cond3A_372 = arith.constant 0 : i32
    %cond3A_373 = arith.cmpi ne, %convert_element_type3A_371, %cond3A_372 : i32
    scf.if %cond3A_373 {
      %eq3A_566 = arith.constant 3.900000e+01 : f32
      %eq3A_567 = vector.broadcast %eq3A_566 : f32 to vector<200x1xf32>
      %eq3A_568 = arith.cmpf oeq, %get3A_24, %eq3A_567 : vector<200x1xf32>
      %jit3A_569 = arith.constant -1.000000e+30 : f32
      %broadcast_in_dim3A_570 = vector.shape_cast %eq3A_568 : vector<200x1xi1> to vector<200x1xi1>
      %broadcast_in_dim3A_571 = vector.broadcast %broadcast_in_dim3A_570 : vector<200x1xi1> to vector<200x128xi1>
      %broadcast_in_dim3A_572 = vector.broadcast %jit3A_569 : f32 to vector<200x128xf32>
      %select_n3A_573 = arith.select %broadcast_in_dim3A_571, %max3A_21, %broadcast_in_dim3A_572 : vector<200x128xi1>, vector<200x128xf32>
      %reduce_max3A = arith.constant dense<0xFF800000> : vector<128xf32>
      %reduce_max3A_574 = vector.multi_reduction <maximumf>, %select_n3A_573, %reduce_max3A [0] : vector<200x128xf32> to vector<128xf32>
      %broadcast_in_dim3A_575 = vector.shape_cast %reduce_max3A_574 : vector<128xf32> to vector<1x128xf32>
      %get3A_576 = arith.constant 39 : index
      %get3A_577 = arith.constant 0 : index
      %get3A_578 = vector.load %arg9[%get3A_576, %get3A_577] : memref<64x128xf32, #tpu.memory_space<vmem>>, vector<1x128xf32>
      %max3A_579 = arith.maximumf %get3A_578, %broadcast_in_dim3A_575 : vector<1x128xf32>
      %swap3A_580 = arith.constant 39 : index
      %swap3A_581 = arith.constant 0 : index
      %swap3A_582 = vector.load %arg9[%swap3A_580, %swap3A_581] : memref<64x128xf32, #tpu.memory_space<vmem>>, vector<1x128xf32>
      tpu.vector_store %arg9[%swap3A_580, %swap3A_581], %max3A_579 {strides = array<i32>} : memref<64x128xf32, #tpu.memory_space<vmem>>, vector<1x128xf32>,
    } else {
    }
    %le3A_374 = arith.constant 4.000000e+01 : f32
    %le3A_375 = arith.cmpf ole, %get3A_52, %le3A_374 : f32
    %ge3A_376 = arith.constant 4.000000e+01 : f32
    %ge3A_377 = arith.cmpf oge, %get3A_56, %ge3A_376 : f32
    %and3A_378 = arith.andi %le3A_375, %ge3A_377 : i1
    %convert_element_type3A_379 = arith.extui %and3A_378 : i1 to i32
    %cond3A_380 = arith.constant 0 : i32
    %cond3A_381 = arith.cmpi ne, %convert_element_type3A_379, %cond3A_380 : i32
    scf.if %cond3A_381 {
      %eq3A_566 = arith.constant 4.000000e+01 : f32
      %eq3A_567 = vector.broadcast %eq3A_566 : f32 to vector<200x1xf32>
      %eq3A_568 = arith.cmpf oeq, %get3A_24, %eq3A_567 : vector<200x1xf32>
      %jit3A_569 = arith.constant -1.000000e+30 : f32
      %broadcast_in_dim3A_570 = vector.shape_cast %eq3A_568 : vector<200x1xi1> to vector<200x1xi1>
      %broadcast_in_dim3A_571 = vector.broadcast %broadcast_in_dim3A_570 : vector<200x1xi1> to vector<200x128xi1>
      %broadcast_in_dim3A_572 = vector.broadcast %jit3A_569 : f32 to vector<200x128xf32>
      %select_n3A_573 = arith.select %broadcast_in_dim3A_571, %max3A_21, %broadcast_in_dim3A_572 : vector<200x128xi1>, vector<200x128xf32>
      %reduce_max3A = arith.constant dense<0xFF800000> : vector<128xf32>
      %reduce_max3A_574 = vector.multi_reduction <maximumf>, %select_n3A_573, %reduce_max3A [0] : vector<200x128xf32> to vector<128xf32>
      %broadcast_in_dim3A_575 = vector.shape_cast %reduce_max3A_574 : vector<128xf32> to vector<1x128xf32>
      %get3A_576 = arith.constant 40 : index
      %get3A_577 = arith.constant 0 : index
      %get3A_578 = vector.load %arg9[%get3A_576, %get3A_577] : memref<64x128xf32, #tpu.memory_space<vmem>>, vector<1x128xf32>
      %max3A_579 = arith.maximumf %get3A_578, %broadcast_in_dim3A_575 : vector<1x128xf32>
      %swap3A_580 = arith.constant 40 : index
      %swap3A_581 = arith.constant 0 : index
      %swap3A_582 = vector.load %arg9[%swap3A_580, %swap3A_581] : memref<64x128xf32, #tpu.memory_space<vmem>>, vector<1x128xf32>
      tpu.vector_store %arg9[%swap3A_580, %swap3A_581], %max3A_579 {strides = array<i32>} : memref<64x128xf32, #tpu.memory_space<vmem>>, vector<1x128xf32>,
    } else {
    }
    %le3A_382 = arith.constant 4.100000e+01 : f32
    %le3A_383 = arith.cmpf ole, %get3A_52, %le3A_382 : f32
    %ge3A_384 = arith.constant 4.100000e+01 : f32
    %ge3A_385 = arith.cmpf oge, %get3A_56, %ge3A_384 : f32
    %and3A_386 = arith.andi %le3A_383, %ge3A_385 : i1
    %convert_element_type3A_387 = arith.extui %and3A_386 : i1 to i32
    %cond3A_388 = arith.constant 0 : i32
    %cond3A_389 = arith.cmpi ne, %convert_element_type3A_387, %cond3A_388 : i32
    scf.if %cond3A_389 {
      %eq3A_566 = arith.constant 4.100000e+01 : f32
      %eq3A_567 = vector.broadcast %eq3A_566 : f32 to vector<200x1xf32>
      %eq3A_568 = arith.cmpf oeq, %get3A_24, %eq3A_567 : vector<200x1xf32>
      %jit3A_569 = arith.constant -1.000000e+30 : f32
      %broadcast_in_dim3A_570 = vector.shape_cast %eq3A_568 : vector<200x1xi1> to vector<200x1xi1>
      %broadcast_in_dim3A_571 = vector.broadcast %broadcast_in_dim3A_570 : vector<200x1xi1> to vector<200x128xi1>
      %broadcast_in_dim3A_572 = vector.broadcast %jit3A_569 : f32 to vector<200x128xf32>
      %select_n3A_573 = arith.select %broadcast_in_dim3A_571, %max3A_21, %broadcast_in_dim3A_572 : vector<200x128xi1>, vector<200x128xf32>
      %reduce_max3A = arith.constant dense<0xFF800000> : vector<128xf32>
      %reduce_max3A_574 = vector.multi_reduction <maximumf>, %select_n3A_573, %reduce_max3A [0] : vector<200x128xf32> to vector<128xf32>
      %broadcast_in_dim3A_575 = vector.shape_cast %reduce_max3A_574 : vector<128xf32> to vector<1x128xf32>
      %get3A_576 = arith.constant 41 : index
      %get3A_577 = arith.constant 0 : index
      %get3A_578 = vector.load %arg9[%get3A_576, %get3A_577] : memref<64x128xf32, #tpu.memory_space<vmem>>, vector<1x128xf32>
      %max3A_579 = arith.maximumf %get3A_578, %broadcast_in_dim3A_575 : vector<1x128xf32>
      %swap3A_580 = arith.constant 41 : index
      %swap3A_581 = arith.constant 0 : index
      %swap3A_582 = vector.load %arg9[%swap3A_580, %swap3A_581] : memref<64x128xf32, #tpu.memory_space<vmem>>, vector<1x128xf32>
      tpu.vector_store %arg9[%swap3A_580, %swap3A_581], %max3A_579 {strides = array<i32>} : memref<64x128xf32, #tpu.memory_space<vmem>>, vector<1x128xf32>,
    } else {
    }
    %le3A_390 = arith.constant 4.200000e+01 : f32
    %le3A_391 = arith.cmpf ole, %get3A_52, %le3A_390 : f32
    %ge3A_392 = arith.constant 4.200000e+01 : f32
    %ge3A_393 = arith.cmpf oge, %get3A_56, %ge3A_392 : f32
    %and3A_394 = arith.andi %le3A_391, %ge3A_393 : i1
    %convert_element_type3A_395 = arith.extui %and3A_394 : i1 to i32
    %cond3A_396 = arith.constant 0 : i32
    %cond3A_397 = arith.cmpi ne, %convert_element_type3A_395, %cond3A_396 : i32
    scf.if %cond3A_397 {
      %eq3A_566 = arith.constant 4.200000e+01 : f32
      %eq3A_567 = vector.broadcast %eq3A_566 : f32 to vector<200x1xf32>
      %eq3A_568 = arith.cmpf oeq, %get3A_24, %eq3A_567 : vector<200x1xf32>
      %jit3A_569 = arith.constant -1.000000e+30 : f32
      %broadcast_in_dim3A_570 = vector.shape_cast %eq3A_568 : vector<200x1xi1> to vector<200x1xi1>
      %broadcast_in_dim3A_571 = vector.broadcast %broadcast_in_dim3A_570 : vector<200x1xi1> to vector<200x128xi1>
      %broadcast_in_dim3A_572 = vector.broadcast %jit3A_569 : f32 to vector<200x128xf32>
      %select_n3A_573 = arith.select %broadcast_in_dim3A_571, %max3A_21, %broadcast_in_dim3A_572 : vector<200x128xi1>, vector<200x128xf32>
      %reduce_max3A = arith.constant dense<0xFF800000> : vector<128xf32>
      %reduce_max3A_574 = vector.multi_reduction <maximumf>, %select_n3A_573, %reduce_max3A [0] : vector<200x128xf32> to vector<128xf32>
      %broadcast_in_dim3A_575 = vector.shape_cast %reduce_max3A_574 : vector<128xf32> to vector<1x128xf32>
      %get3A_576 = arith.constant 42 : index
      %get3A_577 = arith.constant 0 : index
      %get3A_578 = vector.load %arg9[%get3A_576, %get3A_577] : memref<64x128xf32, #tpu.memory_space<vmem>>, vector<1x128xf32>
      %max3A_579 = arith.maximumf %get3A_578, %broadcast_in_dim3A_575 : vector<1x128xf32>
      %swap3A_580 = arith.constant 42 : index
      %swap3A_581 = arith.constant 0 : index
      %swap3A_582 = vector.load %arg9[%swap3A_580, %swap3A_581] : memref<64x128xf32, #tpu.memory_space<vmem>>, vector<1x128xf32>
      tpu.vector_store %arg9[%swap3A_580, %swap3A_581], %max3A_579 {strides = array<i32>} : memref<64x128xf32, #tpu.memory_space<vmem>>, vector<1x128xf32>,
    } else {
    }
    %le3A_398 = arith.constant 4.300000e+01 : f32
    %le3A_399 = arith.cmpf ole, %get3A_52, %le3A_398 : f32
    %ge3A_400 = arith.constant 4.300000e+01 : f32
    %ge3A_401 = arith.cmpf oge, %get3A_56, %ge3A_400 : f32
    %and3A_402 = arith.andi %le3A_399, %ge3A_401 : i1
    %convert_element_type3A_403 = arith.extui %and3A_402 : i1 to i32
    %cond3A_404 = arith.constant 0 : i32
    %cond3A_405 = arith.cmpi ne, %convert_element_type3A_403, %cond3A_404 : i32
    scf.if %cond3A_405 {
      %eq3A_566 = arith.constant 4.300000e+01 : f32
      %eq3A_567 = vector.broadcast %eq3A_566 : f32 to vector<200x1xf32>
      %eq3A_568 = arith.cmpf oeq, %get3A_24, %eq3A_567 : vector<200x1xf32>
      %jit3A_569 = arith.constant -1.000000e+30 : f32
      %broadcast_in_dim3A_570 = vector.shape_cast %eq3A_568 : vector<200x1xi1> to vector<200x1xi1>
      %broadcast_in_dim3A_571 = vector.broadcast %broadcast_in_dim3A_570 : vector<200x1xi1> to vector<200x128xi1>
      %broadcast_in_dim3A_572 = vector.broadcast %jit3A_569 : f32 to vector<200x128xf32>
      %select_n3A_573 = arith.select %broadcast_in_dim3A_571, %max3A_21, %broadcast_in_dim3A_572 : vector<200x128xi1>, vector<200x128xf32>
      %reduce_max3A = arith.constant dense<0xFF800000> : vector<128xf32>
      %reduce_max3A_574 = vector.multi_reduction <maximumf>, %select_n3A_573, %reduce_max3A [0] : vector<200x128xf32> to vector<128xf32>
      %broadcast_in_dim3A_575 = vector.shape_cast %reduce_max3A_574 : vector<128xf32> to vector<1x128xf32>
      %get3A_576 = arith.constant 43 : index
      %get3A_577 = arith.constant 0 : index
      %get3A_578 = vector.load %arg9[%get3A_576, %get3A_577] : memref<64x128xf32, #tpu.memory_space<vmem>>, vector<1x128xf32>
      %max3A_579 = arith.maximumf %get3A_578, %broadcast_in_dim3A_575 : vector<1x128xf32>
      %swap3A_580 = arith.constant 43 : index
      %swap3A_581 = arith.constant 0 : index
      %swap3A_582 = vector.load %arg9[%swap3A_580, %swap3A_581] : memref<64x128xf32, #tpu.memory_space<vmem>>, vector<1x128xf32>
      tpu.vector_store %arg9[%swap3A_580, %swap3A_581], %max3A_579 {strides = array<i32>} : memref<64x128xf32, #tpu.memory_space<vmem>>, vector<1x128xf32>,
    } else {
    }
    %le3A_406 = arith.constant 4.400000e+01 : f32
    %le3A_407 = arith.cmpf ole, %get3A_52, %le3A_406 : f32
    %ge3A_408 = arith.constant 4.400000e+01 : f32
    %ge3A_409 = arith.cmpf oge, %get3A_56, %ge3A_408 : f32
    %and3A_410 = arith.andi %le3A_407, %ge3A_409 : i1
    %convert_element_type3A_411 = arith.extui %and3A_410 : i1 to i32
    %cond3A_412 = arith.constant 0 : i32
    %cond3A_413 = arith.cmpi ne, %convert_element_type3A_411, %cond3A_412 : i32
    scf.if %cond3A_413 {
      %eq3A_566 = arith.constant 4.400000e+01 : f32
      %eq3A_567 = vector.broadcast %eq3A_566 : f32 to vector<200x1xf32>
      %eq3A_568 = arith.cmpf oeq, %get3A_24, %eq3A_567 : vector<200x1xf32>
      %jit3A_569 = arith.constant -1.000000e+30 : f32
      %broadcast_in_dim3A_570 = vector.shape_cast %eq3A_568 : vector<200x1xi1> to vector<200x1xi1>
      %broadcast_in_dim3A_571 = vector.broadcast %broadcast_in_dim3A_570 : vector<200x1xi1> to vector<200x128xi1>
      %broadcast_in_dim3A_572 = vector.broadcast %jit3A_569 : f32 to vector<200x128xf32>
      %select_n3A_573 = arith.select %broadcast_in_dim3A_571, %max3A_21, %broadcast_in_dim3A_572 : vector<200x128xi1>, vector<200x128xf32>
      %reduce_max3A = arith.constant dense<0xFF800000> : vector<128xf32>
      %reduce_max3A_574 = vector.multi_reduction <maximumf>, %select_n3A_573, %reduce_max3A [0] : vector<200x128xf32> to vector<128xf32>
      %broadcast_in_dim3A_575 = vector.shape_cast %reduce_max3A_574 : vector<128xf32> to vector<1x128xf32>
      %get3A_576 = arith.constant 44 : index
      %get3A_577 = arith.constant 0 : index
      %get3A_578 = vector.load %arg9[%get3A_576, %get3A_577] : memref<64x128xf32, #tpu.memory_space<vmem>>, vector<1x128xf32>
      %max3A_579 = arith.maximumf %get3A_578, %broadcast_in_dim3A_575 : vector<1x128xf32>
      %swap3A_580 = arith.constant 44 : index
      %swap3A_581 = arith.constant 0 : index
      %swap3A_582 = vector.load %arg9[%swap3A_580, %swap3A_581] : memref<64x128xf32, #tpu.memory_space<vmem>>, vector<1x128xf32>
      tpu.vector_store %arg9[%swap3A_580, %swap3A_581], %max3A_579 {strides = array<i32>} : memref<64x128xf32, #tpu.memory_space<vmem>>, vector<1x128xf32>,
    } else {
    }
    %le3A_414 = arith.constant 4.500000e+01 : f32
    %le3A_415 = arith.cmpf ole, %get3A_52, %le3A_414 : f32
    %ge3A_416 = arith.constant 4.500000e+01 : f32
    %ge3A_417 = arith.cmpf oge, %get3A_56, %ge3A_416 : f32
    %and3A_418 = arith.andi %le3A_415, %ge3A_417 : i1
    %convert_element_type3A_419 = arith.extui %and3A_418 : i1 to i32
    %cond3A_420 = arith.constant 0 : i32
    %cond3A_421 = arith.cmpi ne, %convert_element_type3A_419, %cond3A_420 : i32
    scf.if %cond3A_421 {
      %eq3A_566 = arith.constant 4.500000e+01 : f32
      %eq3A_567 = vector.broadcast %eq3A_566 : f32 to vector<200x1xf32>
      %eq3A_568 = arith.cmpf oeq, %get3A_24, %eq3A_567 : vector<200x1xf32>
      %jit3A_569 = arith.constant -1.000000e+30 : f32
      %broadcast_in_dim3A_570 = vector.shape_cast %eq3A_568 : vector<200x1xi1> to vector<200x1xi1>
      %broadcast_in_dim3A_571 = vector.broadcast %broadcast_in_dim3A_570 : vector<200x1xi1> to vector<200x128xi1>
      %broadcast_in_dim3A_572 = vector.broadcast %jit3A_569 : f32 to vector<200x128xf32>
      %select_n3A_573 = arith.select %broadcast_in_dim3A_571, %max3A_21, %broadcast_in_dim3A_572 : vector<200x128xi1>, vector<200x128xf32>
      %reduce_max3A = arith.constant dense<0xFF800000> : vector<128xf32>
      %reduce_max3A_574 = vector.multi_reduction <maximumf>, %select_n3A_573, %reduce_max3A [0] : vector<200x128xf32> to vector<128xf32>
      %broadcast_in_dim3A_575 = vector.shape_cast %reduce_max3A_574 : vector<128xf32> to vector<1x128xf32>
      %get3A_576 = arith.constant 45 : index
      %get3A_577 = arith.constant 0 : index
      %get3A_578 = vector.load %arg9[%get3A_576, %get3A_577] : memref<64x128xf32, #tpu.memory_space<vmem>>, vector<1x128xf32>
      %max3A_579 = arith.maximumf %get3A_578, %broadcast_in_dim3A_575 : vector<1x128xf32>
      %swap3A_580 = arith.constant 45 : index
      %swap3A_581 = arith.constant 0 : index
      %swap3A_582 = vector.load %arg9[%swap3A_580, %swap3A_581] : memref<64x128xf32, #tpu.memory_space<vmem>>, vector<1x128xf32>
      tpu.vector_store %arg9[%swap3A_580, %swap3A_581], %max3A_579 {strides = array<i32>} : memref<64x128xf32, #tpu.memory_space<vmem>>, vector<1x128xf32>,
    } else {
    }
    %le3A_422 = arith.constant 4.600000e+01 : f32
    %le3A_423 = arith.cmpf ole, %get3A_52, %le3A_422 : f32
    %ge3A_424 = arith.constant 4.600000e+01 : f32
    %ge3A_425 = arith.cmpf oge, %get3A_56, %ge3A_424 : f32
    %and3A_426 = arith.andi %le3A_423, %ge3A_425 : i1
    %convert_element_type3A_427 = arith.extui %and3A_426 : i1 to i32
    %cond3A_428 = arith.constant 0 : i32
    %cond3A_429 = arith.cmpi ne, %convert_element_type3A_427, %cond3A_428 : i32
    scf.if %cond3A_429 {
      %eq3A_566 = arith.constant 4.600000e+01 : f32
      %eq3A_567 = vector.broadcast %eq3A_566 : f32 to vector<200x1xf32>
      %eq3A_568 = arith.cmpf oeq, %get3A_24, %eq3A_567 : vector<200x1xf32>
      %jit3A_569 = arith.constant -1.000000e+30 : f32
      %broadcast_in_dim3A_570 = vector.shape_cast %eq3A_568 : vector<200x1xi1> to vector<200x1xi1>
      %broadcast_in_dim3A_571 = vector.broadcast %broadcast_in_dim3A_570 : vector<200x1xi1> to vector<200x128xi1>
      %broadcast_in_dim3A_572 = vector.broadcast %jit3A_569 : f32 to vector<200x128xf32>
      %select_n3A_573 = arith.select %broadcast_in_dim3A_571, %max3A_21, %broadcast_in_dim3A_572 : vector<200x128xi1>, vector<200x128xf32>
      %reduce_max3A = arith.constant dense<0xFF800000> : vector<128xf32>
      %reduce_max3A_574 = vector.multi_reduction <maximumf>, %select_n3A_573, %reduce_max3A [0] : vector<200x128xf32> to vector<128xf32>
      %broadcast_in_dim3A_575 = vector.shape_cast %reduce_max3A_574 : vector<128xf32> to vector<1x128xf32>
      %get3A_576 = arith.constant 46 : index
      %get3A_577 = arith.constant 0 : index
      %get3A_578 = vector.load %arg9[%get3A_576, %get3A_577] : memref<64x128xf32, #tpu.memory_space<vmem>>, vector<1x128xf32>
      %max3A_579 = arith.maximumf %get3A_578, %broadcast_in_dim3A_575 : vector<1x128xf32>
      %swap3A_580 = arith.constant 46 : index
      %swap3A_581 = arith.constant 0 : index
      %swap3A_582 = vector.load %arg9[%swap3A_580, %swap3A_581] : memref<64x128xf32, #tpu.memory_space<vmem>>, vector<1x128xf32>
      tpu.vector_store %arg9[%swap3A_580, %swap3A_581], %max3A_579 {strides = array<i32>} : memref<64x128xf32, #tpu.memory_space<vmem>>, vector<1x128xf32>,
    } else {
    }
    %le3A_430 = arith.constant 4.700000e+01 : f32
    %le3A_431 = arith.cmpf ole, %get3A_52, %le3A_430 : f32
    %ge3A_432 = arith.constant 4.700000e+01 : f32
    %ge3A_433 = arith.cmpf oge, %get3A_56, %ge3A_432 : f32
    %and3A_434 = arith.andi %le3A_431, %ge3A_433 : i1
    %convert_element_type3A_435 = arith.extui %and3A_434 : i1 to i32
    %cond3A_436 = arith.constant 0 : i32
    %cond3A_437 = arith.cmpi ne, %convert_element_type3A_435, %cond3A_436 : i32
    scf.if %cond3A_437 {
      %eq3A_566 = arith.constant 4.700000e+01 : f32
      %eq3A_567 = vector.broadcast %eq3A_566 : f32 to vector<200x1xf32>
      %eq3A_568 = arith.cmpf oeq, %get3A_24, %eq3A_567 : vector<200x1xf32>
      %jit3A_569 = arith.constant -1.000000e+30 : f32
      %broadcast_in_dim3A_570 = vector.shape_cast %eq3A_568 : vector<200x1xi1> to vector<200x1xi1>
      %broadcast_in_dim3A_571 = vector.broadcast %broadcast_in_dim3A_570 : vector<200x1xi1> to vector<200x128xi1>
      %broadcast_in_dim3A_572 = vector.broadcast %jit3A_569 : f32 to vector<200x128xf32>
      %select_n3A_573 = arith.select %broadcast_in_dim3A_571, %max3A_21, %broadcast_in_dim3A_572 : vector<200x128xi1>, vector<200x128xf32>
      %reduce_max3A = arith.constant dense<0xFF800000> : vector<128xf32>
      %reduce_max3A_574 = vector.multi_reduction <maximumf>, %select_n3A_573, %reduce_max3A [0] : vector<200x128xf32> to vector<128xf32>
      %broadcast_in_dim3A_575 = vector.shape_cast %reduce_max3A_574 : vector<128xf32> to vector<1x128xf32>
      %get3A_576 = arith.constant 47 : index
      %get3A_577 = arith.constant 0 : index
      %get3A_578 = vector.load %arg9[%get3A_576, %get3A_577] : memref<64x128xf32, #tpu.memory_space<vmem>>, vector<1x128xf32>
      %max3A_579 = arith.maximumf %get3A_578, %broadcast_in_dim3A_575 : vector<1x128xf32>
      %swap3A_580 = arith.constant 47 : index
      %swap3A_581 = arith.constant 0 : index
      %swap3A_582 = vector.load %arg9[%swap3A_580, %swap3A_581] : memref<64x128xf32, #tpu.memory_space<vmem>>, vector<1x128xf32>
      tpu.vector_store %arg9[%swap3A_580, %swap3A_581], %max3A_579 {strides = array<i32>} : memref<64x128xf32, #tpu.memory_space<vmem>>, vector<1x128xf32>,
    } else {
    }
    %le3A_438 = arith.constant 4.800000e+01 : f32
    %le3A_439 = arith.cmpf ole, %get3A_52, %le3A_438 : f32
    %ge3A_440 = arith.constant 4.800000e+01 : f32
    %ge3A_441 = arith.cmpf oge, %get3A_56, %ge3A_440 : f32
    %and3A_442 = arith.andi %le3A_439, %ge3A_441 : i1
    %convert_element_type3A_443 = arith.extui %and3A_442 : i1 to i32
    %cond3A_444 = arith.constant 0 : i32
    %cond3A_445 = arith.cmpi ne, %convert_element_type3A_443, %cond3A_444 : i32
    scf.if %cond3A_445 {
      %eq3A_566 = arith.constant 4.800000e+01 : f32
      %eq3A_567 = vector.broadcast %eq3A_566 : f32 to vector<200x1xf32>
      %eq3A_568 = arith.cmpf oeq, %get3A_24, %eq3A_567 : vector<200x1xf32>
      %jit3A_569 = arith.constant -1.000000e+30 : f32
      %broadcast_in_dim3A_570 = vector.shape_cast %eq3A_568 : vector<200x1xi1> to vector<200x1xi1>
      %broadcast_in_dim3A_571 = vector.broadcast %broadcast_in_dim3A_570 : vector<200x1xi1> to vector<200x128xi1>
      %broadcast_in_dim3A_572 = vector.broadcast %jit3A_569 : f32 to vector<200x128xf32>
      %select_n3A_573 = arith.select %broadcast_in_dim3A_571, %max3A_21, %broadcast_in_dim3A_572 : vector<200x128xi1>, vector<200x128xf32>
      %reduce_max3A = arith.constant dense<0xFF800000> : vector<128xf32>
      %reduce_max3A_574 = vector.multi_reduction <maximumf>, %select_n3A_573, %reduce_max3A [0] : vector<200x128xf32> to vector<128xf32>
      %broadcast_in_dim3A_575 = vector.shape_cast %reduce_max3A_574 : vector<128xf32> to vector<1x128xf32>
      %get3A_576 = arith.constant 48 : index
      %get3A_577 = arith.constant 0 : index
      %get3A_578 = vector.load %arg9[%get3A_576, %get3A_577] : memref<64x128xf32, #tpu.memory_space<vmem>>, vector<1x128xf32>
      %max3A_579 = arith.maximumf %get3A_578, %broadcast_in_dim3A_575 : vector<1x128xf32>
      %swap3A_580 = arith.constant 48 : index
      %swap3A_581 = arith.constant 0 : index
      %swap3A_582 = vector.load %arg9[%swap3A_580, %swap3A_581] : memref<64x128xf32, #tpu.memory_space<vmem>>, vector<1x128xf32>
      tpu.vector_store %arg9[%swap3A_580, %swap3A_581], %max3A_579 {strides = array<i32>} : memref<64x128xf32, #tpu.memory_space<vmem>>, vector<1x128xf32>,
    } else {
    }
    %le3A_446 = arith.constant 4.900000e+01 : f32
    %le3A_447 = arith.cmpf ole, %get3A_52, %le3A_446 : f32
    %ge3A_448 = arith.constant 4.900000e+01 : f32
    %ge3A_449 = arith.cmpf oge, %get3A_56, %ge3A_448 : f32
    %and3A_450 = arith.andi %le3A_447, %ge3A_449 : i1
    %convert_element_type3A_451 = arith.extui %and3A_450 : i1 to i32
    %cond3A_452 = arith.constant 0 : i32
    %cond3A_453 = arith.cmpi ne, %convert_element_type3A_451, %cond3A_452 : i32
    scf.if %cond3A_453 {
      %eq3A_566 = arith.constant 4.900000e+01 : f32
      %eq3A_567 = vector.broadcast %eq3A_566 : f32 to vector<200x1xf32>
      %eq3A_568 = arith.cmpf oeq, %get3A_24, %eq3A_567 : vector<200x1xf32>
      %jit3A_569 = arith.constant -1.000000e+30 : f32
      %broadcast_in_dim3A_570 = vector.shape_cast %eq3A_568 : vector<200x1xi1> to vector<200x1xi1>
      %broadcast_in_dim3A_571 = vector.broadcast %broadcast_in_dim3A_570 : vector<200x1xi1> to vector<200x128xi1>
      %broadcast_in_dim3A_572 = vector.broadcast %jit3A_569 : f32 to vector<200x128xf32>
      %select_n3A_573 = arith.select %broadcast_in_dim3A_571, %max3A_21, %broadcast_in_dim3A_572 : vector<200x128xi1>, vector<200x128xf32>
      %reduce_max3A = arith.constant dense<0xFF800000> : vector<128xf32>
      %reduce_max3A_574 = vector.multi_reduction <maximumf>, %select_n3A_573, %reduce_max3A [0] : vector<200x128xf32> to vector<128xf32>
      %broadcast_in_dim3A_575 = vector.shape_cast %reduce_max3A_574 : vector<128xf32> to vector<1x128xf32>
      %get3A_576 = arith.constant 49 : index
      %get3A_577 = arith.constant 0 : index
      %get3A_578 = vector.load %arg9[%get3A_576, %get3A_577] : memref<64x128xf32, #tpu.memory_space<vmem>>, vector<1x128xf32>
      %max3A_579 = arith.maximumf %get3A_578, %broadcast_in_dim3A_575 : vector<1x128xf32>
      %swap3A_580 = arith.constant 49 : index
      %swap3A_581 = arith.constant 0 : index
      %swap3A_582 = vector.load %arg9[%swap3A_580, %swap3A_581] : memref<64x128xf32, #tpu.memory_space<vmem>>, vector<1x128xf32>
      tpu.vector_store %arg9[%swap3A_580, %swap3A_581], %max3A_579 {strides = array<i32>} : memref<64x128xf32, #tpu.memory_space<vmem>>, vector<1x128xf32>,
    } else {
    }
    %le3A_454 = arith.constant 5.000000e+01 : f32
    %le3A_455 = arith.cmpf ole, %get3A_52, %le3A_454 : f32
    %ge3A_456 = arith.constant 5.000000e+01 : f32
    %ge3A_457 = arith.cmpf oge, %get3A_56, %ge3A_456 : f32
    %and3A_458 = arith.andi %le3A_455, %ge3A_457 : i1
    %convert_element_type3A_459 = arith.extui %and3A_458 : i1 to i32
    %cond3A_460 = arith.constant 0 : i32
    %cond3A_461 = arith.cmpi ne, %convert_element_type3A_459, %cond3A_460 : i32
    scf.if %cond3A_461 {
      %eq3A_566 = arith.constant 5.000000e+01 : f32
      %eq3A_567 = vector.broadcast %eq3A_566 : f32 to vector<200x1xf32>
      %eq3A_568 = arith.cmpf oeq, %get3A_24, %eq3A_567 : vector<200x1xf32>
      %jit3A_569 = arith.constant -1.000000e+30 : f32
      %broadcast_in_dim3A_570 = vector.shape_cast %eq3A_568 : vector<200x1xi1> to vector<200x1xi1>
      %broadcast_in_dim3A_571 = vector.broadcast %broadcast_in_dim3A_570 : vector<200x1xi1> to vector<200x128xi1>
      %broadcast_in_dim3A_572 = vector.broadcast %jit3A_569 : f32 to vector<200x128xf32>
      %select_n3A_573 = arith.select %broadcast_in_dim3A_571, %max3A_21, %broadcast_in_dim3A_572 : vector<200x128xi1>, vector<200x128xf32>
      %reduce_max3A = arith.constant dense<0xFF800000> : vector<128xf32>
      %reduce_max3A_574 = vector.multi_reduction <maximumf>, %select_n3A_573, %reduce_max3A [0] : vector<200x128xf32> to vector<128xf32>
      %broadcast_in_dim3A_575 = vector.shape_cast %reduce_max3A_574 : vector<128xf32> to vector<1x128xf32>
      %get3A_576 = arith.constant 50 : index
      %get3A_577 = arith.constant 0 : index
      %get3A_578 = vector.load %arg9[%get3A_576, %get3A_577] : memref<64x128xf32, #tpu.memory_space<vmem>>, vector<1x128xf32>
      %max3A_579 = arith.maximumf %get3A_578, %broadcast_in_dim3A_575 : vector<1x128xf32>
      %swap3A_580 = arith.constant 50 : index
      %swap3A_581 = arith.constant 0 : index
      %swap3A_582 = vector.load %arg9[%swap3A_580, %swap3A_581] : memref<64x128xf32, #tpu.memory_space<vmem>>, vector<1x128xf32>
      tpu.vector_store %arg9[%swap3A_580, %swap3A_581], %max3A_579 {strides = array<i32>} : memref<64x128xf32, #tpu.memory_space<vmem>>, vector<1x128xf32>,
    } else {
    }
    %le3A_462 = arith.constant 5.100000e+01 : f32
    %le3A_463 = arith.cmpf ole, %get3A_52, %le3A_462 : f32
    %ge3A_464 = arith.constant 5.100000e+01 : f32
    %ge3A_465 = arith.cmpf oge, %get3A_56, %ge3A_464 : f32
    %and3A_466 = arith.andi %le3A_463, %ge3A_465 : i1
    %convert_element_type3A_467 = arith.extui %and3A_466 : i1 to i32
    %cond3A_468 = arith.constant 0 : i32
    %cond3A_469 = arith.cmpi ne, %convert_element_type3A_467, %cond3A_468 : i32
    scf.if %cond3A_469 {
      %eq3A_566 = arith.constant 5.100000e+01 : f32
      %eq3A_567 = vector.broadcast %eq3A_566 : f32 to vector<200x1xf32>
      %eq3A_568 = arith.cmpf oeq, %get3A_24, %eq3A_567 : vector<200x1xf32>
      %jit3A_569 = arith.constant -1.000000e+30 : f32
      %broadcast_in_dim3A_570 = vector.shape_cast %eq3A_568 : vector<200x1xi1> to vector<200x1xi1>
      %broadcast_in_dim3A_571 = vector.broadcast %broadcast_in_dim3A_570 : vector<200x1xi1> to vector<200x128xi1>
      %broadcast_in_dim3A_572 = vector.broadcast %jit3A_569 : f32 to vector<200x128xf32>
      %select_n3A_573 = arith.select %broadcast_in_dim3A_571, %max3A_21, %broadcast_in_dim3A_572 : vector<200x128xi1>, vector<200x128xf32>
      %reduce_max3A = arith.constant dense<0xFF800000> : vector<128xf32>
      %reduce_max3A_574 = vector.multi_reduction <maximumf>, %select_n3A_573, %reduce_max3A [0] : vector<200x128xf32> to vector<128xf32>
      %broadcast_in_dim3A_575 = vector.shape_cast %reduce_max3A_574 : vector<128xf32> to vector<1x128xf32>
      %get3A_576 = arith.constant 51 : index
      %get3A_577 = arith.constant 0 : index
      %get3A_578 = vector.load %arg9[%get3A_576, %get3A_577] : memref<64x128xf32, #tpu.memory_space<vmem>>, vector<1x128xf32>
      %max3A_579 = arith.maximumf %get3A_578, %broadcast_in_dim3A_575 : vector<1x128xf32>
      %swap3A_580 = arith.constant 51 : index
      %swap3A_581 = arith.constant 0 : index
      %swap3A_582 = vector.load %arg9[%swap3A_580, %swap3A_581] : memref<64x128xf32, #tpu.memory_space<vmem>>, vector<1x128xf32>
      tpu.vector_store %arg9[%swap3A_580, %swap3A_581], %max3A_579 {strides = array<i32>} : memref<64x128xf32, #tpu.memory_space<vmem>>, vector<1x128xf32>,
    } else {
    }
    %le3A_470 = arith.constant 5.200000e+01 : f32
    %le3A_471 = arith.cmpf ole, %get3A_52, %le3A_470 : f32
    %ge3A_472 = arith.constant 5.200000e+01 : f32
    %ge3A_473 = arith.cmpf oge, %get3A_56, %ge3A_472 : f32
    %and3A_474 = arith.andi %le3A_471, %ge3A_473 : i1
    %convert_element_type3A_475 = arith.extui %and3A_474 : i1 to i32
    %cond3A_476 = arith.constant 0 : i32
    %cond3A_477 = arith.cmpi ne, %convert_element_type3A_475, %cond3A_476 : i32
    scf.if %cond3A_477 {
      %eq3A_566 = arith.constant 5.200000e+01 : f32
      %eq3A_567 = vector.broadcast %eq3A_566 : f32 to vector<200x1xf32>
      %eq3A_568 = arith.cmpf oeq, %get3A_24, %eq3A_567 : vector<200x1xf32>
      %jit3A_569 = arith.constant -1.000000e+30 : f32
      %broadcast_in_dim3A_570 = vector.shape_cast %eq3A_568 : vector<200x1xi1> to vector<200x1xi1>
      %broadcast_in_dim3A_571 = vector.broadcast %broadcast_in_dim3A_570 : vector<200x1xi1> to vector<200x128xi1>
      %broadcast_in_dim3A_572 = vector.broadcast %jit3A_569 : f32 to vector<200x128xf32>
      %select_n3A_573 = arith.select %broadcast_in_dim3A_571, %max3A_21, %broadcast_in_dim3A_572 : vector<200x128xi1>, vector<200x128xf32>
      %reduce_max3A = arith.constant dense<0xFF800000> : vector<128xf32>
      %reduce_max3A_574 = vector.multi_reduction <maximumf>, %select_n3A_573, %reduce_max3A [0] : vector<200x128xf32> to vector<128xf32>
      %broadcast_in_dim3A_575 = vector.shape_cast %reduce_max3A_574 : vector<128xf32> to vector<1x128xf32>
      %get3A_576 = arith.constant 52 : index
      %get3A_577 = arith.constant 0 : index
      %get3A_578 = vector.load %arg9[%get3A_576, %get3A_577] : memref<64x128xf32, #tpu.memory_space<vmem>>, vector<1x128xf32>
      %max3A_579 = arith.maximumf %get3A_578, %broadcast_in_dim3A_575 : vector<1x128xf32>
      %swap3A_580 = arith.constant 52 : index
      %swap3A_581 = arith.constant 0 : index
      %swap3A_582 = vector.load %arg9[%swap3A_580, %swap3A_581] : memref<64x128xf32, #tpu.memory_space<vmem>>, vector<1x128xf32>
      tpu.vector_store %arg9[%swap3A_580, %swap3A_581], %max3A_579 {strides = array<i32>} : memref<64x128xf32, #tpu.memory_space<vmem>>, vector<1x128xf32>,
    } else {
    }
    %le3A_478 = arith.constant 5.300000e+01 : f32
    %le3A_479 = arith.cmpf ole, %get3A_52, %le3A_478 : f32
    %ge3A_480 = arith.constant 5.300000e+01 : f32
    %ge3A_481 = arith.cmpf oge, %get3A_56, %ge3A_480 : f32
    %and3A_482 = arith.andi %le3A_479, %ge3A_481 : i1
    %convert_element_type3A_483 = arith.extui %and3A_482 : i1 to i32
    %cond3A_484 = arith.constant 0 : i32
    %cond3A_485 = arith.cmpi ne, %convert_element_type3A_483, %cond3A_484 : i32
    scf.if %cond3A_485 {
      %eq3A_566 = arith.constant 5.300000e+01 : f32
      %eq3A_567 = vector.broadcast %eq3A_566 : f32 to vector<200x1xf32>
      %eq3A_568 = arith.cmpf oeq, %get3A_24, %eq3A_567 : vector<200x1xf32>
      %jit3A_569 = arith.constant -1.000000e+30 : f32
      %broadcast_in_dim3A_570 = vector.shape_cast %eq3A_568 : vector<200x1xi1> to vector<200x1xi1>
      %broadcast_in_dim3A_571 = vector.broadcast %broadcast_in_dim3A_570 : vector<200x1xi1> to vector<200x128xi1>
      %broadcast_in_dim3A_572 = vector.broadcast %jit3A_569 : f32 to vector<200x128xf32>
      %select_n3A_573 = arith.select %broadcast_in_dim3A_571, %max3A_21, %broadcast_in_dim3A_572 : vector<200x128xi1>, vector<200x128xf32>
      %reduce_max3A = arith.constant dense<0xFF800000> : vector<128xf32>
      %reduce_max3A_574 = vector.multi_reduction <maximumf>, %select_n3A_573, %reduce_max3A [0] : vector<200x128xf32> to vector<128xf32>
      %broadcast_in_dim3A_575 = vector.shape_cast %reduce_max3A_574 : vector<128xf32> to vector<1x128xf32>
      %get3A_576 = arith.constant 53 : index
      %get3A_577 = arith.constant 0 : index
      %get3A_578 = vector.load %arg9[%get3A_576, %get3A_577] : memref<64x128xf32, #tpu.memory_space<vmem>>, vector<1x128xf32>
      %max3A_579 = arith.maximumf %get3A_578, %broadcast_in_dim3A_575 : vector<1x128xf32>
      %swap3A_580 = arith.constant 53 : index
      %swap3A_581 = arith.constant 0 : index
      %swap3A_582 = vector.load %arg9[%swap3A_580, %swap3A_581] : memref<64x128xf32, #tpu.memory_space<vmem>>, vector<1x128xf32>
      tpu.vector_store %arg9[%swap3A_580, %swap3A_581], %max3A_579 {strides = array<i32>} : memref<64x128xf32, #tpu.memory_space<vmem>>, vector<1x128xf32>,
    } else {
    }
    %le3A_486 = arith.constant 5.400000e+01 : f32
    %le3A_487 = arith.cmpf ole, %get3A_52, %le3A_486 : f32
    %ge3A_488 = arith.constant 5.400000e+01 : f32
    %ge3A_489 = arith.cmpf oge, %get3A_56, %ge3A_488 : f32
    %and3A_490 = arith.andi %le3A_487, %ge3A_489 : i1
    %convert_element_type3A_491 = arith.extui %and3A_490 : i1 to i32
    %cond3A_492 = arith.constant 0 : i32
    %cond3A_493 = arith.cmpi ne, %convert_element_type3A_491, %cond3A_492 : i32
    scf.if %cond3A_493 {
      %eq3A_566 = arith.constant 5.400000e+01 : f32
      %eq3A_567 = vector.broadcast %eq3A_566 : f32 to vector<200x1xf32>
      %eq3A_568 = arith.cmpf oeq, %get3A_24, %eq3A_567 : vector<200x1xf32>
      %jit3A_569 = arith.constant -1.000000e+30 : f32
      %broadcast_in_dim3A_570 = vector.shape_cast %eq3A_568 : vector<200x1xi1> to vector<200x1xi1>
      %broadcast_in_dim3A_571 = vector.broadcast %broadcast_in_dim3A_570 : vector<200x1xi1> to vector<200x128xi1>
      %broadcast_in_dim3A_572 = vector.broadcast %jit3A_569 : f32 to vector<200x128xf32>
      %select_n3A_573 = arith.select %broadcast_in_dim3A_571, %max3A_21, %broadcast_in_dim3A_572 : vector<200x128xi1>, vector<200x128xf32>
      %reduce_max3A = arith.constant dense<0xFF800000> : vector<128xf32>
      %reduce_max3A_574 = vector.multi_reduction <maximumf>, %select_n3A_573, %reduce_max3A [0] : vector<200x128xf32> to vector<128xf32>
      %broadcast_in_dim3A_575 = vector.shape_cast %reduce_max3A_574 : vector<128xf32> to vector<1x128xf32>
      %get3A_576 = arith.constant 54 : index
      %get3A_577 = arith.constant 0 : index
      %get3A_578 = vector.load %arg9[%get3A_576, %get3A_577] : memref<64x128xf32, #tpu.memory_space<vmem>>, vector<1x128xf32>
      %max3A_579 = arith.maximumf %get3A_578, %broadcast_in_dim3A_575 : vector<1x128xf32>
      %swap3A_580 = arith.constant 54 : index
      %swap3A_581 = arith.constant 0 : index
      %swap3A_582 = vector.load %arg9[%swap3A_580, %swap3A_581] : memref<64x128xf32, #tpu.memory_space<vmem>>, vector<1x128xf32>
      tpu.vector_store %arg9[%swap3A_580, %swap3A_581], %max3A_579 {strides = array<i32>} : memref<64x128xf32, #tpu.memory_space<vmem>>, vector<1x128xf32>,
    } else {
    }
    %le3A_494 = arith.constant 5.500000e+01 : f32
    %le3A_495 = arith.cmpf ole, %get3A_52, %le3A_494 : f32
    %ge3A_496 = arith.constant 5.500000e+01 : f32
    %ge3A_497 = arith.cmpf oge, %get3A_56, %ge3A_496 : f32
    %and3A_498 = arith.andi %le3A_495, %ge3A_497 : i1
    %convert_element_type3A_499 = arith.extui %and3A_498 : i1 to i32
    %cond3A_500 = arith.constant 0 : i32
    %cond3A_501 = arith.cmpi ne, %convert_element_type3A_499, %cond3A_500 : i32
    scf.if %cond3A_501 {
      %eq3A_566 = arith.constant 5.500000e+01 : f32
      %eq3A_567 = vector.broadcast %eq3A_566 : f32 to vector<200x1xf32>
      %eq3A_568 = arith.cmpf oeq, %get3A_24, %eq3A_567 : vector<200x1xf32>
      %jit3A_569 = arith.constant -1.000000e+30 : f32
      %broadcast_in_dim3A_570 = vector.shape_cast %eq3A_568 : vector<200x1xi1> to vector<200x1xi1>
      %broadcast_in_dim3A_571 = vector.broadcast %broadcast_in_dim3A_570 : vector<200x1xi1> to vector<200x128xi1>
      %broadcast_in_dim3A_572 = vector.broadcast %jit3A_569 : f32 to vector<200x128xf32>
      %select_n3A_573 = arith.select %broadcast_in_dim3A_571, %max3A_21, %broadcast_in_dim3A_572 : vector<200x128xi1>, vector<200x128xf32>
      %reduce_max3A = arith.constant dense<0xFF800000> : vector<128xf32>
      %reduce_max3A_574 = vector.multi_reduction <maximumf>, %select_n3A_573, %reduce_max3A [0] : vector<200x128xf32> to vector<128xf32>
      %broadcast_in_dim3A_575 = vector.shape_cast %reduce_max3A_574 : vector<128xf32> to vector<1x128xf32>
      %get3A_576 = arith.constant 55 : index
      %get3A_577 = arith.constant 0 : index
      %get3A_578 = vector.load %arg9[%get3A_576, %get3A_577] : memref<64x128xf32, #tpu.memory_space<vmem>>, vector<1x128xf32>
      %max3A_579 = arith.maximumf %get3A_578, %broadcast_in_dim3A_575 : vector<1x128xf32>
      %swap3A_580 = arith.constant 55 : index
      %swap3A_581 = arith.constant 0 : index
      %swap3A_582 = vector.load %arg9[%swap3A_580, %swap3A_581] : memref<64x128xf32, #tpu.memory_space<vmem>>, vector<1x128xf32>
      tpu.vector_store %arg9[%swap3A_580, %swap3A_581], %max3A_579 {strides = array<i32>} : memref<64x128xf32, #tpu.memory_space<vmem>>, vector<1x128xf32>,
    } else {
    }
    %le3A_502 = arith.constant 5.600000e+01 : f32
    %le3A_503 = arith.cmpf ole, %get3A_52, %le3A_502 : f32
    %ge3A_504 = arith.constant 5.600000e+01 : f32
    %ge3A_505 = arith.cmpf oge, %get3A_56, %ge3A_504 : f32
    %and3A_506 = arith.andi %le3A_503, %ge3A_505 : i1
    %convert_element_type3A_507 = arith.extui %and3A_506 : i1 to i32
    %cond3A_508 = arith.constant 0 : i32
    %cond3A_509 = arith.cmpi ne, %convert_element_type3A_507, %cond3A_508 : i32
    scf.if %cond3A_509 {
      %eq3A_566 = arith.constant 5.600000e+01 : f32
      %eq3A_567 = vector.broadcast %eq3A_566 : f32 to vector<200x1xf32>
      %eq3A_568 = arith.cmpf oeq, %get3A_24, %eq3A_567 : vector<200x1xf32>
      %jit3A_569 = arith.constant -1.000000e+30 : f32
      %broadcast_in_dim3A_570 = vector.shape_cast %eq3A_568 : vector<200x1xi1> to vector<200x1xi1>
      %broadcast_in_dim3A_571 = vector.broadcast %broadcast_in_dim3A_570 : vector<200x1xi1> to vector<200x128xi1>
      %broadcast_in_dim3A_572 = vector.broadcast %jit3A_569 : f32 to vector<200x128xf32>
      %select_n3A_573 = arith.select %broadcast_in_dim3A_571, %max3A_21, %broadcast_in_dim3A_572 : vector<200x128xi1>, vector<200x128xf32>
      %reduce_max3A = arith.constant dense<0xFF800000> : vector<128xf32>
      %reduce_max3A_574 = vector.multi_reduction <maximumf>, %select_n3A_573, %reduce_max3A [0] : vector<200x128xf32> to vector<128xf32>
      %broadcast_in_dim3A_575 = vector.shape_cast %reduce_max3A_574 : vector<128xf32> to vector<1x128xf32>
      %get3A_576 = arith.constant 56 : index
      %get3A_577 = arith.constant 0 : index
      %get3A_578 = vector.load %arg9[%get3A_576, %get3A_577] : memref<64x128xf32, #tpu.memory_space<vmem>>, vector<1x128xf32>
      %max3A_579 = arith.maximumf %get3A_578, %broadcast_in_dim3A_575 : vector<1x128xf32>
      %swap3A_580 = arith.constant 56 : index
      %swap3A_581 = arith.constant 0 : index
      %swap3A_582 = vector.load %arg9[%swap3A_580, %swap3A_581] : memref<64x128xf32, #tpu.memory_space<vmem>>, vector<1x128xf32>
      tpu.vector_store %arg9[%swap3A_580, %swap3A_581], %max3A_579 {strides = array<i32>} : memref<64x128xf32, #tpu.memory_space<vmem>>, vector<1x128xf32>,
    } else {
    }
    %le3A_510 = arith.constant 5.700000e+01 : f32
    %le3A_511 = arith.cmpf ole, %get3A_52, %le3A_510 : f32
    %ge3A_512 = arith.constant 5.700000e+01 : f32
    %ge3A_513 = arith.cmpf oge, %get3A_56, %ge3A_512 : f32
    %and3A_514 = arith.andi %le3A_511, %ge3A_513 : i1
    %convert_element_type3A_515 = arith.extui %and3A_514 : i1 to i32
    %cond3A_516 = arith.constant 0 : i32
    %cond3A_517 = arith.cmpi ne, %convert_element_type3A_515, %cond3A_516 : i32
    scf.if %cond3A_517 {
      %eq3A_566 = arith.constant 5.700000e+01 : f32
      %eq3A_567 = vector.broadcast %eq3A_566 : f32 to vector<200x1xf32>
      %eq3A_568 = arith.cmpf oeq, %get3A_24, %eq3A_567 : vector<200x1xf32>
      %jit3A_569 = arith.constant -1.000000e+30 : f32
      %broadcast_in_dim3A_570 = vector.shape_cast %eq3A_568 : vector<200x1xi1> to vector<200x1xi1>
      %broadcast_in_dim3A_571 = vector.broadcast %broadcast_in_dim3A_570 : vector<200x1xi1> to vector<200x128xi1>
      %broadcast_in_dim3A_572 = vector.broadcast %jit3A_569 : f32 to vector<200x128xf32>
      %select_n3A_573 = arith.select %broadcast_in_dim3A_571, %max3A_21, %broadcast_in_dim3A_572 : vector<200x128xi1>, vector<200x128xf32>
      %reduce_max3A = arith.constant dense<0xFF800000> : vector<128xf32>
      %reduce_max3A_574 = vector.multi_reduction <maximumf>, %select_n3A_573, %reduce_max3A [0] : vector<200x128xf32> to vector<128xf32>
      %broadcast_in_dim3A_575 = vector.shape_cast %reduce_max3A_574 : vector<128xf32> to vector<1x128xf32>
      %get3A_576 = arith.constant 57 : index
      %get3A_577 = arith.constant 0 : index
      %get3A_578 = vector.load %arg9[%get3A_576, %get3A_577] : memref<64x128xf32, #tpu.memory_space<vmem>>, vector<1x128xf32>
      %max3A_579 = arith.maximumf %get3A_578, %broadcast_in_dim3A_575 : vector<1x128xf32>
      %swap3A_580 = arith.constant 57 : index
      %swap3A_581 = arith.constant 0 : index
      %swap3A_582 = vector.load %arg9[%swap3A_580, %swap3A_581] : memref<64x128xf32, #tpu.memory_space<vmem>>, vector<1x128xf32>
      tpu.vector_store %arg9[%swap3A_580, %swap3A_581], %max3A_579 {strides = array<i32>} : memref<64x128xf32, #tpu.memory_space<vmem>>, vector<1x128xf32>,
    } else {
    }
    %le3A_518 = arith.constant 5.800000e+01 : f32
    %le3A_519 = arith.cmpf ole, %get3A_52, %le3A_518 : f32
    %ge3A_520 = arith.constant 5.800000e+01 : f32
    %ge3A_521 = arith.cmpf oge, %get3A_56, %ge3A_520 : f32
    %and3A_522 = arith.andi %le3A_519, %ge3A_521 : i1
    %convert_element_type3A_523 = arith.extui %and3A_522 : i1 to i32
    %cond3A_524 = arith.constant 0 : i32
    %cond3A_525 = arith.cmpi ne, %convert_element_type3A_523, %cond3A_524 : i32
    scf.if %cond3A_525 {
      %eq3A_566 = arith.constant 5.800000e+01 : f32
      %eq3A_567 = vector.broadcast %eq3A_566 : f32 to vector<200x1xf32>
      %eq3A_568 = arith.cmpf oeq, %get3A_24, %eq3A_567 : vector<200x1xf32>
      %jit3A_569 = arith.constant -1.000000e+30 : f32
      %broadcast_in_dim3A_570 = vector.shape_cast %eq3A_568 : vector<200x1xi1> to vector<200x1xi1>
      %broadcast_in_dim3A_571 = vector.broadcast %broadcast_in_dim3A_570 : vector<200x1xi1> to vector<200x128xi1>
      %broadcast_in_dim3A_572 = vector.broadcast %jit3A_569 : f32 to vector<200x128xf32>
      %select_n3A_573 = arith.select %broadcast_in_dim3A_571, %max3A_21, %broadcast_in_dim3A_572 : vector<200x128xi1>, vector<200x128xf32>
      %reduce_max3A = arith.constant dense<0xFF800000> : vector<128xf32>
      %reduce_max3A_574 = vector.multi_reduction <maximumf>, %select_n3A_573, %reduce_max3A [0] : vector<200x128xf32> to vector<128xf32>
      %broadcast_in_dim3A_575 = vector.shape_cast %reduce_max3A_574 : vector<128xf32> to vector<1x128xf32>
      %get3A_576 = arith.constant 58 : index
      %get3A_577 = arith.constant 0 : index
      %get3A_578 = vector.load %arg9[%get3A_576, %get3A_577] : memref<64x128xf32, #tpu.memory_space<vmem>>, vector<1x128xf32>
      %max3A_579 = arith.maximumf %get3A_578, %broadcast_in_dim3A_575 : vector<1x128xf32>
      %swap3A_580 = arith.constant 58 : index
      %swap3A_581 = arith.constant 0 : index
      %swap3A_582 = vector.load %arg9[%swap3A_580, %swap3A_581] : memref<64x128xf32, #tpu.memory_space<vmem>>, vector<1x128xf32>
      tpu.vector_store %arg9[%swap3A_580, %swap3A_581], %max3A_579 {strides = array<i32>} : memref<64x128xf32, #tpu.memory_space<vmem>>, vector<1x128xf32>,
    } else {
    }
    %le3A_526 = arith.constant 5.900000e+01 : f32
    %le3A_527 = arith.cmpf ole, %get3A_52, %le3A_526 : f32
    %ge3A_528 = arith.constant 5.900000e+01 : f32
    %ge3A_529 = arith.cmpf oge, %get3A_56, %ge3A_528 : f32
    %and3A_530 = arith.andi %le3A_527, %ge3A_529 : i1
    %convert_element_type3A_531 = arith.extui %and3A_530 : i1 to i32
    %cond3A_532 = arith.constant 0 : i32
    %cond3A_533 = arith.cmpi ne, %convert_element_type3A_531, %cond3A_532 : i32
    scf.if %cond3A_533 {
      %eq3A_566 = arith.constant 5.900000e+01 : f32
      %eq3A_567 = vector.broadcast %eq3A_566 : f32 to vector<200x1xf32>
      %eq3A_568 = arith.cmpf oeq, %get3A_24, %eq3A_567 : vector<200x1xf32>
      %jit3A_569 = arith.constant -1.000000e+30 : f32
      %broadcast_in_dim3A_570 = vector.shape_cast %eq3A_568 : vector<200x1xi1> to vector<200x1xi1>
      %broadcast_in_dim3A_571 = vector.broadcast %broadcast_in_dim3A_570 : vector<200x1xi1> to vector<200x128xi1>
      %broadcast_in_dim3A_572 = vector.broadcast %jit3A_569 : f32 to vector<200x128xf32>
      %select_n3A_573 = arith.select %broadcast_in_dim3A_571, %max3A_21, %broadcast_in_dim3A_572 : vector<200x128xi1>, vector<200x128xf32>
      %reduce_max3A = arith.constant dense<0xFF800000> : vector<128xf32>
      %reduce_max3A_574 = vector.multi_reduction <maximumf>, %select_n3A_573, %reduce_max3A [0] : vector<200x128xf32> to vector<128xf32>
      %broadcast_in_dim3A_575 = vector.shape_cast %reduce_max3A_574 : vector<128xf32> to vector<1x128xf32>
      %get3A_576 = arith.constant 59 : index
      %get3A_577 = arith.constant 0 : index
      %get3A_578 = vector.load %arg9[%get3A_576, %get3A_577] : memref<64x128xf32, #tpu.memory_space<vmem>>, vector<1x128xf32>
      %max3A_579 = arith.maximumf %get3A_578, %broadcast_in_dim3A_575 : vector<1x128xf32>
      %swap3A_580 = arith.constant 59 : index
      %swap3A_581 = arith.constant 0 : index
      %swap3A_582 = vector.load %arg9[%swap3A_580, %swap3A_581] : memref<64x128xf32, #tpu.memory_space<vmem>>, vector<1x128xf32>
      tpu.vector_store %arg9[%swap3A_580, %swap3A_581], %max3A_579 {strides = array<i32>} : memref<64x128xf32, #tpu.memory_space<vmem>>, vector<1x128xf32>,
    } else {
    }
    %le3A_534 = arith.constant 6.000000e+01 : f32
    %le3A_535 = arith.cmpf ole, %get3A_52, %le3A_534 : f32
    %ge3A_536 = arith.constant 6.000000e+01 : f32
    %ge3A_537 = arith.cmpf oge, %get3A_56, %ge3A_536 : f32
    %and3A_538 = arith.andi %le3A_535, %ge3A_537 : i1
    %convert_element_type3A_539 = arith.extui %and3A_538 : i1 to i32
    %cond3A_540 = arith.constant 0 : i32
    %cond3A_541 = arith.cmpi ne, %convert_element_type3A_539, %cond3A_540 : i32
    scf.if %cond3A_541 {
      %eq3A_566 = arith.constant 6.000000e+01 : f32
      %eq3A_567 = vector.broadcast %eq3A_566 : f32 to vector<200x1xf32>
      %eq3A_568 = arith.cmpf oeq, %get3A_24, %eq3A_567 : vector<200x1xf32>
      %jit3A_569 = arith.constant -1.000000e+30 : f32
      %broadcast_in_dim3A_570 = vector.shape_cast %eq3A_568 : vector<200x1xi1> to vector<200x1xi1>
      %broadcast_in_dim3A_571 = vector.broadcast %broadcast_in_dim3A_570 : vector<200x1xi1> to vector<200x128xi1>
      %broadcast_in_dim3A_572 = vector.broadcast %jit3A_569 : f32 to vector<200x128xf32>
      %select_n3A_573 = arith.select %broadcast_in_dim3A_571, %max3A_21, %broadcast_in_dim3A_572 : vector<200x128xi1>, vector<200x128xf32>
      %reduce_max3A = arith.constant dense<0xFF800000> : vector<128xf32>
      %reduce_max3A_574 = vector.multi_reduction <maximumf>, %select_n3A_573, %reduce_max3A [0] : vector<200x128xf32> to vector<128xf32>
      %broadcast_in_dim3A_575 = vector.shape_cast %reduce_max3A_574 : vector<128xf32> to vector<1x128xf32>
      %get3A_576 = arith.constant 60 : index
      %get3A_577 = arith.constant 0 : index
      %get3A_578 = vector.load %arg9[%get3A_576, %get3A_577] : memref<64x128xf32, #tpu.memory_space<vmem>>, vector<1x128xf32>
      %max3A_579 = arith.maximumf %get3A_578, %broadcast_in_dim3A_575 : vector<1x128xf32>
      %swap3A_580 = arith.constant 60 : index
      %swap3A_581 = arith.constant 0 : index
      %swap3A_582 = vector.load %arg9[%swap3A_580, %swap3A_581] : memref<64x128xf32, #tpu.memory_space<vmem>>, vector<1x128xf32>
      tpu.vector_store %arg9[%swap3A_580, %swap3A_581], %max3A_579 {strides = array<i32>} : memref<64x128xf32, #tpu.memory_space<vmem>>, vector<1x128xf32>,
    } else {
    }
    %le3A_542 = arith.constant 6.100000e+01 : f32
    %le3A_543 = arith.cmpf ole, %get3A_52, %le3A_542 : f32
    %ge3A_544 = arith.constant 6.100000e+01 : f32
    %ge3A_545 = arith.cmpf oge, %get3A_56, %ge3A_544 : f32
    %and3A_546 = arith.andi %le3A_543, %ge3A_545 : i1
    %convert_element_type3A_547 = arith.extui %and3A_546 : i1 to i32
    %cond3A_548 = arith.constant 0 : i32
    %cond3A_549 = arith.cmpi ne, %convert_element_type3A_547, %cond3A_548 : i32
    scf.if %cond3A_549 {
      %eq3A_566 = arith.constant 6.100000e+01 : f32
      %eq3A_567 = vector.broadcast %eq3A_566 : f32 to vector<200x1xf32>
      %eq3A_568 = arith.cmpf oeq, %get3A_24, %eq3A_567 : vector<200x1xf32>
      %jit3A_569 = arith.constant -1.000000e+30 : f32
      %broadcast_in_dim3A_570 = vector.shape_cast %eq3A_568 : vector<200x1xi1> to vector<200x1xi1>
      %broadcast_in_dim3A_571 = vector.broadcast %broadcast_in_dim3A_570 : vector<200x1xi1> to vector<200x128xi1>
      %broadcast_in_dim3A_572 = vector.broadcast %jit3A_569 : f32 to vector<200x128xf32>
      %select_n3A_573 = arith.select %broadcast_in_dim3A_571, %max3A_21, %broadcast_in_dim3A_572 : vector<200x128xi1>, vector<200x128xf32>
      %reduce_max3A = arith.constant dense<0xFF800000> : vector<128xf32>
      %reduce_max3A_574 = vector.multi_reduction <maximumf>, %select_n3A_573, %reduce_max3A [0] : vector<200x128xf32> to vector<128xf32>
      %broadcast_in_dim3A_575 = vector.shape_cast %reduce_max3A_574 : vector<128xf32> to vector<1x128xf32>
      %get3A_576 = arith.constant 61 : index
      %get3A_577 = arith.constant 0 : index
      %get3A_578 = vector.load %arg9[%get3A_576, %get3A_577] : memref<64x128xf32, #tpu.memory_space<vmem>>, vector<1x128xf32>
      %max3A_579 = arith.maximumf %get3A_578, %broadcast_in_dim3A_575 : vector<1x128xf32>
      %swap3A_580 = arith.constant 61 : index
      %swap3A_581 = arith.constant 0 : index
      %swap3A_582 = vector.load %arg9[%swap3A_580, %swap3A_581] : memref<64x128xf32, #tpu.memory_space<vmem>>, vector<1x128xf32>
      tpu.vector_store %arg9[%swap3A_580, %swap3A_581], %max3A_579 {strides = array<i32>} : memref<64x128xf32, #tpu.memory_space<vmem>>, vector<1x128xf32>,
    } else {
    }
    %le3A_550 = arith.constant 6.200000e+01 : f32
    %le3A_551 = arith.cmpf ole, %get3A_52, %le3A_550 : f32
    %ge3A_552 = arith.constant 6.200000e+01 : f32
    %ge3A_553 = arith.cmpf oge, %get3A_56, %ge3A_552 : f32
    %and3A_554 = arith.andi %le3A_551, %ge3A_553 : i1
    %convert_element_type3A_555 = arith.extui %and3A_554 : i1 to i32
    %cond3A_556 = arith.constant 0 : i32
    %cond3A_557 = arith.cmpi ne, %convert_element_type3A_555, %cond3A_556 : i32
    scf.if %cond3A_557 {
      %eq3A_566 = arith.constant 6.200000e+01 : f32
      %eq3A_567 = vector.broadcast %eq3A_566 : f32 to vector<200x1xf32>
      %eq3A_568 = arith.cmpf oeq, %get3A_24, %eq3A_567 : vector<200x1xf32>
      %jit3A_569 = arith.constant -1.000000e+30 : f32
      %broadcast_in_dim3A_570 = vector.shape_cast %eq3A_568 : vector<200x1xi1> to vector<200x1xi1>
      %broadcast_in_dim3A_571 = vector.broadcast %broadcast_in_dim3A_570 : vector<200x1xi1> to vector<200x128xi1>
      %broadcast_in_dim3A_572 = vector.broadcast %jit3A_569 : f32 to vector<200x128xf32>
      %select_n3A_573 = arith.select %broadcast_in_dim3A_571, %max3A_21, %broadcast_in_dim3A_572 : vector<200x128xi1>, vector<200x128xf32>
      %reduce_max3A = arith.constant dense<0xFF800000> : vector<128xf32>
      %reduce_max3A_574 = vector.multi_reduction <maximumf>, %select_n3A_573, %reduce_max3A [0] : vector<200x128xf32> to vector<128xf32>
      %broadcast_in_dim3A_575 = vector.shape_cast %reduce_max3A_574 : vector<128xf32> to vector<1x128xf32>
      %get3A_576 = arith.constant 62 : index
      %get3A_577 = arith.constant 0 : index
      %get3A_578 = vector.load %arg9[%get3A_576, %get3A_577] : memref<64x128xf32, #tpu.memory_space<vmem>>, vector<1x128xf32>
      %max3A_579 = arith.maximumf %get3A_578, %broadcast_in_dim3A_575 : vector<1x128xf32>
      %swap3A_580 = arith.constant 62 : index
      %swap3A_581 = arith.constant 0 : index
      %swap3A_582 = vector.load %arg9[%swap3A_580, %swap3A_581] : memref<64x128xf32, #tpu.memory_space<vmem>>, vector<1x128xf32>
      tpu.vector_store %arg9[%swap3A_580, %swap3A_581], %max3A_579 {strides = array<i32>} : memref<64x128xf32, #tpu.memory_space<vmem>>, vector<1x128xf32>,
    } else {
    }
    %le3A_558 = arith.constant 6.300000e+01 : f32
    %le3A_559 = arith.cmpf ole, %get3A_52, %le3A_558 : f32
    %ge3A_560 = arith.constant 6.300000e+01 : f32
    %ge3A_561 = arith.cmpf oge, %get3A_56, %ge3A_560 : f32
    %and3A_562 = arith.andi %le3A_559, %ge3A_561 : i1
    %convert_element_type3A_563 = arith.extui %and3A_562 : i1 to i32
    %cond3A_564 = arith.constant 0 : i32
    %cond3A_565 = arith.cmpi ne, %convert_element_type3A_563, %cond3A_564 : i32
    scf.if %cond3A_565 {
      %eq3A_566 = arith.constant 6.300000e+01 : f32
      %eq3A_567 = vector.broadcast %eq3A_566 : f32 to vector<200x1xf32>
      %eq3A_568 = arith.cmpf oeq, %get3A_24, %eq3A_567 : vector<200x1xf32>
      %jit3A_569 = arith.constant -1.000000e+30 : f32
      %broadcast_in_dim3A_570 = vector.shape_cast %eq3A_568 : vector<200x1xi1> to vector<200x1xi1>
      %broadcast_in_dim3A_571 = vector.broadcast %broadcast_in_dim3A_570 : vector<200x1xi1> to vector<200x128xi1>
      %broadcast_in_dim3A_572 = vector.broadcast %jit3A_569 : f32 to vector<200x128xf32>
      %select_n3A_573 = arith.select %broadcast_in_dim3A_571, %max3A_21, %broadcast_in_dim3A_572 : vector<200x128xi1>, vector<200x128xf32>
      %reduce_max3A = arith.constant dense<0xFF800000> : vector<128xf32>
      %reduce_max3A_574 = vector.multi_reduction <maximumf>, %select_n3A_573, %reduce_max3A [0] : vector<200x128xf32> to vector<128xf32>
      %broadcast_in_dim3A_575 = vector.shape_cast %reduce_max3A_574 : vector<128xf32> to vector<1x128xf32>
      %get3A_576 = arith.constant 63 : index
      %get3A_577 = arith.constant 0 : index
      %get3A_578 = vector.load %arg9[%get3A_576, %get3A_577] : memref<64x128xf32, #tpu.memory_space<vmem>>, vector<1x128xf32>
      %max3A_579 = arith.maximumf %get3A_578, %broadcast_in_dim3A_575 : vector<1x128xf32>
      %swap3A_580 = arith.constant 63 : index
      %swap3A_581 = arith.constant 0 : index
      %swap3A_582 = vector.load %arg9[%swap3A_580, %swap3A_581] : memref<64x128xf32, #tpu.memory_space<vmem>>, vector<1x128xf32>
      tpu.vector_store %arg9[%swap3A_580, %swap3A_581], %max3A_579 {strides = array<i32>} : memref<64x128xf32, #tpu.memory_space<vmem>>, vector<1x128xf32>,
    } else {
    }
    return
  }
  func.func @transform_0(%arg0: i32) -> (i32, i32) {
    %c0_i32 = arith.constant 0 : i32
    %c0_i32_0 = arith.constant 0 : i32
    return %arg0, %c0_i32 : i32, i32
  }
  func.func @transform_1(%arg0: i32) -> (i32, i32) {
    %c0_i32 = arith.constant 0 : i32
    %c0_i32_0 = arith.constant 0 : i32
    return %arg0, %c0_i32 : i32, i32
  }
  func.func @transform_2(%arg0: i32) -> (i32, i32) {
    %c0_i32 = arith.constant 0 : i32
    %c0_i32_0 = arith.constant 0 : i32
    return %arg0, %c0_i32 : i32, i32
  }
  func.func @transform_3(%arg0: i32) -> (i32, i32) {
    %c0_i32 = arith.constant 0 : i32
    %c0_i32_0 = arith.constant 0 : i32
    return %arg0, %c0_i32 : i32, i32
  }
  func.func @transform_4(%arg0: i32) -> (i32, i32) {
    %c0_i32 = arith.constant 0 : i32
    %c0_i32_0 = arith.constant 0 : i32
    %c0_i32_1 = arith.constant 0 : i32
    return %c0_i32, %c0_i32_0 : i32, i32
  }
  func.func @transform_5(%arg0: i32) -> (i32, i32) {
    %c0_i32 = arith.constant 0 : i32
    %c0_i32_0 = arith.constant 0 : i32
    return %arg0, %c0_i32 : i32, i32
  }
  func.func @transform_6(%arg0: i32) -> (i32, i32) {
    %c0_i32 = arith.constant 0 : i32
    %c0_i32_0 = arith.constant 0 : i32
    %c0_i32_1 = arith.constant 0 : i32
    return %c0_i32, %c0_i32_0 : i32, i32
  }
  func.func @transform_7(%arg0: i32) -> (i32, i32) {
    %c0_i32 = arith.constant 0 : i32
    %c0_i32_0 = arith.constant 0 : i32
    %c0_i32_1 = arith.constant 0 : i32
    return %c0_i32, %c0_i32_0 : i32, i32
  }
  func.func @transform_8(%arg0: i32) -> (i32, i32) {
    %c0_i32 = arith.constant 0 : i32
    %c0_i32_0 = arith.constant 0 : i32
    %c0_i32_1 = arith.constant 0 : i32
    return %c0_i32, %c0_i32_0 : i32, i32
  }
}

</mosaic_0001>

<sc_bundles>
// kernel: kernel.11.cloned.1.call-start
scs
__scs_entry_jumppad:
0x0: {  	(pc) =	sbr.rel $0x88, $3  }
0x1: {  	(tag) =	ssettag $0x0;
	lr =	simm.s32 $0x1  }
0x2: {  	[smem:$0x3F94] =	sst lr;
	_ =	strace $0xD0000000  }
0x3: {  	_ = 	snop  }
0x4: {  	_ = 	snop  }
0x5: {  	_ = 	snop  }
0x6: {  	_ = 	snop  }
0x7: {  	_ = 	snop  }
__scs_overlays_trampoline_lowered:
0x8: {  	[smem:$0x3FA3] =	sst s0  }
0x9: {  	[smem:$0x3FA4] =	sst s1  }
0xa: {  	[smem:$0x3FA5] =	sst s2  }
0xb: {  	[smem:$0x3FA6] =	sst s3  }
0xc: {  	[smem:$0x3FA7] =	sst s4  }
0xd: {  	[smem:$0x3FA8] =	sst s5  }
0xe: {  	[smem:$0x3FA9] =	sst s6  }
0xf: {  	[smem:$0x3FAA] =	sst s7  }
0x10: {  	[smem:$0x3FAB] =	sst s8  }
0x11: {  	[smem:$0x3FAC] =	sst s9;
	s0 =	simm.s32 @!p0 $0x0  }
0x12: {  	s1 =	sld [smem:$0x3F92];
	s0 =	simm.s32 @p0 $0x1  }
0x13: {  	[smem:$0x3FAD] =	sst s0;
	s0 =	simm.s32 @!p1 $0x0  }
0x14: {  	s2 =	sld [smem:$0x3F91];
	s0 =	simm.s32 @p1 $0x1  }
0x15: {  	[smem:$0x3FAE] =	sst s0;
	s0 =	simm.s32 @!p2 $0x0  }
0x16: {  	s3 =	sld [smem:$0x3FDB];
	s0 =	simm.s32 @p2 $0x1  }
0x17: {  	s4 =	simm.s32 $0x1BF5;
	[smem:$0x3FB0] =	sst s0  }
0x18: {  	s0 =	sld [smem:$0x3F93];
	_ =	swait.ge [sflag:s4], $0x0  }
0x19: {  	s7 =	sld [smem:$0x3F94]  }
0x1a: {  	s8 =	sadd.s32 $0xFFFFE003, lr  }
0x1b: {  	s9 =	sadd.s32 $0xFFFFFEF7, lr;
	s5 =	simm.s32 $0xFFFFFFFF;
	p2 =	slt.u32 s8, $0xFFFFF086  }
0x1c: {  	p1 =	slt.u32 s9, $0xF7A;
	s5 =	simm.s32 @!p2 $0x0  }
0x1d: {  	s5 =	simm.s32 @p1 $0x1;
	p0 =	seq.s32 s7, s2  }
0x1e: {  	s7 =	smul.u32 @!p0 $0xF7A, s2;
	p2 =	seq.s32 @!p0 s5, $0x0  }
0x1f: {  	s9 =	smul.u32 $0xF7A, s1;
	s8 =	simm.s32 @!p0 $0x1BF5;
	p2 =	por !p2, p0  }
0x20: {  	[sflag:s8] =	ssyncset.s32 @!p0 $0xFFFFF086;
	s6 =	sadd.s32 @!p0 s3, s7;
	s7 =	simm.s32 @!p0 $0x108  }
0x21: {  	s3 =	sadd.s32 s3, s9;
	s6 =	sadd.s32 @!p0 $0x88, s6;
	s7 =	simm.s32 @p2 $0x1082  }
0x22: {  	[simem:s7], [sflag:s8] =	dma.local @!p0 [hbm:s6], $0xF7A  }
0x23: {  	s9 =	sor.u32 $0xD0000000, s2;
	s6 =	simm.s32 $0x108;
	_ =	swait.ge @!p0 [sflag:s8], $0x0  }
0x24: {  	s3 =	sadd.s32 $0x88, s3;
	s6 =	simm.s32 @!p1 $0x1082;
	[sflag:s4] =	ssyncset.s32 $0xFFFFF086  }
0x25: {  	[simem:s6], [sflag:s4] =	dma.local [hbm:s3], $0xF7A  }
0x26: {  	[smem:$0x3F94] =	sst s1;
	(tag) =	ssettag s2;
	_ =	strace s9  }
0x27: {  	s1 =	sld [smem:$0x3FA4]  }
0x28: {  	s2 =	sld [smem:$0x3FA5]  }
0x29: {  	s4 =	sld [smem:$0x3FA7]  }
0x2a: {  	p0 =	seq.s32 s5, $0x0;
	s5 =	sld [smem:$0x3FA8]  }
0x2b: {  	s6 =	sld [smem:$0x3FA9]  }
0x2c: {  	s7 =	sld [smem:$0x3FAA]  }
0x2d: {  	s3 =	simm.s32 $0x108;
	s8 =	sld [smem:$0x3FAB]  }
0x2e: {  	s3 =	simm.s32 @!p0 $0x1082;
	s9 =	sld [smem:$0x3FAC]  }
0x2f: {  	lr =	sadd.s32 s0, s3;
	s0 =	sld [smem:$0x3FA3]  }
0x30: {  	s3 =	sld [smem:$0x3FA6]  }
0x31: {  	[smem:$0x3FAF] =	sst s10  }
0x32: {  	s10 =	sld [smem:$0x3FAD];
	_ =	sdelay $0x3  }
0x33: {  	p0 =	seq.s32 s10, $0x1;
	s10 =	sld [smem:$0x3FAF];
	_ =	sdelay $0x3  }
0x34: {  	[smem:$0x3FAF] =	sst s10  }
0x35: {  	s10 =	sld [smem:$0x3FAE];
	_ =	sdelay $0x3  }
0x36: {  	p1 =	seq.s32 s10, $0x1;
	s10 =	sld [smem:$0x3FAF];
	_ =	sdelay $0x3  }
0x37: {  	[smem:$0x3FAF] =	sst s10  }
0x38: {  	s10 =	sld [smem:$0x3FB0]  }
0x39: {  	_ = 	snop;
	(pc) =	sbr.ind lr, $3  }
0x3a: {  	_ = 	snop  }
0x3b: {  	_ = 	snop  }
0x3c: {  	p2 =	seq.s32 s10, $0x1;
	s10 =	sld [smem:$0x3FAF]  }
0x3d: {  	_ =	shalt  }
0x3e: {  	_ =	shalt  }
0x3f: {  	_ =	shalt  }
0x40: {  	_ =	shalt  }
0x41: {  	_ =	shalt  }
0x42: {  	_ =	shalt  }
0x43: {  	_ =	shalt  }
0x44: {  	_ =	shalt  }
0x45: {  	_ =	shalt  }
0x46: {  	_ =	shalt  }
0x47: {  	_ =	shalt  }
0x48: {  	_ =	shalt  }
0x49: {  	_ =	shalt  }
0x4a: {  	_ =	shalt  }
0x4b: {  	_ =	shalt  }
0x4c: {  	_ =	shalt  }
0x4d: {  	_ =	shalt  }
0x4e: {  	_ =	shalt  }
0x4f: {  	_ =	shalt  }
0x50: {  	_ =	shalt  }
0x51: {  	_ =	shalt  }
0x52: {  	_ =	shalt  }
0x53: {  	_ =	shalt  }
0x54: {  	_ =	shalt  }
0x55: {  	_ =	shalt  }
0x56: {  	_ =	shalt  }
0x57: {  	_ =	shalt  }
0x58: {  	_ =	shalt  }
0x59: {  	_ =	shalt  }
0x5a: {  	_ =	shalt  }
0x5b: {  	_ =	shalt  }
0x5c: {  	_ =	shalt  }
0x5d: {  	_ =	shalt  }
0x5e: {  	_ =	shalt  }
0x5f: {  	_ =	shalt  }
0x60: {  	_ =	shalt  }
0x61: {  	_ =	shalt  }
0x62: {  	_ =	shalt  }
0x63: {  	_ =	shalt  }
0x64: {  	_ =	shalt  }
0x65: {  	_ =	shalt  }
0x66: {  	_ =	shalt  }
0x67: {  	_ =	shalt  }
0x68: {  	_ =	shalt  }
0x69: {  	_ =	shalt  }
0x6a: {  	_ =	shalt  }
0x6b: {  	_ =	shalt  }
0x6c: {  	_ =	shalt  }
0x6d: {  	_ =	shalt  }
0x6e: {  	_ =	shalt  }
0x6f: {  	_ =	shalt  }
0x70: {  	_ =	shalt  }
0x71: {  	_ =	shalt  }
0x72: {  	_ =	shalt  }
0x73: {  	_ =	shalt  }
0x74: {  	_ =	shalt  }
0x75: {  	_ =	shalt  }
0x76: {  	_ =	shalt  }
0x77: {  	_ =	shalt  }
0x78: {  	_ =	shalt  }
0x79: {  	_ =	shalt  }
0x7a: {  	_ =	shalt  }
0x7b: {  	_ =	shalt  }
0x7c: {  	_ =	shalt  }
0x7d: {  	_ =	shalt  }
0x7e: {  	_ =	shalt  }
0x7f: {  	_ =	shalt  }
0x80: {  	_ =	shalt  }
0x81: {  	_ =	shalt  }
0x82: {  	_ =	shalt  }
0x83: {  	_ =	shalt  }
0x84: {  	_ =	shalt  }
0x85: {  	_ =	shalt  }
0x86: {  	_ =	shalt  }
0x87: {  	_ =	shalt  }
.Lfunc_end0:
.L_simem_size_0:
called_computation_lowered:
.L_overlay_start_0:
0x88: {  	s2 =	sld [smem:$0x3FD9]  }
0x89: {  	s3 =	sld [smem:$0x3FFE];
	_ =	sdelay $0x1  }
0x8a: {  	s1 =	srdreg.scid  }
0x8b: {  	s0 =	sand.u32 $0x1, s1  }
0x8c: {  	s16 =	sshll.u32 s0, $0xA;
	s2 =	sadd.s32 s3, s2  }
0x8d: {  	s2 =	sadd.s32 s2, s16  }
0x8e: {  	[smem:$0x3FBB] =	sst s2  }
0x8f: {  	_ = 	snop  }
0x90: {  	(tm) =	ssettm $0x1  }
0x91: {  	s17 =	sld [smem:$0x3FFB];
	_ =	sdelay $0x3  }
0x92: {  	_ =	strace s17  }
0x93: {  	s2 =	sld [smem:$0x3FFC];
	_ =	sdelay $0x3  }
0x94: {  	_ =	strace s2  }
0x95: {  	s2 =	sld [smem:$0x3FFD];
	_ =	sdelay $0x3  }
0x96: {  	_ =	strace s2  }
0x97: {  	_ =	strace $0x8FFFFFFF  }
0x98: {  	s18 =	sld [smem:$0x3FDB];
	_ =	sdelay $0x1  }
0x99: {  	s19 =	simm.s32 $_scs_section_size  }
0x9a: {  	s4 =	simm.s32 $_size__tile_overlayer_lowered;
	s5 =	simm.s32 $_tile_overlayer_lowered  }
0x9b: {  	s22 =	simm.s32 $0x1BFF;
	s21 =	sshll.u32 s5, $0x1;
	s2 =	sadd.s32 s19, s18  }
0x9c: {  	s6 =	simm.s32 $0x0;
	s20 =	sshll.u32 s4, $0x1;
	s4 =	sadd.s32 s21, s2  }
0x9d: {  	[timem:s6], [sflag:s22] =	dma.local [hbm:s4], s20  }
0x9e: {  	_ =	swait.ge [sflag:s22], s20  }
0x9f: {  	s3 =	ssub.s32 $0x0, s20;
	[sflag:s22] =	ssyncset.done $0x0  }
0xa0: {  	[sflag:s22] =	ssyncadd.s32 s3;
	_ =	sdelay $0x1  }
0xa1: {  	s23 =	simm.s32 $0x1B8B  }
0xa2: {  	_ =	swait.ge [sflag:s23], $0x1  }
0xa3: {  	[sflag:s23] =	ssyncset.done $0x0  }
0xa4: {  	s25 =	simm.s32 $0x1B8E;
	s24 =	sld [smem:$0x3FFE];
	[sflag:s23] =	ssyncadd.s32 $0xFFFFFFFF  }
0xa5: {  	s26 =	simm.s32 $execute0_lowered;
	[smem:$0x3FD2] =	sst s25  }
0xa6: {  	s4 =	sshll.u32 s26, $0x1;
	_ =	strace $0x80000046;
	[dreg:$0x1] =	wrdreg $0xFFFFFFFF  }
0xa7: {  	s28 =	simm.s32 $_size_execute0_lowered;
	s2 =	sadd.s32 s2, s4;
	[dreg:$0x0] =	wrdreg $0x0  }
0xa8: {  	s4 =	sshll.u32 s28, $0x1;
	[dreg:$0x2] =	wrdreg s2  }
0xa9: {  	[dreg:$0x3] =	wrdreg s4  }
0xaa: {  	[dreg:$0x4] =	wrdreg $0xC0  }
0xab: {  	_ =	task [dreg:s6], $0x5FFFF  }
0xac: {  	[dreg:$0x1] =	wrdreg $0xFFFFFFFF  }
0xad: {  	[dreg:$0x0] =	wrdreg $0x60  }
0xae: {  	[dreg:$0x2] =	wrdreg s24  }
0xaf: {  	[dreg:$0x3] =	wrdreg $0x68000  }
0xb0: {  	[dreg:$0x4] =	wrdreg $0x9  }
0xb1: {  	_ =	task.clear_ibuf [dreg:s6], $0x5FFFF;
	_ =	strace $0x90000046  }
0xb2: {  	s29 =	simm.s32 $0x9;
	_ =	strace $0x80000048  }
0xb3: {  	_ =	swait.ge [sflag:s29], $0x1  }
0xb4: {  	[sflag:s29] =	ssyncadd.s32 $0xFFFFFFFF  }
0xb5: {  	_ =	strace $0x90000048  }
0xb6: {  	_ =	sfence  }
0xb7: {  	s30 =	sld [smem:$0x0];
	_ =	sdelay $0x2  }
0xb8: {  	s31 =	sshll.u32 s1, $0xD;
	s1 =	sshrl.u32 s1, $0x2  }
0xb9: {  	s3 =	sand.u32 $0x4000, s31;
	s1 =	sadd.s32 s1, s30  }
0xba: {  	s0 =	sor.u32 s3, s0;
	s1 =	sshll.u32 s1, $0x11  }
0xbb: {  	s0 =	sor.u32 s1, s0  }
0xbc: {  	s0 =	sadd.s32 $0x8F2B, s0  }
0xbd: {  	[sflag:s0] =	ssyncadd.remote.s32 $0x1  }
0xbe: {  	_ =	sfence.sel $0xFFFF  }
0xbf: {  	[dreg:$0x0] =	wrdreg $0xFFFFFFFF;
	(pc) =	sbr.abs _section_cstart, $3  }
0xc0: {  	[dreg:$0x1] =	wrdreg $0xFFFFFFFF  }
0xc1: {  	_ =	task.clear_ibuf [dreg:s6], $0x2FFFF;
	_ =	strace $0x9FFFFFFF  }
0xc2: {  	(tm) =	ssettm $0x7FFFFFFF  }
0xc3: {  	_ =	shalt  }
tec
execute0_lowered:
.L_overlay_start_1:
0x0: {  	(tag) =	ssettag $0x1  }
0x1: {  	s1 =	srdreg.scid  }
0x2: {  	s0 =	stileid.u32;
	s5 =	rddreg [dreg:$0x0]  }
0x3: {  	s2 =	rddreg [dreg:$0x1];
	s3 =	simm.s32 $0x0;
	s13 =	simm.s32 $0x7D  }
0x4: {  	s14 =	simm.s32 $0x0;
	s6 =	sand.u32 $0x1, s1;
	s1 =	rddreg [dreg:$0x2]  }
0x5: {  	s28 =	sshll.u32 s0, $0x1;
	[smem:$0x7FF] =	sst s3;
	s7 =	smul.u32 $0x2780, s0  }
0x6: {  	s10 =	smul.u32 $0x4F000, s0;
	s31 =	sshll.u32 s0, $0x6;
	s4 =	sor.u32 s6, s28  }
0x7: {  	_ =	strace $0x80000047;
	s9 =	smul.u32 $0x27800, s6;
	s6 =	ssub.s32 $0x2, s6  }
0x8: {  	s4 =	smul.u32 $0x500, s4;
	s11 =	sadd.s32 s7, s5;
	s29 =	sshrl.u32 s6, $0x1  }
0x9: {  	s30 =	sshrl.u32 s10, $0x2;
	s7 =	sadd.s32 s7, s9;
	s9 =	ssub.s32 s6, s29  }
0xa: {  	s10 =	sadd.s32 s30, s2;
	s6 =	sor.u32 $0x1C01, s31;
	s8 =	sadd.s32 s4, s5  }
0xb: {  	s4 =	sadd.s32 $0x37400, s5;
	s12 =	sadd.s32 s7, s5;
	s5 =	sadd.s32 $0xFC00, s11  }
0xc: {  	s9 =	smax.u32 s9, $0x1;
	s10 =	sshrl.u32 s10, $0x3;
	s11 =	simm.s32 $0x1  }
0xd: {  	s7 =	sadd.s32 $0x5C00, s8;
	s8 =	sadd.s32 $0x37C00, s12;
	s12 =	simm.s32 $0x2800  }
.LBB2_1:
0xe: {  	[spmem:s10], [sflag:s6] =	dma.local [hbm:s5], $0x2780  }
0xf: {  	_ =	swait.ge [sflag:s11], $0x2780  }
0x10: {  	[sflag:s11] =	ssyncset.done $0x0  }
0x11: {  	[sflag:s11] =	ssyncadd.s32 $0xFFFFD880  }
0x12: {  	[tilespmem:s12], [sflag:$0x1] =	stream.linear.gather [hbm4b:s4+s3], $0x3E80, $0x38;
	[tilespmem:$0x1A400] =	vst v63  }
0x13: {  	_ =	swait.ge [sflag:s11], $0x3E80  }
0x14: {  	[sflag:s11] =	ssyncset.done $0x0  }
0x15: {  	[sflag:s11] =	ssyncadd.s32 $0xFFFFC180  }
0x16: {  	[tilespmem:s3], [sflag:$0x1] =	stream.linear.gather [hbm4b:s7+s3], $0x2800, $0x38;
	[tilespmem:$0x1A400] =	vst v63  }
0x17: {  	_ =	swait.ge [sflag:s11], $0x2800  }
0x18: {  	[sflag:s11] =	ssyncset.done $0x0  }
0x19: {  	[sflag:s11] =	ssyncadd.s32 $0xFFFFD800  }
0x1a: {  	s15 =	simm.s32 $0x0;
	[bflag:$0x0] =	sbarrier.arrive $0xFFFF  }
0x1b: {  	[spmem:s2] =	stream.indirect.scatter.add.f32 [tilespmem:s12], [sflag:$0x1], $0x80, s15, s13, $0xb8;
	[tilespmem:$0x1A400] =	vst v63  }
0x1c: {  	_ =	swait.ge [sflag:s11], $0x3E80  }
0x1d: {  	s15 =	simm.s32 $0x200;
	[sflag:s11] =	ssyncset.done $0x0  }
.LBB2_2:
0x1e: {  	s16 =	sshra.s32 s15, $0x2;
	[sflag:s11] =	ssyncadd.s32 $0xFFFFC180;
	p0 =	sne.s32 s15, $0x9E00  }
0x1f: {  	[spmem:s2] =	stream.indirect.scatter.add.f32 [tilespmem:s12], [sflag:$0x1], $0x80, s16, s13, $0xb8;
	[tilespmem:$0x1A400] =	vst v63  }
.Ltmp0:
0x20: {  	_ = 	snop;
	(pc) =	sbr.rel @p0 .LBB2_2-.Ltmp0, $4  }
0x21: {  	_ = 	snop  }
0x22: {  	s15 =	sadd.s32 $0x200, s15  }
0x23: {  	_ =	swait.ge [sflag:s11], $0x3E80  }
0x24: {  	[sflag:s11] =	ssyncset.done $0x0  }
0x25: {  	s14 =	sadd.s32 $0x1, s14  }
0x26: {  	[sflag:s11] =	ssyncadd.s32 $0xFFFFC180;
	p0 =	sne.s32 s14, s9  }
.Ltmp1:
0x27: {  	[bflag:$0x0] =	sbarrier.arrive $0xFFFF;
	(pc) =	sbr.rel @p0 .LBB2_1-.Ltmp1, $4  }
0x28: {  	[hbm:s8], [sflag:s6] =	dma.local [spmem:s10], $0x2780  }
0x29: {  	_ =	swait.ge [sflag:s11], $0x2780  }
0x2a: {  	[sflag:s11] =	ssyncset.done $0x0  }
0x2b: {  	[sflag:s11] =	ssyncadd.s32 $0xFFFFD880  }
0x2c: {  	_ =	sfence.sel $0x180000  }
0x2d: {  	[bflag:$0x0] =	sbarrier.arrive $0xFFFF  }
0x2e: {  	p0 =	sne.s32 s0, $0x0;
	_ =	strace $0x90000047  }
0x2f: {  	s0 =	sadd.s32 @!p0 $0x100000, s1;
	[bflag:$0x2] =	sbarrier.arrive $0xFFFF  }
0x30: {  	[sflag:s0] =	ssyncadd.tile.s32 @!p0 $0x1;
	_ =	shalt  }
.Lfunc_end2:
_tile_overlayer_lowered:
.L_overlay_start_2:
0x31: {  	(tag) =	ssettag $0x2  }
0x32: {  	s0 =	rddreg [dreg:$0x0];
	s2 =	stileid.u32  }
0x33: {  	s1 =	rddreg [dreg:$0x1];
	p0 =	sne.s32 s2, $0x0  }
0x34: {  	s3 =	rddreg [dreg:$0x2];
	[bflag:$0x3] =	sbarrier.arrive $0xFFFF;
	s2 =	simm.s32 @!p0 $0x1C01  }
0x35: {  	[timem:s3], [sflag:s2] =	dma.local @!p0 [hbm:s0], s1  }
0x36: {  	s0 =	simm.s32 @!p0 $0x1  }
0x37: {  	_ =	swait.ge @!p0 [sflag:s0], s1  }
0x38: {  	s1 =	ssub.s32 @!p0 $0x0, s1;
	[sflag:s0] =	ssyncset.done @!p0 $0x0  }
0x39: {  	[sflag:s0] =	ssyncadd.s32 @!p0 s1  }
0x3a: {  	[bflag:$0x3] =	sbarrier.arrive $0xFFFF  }
0x3b: {  	_ =	shalt  }

// kernel: kernel.14.cloned.1.call-start
scs
__scs_entry_jumppad:
0x0: {  	(pc) =	sbr.rel $0x88, $3  }
0x1: {  	(tag) =	ssettag $0x0;
	lr =	simm.s32 $0x1  }
0x2: {  	[smem:$0x3F94] =	sst lr;
	_ =	strace $0xD0000000  }
0x3: {  	_ = 	snop  }
0x4: {  	_ = 	snop  }
0x5: {  	_ = 	snop  }
0x6: {  	_ = 	snop  }
0x7: {  	_ = 	snop  }
__scs_overlays_trampoline_lowered:
0x8: {  	[smem:$0x3FA3] =	sst s0  }
0x9: {  	[smem:$0x3FA4] =	sst s1  }
0xa: {  	[smem:$0x3FA5] =	sst s2  }
0xb: {  	[smem:$0x3FA6] =	sst s3  }
0xc: {  	[smem:$0x3FA7] =	sst s4  }
0xd: {  	[smem:$0x3FA8] =	sst s5  }
0xe: {  	[smem:$0x3FA9] =	sst s6  }
0xf: {  	[smem:$0x3FAA] =	sst s7  }
0x10: {  	[smem:$0x3FAB] =	sst s8  }
0x11: {  	[smem:$0x3FAC] =	sst s9;
	s0 =	simm.s32 @!p0 $0x0  }
0x12: {  	s1 =	sld [smem:$0x3F92];
	s0 =	simm.s32 @p0 $0x1  }
0x13: {  	[smem:$0x3FAD] =	sst s0;
	s0 =	simm.s32 @!p1 $0x0  }
0x14: {  	s2 =	sld [smem:$0x3F91];
	s0 =	simm.s32 @p1 $0x1  }
0x15: {  	[smem:$0x3FAE] =	sst s0;
	s0 =	simm.s32 @!p2 $0x0  }
0x16: {  	s3 =	sld [smem:$0x3FDB];
	s0 =	simm.s32 @p2 $0x1  }
0x17: {  	s4 =	simm.s32 $0x1BF5;
	[smem:$0x3FB0] =	sst s0  }
0x18: {  	s0 =	sld [smem:$0x3F93];
	_ =	swait.ge [sflag:s4], $0x0  }
0x19: {  	s7 =	sld [smem:$0x3F94]  }
0x1a: {  	s8 =	sadd.s32 $0xFFFFE003, lr  }
0x1b: {  	s9 =	sadd.s32 $0xFFFFFEF7, lr;
	s5 =	simm.s32 $0xFFFFFFFF;
	p2 =	slt.u32 s8, $0xFFFFF086  }
0x1c: {  	p1 =	slt.u32 s9, $0xF7A;
	s5 =	simm.s32 @!p2 $0x0  }
0x1d: {  	s5 =	simm.s32 @p1 $0x1;
	p0 =	seq.s32 s7, s2  }
0x1e: {  	s7 =	smul.u32 @!p0 $0xF7A, s2;
	p2 =	seq.s32 @!p0 s5, $0x0  }
0x1f: {  	s9 =	smul.u32 $0xF7A, s1;
	s8 =	simm.s32 @!p0 $0x1BF5;
	p2 =	por !p2, p0  }
0x20: {  	[sflag:s8] =	ssyncset.s32 @!p0 $0xFFFFF086;
	s6 =	sadd.s32 @!p0 s3, s7;
	s7 =	simm.s32 @!p0 $0x108  }
0x21: {  	s3 =	sadd.s32 s3, s9;
	s6 =	sadd.s32 @!p0 $0x88, s6;
	s7 =	simm.s32 @p2 $0x1082  }
0x22: {  	[simem:s7], [sflag:s8] =	dma.local @!p0 [hbm:s6], $0xF7A  }
0x23: {  	s9 =	sor.u32 $0xD0000000, s2;
	s6 =	simm.s32 $0x108;
	_ =	swait.ge @!p0 [sflag:s8], $0x0  }
0x24: {  	s3 =	sadd.s32 $0x88, s3;
	s6 =	simm.s32 @!p1 $0x1082;
	[sflag:s4] =	ssyncset.s32 $0xFFFFF086  }
0x25: {  	[simem:s6], [sflag:s4] =	dma.local [hbm:s3], $0xF7A  }
0x26: {  	[smem:$0x3F94] =	sst s1;
	(tag) =	ssettag s2;
	_ =	strace s9  }
0x27: {  	s1 =	sld [smem:$0x3FA4]  }
0x28: {  	s2 =	sld [smem:$0x3FA5]  }
0x29: {  	s4 =	sld [smem:$0x3FA7]  }
0x2a: {  	p0 =	seq.s32 s5, $0x0;
	s5 =	sld [smem:$0x3FA8]  }
0x2b: {  	s6 =	sld [smem:$0x3FA9]  }
0x2c: {  	s7 =	sld [smem:$0x3FAA]  }
0x2d: {  	s3 =	simm.s32 $0x108;
	s8 =	sld [smem:$0x3FAB]  }
0x2e: {  	s3 =	simm.s32 @!p0 $0x1082;
	s9 =	sld [smem:$0x3FAC]  }
0x2f: {  	lr =	sadd.s32 s0, s3;
	s0 =	sld [smem:$0x3FA3]  }
0x30: {  	s3 =	sld [smem:$0x3FA6]  }
0x31: {  	[smem:$0x3FAF] =	sst s10  }
0x32: {  	s10 =	sld [smem:$0x3FAD];
	_ =	sdelay $0x3  }
0x33: {  	p0 =	seq.s32 s10, $0x1;
	s10 =	sld [smem:$0x3FAF];
	_ =	sdelay $0x3  }
0x34: {  	[smem:$0x3FAF] =	sst s10  }
0x35: {  	s10 =	sld [smem:$0x3FAE];
	_ =	sdelay $0x3  }
0x36: {  	p1 =	seq.s32 s10, $0x1;
	s10 =	sld [smem:$0x3FAF];
	_ =	sdelay $0x3  }
0x37: {  	[smem:$0x3FAF] =	sst s10  }
0x38: {  	s10 =	sld [smem:$0x3FB0]  }
0x39: {  	_ = 	snop;
	(pc) =	sbr.ind lr, $3  }
0x3a: {  	_ = 	snop  }
0x3b: {  	_ = 	snop  }
0x3c: {  	p2 =	seq.s32 s10, $0x1;
	s10 =	sld [smem:$0x3FAF]  }
0x3d: {  	_ =	shalt  }
0x3e: {  	_ =	shalt  }
0x3f: {  	_ =	shalt  }
0x40: {  	_ =	shalt  }
0x41: {  	_ =	shalt  }
0x42: {  	_ =	shalt  }
0x43: {  	_ =	shalt  }
0x44: {  	_ =	shalt  }
0x45: {  	_ =	shalt  }
0x46: {  	_ =	shalt  }
0x47: {  	_ =	shalt  }
0x48: {  	_ =	shalt  }
0x49: {  	_ =	shalt  }
0x4a: {  	_ =	shalt  }
0x4b: {  	_ =	shalt  }
0x4c: {  	_ =	shalt  }
0x4d: {  	_ =	shalt  }
0x4e: {  	_ =	shalt  }
0x4f: {  	_ =	shalt  }
0x50: {  	_ =	shalt  }
0x51: {  	_ =	shalt  }
0x52: {  	_ =	shalt  }
0x53: {  	_ =	shalt  }
0x54: {  	_ =	shalt  }
0x55: {  	_ =	shalt  }
0x56: {  	_ =	shalt  }
0x57: {  	_ =	shalt  }
0x58: {  	_ =	shalt  }
0x59: {  	_ =	shalt  }
0x5a: {  	_ =	shalt  }
0x5b: {  	_ =	shalt  }
0x5c: {  	_ =	shalt  }
0x5d: {  	_ =	shalt  }
0x5e: {  	_ =	shalt  }
0x5f: {  	_ =	shalt  }
0x60: {  	_ =	shalt  }
0x61: {  	_ =	shalt  }
0x62: {  	_ =	shalt  }
0x63: {  	_ =	shalt  }
0x64: {  	_ =	shalt  }
0x65: {  	_ =	shalt  }
0x66: {  	_ =	shalt  }
0x67: {  	_ =	shalt  }
0x68: {  	_ =	shalt  }
0x69: {  	_ =	shalt  }
0x6a: {  	_ =	shalt  }
0x6b: {  	_ =	shalt  }
0x6c: {  	_ =	shalt  }
0x6d: {  	_ =	shalt  }
0x6e: {  	_ =	shalt  }
0x6f: {  	_ =	shalt  }
0x70: {  	_ =	shalt  }
0x71: {  	_ =	shalt  }
0x72: {  	_ =	shalt  }
0x73: {  	_ =	shalt  }
0x74: {  	_ =	shalt  }
0x75: {  	_ =	shalt  }
0x76: {  	_ =	shalt  }
0x77: {  	_ =	shalt  }
0x78: {  	_ =	shalt  }
0x79: {  	_ =	shalt  }
0x7a: {  	_ =	shalt  }
0x7b: {  	_ =	shalt  }
0x7c: {  	_ =	shalt  }
0x7d: {  	_ =	shalt  }
0x7e: {  	_ =	shalt  }
0x7f: {  	_ =	shalt  }
0x80: {  	_ =	shalt  }
0x81: {  	_ =	shalt  }
0x82: {  	_ =	shalt  }
0x83: {  	_ =	shalt  }
0x84: {  	_ =	shalt  }
0x85: {  	_ =	shalt  }
0x86: {  	_ =	shalt  }
0x87: {  	_ =	shalt  }
.Lfunc_end0:
.L_simem_size_0:
called_computation.1_lowered:
.L_overlay_start_0:
0x88: {  	s2 =	sld [smem:$0x3FD9]  }
0x89: {  	s3 =	sld [smem:$0x3FFE];
	_ =	sdelay $0x1  }
0x8a: {  	s1 =	srdreg.scid  }
0x8b: {  	s0 =	sand.u32 $0x1, s1  }
0x8c: {  	s16 =	sshll.u32 s0, $0xA;
	s2 =	sadd.s32 s3, s2  }
0x8d: {  	s2 =	sadd.s32 s2, s16  }
0x8e: {  	[smem:$0x3FBB] =	sst s2  }
0x8f: {  	_ = 	snop  }
0x90: {  	(tm) =	ssettm $0x1  }
0x91: {  	s17 =	sld [smem:$0x3FFB];
	_ =	sdelay $0x3  }
0x92: {  	_ =	strace s17  }
0x93: {  	s2 =	sld [smem:$0x3FFC];
	_ =	sdelay $0x3  }
0x94: {  	_ =	strace s2  }
0x95: {  	s2 =	sld [smem:$0x3FFD];
	_ =	sdelay $0x3  }
0x96: {  	_ =	strace s2  }
0x97: {  	_ =	strace $0x8FFFFFFF  }
0x98: {  	s18 =	sld [smem:$0x3FDB];
	_ =	sdelay $0x1  }
0x99: {  	s19 =	simm.s32 $_scs_section_size  }
0x9a: {  	s4 =	simm.s32 $_size__tile_overlayer_lowered;
	s5 =	simm.s32 $_tile_overlayer_lowered  }
0x9b: {  	s22 =	simm.s32 $0x1BFF;
	s21 =	sshll.u32 s5, $0x1;
	s2 =	sadd.s32 s19, s18  }
0x9c: {  	s6 =	simm.s32 $0x0;
	s20 =	sshll.u32 s4, $0x1;
	s4 =	sadd.s32 s21, s2  }
0x9d: {  	[timem:s6], [sflag:s22] =	dma.local [hbm:s4], s20  }
0x9e: {  	_ =	swait.ge [sflag:s22], s20  }
0x9f: {  	s3 =	ssub.s32 $0x0, s20;
	[sflag:s22] =	ssyncset.done $0x0  }
0xa0: {  	[sflag:s22] =	ssyncadd.s32 s3;
	_ =	sdelay $0x1  }
0xa1: {  	s23 =	simm.s32 $0x1B8B  }
0xa2: {  	_ =	swait.ge [sflag:s23], $0x1  }
0xa3: {  	[sflag:s23] =	ssyncset.done $0x0  }
0xa4: {  	s25 =	simm.s32 $0x1B8E;
	s24 =	sld [smem:$0x3FFE];
	[sflag:s23] =	ssyncadd.s32 $0xFFFFFFFF  }
0xa5: {  	s26 =	simm.s32 $execute0_lowered;
	[smem:$0x3FD2] =	sst s25  }
0xa6: {  	s4 =	sshll.u32 s26, $0x1;
	_ =	strace $0x80000049;
	[dreg:$0x1] =	wrdreg $0xFFFFFFFF  }
0xa7: {  	s28 =	simm.s32 $_size_execute0_lowered;
	s2 =	sadd.s32 s2, s4;
	[dreg:$0x0] =	wrdreg $0x0  }
0xa8: {  	s4 =	sshll.u32 s28, $0x1;
	[dreg:$0x2] =	wrdreg s2  }
0xa9: {  	[dreg:$0x3] =	wrdreg s4  }
0xaa: {  	[dreg:$0x4] =	wrdreg $0xC0  }
0xab: {  	_ =	task [dreg:s6], $0x5FFFF  }
0xac: {  	[dreg:$0x1] =	wrdreg $0xFFFFFFFF  }
0xad: {  	[dreg:$0x0] =	wrdreg $0x60  }
0xae: {  	[dreg:$0x2] =	wrdreg s24  }
0xaf: {  	[dreg:$0x3] =	wrdreg $0xA9000  }
0xb0: {  	[dreg:$0x4] =	wrdreg $0x9  }
0xb1: {  	_ =	task.clear_ibuf [dreg:s6], $0x5FFFF;
	_ =	strace $0x90000049  }
0xb2: {  	s29 =	simm.s32 $0x9;
	_ =	strace $0x8000004B  }
0xb3: {  	_ =	swait.ge [sflag:s29], $0x1  }
0xb4: {  	[sflag:s29] =	ssyncadd.s32 $0xFFFFFFFF  }
0xb5: {  	_ =	strace $0x9000004B  }
0xb6: {  	_ =	sfence  }
0xb7: {  	s30 =	sld [smem:$0x0];
	_ =	sdelay $0x2  }
0xb8: {  	s31 =	sshll.u32 s1, $0xD;
	s1 =	sshrl.u32 s1, $0x2  }
0xb9: {  	s3 =	sand.u32 $0x4000, s31;
	s1 =	sadd.s32 s1, s30  }
0xba: {  	s0 =	sor.u32 s3, s0;
	s1 =	sshll.u32 s1, $0x11  }
0xbb: {  	s0 =	sor.u32 s1, s0  }
0xbc: {  	s0 =	sadd.s32 $0x8F2B, s0  }
0xbd: {  	[sflag:s0] =	ssyncadd.remote.s32 $0x1  }
0xbe: {  	_ =	sfence.sel $0xFFFF  }
0xbf: {  	[dreg:$0x0] =	wrdreg $0xFFFFFFFF;
	(pc) =	sbr.abs _section_cstart, $3  }
0xc0: {  	[dreg:$0x1] =	wrdreg $0xFFFFFFFF  }
0xc1: {  	_ =	task.clear_ibuf [dreg:s6], $0x2FFFF;
	_ =	strace $0x9FFFFFFF  }
0xc2: {  	(tm) =	ssettm $0x7FFFFFFF  }
0xc3: {  	_ =	shalt  }
tec
execute0_lowered:
.L_overlay_start_1:
0x0: {  	(tag) =	ssettag $0x1  }
0x1: {  	s0 =	rddreg [dreg:$0x0];
	s1 =	srdreg.scid  }
0x2: {  	s13 =	stileid.u32;
	s2 =	rddreg [dreg:$0x1]  }
0x3: {  	s3 =	simm.s32 $0x0;
	s15 =	simm.s32 $0x5;
	s16 =	simm.s32 $0x2800  }
0x4: {  	s17 =	simm.s32 $0x2880;
	s18 =	simm.s32 $0x7D;
	s19 =	simm.s32 $0x2900  }
0x5: {  	s20 =	simm.s32 $0x6900;
	s21 =	simm.s32 $0x1;
	s22 =	simm.s32 $0x3  }
0x6: {  	s23 =	simm.s32 $0x2;
	s24 =	simm.s32 $0x4;
	s28 =	simm.s32 $0x0  }
0x7: {  	s1 =	sand.u32 $0x1, s1;
	s4 =	sshll.u32 s13, $0x1;
	[smem:$0x7FF] =	sst s3  }
0x8: {  	s7 =	smul.u32 $0x2780, s13;
	s5 =	sadd.s32 $0x37400, s0;
	s6 =	sadd.s32 $0x86C00, s0  }
0x9: {  	s11 =	smul.u32 $0x4F000, s13;
	s31 =	sshll.u32 s13, $0x6;
	s4 =	sor.u32 s1, s4  }
0xa: {  	_ =	strace $0x8000004A;
	s8 =	smul.u32 $0x27800, s1;
	s1 =	ssub.s32 $0x2, s1  }
0xb: {  	s4 =	smul.u32 $0x2800, s4;
	s12 =	sadd.s32 s7, s0;
	s29 =	sshrl.u32 s1, $0x1  }
0xc: {  	s30 =	sshrl.u32 s11, $0x2;
	s7 =	sadd.s32 s7, s8;
	s1 =	ssub.s32 s1, s29  }
0xd: {  	s14 =	sadd.s32 s30, s2;
	s8 =	sor.u32 $0x1C05, s31;
	s9 =	sshrl.u32 s4, $0x3  }
0xe: {  	s13 =	smax.u32 s1, $0x1;
	s14 =	sshrl.u32 s14, $0x3;
	s10 =	sadd.s32 s9, s0  }
0xf: {  	s0 =	sadd.s32 s7, s0;
	s7 =	sadd.s32 $0xFC00, s12;
	s9 =	sadd.s32 s6, s9  }
0x10: {  	s10 =	sadd.s32 $0x5C00, s10;
	s11 =	sadd.s32 $0x10, s9;
	s12 =	sadd.s32 $0x90C00, s0  }
.LBB2_1:
0x11: {  	[spmem:s14], [sflag:s8] =	dma.local [hbm:s7], $0x2780  }
0x12: {  	_ =	swait.ge [sflag:s15], $0x2780  }
0x13: {  	[sflag:s15] =	ssyncset.done $0x0  }
0x14: {  	[sflag:s15] =	ssyncadd.s32 $0xFFFFD880  }
0x15: {  	[tilespmem:s3], [sflag:$0x5] =	stream.linear.gather [hbm4b:s10+s3], $0x2800, $0x38;
	[tilespmem:$0x1E500] =	vst v63  }
0x16: {  	_ =	swait.ge [sflag:s15], $0x2800  }
0x17: {  	[sflag:s15] =	ssyncset.done $0x0  }
0x18: {  	[sflag:s15] =	ssyncadd.s32 $0xFFFFD800  }
0x19: {  	[tilespmem:s16], [sflag:$0x5] =	stream.linear.gather [hbm4b:s9+s3], $0x80, $0x38;
	[tilespmem:$0x1E500] =	vst v63  }
0x1a: {  	_ =	swait.ge [sflag:s15], $0x80  }
0x1b: {  	[sflag:s15] =	ssyncset.done $0x0  }
0x1c: {  	[sflag:s15] =	ssyncadd.s32 $0xFFFFFF80  }
0x1d: {  	[tilespmem:s17], [sflag:$0x5] =	stream.linear.gather [hbm4b:s11+s3], $0x80, $0x38;
	[tilespmem:$0x1E500] =	vst v63  }
0x1e: {  	_ =	swait.ge [sflag:s15], $0x80  }
0x1f: {  	[sflag:s15] =	ssyncset.done $0x0  }
0x20: {  	s0 =	simm.s32 $0x100;
	[sflag:s15] =	ssyncadd.s32 $0xFFFFFF80  }
0x21: {  	s1 =	sand.u32 $0x7C00, s0;
	[bflag:$0x0] =	sbarrier.arrive $0xFFFF  }
0x22: {  	[tilespmem:s19], [sflag:$0x1] =	stream.indirect.gather [hbm4b:s5+s18], $0x80, s16, s18, $0xb8;
	[tilespmem:$0x1E500] =	vst v63  }
0x23: {  	s0 =	sand.u32 $0x300, s0;
	s1 =	sadd.s32 s4, s1  }
0x24: {  	[tilespmem:s20], [sflag:$0x2] =	stream.indirect.gather [hbm4b:s5+s18], $0x80, s17, s18, $0xb8;
	[tilespmem:$0x1E500] =	vst v63  }
0x25: {  	s0 =	sor.u32 s0, s1;
	_ =	swait.ge [sflag:s21], $0x3E80  }
0x26: {  	s0 =	sshrl.u32 s0, $0x3;
	[sflag:s21] =	ssyncset.done $0x0  }
0x27: {  	s0 =	sadd.s32 s6, s0;
	[sflag:s21] =	ssyncadd.s32 $0xFFFFC180  }
0x28: {  	[tilespmem:s16], [sflag:$0x3] =	stream.linear.gather [hbm4b:s0+s3], $0x80, $0x38;
	[tilespmem:$0x1E500] =	vst v63  }
0x29: {  	s25 =	simm.s32 $0x0  }
0x2a: {  	[spmem:s2] =	stream.indirect.scatter.add.f32 [tilespmem:s19], [sflag:$0x5], $0x80, s25, s18, $0xb8;
	[tilespmem:$0x1E500] =	vst v63  }
0x2b: {  	_ =	swait.ge [sflag:s15], $0x3E80  }
0x2c: {  	[sflag:s15] =	ssyncset.done $0x0  }
0x2d: {  	[sflag:s15] =	ssyncadd.s32 $0xFFFFC180  }
0x2e: {  	s26 =	simm.s32 $0x180;
	_ =	swait.ge [sflag:s22], $0x80  }
0x2f: {  	s25 =	sand.u32 $0x7C00, s26;
	[sflag:s22] =	ssyncset.done $0x0  }
0x30: {  	s0 =	sand.u32 $0x380, s26;
	s1 =	sadd.s32 s4, s25;
	[sflag:s22] =	ssyncadd.s32 $0xFFFFFF80  }
0x31: {  	[tilespmem:s19], [sflag:$0x1] =	stream.indirect.gather [hbm4b:s5+s18], $0x80, s16, s18, $0xb8;
	[tilespmem:$0x1E500] =	vst v63  }
0x32: {  	s0 =	sor.u32 s0, s1;
	_ =	swait.ge [sflag:s23], $0x3E80  }
0x33: {  	s0 =	sshrl.u32 s0, $0x3;
	[sflag:s23] =	ssyncset.done $0x0  }
0x34: {  	s0 =	sadd.s32 s6, s0;
	[sflag:s23] =	ssyncadd.s32 $0xFFFFC180  }
0x35: {  	[tilespmem:s17], [sflag:$0x4] =	stream.linear.gather [hbm4b:s0+s3], $0x80, $0x38;
	[tilespmem:$0x1E500] =	vst v63  }
0x36: {  	s26 =	simm.s32 $0x80  }
0x37: {  	[spmem:s2] =	stream.indirect.scatter.add.f32 [tilespmem:s20], [sflag:$0x5], $0x80, s26, s18, $0xb8;
	[tilespmem:$0x1E500] =	vst v63  }
0x38: {  	s30 =	simm.s32 $0x280;
	s31 =	simm.s32 $0x380;
	_ =	swait.ge [sflag:s15], $0x3E80  }
0x39: {  	s29 =	simm.s32 $0x180;
	s1 =	simm.s32 $0x200;
	[sflag:s15] =	ssyncset.done $0x0  }
.LBB2_2:
0x3a: {  	s25 =	sand.u32 $0x7C00, s1  }
0x3b: {  	[sflag:s15] =	ssyncadd.s32 $0xFFFFC180;
	s26 =	smov.u32 s31;
	s0 =	sadd.s32 $0x100, s31  }
0x3c: {  	s1 =	sand.u32 $0x300, s1;
	s25 =	sadd.s32 s4, s25;
	_ =	swait.ge [sflag:s24], $0x80  }
0x3d: {  	p0 =	sne.s32 s31, $0x2780;
	s1 =	sor.u32 s1, s25;
	[sflag:s24] =	ssyncset.done $0x0  }
0x3e: {  	s1 =	sshrl.u32 s1, $0x3;
	[sflag:s24] =	ssyncadd.s32 $0xFFFFFF80  }
0x3f: {  	[tilespmem:s20], [sflag:$0x2] =	stream.indirect.gather [hbm4b:s5+s18], $0x80, s17, s18, $0xb8;
	[tilespmem:$0x1E500] =	vst v63  }
0x40: {  	_ =	swait.ge [sflag:s21], $0x3E80  }
0x41: {  	[sflag:s21] =	ssyncset.done $0x0  }
0x42: {  	s1 =	sadd.s32 s6, s1;
	[sflag:s21] =	ssyncadd.s32 $0xFFFFC180  }
0x43: {  	[tilespmem:s16], [sflag:$0x3] =	stream.linear.gather [hbm4b:s1+s3], $0x80, $0x38;
	[tilespmem:$0x1E500] =	vst v63  }
0x44: {  	s1 =	sadd.s32 $0xFFFFFF80, s29  }
0x45: {  	[spmem:s2] =	stream.indirect.scatter.add.f32 [tilespmem:s19], [sflag:$0x5], $0x80, s1, s18, $0xb8;
	[tilespmem:$0x1E500] =	vst v63  }
0x46: {  	_ =	swait.ge [sflag:s15], $0x3E80  }
0x47: {  	[sflag:s15] =	ssyncset.done $0x0  }
0x48: {  	[sflag:s15] =	ssyncadd.s32 $0xFFFFC180  }
0x49: {  	_ =	swait.ge [sflag:s22], $0x80  }
0x4a: {  	[sflag:s22] =	ssyncset.done $0x0  }
0x4b: {  	s1 =	sand.u32 $0x7C00, s30;
	[sflag:s22] =	ssyncadd.s32 $0xFFFFFF80  }
0x4c: {  	[tilespmem:s19], [sflag:$0x1] =	stream.indirect.gather [hbm4b:s5+s18], $0x80, s16, s18, $0xb8;
	[tilespmem:$0x1E500] =	vst v63  }
0x4d: {  	s25 =	sand.u32 $0x380, s30;
	s30 =	smov.u32 s26;
	s1 =	sadd.s32 s4, s1  }
0x4e: {  	s1 =	sor.u32 s25, s1;
	_ =	swait.ge [sflag:s23], $0x3E80  }
0x4f: {  	s1 =	sshrl.u32 s1, $0x3;
	[sflag:s23] =	ssyncset.done $0x0  }
0x50: {  	s1 =	sadd.s32 s6, s1;
	[sflag:s23] =	ssyncadd.s32 $0xFFFFC180  }
0x51: {  	[tilespmem:s17], [sflag:$0x4] =	stream.linear.gather [hbm4b:s1+s3], $0x80, $0x38;
	[tilespmem:$0x1E500] =	vst v63  }
.Ltmp0:
0x52: {  	_ = 	snop;
	(pc) =	sbr.rel @p0 .LBB2_2-.Ltmp0, $4  }
0x53: {  	_ = 	snop  }
0x54: {  	[spmem:s2] =	stream.indirect.scatter.add.f32 [tilespmem:s20], [sflag:$0x5], $0x80, s29, s18, $0xb8;
	[tilespmem:$0x1E500] =	vst v63  }
0x55: {  	s31 =	smov.u32 s0;
	_ =	swait.ge [sflag:s15], $0x3E80  }
0x56: {  	s1 =	sadd.s32 $0xFFFFFF80, s30;
	s29 =	sadd.s32 $0x100, s29;
	[sflag:s15] =	ssyncset.done $0x0  }
0x57: {  	[sflag:s15] =	ssyncadd.s32 $0xFFFFC180  }
0x58: {  	_ =	swait.ge [sflag:s24], $0x80  }
0x59: {  	s0 =	sand.u32 $0x7C00, s1;
	[sflag:s24] =	ssyncset.done $0x0  }
0x5a: {  	s31 =	sand.u32 $0x300, s1;
	s0 =	sadd.s32 s4, s0;
	[sflag:s24] =	ssyncadd.s32 $0xFFFFFF80  }
0x5b: {  	[tilespmem:s20], [sflag:$0x2] =	stream.indirect.gather [hbm4b:s5+s18], $0x80, s17, s18, $0xb8;
	[tilespmem:$0x1E500] =	vst v63  }
0x5c: {  	s0 =	sor.u32 s31, s0;
	_ =	swait.ge [sflag:s21], $0x3E80  }
0x5d: {  	s0 =	sshrl.u32 s0, $0x3;
	[sflag:s21] =	ssyncset.done $0x0  }
0x5e: {  	s0 =	sadd.s32 s6, s0;
	[sflag:s21] =	ssyncadd.s32 $0xFFFFC180  }
0x5f: {  	[tilespmem:s16], [sflag:$0x3] =	stream.linear.gather [hbm4b:s0+s3], $0x80, $0x38;
	[tilespmem:$0x1E500] =	vst v63  }
0x60: {  	s1 =	sadd.s32 $0xFFFFFF80, s29  }
0x61: {  	[spmem:s2] =	stream.indirect.scatter.add.f32 [tilespmem:s19], [sflag:$0x5], $0x80, s1, s18, $0xb8;
	[tilespmem:$0x1E500] =	vst v63  }
0x62: {  	_ =	swait.ge [sflag:s15], $0x3E80  }
0x63: {  	[sflag:s15] =	ssyncset.done $0x0  }
0x64: {  	[sflag:s15] =	ssyncadd.s32 $0xFFFFC180  }
0x65: {  	_ =	swait.ge [sflag:s22], $0x80  }
0x66: {  	s25 =	sand.u32 $0x7C00, s30;
	[sflag:s22] =	ssyncset.done $0x0  }
0x67: {  	s26 =	sand.u32 $0x380, s30;
	s0 =	sadd.s32 s4, s25;
	[sflag:s22] =	ssyncadd.s32 $0xFFFFFF80  }
0x68: {  	[tilespmem:s19], [sflag:$0x1] =	stream.indirect.gather [hbm4b:s5+s18], $0x80, s16, s18, $0xb8;
	[tilespmem:$0x1E500] =	vst v63  }
0x69: {  	s0 =	sor.u32 s26, s0;
	_ =	swait.ge [sflag:s23], $0x3E80  }
0x6a: {  	s0 =	sshrl.u32 s0, $0x3;
	[sflag:s23] =	ssyncset.done $0x0  }
0x6b: {  	s0 =	sadd.s32 s6, s0;
	[sflag:s23] =	ssyncadd.s32 $0xFFFFC180  }
0x6c: {  	[tilespmem:s17], [sflag:$0x4] =	stream.linear.gather [hbm4b:s0+s3], $0x80, $0x38;
	[tilespmem:$0x1E500] =	vst v63  }
0x6d: {  	_ = 	snop  }
0x6e: {  	[spmem:s2] =	stream.indirect.scatter.add.f32 [tilespmem:s20], [sflag:$0x5], $0x80, s29, s18, $0xb8;
	[tilespmem:$0x1E500] =	vst v63  }
0x6f: {  	_ =	swait.ge [sflag:s15], $0x3E80  }
0x70: {  	[sflag:s15] =	ssyncset.done $0x0  }
0x71: {  	[sflag:s15] =	ssyncadd.s32 $0xFFFFC180  }
0x72: {  	_ =	swait.ge [sflag:s24], $0x80  }
0x73: {  	[sflag:s24] =	ssyncset.done $0x0  }
0x74: {  	[sflag:s24] =	ssyncadd.s32 $0xFFFFFF80  }
0x75: {  	[tilespmem:s20], [sflag:$0x2] =	stream.indirect.gather [hbm4b:s5+s18], $0x80, s17, s18, $0xb8;
	[tilespmem:$0x1E500] =	vst v63  }
0x76: {  	_ =	swait.ge [sflag:s21], $0x3E80  }
0x77: {  	[sflag:s21] =	ssyncset.done $0x0  }
0x78: {  	s30 =	simm.s32 $0x2700;
	[sflag:s21] =	ssyncadd.s32 $0xFFFFC180  }
0x79: {  	[spmem:s2] =	stream.indirect.scatter.add.f32 [tilespmem:s19], [sflag:$0x5], $0x80, s30, s18, $0xb8;
	[tilespmem:$0x1E500] =	vst v63  }
0x7a: {  	_ =	swait.ge [sflag:s15], $0x3E80  }
0x7b: {  	[sflag:s15] =	ssyncset.done $0x0  }
0x7c: {  	[sflag:s15] =	ssyncadd.s32 $0xFFFFC180  }
0x7d: {  	_ =	swait.ge [sflag:s23], $0x3E80  }
0x7e: {  	[sflag:s23] =	ssyncset.done $0x0  }
0x7f: {  	s31 =	simm.s32 $0x2780;
	[sflag:s23] =	ssyncadd.s32 $0xFFFFC180  }
0x80: {  	[spmem:s2] =	stream.indirect.scatter.add.f32 [tilespmem:s20], [sflag:$0x5], $0x80, s31, s18, $0xb8;
	[tilespmem:$0x1E500] =	vst v63  }
0x81: {  	_ =	swait.ge [sflag:s15], $0x3E80  }
0x82: {  	s28 =	sadd.s32 $0x1, s28;
	[sflag:s15] =	ssyncset.done $0x0  }
0x83: {  	p0 =	sne.s32 s28, s13;
	[sflag:s15] =	ssyncadd.s32 $0xFFFFC180  }
.Ltmp1:
0x84: {  	[bflag:$0x0] =	sbarrier.arrive $0xFFFF;
	(pc) =	sbr.rel @p0 .LBB2_1-.Ltmp1, $4  }
0x85: {  	[hbm:s12], [sflag:s8] =	dma.local [spmem:s14], $0x2780  }
0x86: {  	_ =	swait.ge [sflag:s15], $0x2780  }
0x87: {  	[sflag:s15] =	ssyncset.done $0x0  }
0x88: {  	[sflag:s15] =	ssyncadd.s32 $0xFFFFD880  }
0x89: {  	_ =	sfence.sel $0x180000  }
0x8a: {  	[bflag:$0x0] =	sbarrier.arrive $0xFFFF  }
0x8b: {  	_ =	strace $0x9000004A  }
0x8c: {  	s0 =	stileid.u32;
	[bflag:$0x2] =	sbarrier.arrive $0xFFFF  }
0x8d: {  	p0 =	sne.s32 s0, $0x0;
	s0 =	rddreg [dreg:$0x2]  }
0x8e: {  	s0 =	sadd.s32 @!p0 $0x100000, s0  }
0x8f: {  	[sflag:s0] =	ssyncadd.tile.s32 @!p0 $0x1;
	_ =	shalt  }
.Lfunc_end2:
_tile_overlayer_lowered:
.L_overlay_start_2:
0x90: {  	(tag) =	ssettag $0x2  }
0x91: {  	s0 =	rddreg [dreg:$0x0];
	s2 =	stileid.u32  }
0x92: {  	s1 =	rddreg [dreg:$0x1];
	p0 =	sne.s32 s2, $0x0  }
0x93: {  	s3 =	rddreg [dreg:$0x2];
	[bflag:$0x3] =	sbarrier.arrive $0xFFFF;
	s2 =	simm.s32 @!p0 $0x1C05  }
0x94: {  	[timem:s3], [sflag:s2] =	dma.local @!p0 [hbm:s0], s1  }
0x95: {  	s0 =	simm.s32 @!p0 $0x5  }
0x96: {  	_ =	swait.ge @!p0 [sflag:s0], s1  }
0x97: {  	s1 =	ssub.s32 @!p0 $0x0, s1;
	[sflag:s0] =	ssyncset.done @!p0 $0x0  }
0x98: {  	[sflag:s0] =	ssyncadd.s32 @!p0 s1  }
0x99: {  	[bflag:$0x3] =	sbarrier.arrive $0xFFFF  }
0x9a: {  	_ =	shalt  }

// kernel: kernel.17.cloned.1.call-start
scs
__scs_entry_jumppad:
0x0: {  	(pc) =	sbr.rel $0x88, $3  }
0x1: {  	(tag) =	ssettag $0x0;
	lr =	simm.s32 $0x1  }
0x2: {  	[smem:$0x3F94] =	sst lr;
	_ =	strace $0xD0000000  }
0x3: {  	_ = 	snop  }
0x4: {  	_ = 	snop  }
0x5: {  	_ = 	snop  }
0x6: {  	_ = 	snop  }
0x7: {  	_ = 	snop  }
__scs_overlays_trampoline_lowered:
0x8: {  	[smem:$0x3FA3] =	sst s0  }
0x9: {  	[smem:$0x3FA4] =	sst s1  }
0xa: {  	[smem:$0x3FA5] =	sst s2  }
0xb: {  	[smem:$0x3FA6] =	sst s3  }
0xc: {  	[smem:$0x3FA7] =	sst s4  }
0xd: {  	[smem:$0x3FA8] =	sst s5  }
0xe: {  	[smem:$0x3FA9] =	sst s6  }
0xf: {  	[smem:$0x3FAA] =	sst s7  }
0x10: {  	[smem:$0x3FAB] =	sst s8  }
0x11: {  	[smem:$0x3FAC] =	sst s9;
	s0 =	simm.s32 @!p0 $0x0  }
0x12: {  	s1 =	sld [smem:$0x3F92];
	s0 =	simm.s32 @p0 $0x1  }
0x13: {  	[smem:$0x3FAD] =	sst s0;
	s0 =	simm.s32 @!p1 $0x0  }
0x14: {  	s2 =	sld [smem:$0x3F91];
	s0 =	simm.s32 @p1 $0x1  }
0x15: {  	[smem:$0x3FAE] =	sst s0;
	s0 =	simm.s32 @!p2 $0x0  }
0x16: {  	s3 =	sld [smem:$0x3FDB];
	s0 =	simm.s32 @p2 $0x1  }
0x17: {  	s4 =	simm.s32 $0x1BF5;
	[smem:$0x3FB0] =	sst s0  }
0x18: {  	s0 =	sld [smem:$0x3F93];
	_ =	swait.ge [sflag:s4], $0x0  }
0x19: {  	s7 =	sld [smem:$0x3F94]  }
0x1a: {  	s8 =	sadd.s32 $0xFFFFE003, lr  }
0x1b: {  	s9 =	sadd.s32 $0xFFFFFEF7, lr;
	s5 =	simm.s32 $0xFFFFFFFF;
	p2 =	slt.u32 s8, $0xFFFFF086  }
0x1c: {  	p1 =	slt.u32 s9, $0xF7A;
	s5 =	simm.s32 @!p2 $0x0  }
0x1d: {  	s5 =	simm.s32 @p1 $0x1;
	p0 =	seq.s32 s7, s2  }
0x1e: {  	s7 =	smul.u32 @!p0 $0xF7A, s2;
	p2 =	seq.s32 @!p0 s5, $0x0  }
0x1f: {  	s9 =	smul.u32 $0xF7A, s1;
	s8 =	simm.s32 @!p0 $0x1BF5;
	p2 =	por !p2, p0  }
0x20: {  	[sflag:s8] =	ssyncset.s32 @!p0 $0xFFFFF086;
	s6 =	sadd.s32 @!p0 s3, s7;
	s7 =	simm.s32 @!p0 $0x108  }
0x21: {  	s3 =	sadd.s32 s3, s9;
	s6 =	sadd.s32 @!p0 $0x88, s6;
	s7 =	simm.s32 @p2 $0x1082  }
0x22: {  	[simem:s7], [sflag:s8] =	dma.local @!p0 [hbm:s6], $0xF7A  }
0x23: {  	s9 =	sor.u32 $0xD0000000, s2;
	s6 =	simm.s32 $0x108;
	_ =	swait.ge @!p0 [sflag:s8], $0x0  }
0x24: {  	s3 =	sadd.s32 $0x88, s3;
	s6 =	simm.s32 @!p1 $0x1082;
	[sflag:s4] =	ssyncset.s32 $0xFFFFF086  }
0x25: {  	[simem:s6], [sflag:s4] =	dma.local [hbm:s3], $0xF7A  }
0x26: {  	[smem:$0x3F94] =	sst s1;
	(tag) =	ssettag s2;
	_ =	strace s9  }
0x27: {  	s1 =	sld [smem:$0x3FA4]  }
0x28: {  	s2 =	sld [smem:$0x3FA5]  }
0x29: {  	s4 =	sld [smem:$0x3FA7]  }
0x2a: {  	p0 =	seq.s32 s5, $0x0;
	s5 =	sld [smem:$0x3FA8]  }
0x2b: {  	s6 =	sld [smem:$0x3FA9]  }
0x2c: {  	s7 =	sld [smem:$0x3FAA]  }
0x2d: {  	s3 =	simm.s32 $0x108;
	s8 =	sld [smem:$0x3FAB]  }
0x2e: {  	s3 =	simm.s32 @!p0 $0x1082;
	s9 =	sld [smem:$0x3FAC]  }
0x2f: {  	lr =	sadd.s32 s0, s3;
	s0 =	sld [smem:$0x3FA3]  }
0x30: {  	s3 =	sld [smem:$0x3FA6]  }
0x31: {  	[smem:$0x3FAF] =	sst s10  }
0x32: {  	s10 =	sld [smem:$0x3FAD];
	_ =	sdelay $0x3  }
0x33: {  	p0 =	seq.s32 s10, $0x1;
	s10 =	sld [smem:$0x3FAF];
	_ =	sdelay $0x3  }
0x34: {  	[smem:$0x3FAF] =	sst s10  }
0x35: {  	s10 =	sld [smem:$0x3FAE];
	_ =	sdelay $0x3  }
0x36: {  	p1 =	seq.s32 s10, $0x1;
	s10 =	sld [smem:$0x3FAF];
	_ =	sdelay $0x3  }
0x37: {  	[smem:$0x3FAF] =	sst s10  }
0x38: {  	s10 =	sld [smem:$0x3FB0]  }
0x39: {  	_ = 	snop;
	(pc) =	sbr.ind lr, $3  }
0x3a: {  	_ = 	snop  }
0x3b: {  	_ = 	snop  }
0x3c: {  	p2 =	seq.s32 s10, $0x1;
	s10 =	sld [smem:$0x3FAF]  }
0x3d: {  	_ =	shalt  }
0x3e: {  	_ =	shalt  }
0x3f: {  	_ =	shalt  }
0x40: {  	_ =	shalt  }
0x41: {  	_ =	shalt  }
0x42: {  	_ =	shalt  }
0x43: {  	_ =	shalt  }
0x44: {  	_ =	shalt  }
0x45: {  	_ =	shalt  }
0x46: {  	_ =	shalt  }
0x47: {  	_ =	shalt  }
0x48: {  	_ =	shalt  }
0x49: {  	_ =	shalt  }
0x4a: {  	_ =	shalt  }
0x4b: {  	_ =	shalt  }
0x4c: {  	_ =	shalt  }
0x4d: {  	_ =	shalt  }
0x4e: {  	_ =	shalt  }
0x4f: {  	_ =	shalt  }
0x50: {  	_ =	shalt  }
0x51: {  	_ =	shalt  }
0x52: {  	_ =	shalt  }
0x53: {  	_ =	shalt  }
0x54: {  	_ =	shalt  }
0x55: {  	_ =	shalt  }
0x56: {  	_ =	shalt  }
0x57: {  	_ =	shalt  }
0x58: {  	_ =	shalt  }
0x59: {  	_ =	shalt  }
0x5a: {  	_ =	shalt  }
0x5b: {  	_ =	shalt  }
0x5c: {  	_ =	shalt  }
0x5d: {  	_ =	shalt  }
0x5e: {  	_ =	shalt  }
0x5f: {  	_ =	shalt  }
0x60: {  	_ =	shalt  }
0x61: {  	_ =	shalt  }
0x62: {  	_ =	shalt  }
0x63: {  	_ =	shalt  }
0x64: {  	_ =	shalt  }
0x65: {  	_ =	shalt  }
0x66: {  	_ =	shalt  }
0x67: {  	_ =	shalt  }
0x68: {  	_ =	shalt  }
0x69: {  	_ =	shalt  }
0x6a: {  	_ =	shalt  }
0x6b: {  	_ =	shalt  }
0x6c: {  	_ =	shalt  }
0x6d: {  	_ =	shalt  }
0x6e: {  	_ =	shalt  }
0x6f: {  	_ =	shalt  }
0x70: {  	_ =	shalt  }
0x71: {  	_ =	shalt  }
0x72: {  	_ =	shalt  }
0x73: {  	_ =	shalt  }
0x74: {  	_ =	shalt  }
0x75: {  	_ =	shalt  }
0x76: {  	_ =	shalt  }
0x77: {  	_ =	shalt  }
0x78: {  	_ =	shalt  }
0x79: {  	_ =	shalt  }
0x7a: {  	_ =	shalt  }
0x7b: {  	_ =	shalt  }
0x7c: {  	_ =	shalt  }
0x7d: {  	_ =	shalt  }
0x7e: {  	_ =	shalt  }
0x7f: {  	_ =	shalt  }
0x80: {  	_ =	shalt  }
0x81: {  	_ =	shalt  }
0x82: {  	_ =	shalt  }
0x83: {  	_ =	shalt  }
0x84: {  	_ =	shalt  }
0x85: {  	_ =	shalt  }
0x86: {  	_ =	shalt  }
0x87: {  	_ =	shalt  }
.Lfunc_end0:
.L_simem_size_0:
called_computation.2_lowered:
.L_overlay_start_0:
0x88: {  	s2 =	sld [smem:$0x3FD9]  }
0x89: {  	s3 =	sld [smem:$0x3FFE];
	_ =	sdelay $0x1  }
0x8a: {  	s1 =	srdreg.scid  }
0x8b: {  	s0 =	sand.u32 $0x1, s1  }
0x8c: {  	s16 =	sshll.u32 s0, $0xA;
	s2 =	sadd.s32 s3, s2  }
0x8d: {  	s2 =	sadd.s32 s2, s16  }
0x8e: {  	[smem:$0x3FBB] =	sst s2  }
0x8f: {  	_ = 	snop  }
0x90: {  	(tm) =	ssettm $0x1  }
0x91: {  	s17 =	sld [smem:$0x3FFB];
	_ =	sdelay $0x3  }
0x92: {  	_ =	strace s17  }
0x93: {  	s2 =	sld [smem:$0x3FFC];
	_ =	sdelay $0x3  }
0x94: {  	_ =	strace s2  }
0x95: {  	s2 =	sld [smem:$0x3FFD];
	_ =	sdelay $0x3  }
0x96: {  	_ =	strace s2  }
0x97: {  	_ =	strace $0x8FFFFFFF  }
0x98: {  	s18 =	sld [smem:$0x3FDB];
	_ =	sdelay $0x1  }
0x99: {  	s19 =	simm.s32 $_scs_section_size  }
0x9a: {  	s4 =	simm.s32 $_size__tile_overlayer_lowered;
	s5 =	simm.s32 $_tile_overlayer_lowered  }
0x9b: {  	s22 =	simm.s32 $0x1BFF;
	s21 =	sshll.u32 s5, $0x1;
	s2 =	sadd.s32 s19, s18  }
0x9c: {  	s6 =	simm.s32 $0x0;
	s20 =	sshll.u32 s4, $0x1;
	s4 =	sadd.s32 s21, s2  }
0x9d: {  	[timem:s6], [sflag:s22] =	dma.local [hbm:s4], s20  }
0x9e: {  	_ =	swait.ge [sflag:s22], s20  }
0x9f: {  	s3 =	ssub.s32 $0x0, s20;
	[sflag:s22] =	ssyncset.done $0x0  }
0xa0: {  	[sflag:s22] =	ssyncadd.s32 s3;
	_ =	sdelay $0x1  }
0xa1: {  	s23 =	simm.s32 $0x1B8B  }
0xa2: {  	_ =	swait.ge [sflag:s23], $0x1  }
0xa3: {  	[sflag:s23] =	ssyncset.done $0x0  }
0xa4: {  	s25 =	simm.s32 $0x1B8E;
	s24 =	sld [smem:$0x3FFE];
	[sflag:s23] =	ssyncadd.s32 $0xFFFFFFFF  }
0xa5: {  	s26 =	simm.s32 $execute0_lowered;
	[smem:$0x3FD2] =	sst s25  }
0xa6: {  	s4 =	sshll.u32 s26, $0x1;
	_ =	strace $0x8000004C;
	[dreg:$0x1] =	wrdreg $0xFFFFFFFF  }
0xa7: {  	s28 =	simm.s32 $_size_execute0_lowered;
	s2 =	sadd.s32 s2, s4;
	[dreg:$0x0] =	wrdreg $0x0  }
0xa8: {  	s4 =	sshll.u32 s28, $0x1;
	[dreg:$0x2] =	wrdreg s2  }
0xa9: {  	[dreg:$0x3] =	wrdreg s4  }
0xaa: {  	[dreg:$0x4] =	wrdreg $0xC0  }
0xab: {  	_ =	task [dreg:s6], $0x5FFFF  }
0xac: {  	[dreg:$0x1] =	wrdreg $0xFFFFFFFF  }
0xad: {  	[dreg:$0x0] =	wrdreg $0x60  }
0xae: {  	[dreg:$0x2] =	wrdreg s24  }
0xaf: {  	[dreg:$0x3] =	wrdreg $0xA9000  }
0xb0: {  	[dreg:$0x4] =	wrdreg $0x9  }
0xb1: {  	_ =	task.clear_ibuf [dreg:s6], $0x5FFFF;
	_ =	strace $0x9000004C  }
0xb2: {  	s29 =	simm.s32 $0x9;
	_ =	strace $0x8000004E  }
0xb3: {  	_ =	swait.ge [sflag:s29], $0x1  }
0xb4: {  	[sflag:s29] =	ssyncadd.s32 $0xFFFFFFFF  }
0xb5: {  	_ =	strace $0x9000004E  }
0xb6: {  	_ =	sfence  }
0xb7: {  	s30 =	sld [smem:$0x0];
	_ =	sdelay $0x2  }
0xb8: {  	s31 =	sshll.u32 s1, $0xD;
	s1 =	sshrl.u32 s1, $0x2  }
0xb9: {  	s3 =	sand.u32 $0x4000, s31;
	s1 =	sadd.s32 s1, s30  }
0xba: {  	s0 =	sor.u32 s3, s0;
	s1 =	sshll.u32 s1, $0x11  }
0xbb: {  	s0 =	sor.u32 s1, s0  }
0xbc: {  	s0 =	sadd.s32 $0x8F2B, s0  }
0xbd: {  	[sflag:s0] =	ssyncadd.remote.s32 $0x1  }
0xbe: {  	_ =	sfence.sel $0xFFFF  }
0xbf: {  	[dreg:$0x0] =	wrdreg $0xFFFFFFFF;
	(pc) =	sbr.abs _section_cstart, $3  }
0xc0: {  	[dreg:$0x1] =	wrdreg $0xFFFFFFFF  }
0xc1: {  	_ =	task.clear_ibuf [dreg:s6], $0x2FFFF;
	_ =	strace $0x9FFFFFFF  }
0xc2: {  	(tm) =	ssettm $0x7FFFFFFF  }
0xc3: {  	_ =	shalt  }
tec
execute0_lowered:
.L_overlay_start_1:
0x0: {  	(tag) =	ssettag $0x1  }
0x1: {  	s0 =	rddreg [dreg:$0x0];
	s1 =	srdreg.scid  }
0x2: {  	s13 =	stileid.u32;
	s2 =	rddreg [dreg:$0x1]  }
0x3: {  	s3 =	simm.s32 $0x0;
	s15 =	simm.s32 $0x5;
	s16 =	simm.s32 $0x2800  }
0x4: {  	s17 =	simm.s32 $0x2880;
	s18 =	simm.s32 $0x7D;
	s19 =	simm.s32 $0x2900  }
0x5: {  	s20 =	simm.s32 $0x6900;
	s21 =	simm.s32 $0x1;
	s22 =	simm.s32 $0x3  }
0x6: {  	s23 =	simm.s32 $0x2;
	s24 =	simm.s32 $0x4;
	s28 =	simm.s32 $0x0  }
0x7: {  	s1 =	sand.u32 $0x1, s1;
	s4 =	sshll.u32 s13, $0x1;
	[smem:$0x7FF] =	sst s3  }
0x8: {  	s7 =	smul.u32 $0x2780, s13;
	s5 =	sadd.s32 $0x37400, s0;
	s6 =	sadd.s32 $0x86C00, s0  }
0x9: {  	s11 =	smul.u32 $0x4F000, s13;
	s31 =	sshll.u32 s13, $0x6;
	s4 =	sor.u32 s1, s4  }
0xa: {  	_ =	strace $0x8000004D;
	s8 =	smul.u32 $0x27800, s1;
	s1 =	ssub.s32 $0x2, s1  }
0xb: {  	s4 =	smul.u32 $0x2800, s4;
	s12 =	sadd.s32 s7, s0;
	s29 =	sshrl.u32 s1, $0x1  }
0xc: {  	s30 =	sshrl.u32 s11, $0x2;
	s7 =	sadd.s32 s7, s8;
	s1 =	ssub.s32 s1, s29  }
0xd: {  	s14 =	sadd.s32 s30, s2;
	s8 =	sor.u32 $0x1C05, s31;
	s9 =	sshrl.u32 s4, $0x3  }
0xe: {  	s13 =	smax.u32 s1, $0x1;
	s14 =	sshrl.u32 s14, $0x3;
	s10 =	sadd.s32 s9, s0  }
0xf: {  	s0 =	sadd.s32 s7, s0;
	s7 =	sadd.s32 $0xFC00, s12;
	s9 =	sadd.s32 s6, s9  }
0x10: {  	s10 =	sadd.s32 $0x5C00, s10;
	s11 =	sadd.s32 $0x10, s9;
	s12 =	sadd.s32 $0x90C00, s0  }
.LBB2_1:
0x11: {  	[spmem:s14], [sflag:s8] =	dma.local [hbm:s7], $0x2780  }
0x12: {  	_ =	swait.ge [sflag:s15], $0x2780  }
0x13: {  	[sflag:s15] =	ssyncset.done $0x0  }
0x14: {  	[sflag:s15] =	ssyncadd.s32 $0xFFFFD880  }
0x15: {  	[tilespmem:s3], [sflag:$0x5] =	stream.linear.gather [hbm4b:s10+s3], $0x2800, $0x38;
	[tilespmem:$0x1E500] =	vst v63  }
0x16: {  	_ =	swait.ge [sflag:s15], $0x2800  }
0x17: {  	[sflag:s15] =	ssyncset.done $0x0  }
0x18: {  	[sflag:s15] =	ssyncadd.s32 $0xFFFFD800  }
0x19: {  	[tilespmem:s16], [sflag:$0x5] =	stream.linear.gather [hbm4b:s9+s3], $0x80, $0x38;
	[tilespmem:$0x1E500] =	vst v63  }
0x1a: {  	_ =	swait.ge [sflag:s15], $0x80  }
0x1b: {  	[sflag:s15] =	ssyncset.done $0x0  }
0x1c: {  	[sflag:s15] =	ssyncadd.s32 $0xFFFFFF80  }
0x1d: {  	[tilespmem:s17], [sflag:$0x5] =	stream.linear.gather [hbm4b:s11+s3], $0x80, $0x38;
	[tilespmem:$0x1E500] =	vst v63  }
0x1e: {  	_ =	swait.ge [sflag:s15], $0x80  }
0x1f: {  	[sflag:s15] =	ssyncset.done $0x0  }
0x20: {  	s0 =	simm.s32 $0x100;
	[sflag:s15] =	ssyncadd.s32 $0xFFFFFF80  }
0x21: {  	s1 =	sand.u32 $0x7C00, s0;
	[bflag:$0x0] =	sbarrier.arrive $0xFFFF  }
0x22: {  	[tilespmem:s19], [sflag:$0x1] =	stream.indirect.gather [hbm4b:s5+s18], $0x80, s16, s18, $0xb8;
	[tilespmem:$0x1E500] =	vst v63  }
0x23: {  	s0 =	sand.u32 $0x300, s0;
	s1 =	sadd.s32 s4, s1  }
0x24: {  	[tilespmem:s20], [sflag:$0x2] =	stream.indirect.gather [hbm4b:s5+s18], $0x80, s17, s18, $0xb8;
	[tilespmem:$0x1E500] =	vst v63  }
0x25: {  	s0 =	sor.u32 s0, s1;
	_ =	swait.ge [sflag:s21], $0x3E80  }
0x26: {  	s0 =	sshrl.u32 s0, $0x3;
	[sflag:s21] =	ssyncset.done $0x0  }
0x27: {  	s0 =	sadd.s32 s6, s0;
	[sflag:s21] =	ssyncadd.s32 $0xFFFFC180  }
0x28: {  	[tilespmem:s16], [sflag:$0x3] =	stream.linear.gather [hbm4b:s0+s3], $0x80, $0x38;
	[tilespmem:$0x1E500] =	vst v63  }
0x29: {  	s25 =	simm.s32 $0x0  }
0x2a: {  	[spmem:s2] =	stream.indirect.scatter.add.f32 [tilespmem:s19], [sflag:$0x5], $0x80, s25, s18, $0xb8;
	[tilespmem:$0x1E500] =	vst v63  }
0x2b: {  	_ =	swait.ge [sflag:s15], $0x3E80  }
0x2c: {  	[sflag:s15] =	ssyncset.done $0x0  }
0x2d: {  	[sflag:s15] =	ssyncadd.s32 $0xFFFFC180  }
0x2e: {  	s26 =	simm.s32 $0x180;
	_ =	swait.ge [sflag:s22], $0x80  }
0x2f: {  	s25 =	sand.u32 $0x7C00, s26;
	[sflag:s22] =	ssyncset.done $0x0  }
0x30: {  	s0 =	sand.u32 $0x380, s26;
	s1 =	sadd.s32 s4, s25;
	[sflag:s22] =	ssyncadd.s32 $0xFFFFFF80  }
0x31: {  	[tilespmem:s19], [sflag:$0x1] =	stream.indirect.gather [hbm4b:s5+s18], $0x80, s16, s18, $0xb8;
	[tilespmem:$0x1E500] =	vst v63  }
0x32: {  	s0 =	sor.u32 s0, s1;
	_ =	swait.ge [sflag:s23], $0x3E80  }
0x33: {  	s0 =	sshrl.u32 s0, $0x3;
	[sflag:s23] =	ssyncset.done $0x0  }
0x34: {  	s0 =	sadd.s32 s6, s0;
	[sflag:s23] =	ssyncadd.s32 $0xFFFFC180  }
0x35: {  	[tilespmem:s17], [sflag:$0x4] =	stream.linear.gather [hbm4b:s0+s3], $0x80, $0x38;
	[tilespmem:$0x1E500] =	vst v63  }
0x36: {  	s26 =	simm.s32 $0x80  }
0x37: {  	[spmem:s2] =	stream.indirect.scatter.add.f32 [tilespmem:s20], [sflag:$0x5], $0x80, s26, s18, $0xb8;
	[tilespmem:$0x1E500] =	vst v63  }
0x38: {  	s30 =	simm.s32 $0x280;
	s31 =	simm.s32 $0x380;
	_ =	swait.ge [sflag:s15], $0x3E80  }
0x39: {  	s29 =	simm.s32 $0x180;
	s1 =	simm.s32 $0x200;
	[sflag:s15] =	ssyncset.done $0x0  }
.LBB2_2:
0x3a: {  	s25 =	sand.u32 $0x7C00, s1  }
0x3b: {  	[sflag:s15] =	ssyncadd.s32 $0xFFFFC180;
	s26 =	smov.u32 s31;
	s0 =	sadd.s32 $0x100, s31  }
0x3c: {  	s1 =	sand.u32 $0x300, s1;
	s25 =	sadd.s32 s4, s25;
	_ =	swait.ge [sflag:s24], $0x80  }
0x3d: {  	p0 =	sne.s32 s31, $0x2780;
	s1 =	sor.u32 s1, s25;
	[sflag:s24] =	ssyncset.done $0x0  }
0x3e: {  	s1 =	sshrl.u32 s1, $0x3;
	[sflag:s24] =	ssyncadd.s32 $0xFFFFFF80  }
0x3f: {  	[tilespmem:s20], [sflag:$0x2] =	stream.indirect.gather [hbm4b:s5+s18], $0x80, s17, s18, $0xb8;
	[tilespmem:$0x1E500] =	vst v63  }
0x40: {  	_ =	swait.ge [sflag:s21], $0x3E80  }
0x41: {  	[sflag:s21] =	ssyncset.done $0x0  }
0x42: {  	s1 =	sadd.s32 s6, s1;
	[sflag:s21] =	ssyncadd.s32 $0xFFFFC180  }
0x43: {  	[tilespmem:s16], [sflag:$0x3] =	stream.linear.gather [hbm4b:s1+s3], $0x80, $0x38;
	[tilespmem:$0x1E500] =	vst v63  }
0x44: {  	s1 =	sadd.s32 $0xFFFFFF80, s29  }
0x45: {  	[spmem:s2] =	stream.indirect.scatter.add.f32 [tilespmem:s19], [sflag:$0x5], $0x80, s1, s18, $0xb8;
	[tilespmem:$0x1E500] =	vst v63  }
0x46: {  	_ =	swait.ge [sflag:s15], $0x3E80  }
0x47: {  	[sflag:s15] =	ssyncset.done $0x0  }
0x48: {  	[sflag:s15] =	ssyncadd.s32 $0xFFFFC180  }
0x49: {  	_ =	swait.ge [sflag:s22], $0x80  }
0x4a: {  	[sflag:s22] =	ssyncset.done $0x0  }
0x4b: {  	s1 =	sand.u32 $0x7C00, s30;
	[sflag:s22] =	ssyncadd.s32 $0xFFFFFF80  }
0x4c: {  	[tilespmem:s19], [sflag:$0x1] =	stream.indirect.gather [hbm4b:s5+s18], $0x80, s16, s18, $0xb8;
	[tilespmem:$0x1E500] =	vst v63  }
0x4d: {  	s25 =	sand.u32 $0x380, s30;
	s30 =	smov.u32 s26;
	s1 =	sadd.s32 s4, s1  }
0x4e: {  	s1 =	sor.u32 s25, s1;
	_ =	swait.ge [sflag:s23], $0x3E80  }
0x4f: {  	s1 =	sshrl.u32 s1, $0x3;
	[sflag:s23] =	ssyncset.done $0x0  }
0x50: {  	s1 =	sadd.s32 s6, s1;
	[sflag:s23] =	ssyncadd.s32 $0xFFFFC180  }
0x51: {  	[tilespmem:s17], [sflag:$0x4] =	stream.linear.gather [hbm4b:s1+s3], $0x80, $0x38;
	[tilespmem:$0x1E500] =	vst v63  }
.Ltmp0:
0x52: {  	_ = 	snop;
	(pc) =	sbr.rel @p0 .LBB2_2-.Ltmp0, $4  }
0x53: {  	_ = 	snop  }
0x54: {  	[spmem:s2] =	stream.indirect.scatter.add.f32 [tilespmem:s20], [sflag:$0x5], $0x80, s29, s18, $0xb8;
	[tilespmem:$0x1E500] =	vst v63  }
0x55: {  	s31 =	smov.u32 s0;
	_ =	swait.ge [sflag:s15], $0x3E80  }
0x56: {  	s1 =	sadd.s32 $0xFFFFFF80, s30;
	s29 =	sadd.s32 $0x100, s29;
	[sflag:s15] =	ssyncset.done $0x0  }
0x57: {  	[sflag:s15] =	ssyncadd.s32 $0xFFFFC180  }
0x58: {  	_ =	swait.ge [sflag:s24], $0x80  }
0x59: {  	s0 =	sand.u32 $0x7C00, s1;
	[sflag:s24] =	ssyncset.done $0x0  }
0x5a: {  	s31 =	sand.u32 $0x300, s1;
	s0 =	sadd.s32 s4, s0;
	[sflag:s24] =	ssyncadd.s32 $0xFFFFFF80  }
0x5b: {  	[tilespmem:s20], [sflag:$0x2] =	stream.indirect.gather [hbm4b:s5+s18], $0x80, s17, s18, $0xb8;
	[tilespmem:$0x1E500] =	vst v63  }
0x5c: {  	s0 =	sor.u32 s31, s0;
	_ =	swait.ge [sflag:s21], $0x3E80  }
0x5d: {  	s0 =	sshrl.u32 s0, $0x3;
	[sflag:s21] =	ssyncset.done $0x0  }
0x5e: {  	s0 =	sadd.s32 s6, s0;
	[sflag:s21] =	ssyncadd.s32 $0xFFFFC180  }
0x5f: {  	[tilespmem:s16], [sflag:$0x3] =	stream.linear.gather [hbm4b:s0+s3], $0x80, $0x38;
	[tilespmem:$0x1E500] =	vst v63  }
0x60: {  	s1 =	sadd.s32 $0xFFFFFF80, s29  }
0x61: {  	[spmem:s2] =	stream.indirect.scatter.add.f32 [tilespmem:s19], [sflag:$0x5], $0x80, s1, s18, $0xb8;
	[tilespmem:$0x1E500] =	vst v63  }
0x62: {  	_ =	swait.ge [sflag:s15], $0x3E80  }
0x63: {  	[sflag:s15] =	ssyncset.done $0x0  }
0x64: {  	[sflag:s15] =	ssyncadd.s32 $0xFFFFC180  }
0x65: {  	_ =	swait.ge [sflag:s22], $0x80  }
0x66: {  	s25 =	sand.u32 $0x7C00, s30;
	[sflag:s22] =	ssyncset.done $0x0  }
0x67: {  	s26 =	sand.u32 $0x380, s30;
	s0 =	sadd.s32 s4, s25;
	[sflag:s22] =	ssyncadd.s32 $0xFFFFFF80  }
0x68: {  	[tilespmem:s19], [sflag:$0x1] =	stream.indirect.gather [hbm4b:s5+s18], $0x80, s16, s18, $0xb8;
	[tilespmem:$0x1E500] =	vst v63  }
0x69: {  	s0 =	sor.u32 s26, s0;
	_ =	swait.ge [sflag:s23], $0x3E80  }
0x6a: {  	s0 =	sshrl.u32 s0, $0x3;
	[sflag:s23] =	ssyncset.done $0x0  }
0x6b: {  	s0 =	sadd.s32 s6, s0;
	[sflag:s23] =	ssyncadd.s32 $0xFFFFC180  }
0x6c: {  	[tilespmem:s17], [sflag:$0x4] =	stream.linear.gather [hbm4b:s0+s3], $0x80, $0x38;
	[tilespmem:$0x1E500] =	vst v63  }
0x6d: {  	_ = 	snop  }
0x6e: {  	[spmem:s2] =	stream.indirect.scatter.add.f32 [tilespmem:s20], [sflag:$0x5], $0x80, s29, s18, $0xb8;
	[tilespmem:$0x1E500] =	vst v63  }
0x6f: {  	_ =	swait.ge [sflag:s15], $0x3E80  }
0x70: {  	[sflag:s15] =	ssyncset.done $0x0  }
0x71: {  	[sflag:s15] =	ssyncadd.s32 $0xFFFFC180  }
0x72: {  	_ =	swait.ge [sflag:s24], $0x80  }
0x73: {  	[sflag:s24] =	ssyncset.done $0x0  }
0x74: {  	[sflag:s24] =	ssyncadd.s32 $0xFFFFFF80  }
0x75: {  	[tilespmem:s20], [sflag:$0x2] =	stream.indirect.gather [hbm4b:s5+s18], $0x80, s17, s18, $0xb8;
	[tilespmem:$0x1E500] =	vst v63  }
0x76: {  	_ =	swait.ge [sflag:s21], $0x3E80  }
0x77: {  	[sflag:s21] =	ssyncset.done $0x0  }
0x78: {  	s30 =	simm.s32 $0x2700;
	[sflag:s21] =	ssyncadd.s32 $0xFFFFC180  }
0x79: {  	[spmem:s2] =	stream.indirect.scatter.add.f32 [tilespmem:s19], [sflag:$0x5], $0x80, s30, s18, $0xb8;
	[tilespmem:$0x1E500] =	vst v63  }
0x7a: {  	_ =	swait.ge [sflag:s15], $0x3E80  }
0x7b: {  	[sflag:s15] =	ssyncset.done $0x0  }
0x7c: {  	[sflag:s15] =	ssyncadd.s32 $0xFFFFC180  }
0x7d: {  	_ =	swait.ge [sflag:s23], $0x3E80  }
0x7e: {  	[sflag:s23] =	ssyncset.done $0x0  }
0x7f: {  	s31 =	simm.s32 $0x2780;
	[sflag:s23] =	ssyncadd.s32 $0xFFFFC180  }
0x80: {  	[spmem:s2] =	stream.indirect.scatter.add.f32 [tilespmem:s20], [sflag:$0x5], $0x80, s31, s18, $0xb8;
	[tilespmem:$0x1E500] =	vst v63  }
0x81: {  	_ =	swait.ge [sflag:s15], $0x3E80  }
0x82: {  	s28 =	sadd.s32 $0x1, s28;
	[sflag:s15] =	ssyncset.done $0x0  }
0x83: {  	p0 =	sne.s32 s28, s13;
	[sflag:s15] =	ssyncadd.s32 $0xFFFFC180  }
.Ltmp1:
0x84: {  	[bflag:$0x0] =	sbarrier.arrive $0xFFFF;
	(pc) =	sbr.rel @p0 .LBB2_1-.Ltmp1, $4  }
0x85: {  	[hbm:s12], [sflag:s8] =	dma.local [spmem:s14], $0x2780  }
0x86: {  	_ =	swait.ge [sflag:s15], $0x2780  }
0x87: {  	[sflag:s15] =	ssyncset.done $0x0  }
0x88: {  	[sflag:s15] =	ssyncadd.s32 $0xFFFFD880  }
0x89: {  	_ =	sfence.sel $0x180000  }
0x8a: {  	[bflag:$0x0] =	sbarrier.arrive $0xFFFF  }
0x8b: {  	_ =	strace $0x9000004D  }
0x8c: {  	s0 =	stileid.u32;
	[bflag:$0x2] =	sbarrier.arrive $0xFFFF  }
0x8d: {  	p0 =	sne.s32 s0, $0x0;
	s0 =	rddreg [dreg:$0x2]  }
0x8e: {  	s0 =	sadd.s32 @!p0 $0x100000, s0  }
0x8f: {  	[sflag:s0] =	ssyncadd.tile.s32 @!p0 $0x1;
	_ =	shalt  }
.Lfunc_end2:
_tile_overlayer_lowered:
.L_overlay_start_2:
0x90: {  	(tag) =	ssettag $0x2  }
0x91: {  	s0 =	rddreg [dreg:$0x0];
	s2 =	stileid.u32  }
0x92: {  	s1 =	rddreg [dreg:$0x1];
	p0 =	sne.s32 s2, $0x0  }
0x93: {  	s3 =	rddreg [dreg:$0x2];
	[bflag:$0x3] =	sbarrier.arrive $0xFFFF;
	s2 =	simm.s32 @!p0 $0x1C05  }
0x94: {  	[timem:s3], [sflag:s2] =	dma.local @!p0 [hbm:s0], s1  }
0x95: {  	s0 =	simm.s32 @!p0 $0x5  }
0x96: {  	_ =	swait.ge @!p0 [sflag:s0], s1  }
0x97: {  	s1 =	ssub.s32 @!p0 $0x0, s1;
	[sflag:s0] =	ssyncset.done @!p0 $0x0  }
0x98: {  	[sflag:s0] =	ssyncadd.s32 @!p0 s1  }
0x99: {  	[bflag:$0x3] =	sbarrier.arrive $0xFFFF  }
0x9a: {  	_ =	shalt  }

// kernel: kernel.20.cloned.1.call-start
scs
__scs_entry_jumppad:
0x0: {  	(pc) =	sbr.rel $0x88, $3  }
0x1: {  	(tag) =	ssettag $0x0;
	lr =	simm.s32 $0x1  }
0x2: {  	[smem:$0x3F94] =	sst lr;
	_ =	strace $0xD0000000  }
0x3: {  	_ = 	snop  }
0x4: {  	_ = 	snop  }
0x5: {  	_ = 	snop  }
0x6: {  	_ = 	snop  }
0x7: {  	_ = 	snop  }
__scs_overlays_trampoline_lowered:
0x8: {  	[smem:$0x3FA3] =	sst s0  }
0x9: {  	[smem:$0x3FA4] =	sst s1  }
0xa: {  	[smem:$0x3FA5] =	sst s2  }
0xb: {  	[smem:$0x3FA6] =	sst s3  }
0xc: {  	[smem:$0x3FA7] =	sst s4  }
0xd: {  	[smem:$0x3FA8] =	sst s5  }
0xe: {  	[smem:$0x3FA9] =	sst s6  }
0xf: {  	[smem:$0x3FAA] =	sst s7  }
0x10: {  	[smem:$0x3FAB] =	sst s8  }
0x11: {  	[smem:$0x3FAC] =	sst s9;
	s0 =	simm.s32 @!p0 $0x0  }
0x12: {  	s1 =	sld [smem:$0x3F92];
	s0 =	simm.s32 @p0 $0x1  }
0x13: {  	[smem:$0x3FAD] =	sst s0;
	s0 =	simm.s32 @!p1 $0x0  }
0x14: {  	s2 =	sld [smem:$0x3F91];
	s0 =	simm.s32 @p1 $0x1  }
0x15: {  	[smem:$0x3FAE] =	sst s0;
	s0 =	simm.s32 @!p2 $0x0  }
0x16: {  	s3 =	sld [smem:$0x3FDB];
	s0 =	simm.s32 @p2 $0x1  }
0x17: {  	s4 =	simm.s32 $0x1BF5;
	[smem:$0x3FB0] =	sst s0  }
0x18: {  	s0 =	sld [smem:$0x3F93];
	_ =	swait.ge [sflag:s4], $0x0  }
0x19: {  	s7 =	sld [smem:$0x3F94]  }
0x1a: {  	s8 =	sadd.s32 $0xFFFFE003, lr  }
0x1b: {  	s9 =	sadd.s32 $0xFFFFFEF7, lr;
	s5 =	simm.s32 $0xFFFFFFFF;
	p2 =	slt.u32 s8, $0xFFFFF086  }
0x1c: {  	p1 =	slt.u32 s9, $0xF7A;
	s5 =	simm.s32 @!p2 $0x0  }
0x1d: {  	s5 =	simm.s32 @p1 $0x1;
	p0 =	seq.s32 s7, s2  }
0x1e: {  	s7 =	smul.u32 @!p0 $0xF7A, s2;
	p2 =	seq.s32 @!p0 s5, $0x0  }
0x1f: {  	s9 =	smul.u32 $0xF7A, s1;
	s8 =	simm.s32 @!p0 $0x1BF5;
	p2 =	por !p2, p0  }
0x20: {  	[sflag:s8] =	ssyncset.s32 @!p0 $0xFFFFF086;
	s6 =	sadd.s32 @!p0 s3, s7;
	s7 =	simm.s32 @!p0 $0x108  }
0x21: {  	s3 =	sadd.s32 s3, s9;
	s6 =	sadd.s32 @!p0 $0x88, s6;
	s7 =	simm.s32 @p2 $0x1082  }
0x22: {  	[simem:s7], [sflag:s8] =	dma.local @!p0 [hbm:s6], $0xF7A  }
0x23: {  	s9 =	sor.u32 $0xD0000000, s2;
	s6 =	simm.s32 $0x108;
	_ =	swait.ge @!p0 [sflag:s8], $0x0  }
0x24: {  	s3 =	sadd.s32 $0x88, s3;
	s6 =	simm.s32 @!p1 $0x1082;
	[sflag:s4] =	ssyncset.s32 $0xFFFFF086  }
0x25: {  	[simem:s6], [sflag:s4] =	dma.local [hbm:s3], $0xF7A  }
0x26: {  	[smem:$0x3F94] =	sst s1;
	(tag) =	ssettag s2;
	_ =	strace s9  }
0x27: {  	s1 =	sld [smem:$0x3FA4]  }
0x28: {  	s2 =	sld [smem:$0x3FA5]  }
0x29: {  	s4 =	sld [smem:$0x3FA7]  }
0x2a: {  	p0 =	seq.s32 s5, $0x0;
	s5 =	sld [smem:$0x3FA8]  }
0x2b: {  	s6 =	sld [smem:$0x3FA9]  }
0x2c: {  	s7 =	sld [smem:$0x3FAA]  }
0x2d: {  	s3 =	simm.s32 $0x108;
	s8 =	sld [smem:$0x3FAB]  }
0x2e: {  	s3 =	simm.s32 @!p0 $0x1082;
	s9 =	sld [smem:$0x3FAC]  }
0x2f: {  	lr =	sadd.s32 s0, s3;
	s0 =	sld [smem:$0x3FA3]  }
0x30: {  	s3 =	sld [smem:$0x3FA6]  }
0x31: {  	[smem:$0x3FAF] =	sst s10  }
0x32: {  	s10 =	sld [smem:$0x3FAD];
	_ =	sdelay $0x3  }
0x33: {  	p0 =	seq.s32 s10, $0x1;
	s10 =	sld [smem:$0x3FAF];
	_ =	sdelay $0x3  }
0x34: {  	[smem:$0x3FAF] =	sst s10  }
0x35: {  	s10 =	sld [smem:$0x3FAE];
	_ =	sdelay $0x3  }
0x36: {  	p1 =	seq.s32 s10, $0x1;
	s10 =	sld [smem:$0x3FAF];
	_ =	sdelay $0x3  }
0x37: {  	[smem:$0x3FAF] =	sst s10  }
0x38: {  	s10 =	sld [smem:$0x3FB0]  }
0x39: {  	_ = 	snop;
	(pc) =	sbr.ind lr, $3  }
0x3a: {  	_ = 	snop  }
0x3b: {  	_ = 	snop  }
0x3c: {  	p2 =	seq.s32 s10, $0x1;
	s10 =	sld [smem:$0x3FAF]  }
0x3d: {  	_ =	shalt  }
0x3e: {  	_ =	shalt  }
0x3f: {  	_ =	shalt  }
0x40: {  	_ =	shalt  }
0x41: {  	_ =	shalt  }
0x42: {  	_ =	shalt  }
0x43: {  	_ =	shalt  }
0x44: {  	_ =	shalt  }
0x45: {  	_ =	shalt  }
0x46: {  	_ =	shalt  }
0x47: {  	_ =	shalt  }
0x48: {  	_ =	shalt  }
0x49: {  	_ =	shalt  }
0x4a: {  	_ =	shalt  }
0x4b: {  	_ =	shalt  }
0x4c: {  	_ =	shalt  }
0x4d: {  	_ =	shalt  }
0x4e: {  	_ =	shalt  }
0x4f: {  	_ =	shalt  }
0x50: {  	_ =	shalt  }
0x51: {  	_ =	shalt  }
0x52: {  	_ =	shalt  }
0x53: {  	_ =	shalt  }
0x54: {  	_ =	shalt  }
0x55: {  	_ =	shalt  }
0x56: {  	_ =	shalt  }
0x57: {  	_ =	shalt  }
0x58: {  	_ =	shalt  }
0x59: {  	_ =	shalt  }
0x5a: {  	_ =	shalt  }
0x5b: {  	_ =	shalt  }
0x5c: {  	_ =	shalt  }
0x5d: {  	_ =	shalt  }
0x5e: {  	_ =	shalt  }
0x5f: {  	_ =	shalt  }
0x60: {  	_ =	shalt  }
0x61: {  	_ =	shalt  }
0x62: {  	_ =	shalt  }
0x63: {  	_ =	shalt  }
0x64: {  	_ =	shalt  }
0x65: {  	_ =	shalt  }
0x66: {  	_ =	shalt  }
0x67: {  	_ =	shalt  }
0x68: {  	_ =	shalt  }
0x69: {  	_ =	shalt  }
0x6a: {  	_ =	shalt  }
0x6b: {  	_ =	shalt  }
0x6c: {  	_ =	shalt  }
0x6d: {  	_ =	shalt  }
0x6e: {  	_ =	shalt  }
0x6f: {  	_ =	shalt  }
0x70: {  	_ =	shalt  }
0x71: {  	_ =	shalt  }
0x72: {  	_ =	shalt  }
0x73: {  	_ =	shalt  }
0x74: {  	_ =	shalt  }
0x75: {  	_ =	shalt  }
0x76: {  	_ =	shalt  }
0x77: {  	_ =	shalt  }
0x78: {  	_ =	shalt  }
0x79: {  	_ =	shalt  }
0x7a: {  	_ =	shalt  }
0x7b: {  	_ =	shalt  }
0x7c: {  	_ =	shalt  }
0x7d: {  	_ =	shalt  }
0x7e: {  	_ =	shalt  }
0x7f: {  	_ =	shalt  }
0x80: {  	_ =	shalt  }
0x81: {  	_ =	shalt  }
0x82: {  	_ =	shalt  }
0x83: {  	_ =	shalt  }
0x84: {  	_ =	shalt  }
0x85: {  	_ =	shalt  }
0x86: {  	_ =	shalt  }
0x87: {  	_ =	shalt  }
.Lfunc_end0:
.L_simem_size_0:
called_computation.3_lowered:
.L_overlay_start_0:
0x88: {  	s2 =	sld [smem:$0x3FD9]  }
0x89: {  	s3 =	sld [smem:$0x3FFE];
	_ =	sdelay $0x1  }
0x8a: {  	s1 =	srdreg.scid  }
0x8b: {  	s0 =	sand.u32 $0x1, s1  }
0x8c: {  	s16 =	sshll.u32 s0, $0xA;
	s2 =	sadd.s32 s3, s2  }
0x8d: {  	s2 =	sadd.s32 s2, s16  }
0x8e: {  	[smem:$0x3FBB] =	sst s2  }
0x8f: {  	_ = 	snop  }
0x90: {  	(tm) =	ssettm $0x1  }
0x91: {  	s17 =	sld [smem:$0x3FFB];
	_ =	sdelay $0x3  }
0x92: {  	_ =	strace s17  }
0x93: {  	s2 =	sld [smem:$0x3FFC];
	_ =	sdelay $0x3  }
0x94: {  	_ =	strace s2  }
0x95: {  	s2 =	sld [smem:$0x3FFD];
	_ =	sdelay $0x3  }
0x96: {  	_ =	strace s2  }
0x97: {  	_ =	strace $0x8FFFFFFF  }
0x98: {  	s18 =	sld [smem:$0x3FDB];
	_ =	sdelay $0x1  }
0x99: {  	s19 =	simm.s32 $_scs_section_size  }
0x9a: {  	s4 =	simm.s32 $_size__tile_overlayer_lowered;
	s5 =	simm.s32 $_tile_overlayer_lowered  }
0x9b: {  	s22 =	simm.s32 $0x1BFF;
	s21 =	sshll.u32 s5, $0x1;
	s2 =	sadd.s32 s19, s18  }
0x9c: {  	s6 =	simm.s32 $0x0;
	s20 =	sshll.u32 s4, $0x1;
	s4 =	sadd.s32 s21, s2  }
0x9d: {  	[timem:s6], [sflag:s22] =	dma.local [hbm:s4], s20  }
0x9e: {  	_ =	swait.ge [sflag:s22], s20  }
0x9f: {  	s3 =	ssub.s32 $0x0, s20;
	[sflag:s22] =	ssyncset.done $0x0  }
0xa0: {  	[sflag:s22] =	ssyncadd.s32 s3;
	_ =	sdelay $0x1  }
0xa1: {  	s23 =	simm.s32 $0x1B8B  }
0xa2: {  	_ =	swait.ge [sflag:s23], $0x1  }
0xa3: {  	[sflag:s23] =	ssyncset.done $0x0  }
0xa4: {  	s25 =	simm.s32 $0x1B8E;
	s24 =	sld [smem:$0x3FFE];
	[sflag:s23] =	ssyncadd.s32 $0xFFFFFFFF  }
0xa5: {  	s26 =	simm.s32 $execute0_lowered;
	[smem:$0x3FD2] =	sst s25  }
0xa6: {  	s4 =	sshll.u32 s26, $0x1;
	_ =	strace $0x8000004F;
	[dreg:$0x1] =	wrdreg $0xFFFFFFFF  }
0xa7: {  	s28 =	simm.s32 $_size_execute0_lowered;
	s2 =	sadd.s32 s2, s4;
	[dreg:$0x0] =	wrdreg $0x0  }
0xa8: {  	s4 =	sshll.u32 s28, $0x1;
	[dreg:$0x2] =	wrdreg s2  }
0xa9: {  	[dreg:$0x3] =	wrdreg s4  }
0xaa: {  	[dreg:$0x4] =	wrdreg $0xC0  }
0xab: {  	_ =	task [dreg:s6], $0x5FFFF  }
0xac: {  	[dreg:$0x1] =	wrdreg $0xFFFFFFFF  }
0xad: {  	[dreg:$0x0] =	wrdreg $0x60  }
0xae: {  	[dreg:$0x2] =	wrdreg s24  }
0xaf: {  	[dreg:$0x3] =	wrdreg $0xA9000  }
0xb0: {  	[dreg:$0x4] =	wrdreg $0x9  }
0xb1: {  	_ =	task.clear_ibuf [dreg:s6], $0x5FFFF;
	_ =	strace $0x9000004F  }
0xb2: {  	s29 =	simm.s32 $0x9;
	_ =	strace $0x80000051  }
0xb3: {  	_ =	swait.ge [sflag:s29], $0x1  }
0xb4: {  	[sflag:s29] =	ssyncadd.s32 $0xFFFFFFFF  }
0xb5: {  	_ =	strace $0x90000051  }
0xb6: {  	_ =	sfence  }
0xb7: {  	s30 =	sld [smem:$0x0];
	_ =	sdelay $0x2  }
0xb8: {  	s31 =	sshll.u32 s1, $0xD;
	s1 =	sshrl.u32 s1, $0x2  }
0xb9: {  	s3 =	sand.u32 $0x4000, s31;
	s1 =	sadd.s32 s1, s30  }
0xba: {  	s0 =	sor.u32 s3, s0;
	s1 =	sshll.u32 s1, $0x11  }
0xbb: {  	s0 =	sor.u32 s1, s0  }
0xbc: {  	s0 =	sadd.s32 $0x8F2B, s0  }
0xbd: {  	[sflag:s0] =	ssyncadd.remote.s32 $0x1  }
0xbe: {  	_ =	sfence.sel $0xFFFF  }
0xbf: {  	[dreg:$0x0] =	wrdreg $0xFFFFFFFF;
	(pc) =	sbr.abs _section_cstart, $3  }
0xc0: {  	[dreg:$0x1] =	wrdreg $0xFFFFFFFF  }
0xc1: {  	_ =	task.clear_ibuf [dreg:s6], $0x2FFFF;
	_ =	strace $0x9FFFFFFF  }
0xc2: {  	(tm) =	ssettm $0x7FFFFFFF  }
0xc3: {  	_ =	shalt  }
tec
execute0_lowered:
.L_overlay_start_1:
0x0: {  	(tag) =	ssettag $0x1  }
0x1: {  	s0 =	rddreg [dreg:$0x0];
	s1 =	srdreg.scid  }
0x2: {  	s13 =	stileid.u32;
	s2 =	rddreg [dreg:$0x1]  }
0x3: {  	s3 =	simm.s32 $0x0;
	s15 =	simm.s32 $0x5;
	s16 =	simm.s32 $0x2800  }
0x4: {  	s17 =	simm.s32 $0x2880;
	s18 =	simm.s32 $0x7D;
	s19 =	simm.s32 $0x2900  }
0x5: {  	s20 =	simm.s32 $0x6900;
	s21 =	simm.s32 $0x1;
	s22 =	simm.s32 $0x3  }
0x6: {  	s23 =	simm.s32 $0x2;
	s24 =	simm.s32 $0x4;
	s28 =	simm.s32 $0x0  }
0x7: {  	s1 =	sand.u32 $0x1, s1;
	s4 =	sshll.u32 s13, $0x1;
	[smem:$0x7FF] =	sst s3  }
0x8: {  	s7 =	smul.u32 $0x2780, s13;
	s5 =	sadd.s32 $0x37400, s0;
	s6 =	sadd.s32 $0x86C00, s0  }
0x9: {  	s11 =	smul.u32 $0x4F000, s13;
	s31 =	sshll.u32 s13, $0x6;
	s4 =	sor.u32 s1, s4  }
0xa: {  	_ =	strace $0x80000050;
	s8 =	smul.u32 $0x27800, s1;
	s1 =	ssub.s32 $0x2, s1  }
0xb: {  	s4 =	smul.u32 $0x2800, s4;
	s12 =	sadd.s32 s7, s0;
	s29 =	sshrl.u32 s1, $0x1  }
0xc: {  	s30 =	sshrl.u32 s11, $0x2;
	s7 =	sadd.s32 s7, s8;
	s1 =	ssub.s32 s1, s29  }
0xd: {  	s14 =	sadd.s32 s30, s2;
	s8 =	sor.u32 $0x1C05, s31;
	s9 =	sshrl.u32 s4, $0x3  }
0xe: {  	s13 =	smax.u32 s1, $0x1;
	s14 =	sshrl.u32 s14, $0x3;
	s10 =	sadd.s32 s9, s0  }
0xf: {  	s0 =	sadd.s32 s7, s0;
	s7 =	sadd.s32 $0xFC00, s12;
	s9 =	sadd.s32 s6, s9  }
0x10: {  	s10 =	sadd.s32 $0x5C00, s10;
	s11 =	sadd.s32 $0x10, s9;
	s12 =	sadd.s32 $0x90C00, s0  }
.LBB2_1:
0x11: {  	[spmem:s14], [sflag:s8] =	dma.local [hbm:s7], $0x2780  }
0x12: {  	_ =	swait.ge [sflag:s15], $0x2780  }
0x13: {  	[sflag:s15] =	ssyncset.done $0x0  }
0x14: {  	[sflag:s15] =	ssyncadd.s32 $0xFFFFD880  }
0x15: {  	[tilespmem:s3], [sflag:$0x5] =	stream.linear.gather [hbm4b:s10+s3], $0x2800, $0x38;
	[tilespmem:$0x1E500] =	vst v63  }
0x16: {  	_ =	swait.ge [sflag:s15], $0x2800  }
0x17: {  	[sflag:s15] =	ssyncset.done $0x0  }
0x18: {  	[sflag:s15] =	ssyncadd.s32 $0xFFFFD800  }
0x19: {  	[tilespmem:s16], [sflag:$0x5] =	stream.linear.gather [hbm4b:s9+s3], $0x80, $0x38;
	[tilespmem:$0x1E500] =	vst v63  }
0x1a: {  	_ =	swait.ge [sflag:s15], $0x80  }
0x1b: {  	[sflag:s15] =	ssyncset.done $0x0  }
0x1c: {  	[sflag:s15] =	ssyncadd.s32 $0xFFFFFF80  }
0x1d: {  	[tilespmem:s17], [sflag:$0x5] =	stream.linear.gather [hbm4b:s11+s3], $0x80, $0x38;
	[tilespmem:$0x1E500] =	vst v63  }
0x1e: {  	_ =	swait.ge [sflag:s15], $0x80  }
0x1f: {  	[sflag:s15] =	ssyncset.done $0x0  }
0x20: {  	s0 =	simm.s32 $0x100;
	[sflag:s15] =	ssyncadd.s32 $0xFFFFFF80  }
0x21: {  	s1 =	sand.u32 $0x7C00, s0;
	[bflag:$0x0] =	sbarrier.arrive $0xFFFF  }
0x22: {  	[tilespmem:s19], [sflag:$0x1] =	stream.indirect.gather [hbm4b:s5+s18], $0x80, s16, s18, $0xb8;
	[tilespmem:$0x1E500] =	vst v63  }
0x23: {  	s0 =	sand.u32 $0x300, s0;
	s1 =	sadd.s32 s4, s1  }
0x24: {  	[tilespmem:s20], [sflag:$0x2] =	stream.indirect.gather [hbm4b:s5+s18], $0x80, s17, s18, $0xb8;
	[tilespmem:$0x1E500] =	vst v63  }
0x25: {  	s0 =	sor.u32 s0, s1;
	_ =	swait.ge [sflag:s21], $0x3E80  }
0x26: {  	s0 =	sshrl.u32 s0, $0x3;
	[sflag:s21] =	ssyncset.done $0x0  }
0x27: {  	s0 =	sadd.s32 s6, s0;
	[sflag:s21] =	ssyncadd.s32 $0xFFFFC180  }
0x28: {  	[tilespmem:s16], [sflag:$0x3] =	stream.linear.gather [hbm4b:s0+s3], $0x80, $0x38;
	[tilespmem:$0x1E500] =	vst v63  }
0x29: {  	s25 =	simm.s32 $0x0  }
0x2a: {  	[spmem:s2] =	stream.indirect.scatter.add.f32 [tilespmem:s19], [sflag:$0x5], $0x80, s25, s18, $0xb8;
	[tilespmem:$0x1E500] =	vst v63  }
0x2b: {  	_ =	swait.ge [sflag:s15], $0x3E80  }
0x2c: {  	[sflag:s15] =	ssyncset.done $0x0  }
0x2d: {  	[sflag:s15] =	ssyncadd.s32 $0xFFFFC180  }
0x2e: {  	s26 =	simm.s32 $0x180;
	_ =	swait.ge [sflag:s22], $0x80  }
0x2f: {  	s25 =	sand.u32 $0x7C00, s26;
	[sflag:s22] =	ssyncset.done $0x0  }
0x30: {  	s0 =	sand.u32 $0x380, s26;
	s1 =	sadd.s32 s4, s25;
	[sflag:s22] =	ssyncadd.s32 $0xFFFFFF80  }
0x31: {  	[tilespmem:s19], [sflag:$0x1] =	stream.indirect.gather [hbm4b:s5+s18], $0x80, s16, s18, $0xb8;
	[tilespmem:$0x1E500] =	vst v63  }
0x32: {  	s0 =	sor.u32 s0, s1;
	_ =	swait.ge [sflag:s23], $0x3E80  }
0x33: {  	s0 =	sshrl.u32 s0, $0x3;
	[sflag:s23] =	ssyncset.done $0x0  }
0x34: {  	s0 =	sadd.s32 s6, s0;
	[sflag:s23] =	ssyncadd.s32 $0xFFFFC180  }
0x35: {  	[tilespmem:s17], [sflag:$0x4] =	stream.linear.gather [hbm4b:s0+s3], $0x80, $0x38;
	[tilespmem:$0x1E500] =	vst v63  }
0x36: {  	s26 =	simm.s32 $0x80  }
0x37: {  	[spmem:s2] =	stream.indirect.scatter.add.f32 [tilespmem:s20], [sflag:$0x5], $0x80, s26, s18, $0xb8;
	[tilespmem:$0x1E500] =	vst v63  }
0x38: {  	s30 =	simm.s32 $0x280;
	s31 =	simm.s32 $0x380;
	_ =	swait.ge [sflag:s15], $0x3E80  }
0x39: {  	s29 =	simm.s32 $0x180;
	s1 =	simm.s32 $0x200;
	[sflag:s15] =	ssyncset.done $0x0  }
.LBB2_2:
0x3a: {  	s25 =	sand.u32 $0x7C00, s1  }
0x3b: {  	[sflag:s15] =	ssyncadd.s32 $0xFFFFC180;
	s26 =	smov.u32 s31;
	s0 =	sadd.s32 $0x100, s31  }
0x3c: {  	s1 =	sand.u32 $0x300, s1;
	s25 =	sadd.s32 s4, s25;
	_ =	swait.ge [sflag:s24], $0x80  }
0x3d: {  	p0 =	sne.s32 s31, $0x2780;
	s1 =	sor.u32 s1, s25;
	[sflag:s24] =	ssyncset.done $0x0  }
0x3e: {  	s1 =	sshrl.u32 s1, $0x3;
	[sflag:s24] =	ssyncadd.s32 $0xFFFFFF80  }
0x3f: {  	[tilespmem:s20], [sflag:$0x2] =	stream.indirect.gather [hbm4b:s5+s18], $0x80, s17, s18, $0xb8;
	[tilespmem:$0x1E500] =	vst v63  }
0x40: {  	_ =	swait.ge [sflag:s21], $0x3E80  }
0x41: {  	[sflag:s21] =	ssyncset.done $0x0  }
0x42: {  	s1 =	sadd.s32 s6, s1;
	[sflag:s21] =	ssyncadd.s32 $0xFFFFC180  }
0x43: {  	[tilespmem:s16], [sflag:$0x3] =	stream.linear.gather [hbm4b:s1+s3], $0x80, $0x38;
	[tilespmem:$0x1E500] =	vst v63  }
0x44: {  	s1 =	sadd.s32 $0xFFFFFF80, s29  }
0x45: {  	[spmem:s2] =	stream.indirect.scatter.add.f32 [tilespmem:s19], [sflag:$0x5], $0x80, s1, s18, $0xb8;
	[tilespmem:$0x1E500] =	vst v63  }
0x46: {  	_ =	swait.ge [sflag:s15], $0x3E80  }
0x47: {  	[sflag:s15] =	ssyncset.done $0x0  }
0x48: {  	[sflag:s15] =	ssyncadd.s32 $0xFFFFC180  }
0x49: {  	_ =	swait.ge [sflag:s22], $0x80  }
0x4a: {  	[sflag:s22] =	ssyncset.done $0x0  }
0x4b: {  	s1 =	sand.u32 $0x7C00, s30;
	[sflag:s22] =	ssyncadd.s32 $0xFFFFFF80  }
0x4c: {  	[tilespmem:s19], [sflag:$0x1] =	stream.indirect.gather [hbm4b:s5+s18], $0x80, s16, s18, $0xb8;
	[tilespmem:$0x1E500] =	vst v63  }
0x4d: {  	s25 =	sand.u32 $0x380, s30;
	s30 =	smov.u32 s26;
	s1 =	sadd.s32 s4, s1  }
0x4e: {  	s1 =	sor.u32 s25, s1;
	_ =	swait.ge [sflag:s23], $0x3E80  }
0x4f: {  	s1 =	sshrl.u32 s1, $0x3;
	[sflag:s23] =	ssyncset.done $0x0  }
0x50: {  	s1 =	sadd.s32 s6, s1;
	[sflag:s23] =	ssyncadd.s32 $0xFFFFC180  }
0x51: {  	[tilespmem:s17], [sflag:$0x4] =	stream.linear.gather [hbm4b:s1+s3], $0x80, $0x38;
	[tilespmem:$0x1E500] =	vst v63  }
.Ltmp0:
0x52: {  	_ = 	snop;
	(pc) =	sbr.rel @p0 .LBB2_2-.Ltmp0, $4  }
0x53: {  	_ = 	snop  }
0x54: {  	[spmem:s2] =	stream.indirect.scatter.add.f32 [tilespmem:s20], [sflag:$0x5], $0x80, s29, s18, $0xb8;
	[tilespmem:$0x1E500] =	vst v63  }
0x55: {  	s31 =	smov.u32 s0;
	_ =	swait.ge [sflag:s15], $0x3E80  }
0x56: {  	s1 =	sadd.s32 $0xFFFFFF80, s30;
	s29 =	sadd.s32 $0x100, s29;
	[sflag:s15] =	ssyncset.done $0x0  }
0x57: {  	[sflag:s15] =	ssyncadd.s32 $0xFFFFC180  }
0x58: {  	_ =	swait.ge [sflag:s24], $0x80  }
0x59: {  	s0 =	sand.u32 $0x7C00, s1;
	[sflag:s24] =	ssyncset.done $0x0  }
0x5a: {  	s31 =	sand.u32 $0x300, s1;
	s0 =	sadd.s32 s4, s0;
	[sflag:s24] =	ssyncadd.s32 $0xFFFFFF80  }
0x5b: {  	[tilespmem:s20], [sflag:$0x2] =	stream.indirect.gather [hbm4b:s5+s18], $0x80, s17, s18, $0xb8;
	[tilespmem:$0x1E500] =	vst v63  }
0x5c: {  	s0 =	sor.u32 s31, s0;
	_ =	swait.ge [sflag:s21], $0x3E80  }
0x5d: {  	s0 =	sshrl.u32 s0, $0x3;
	[sflag:s21] =	ssyncset.done $0x0  }
0x5e: {  	s0 =	sadd.s32 s6, s0;
	[sflag:s21] =	ssyncadd.s32 $0xFFFFC180  }
0x5f: {  	[tilespmem:s16], [sflag:$0x3] =	stream.linear.gather [hbm4b:s0+s3], $0x80, $0x38;
	[tilespmem:$0x1E500] =	vst v63  }
0x60: {  	s1 =	sadd.s32 $0xFFFFFF80, s29  }
0x61: {  	[spmem:s2] =	stream.indirect.scatter.add.f32 [tilespmem:s19], [sflag:$0x5], $0x80, s1, s18, $0xb8;
	[tilespmem:$0x1E500] =	vst v63  }
0x62: {  	_ =	swait.ge [sflag:s15], $0x3E80  }
0x63: {  	[sflag:s15] =	ssyncset.done $0x0  }
0x64: {  	[sflag:s15] =	ssyncadd.s32 $0xFFFFC180  }
0x65: {  	_ =	swait.ge [sflag:s22], $0x80  }
0x66: {  	s25 =	sand.u32 $0x7C00, s30;
	[sflag:s22] =	ssyncset.done $0x0  }
0x67: {  	s26 =	sand.u32 $0x380, s30;
	s0 =	sadd.s32 s4, s25;
	[sflag:s22] =	ssyncadd.s32 $0xFFFFFF80  }
0x68: {  	[tilespmem:s19], [sflag:$0x1] =	stream.indirect.gather [hbm4b:s5+s18], $0x80, s16, s18, $0xb8;
	[tilespmem:$0x1E500] =	vst v63  }
0x69: {  	s0 =	sor.u32 s26, s0;
	_ =	swait.ge [sflag:s23], $0x3E80  }
0x6a: {  	s0 =	sshrl.u32 s0, $0x3;
	[sflag:s23] =	ssyncset.done $0x0  }
0x6b: {  	s0 =	sadd.s32 s6, s0;
	[sflag:s23] =	ssyncadd.s32 $0xFFFFC180  }
0x6c: {  	[tilespmem:s17], [sflag:$0x4] =	stream.linear.gather [hbm4b:s0+s3], $0x80, $0x38;
	[tilespmem:$0x1E500] =	vst v63  }
0x6d: {  	_ = 	snop  }
0x6e: {  	[spmem:s2] =	stream.indirect.scatter.add.f32 [tilespmem:s20], [sflag:$0x5], $0x80, s29, s18, $0xb8;
	[tilespmem:$0x1E500] =	vst v63  }
0x6f: {  	_ =	swait.ge [sflag:s15], $0x3E80  }
0x70: {  	[sflag:s15] =	ssyncset.done $0x0  }
0x71: {  	[sflag:s15] =	ssyncadd.s32 $0xFFFFC180  }
0x72: {  	_ =	swait.ge [sflag:s24], $0x80  }
0x73: {  	[sflag:s24] =	ssyncset.done $0x0  }
0x74: {  	[sflag:s24] =	ssyncadd.s32 $0xFFFFFF80  }
0x75: {  	[tilespmem:s20], [sflag:$0x2] =	stream.indirect.gather [hbm4b:s5+s18], $0x80, s17, s18, $0xb8;
	[tilespmem:$0x1E500] =	vst v63  }
0x76: {  	_ =	swait.ge [sflag:s21], $0x3E80  }
0x77: {  	[sflag:s21] =	ssyncset.done $0x0  }
0x78: {  	s30 =	simm.s32 $0x2700;
	[sflag:s21] =	ssyncadd.s32 $0xFFFFC180  }
0x79: {  	[spmem:s2] =	stream.indirect.scatter.add.f32 [tilespmem:s19], [sflag:$0x5], $0x80, s30, s18, $0xb8;
	[tilespmem:$0x1E500] =	vst v63  }
0x7a: {  	_ =	swait.ge [sflag:s15], $0x3E80  }
0x7b: {  	[sflag:s15] =	ssyncset.done $0x0  }
0x7c: {  	[sflag:s15] =	ssyncadd.s32 $0xFFFFC180  }
0x7d: {  	_ =	swait.ge [sflag:s23], $0x3E80  }
0x7e: {  	[sflag:s23] =	ssyncset.done $0x0  }
0x7f: {  	s31 =	simm.s32 $0x2780;
	[sflag:s23] =	ssyncadd.s32 $0xFFFFC180  }
0x80: {  	[spmem:s2] =	stream.indirect.scatter.add.f32 [tilespmem:s20], [sflag:$0x5], $0x80, s31, s18, $0xb8;
	[tilespmem:$0x1E500] =	vst v63  }
0x81: {  	_ =	swait.ge [sflag:s15], $0x3E80  }
0x82: {  	s28 =	sadd.s32 $0x1, s28;
	[sflag:s15] =	ssyncset.done $0x0  }
0x83: {  	p0 =	sne.s32 s28, s13;
	[sflag:s15] =	ssyncadd.s32 $0xFFFFC180  }
.Ltmp1:
0x84: {  	[bflag:$0x0] =	sbarrier.arrive $0xFFFF;
	(pc) =	sbr.rel @p0 .LBB2_1-.Ltmp1, $4  }
0x85: {  	[hbm:s12], [sflag:s8] =	dma.local [spmem:s14], $0x2780  }
0x86: {  	_ =	swait.ge [sflag:s15], $0x2780  }
0x87: {  	[sflag:s15] =	ssyncset.done $0x0  }
0x88: {  	[sflag:s15] =	ssyncadd.s32 $0xFFFFD880  }
0x89: {  	_ =	sfence.sel $0x180000  }
0x8a: {  	[bflag:$0x0] =	sbarrier.arrive $0xFFFF  }
0x8b: {  	_ =	strace $0x90000050  }
0x8c: {  	s0 =	stileid.u32;
	[bflag:$0x2] =	sbarrier.arrive $0xFFFF  }
0x8d: {  	p0 =	sne.s32 s0, $0x0;
	s0 =	rddreg [dreg:$0x2]  }
0x8e: {  	s0 =	sadd.s32 @!p0 $0x100000, s0  }
0x8f: {  	[sflag:s0] =	ssyncadd.tile.s32 @!p0 $0x1;
	_ =	shalt  }
.Lfunc_end2:
_tile_overlayer_lowered:
.L_overlay_start_2:
0x90: {  	(tag) =	ssettag $0x2  }
0x91: {  	s0 =	rddreg [dreg:$0x0];
	s2 =	stileid.u32  }
0x92: {  	s1 =	rddreg [dreg:$0x1];
	p0 =	sne.s32 s2, $0x0  }
0x93: {  	s3 =	rddreg [dreg:$0x2];
	[bflag:$0x3] =	sbarrier.arrive $0xFFFF;
	s2 =	simm.s32 @!p0 $0x1C05  }
0x94: {  	[timem:s3], [sflag:s2] =	dma.local @!p0 [hbm:s0], s1  }
0x95: {  	s0 =	simm.s32 @!p0 $0x5  }
0x96: {  	_ =	swait.ge @!p0 [sflag:s0], s1  }
0x97: {  	s1 =	ssub.s32 @!p0 $0x0, s1;
	[sflag:s0] =	ssyncset.done @!p0 $0x0  }
0x98: {  	[sflag:s0] =	ssyncadd.s32 @!p0 s1  }
0x99: {  	[bflag:$0x3] =	sbarrier.arrive $0xFFFF  }
0x9a: {  	_ =	shalt  }

</sc_bundles>
